<compile_context>
chip_gen: v7x
topology: tpu7x:2x2x1
jax: 0.10.2.dev20260603
libtpu: 0.0.44.dev20260713+nightly
codegen_flags: <defaults>
</compile_context>

<pallas_src>
import functools

import jax
import jax.numpy as jnp
from jax import lax
from jax.experimental import pallas as pl
from jax.experimental.pallas import tpu as pltpu
from jax.experimental.pallas import tpu_sc as plsc

B = 4096
D_DENSE = 13
EMB = 64
NT = 26
VOCAB = 100000
LBAG = 20

NTG = 26
NG = NT // NTG

NC = 2
NS = 16
NW = NC * NS

BAGS_PER_W = B // NW
CHUNK_BAGS = 16
NCHUNK = BAGS_PER_W // CHUNK_BAGS
ROUNDS = NCHUNK * NTG
ROWS_PER_ROUND = CHUNK_BAGS * LBAG
GATHER_SPLIT = 5
GSZ = ROWS_PER_ROUND // GATHER_SPLIT
DG = NTG * EMB


def _sc_embed(tab_flat, idx_rs):
  mesh = plsc.VectorSubcoreMesh(core_axis_name="c", subcore_axis_name="s")

  @functools.partial(
      pl.kernel,
      out_type=jax.ShapeDtypeStruct((B, DG), jnp.float32),
      mesh=mesh,
      compiler_params=pltpu.CompilerParams(use_tc_tiling_on_sc=False),
      scratch_types=[
          pltpu.VMEM((2, GATHER_SPLIT, GSZ), jnp.int32),
          pltpu.VMEM((2, ROWS_PER_ROUND, EMB), jnp.float32),
          pltpu.VMEM((CHUNK_BAGS, DG), jnp.float32),
          pltpu.SemaphoreType.DMA,
          pltpu.SemaphoreType.DMA,
          pltpu.SemaphoreType.DMA,
          pltpu.SemaphoreType.DMA,
      ],
  )
  def body(tab_ref, idx_ref, out_ref, idx_v, rows_v, pooled_v,
           isem0, isem1, gsem0, gsem1):
    w = lax.axis_index("c") * NS + lax.axis_index("s")
    isems = (isem0, isem1)
    gsems = (gsem0, gsem1)

    def issue_idx(r, slot):
      c = r // NTG
      t = lax.rem(r, NTG)
      pltpu.async_copy(idx_ref.at[t, w, c], idx_v.at[slot], isems[slot])

    def wait_idx(slot):
      pltpu.make_async_copy(idx_ref.at[0, 0, 0], idx_v.at[slot],
                            isems[slot]).wait()

    def offset_idx(r, slot):
      t = lax.rem(r, NTG)
      offv = jnp.full((16,), t * VOCAB, dtype=jnp.int32)
      for j in range(GATHER_SPLIT):
        for k in range(GSZ // 16):
          sl = pl.ds(k * 16, 16)
          idx_v[slot, j, sl] = idx_v[slot, j, sl] + offv

    def issue_gather(slot):
      for j in range(GATHER_SPLIT):
        pltpu.async_copy(tab_ref.at[idx_v.at[slot, j]],
                         rows_v.at[slot, pl.ds(j * GSZ, GSZ)], gsems[slot])

    def wait_gather(slot):
      pltpu.make_async_copy(tab_ref.at[pl.ds(0, ROWS_PER_ROUND)],
                            rows_v.at[slot], gsems[slot]).wait()

    issue_idx(0, 0)
    issue_idx(1, 1)
    wait_idx(0)
    offset_idx(0, 0)
    issue_gather(0)

    def round_pair(k, carry):
      r0 = 2 * k
      for p in (0, 1):
        r = r0 + p
        q = 1 - p

        @pl.when(r + 1 < ROUNDS)
        def _():
          wait_idx(q)
          offset_idx(r + 1, q)
          issue_gather(q)

        wait_gather(p)

        @pl.when(r + 2 < ROUNDS)
        def _():
          issue_idx(r + 2, p)

        c = r // NTG
        t = lax.rem(r, NTG)
        col0 = t * EMB

        def pool_bag(b, acc_carry):
          base = b * LBAG
          for l in range(EMB // 16):
            a = rows_v[p, base, pl.ds(l * 16, 16)]
            for j in range(1, LBAG):
              a = a + rows_v[p, base + j, pl.ds(l * 16, 16)]
            pooled_v[b, pl.ds(col0 + l * 16, 16)] = a
          return acc_carry

        lax.fori_loop(0, CHUNK_BAGS, pool_bag, 0)

        @pl.when(t == NTG - 1)
        def _():
          row0 = w * BAGS_PER_W + c * CHUNK_BAGS
          pltpu.sync_copy(pooled_v, out_ref.at[pl.ds(row0, CHUNK_BAGS), :])
      return carry

    lax.fori_loop(0, ROUNDS // 2, round_pair, 0)

  return body(tab_flat, idx_rs)


def _tc_mlp(xd_pad, embs, w0, b0, w1, b1, w2, b2, wt1b, wt1es, bt1, wt2, bt2,
            wt3, bt3):
  BLK = 256
  grid = (B // BLK,)

  def body(*refs):
    xd_ref = refs[0]
    emb_refs = refs[1:1 + NG]
    (w0_ref, b0_ref, w1_ref, b1_ref, w2_ref, b2_ref, wt1b_ref) = \
        refs[1 + NG:8 + NG]
    wt1e_refs = refs[8 + NG:8 + 2 * NG]
    bt1_ref, wt2_ref, bt2_ref, wt3_ref, bt3_ref = refs[8 + 2 * NG:13 + 2 * NG]
    out_ref = refs[13 + 2 * NG]
    dot = functools.partial(jnp.dot, preferred_element_type=jnp.float32)
    h = jnp.maximum(dot(xd_ref[...], w0_ref[...]) + b0_ref[...], 0.0)
    h = jnp.maximum(dot(h, w1_ref[...]) + b1_ref[...], 0.0)
    bot = jnp.maximum(dot(h, w2_ref[...]) + b2_ref[...], 0.0)
    z = dot(bot, wt1b_ref[...])
    for g in range(NG):
      z = z + dot(emb_refs[g][...], wt1e_refs[g][...])
    z = jnp.maximum(z + bt1_ref[...], 0.0)
    z = jnp.maximum(dot(z, wt2_ref[...]) + bt2_ref[...], 0.0)
    z = dot(z, wt3_ref[...]) + bt3_ref[...]
    out_ref[...] = jax.nn.sigmoid(z)

  full = lambda shape: pl.BlockSpec(shape, lambda i: (0, 0))
  emb_spec = pl.BlockSpec((BLK, DG), lambda i: (i, 0))
  args = ([xd_pad] + list(embs) +
          [w0, b0, w1, b1, w2, b2, wt1b] + list(wt1es) +
          [bt1, wt2, bt2, wt3, bt3])
  in_specs = ([pl.BlockSpec((BLK, 128), lambda i: (i, 0))] +
              [emb_spec] * NG +
              [full(w0.shape), full(b0.shape), full(w1.shape), full(b1.shape),
               full(w2.shape), full(b2.shape), full(wt1b.shape)] +
              [full(w.shape) for w in wt1es] +
              [full(bt1.shape), full(wt2.shape), full(bt2.shape),
               full(wt3.shape), full(bt3.shape)])
  return pl.pallas_call(
      body,
      grid=grid,
      in_specs=in_specs,
      out_specs=pl.BlockSpec((BLK, 128), lambda i: (i, 0)),
      out_shape=jax.ShapeDtypeStruct((B, 128), jnp.float32),
  )(*args)


def kernel(x_dense, x_offsets, x_indices, bot_params, top_params, tables):
  idx32 = x_indices.astype(jnp.int32)
  idx_rs = idx32.reshape(NT, NW, NCHUNK, GATHER_SPLIT, GSZ)

  embs = []
  for g in range(NG):
    tab_g = tables[g * NTG:(g + 1) * NTG].reshape(NTG * VOCAB, EMB)
    idx_g = idx_rs[g * NTG:(g + 1) * NTG]
    embs.append(_sc_embed(tab_g, idx_g))

  (W0, b0), (W1, b1), (W2, b2) = bot_params
  (Wt1, bt1), (Wt2, bt2), (Wt3, bt3) = top_params
  xd_pad = jnp.pad(x_dense, ((0, 0), (0, 128 - D_DENSE)))
  w0 = jnp.pad(W0.T, ((0, 128 - D_DENSE), (0, 0)))
  w1 = W1.T
  w2 = W2.T
  wt1 = Wt1.T
  wt1b = wt1[:EMB]
  wt1es = [wt1[EMB + g * DG: EMB + (g + 1) * DG] for g in range(NG)]
  wt2 = Wt2.T
  wt3 = jnp.pad(Wt3.T, ((0, 0), (0, 127)))
  bt3p = jnp.pad(bt3, (0, 127))

  out = _tc_mlp(xd_pad, embs,
                w0, b0[None, :], w1, b1[None, :], w2, b2[None, :],
                wt1b, wt1es, bt1[None, :], wt2, bt2[None, :], wt3,
                bt3p[None, :])
  return out[:, :1]

# --- scband reference (transcript-rebuilt; emitter-appended) ---
"""Pipeline reference for scband-dlrm-dhe-20323785245285 (READ-ONLY COPY).

The authoritative reference and input builder live on the scoring server;
editing this copy changes nothing except your own understanding.
"""

import jax, jax.numpy as jnp
import numpy as np

B = 4096
D_DENSE = 13
EMB = 64
N_TABLES = 26
VOCAB = 100000
L = 20
BOT_DIMS = [13, 512, 256, 64]
TOP_DIMS = [EMB * (1 + N_TABLES), 512, 256, 1]


def _make_mlp_params(key, dims):
    params = []
    for i in range(len(dims) - 1):
        din, dout = dims[i], dims[i + 1]
        kw = jax.random.fold_in(key, 2 * i)
        kb = jax.random.fold_in(key, 2 * i + 1)
        sw = np.sqrt(2.0 / (din + dout))
        sb = np.sqrt(1.0 / dout)
        W = jax.random.normal(kw, (dout, din), dtype=jnp.float32) * sw
        b = jax.random.normal(kb, (dout,), dtype=jnp.float32) * sb
        params.append((W, b))
    return tuple(params)


def _mlp(x, params, en_sigmoid):
    n = len(params)
    for i, (W, b) in enumerate(params):
        x = x @ W.T + b
        if en_sigmoid and i == n - 1:
            x = jax.nn.sigmoid(x)
        else:
            x = jax.nn.relu(x)
    return x


def setup_inputs(seed: int = 0) -> dict:
    key = jax.random.key(seed)
    k_dense = jax.random.fold_in(key, 0)
    k_idx = jax.random.fold_in(key, 1)
    k_bot = jax.random.fold_in(key, 2)
    k_top = jax.random.fold_in(key, 3)
    k_tab = jax.random.fold_in(key, 4)
    x_dense = jax.random.normal(k_dense, (B, D_DENSE), dtype=jnp.float32)
    # offsets: fixed bag length L per sample, per table
    off = (jnp.arange(B, dtype=jnp.int64) * L)
    x_offsets = jnp.tile(off[None, :], (N_TABLES, 1))
    x_indices = jax.random.randint(k_idx, (N_TABLES, B * L), 0, VOCAB, dtype=jnp.int64)
    bot_params = _make_mlp_params(k_bot, BOT_DIMS)
    top_params = _make_mlp_params(k_top, TOP_DIMS)
    bound = float(np.sqrt(1.0 / VOCAB))
    tables = jax.random.uniform(k_tab, (N_TABLES, VOCAB, EMB), dtype=jnp.float32, minval=-bound, maxval=bound)
    return {"x_dense": x_dense, "x_offsets": x_offsets, "x_indices": x_indices,
            "bot_params": bot_params, "top_params": top_params, "tables": tables}


def reference(x_dense, x_offsets, x_indices, bot_params, top_params, tables):
    mlp_bot_out = _mlp(x_dense, bot_params, False)
    total = x_indices.shape[1]
    pos = jnp.arange(total)
    embeddings = []
    for t in range(N_TABLES):
        off = x_offsets[t]
        idx = x_indices[t]
        seg = jnp.searchsorted(off, pos, side='right') - 1
        gathered = jnp.take(tables[t], idx, axis=0)
        emb = jax.ops.segment_sum(gathered, seg, num_segments=B)
        embeddings.append(emb)
    fea_int_out = jnp.concatenate([mlp_bot_out] + embeddings, axis=1)
    mlp_top_out = _mlp(fea_int_out, top_params, True)
    return mlp_top_out

if __name__ == "__main__":
    import jax
    _d = setup_inputs()
    print(jax.jit(kernel)(*tuple(_d.values())))

</pallas_src>

<mosaic_0001>
#map = affine_map<(d0, d1) -> (0, 0)>
#map1 = affine_map<(d0, d1) -> (0, 0, 0, 0, 0)>
module attributes {stable_mosaic.version = 14 : i64} {
  func.func @body(%arg0: i32, %arg1: i32, %arg2: memref<2600000x64xf32, #tpu.memory_space<hbm>>, %arg3: memref<26x32x8x5x64xi32, #tpu.memory_space<hbm>>, %arg4: memref<4096x1664xf32, #tpu.memory_space<hbm>>, %arg5: memref<2x5x64xi32, #tpu.memory_space<vmem>>, %arg6: memref<2x320x64xf32, #tpu.memory_space<vmem>>, %arg7: memref<16x1664xf32, #tpu.memory_space<vmem>>, %arg8: memref<!tpu.dma_semaphore, #tpu.memory_space<semaphore_mem>>, %arg9: memref<!tpu.dma_semaphore, #tpu.memory_space<semaphore_mem>>, %arg10: memref<!tpu.dma_semaphore, #tpu.memory_space<semaphore_mem>>, %arg11: memref<!tpu.dma_semaphore, #tpu.memory_space<semaphore_mem>>) attributes {dimension_semantics = [#tpu.dimension_semantics<core_parallel>, #tpu.dimension_semantics<subcore_parallel>], iteration_bounds = array<i64: 2, 16>, scalar_prefetch = 0 : i64, scratch_operands = 7 : i64, tpu.core_type = #tpu.core_type<sc_vector_subcore>, window_params = [{transform_indices = #map}, {transform_indices = #map1}, {transform_indices = #map}]} {
    %mul3A = arith.constant 16 : i32
    %mul3A_0 = arith.muli %arg0, %mul3A : i32
    %add3A = arith.addi %mul3A_0, %arg1 : i32
    %rem3A = arith.constant 0 : i32
    %rem3A_1 = arith.constant 26 : i32
    %rem3A_2 = arith.remsi %rem3A, %rem3A_1 : i32
    %dma_start3A = arith.constant 0 : i32
    %dma_start3A_3 = arith.constant 0 : i32
    %dma_start3A_4 = arith.constant 0 : i32
    %dma_start3A_5 = arith.constant 0 : i32
    %dma_start3A_6 = tpu.memref_slice %arg5[%dma_start3A_3, %dma_start3A_4, %dma_start3A_5] : memref<2x5x64xi32, #tpu.memory_space<vmem>> -> memref<1x5x64xi32, #tpu.memory_space<vmem>>
    %dma_start3A_7 = tpu.memref_squeeze %dma_start3A_6 : memref<1x5x64xi32, #tpu.memory_space<vmem>> -> memref<5x64xi32, #tpu.memory_space<vmem>>
    %dma_start3A_8 = arith.constant 0 : i32
    %dma_start3A_9 = arith.constant 0 : i32
    %dma_start3A_10 = tpu.memref_slice %arg3[%rem3A_2, %add3A, %dma_start3A, %dma_start3A_8, %dma_start3A_9] : memref<26x32x8x5x64xi32, #tpu.memory_space<hbm>> -> memref<1x1x1x5x64xi32, #tpu.memory_space<hbm>>
    %dma_start3A_11 = tpu.memref_squeeze %dma_start3A_10 : memref<1x1x1x5x64xi32, #tpu.memory_space<hbm>> -> memref<5x64xi32, #tpu.memory_space<hbm>>
    %dma_start3A_12 = arith.constant 0 : i32
    %dma_start3A_13 = arith.constant 0 : i32
    %dma_start3A_14 = tpu.memref_slice %arg5[%dma_start3A_3, %dma_start3A_12, %dma_start3A_13] : memref<2x5x64xi32, #tpu.memory_space<vmem>> -> memref<1x5x64xi32, #tpu.memory_space<vmem>>
    %dma_start3A_15 = tpu.memref_squeeze %dma_start3A_14 : memref<1x5x64xi32, #tpu.memory_space<vmem>> -> memref<5x64xi32, #tpu.memory_space<vmem>>
    %dma_start3A_16 = arith.constant 0 : i32
    %dma_start3A_17 = arith.constant 0 : i32
    %dma_start3A_18 = tpu.memref_slice %arg3[%rem3A_2, %add3A, %dma_start3A, %dma_start3A_16, %dma_start3A_17] : memref<26x32x8x5x64xi32, #tpu.memory_space<hbm>> -> memref<1x1x1x5x64xi32, #tpu.memory_space<hbm>>
    %dma_start3A_19 = tpu.memref_squeeze %dma_start3A_18 : memref<1x1x1x5x64xi32, #tpu.memory_space<hbm>> -> memref<5x64xi32, #tpu.memory_space<hbm>>
    tpu.enqueue_dma source(%dma_start3A_19 : memref<5x64xi32, #tpu.memory_space<hbm>>) target(%dma_start3A_15 : memref<5x64xi32, #tpu.memory_space<vmem>>) target_semaphore(%arg8 : memref<!tpu.dma_semaphore, #tpu.memory_space<semaphore_mem>>)
    %rem3A_20 = arith.constant 1 : i32
    %rem3A_21 = arith.constant 26 : i32
    %rem3A_22 = arith.remsi %rem3A_20, %rem3A_21 : i32
    %dma_start3A_23 = arith.constant 0 : i32
    %dma_start3A_24 = arith.constant 1 : i32
    %dma_start3A_25 = arith.constant 0 : i32
    %dma_start3A_26 = arith.constant 0 : i32
    %dma_start3A_27 = tpu.memref_slice %arg5[%dma_start3A_24, %dma_start3A_25, %dma_start3A_26] : memref<2x5x64xi32, #tpu.memory_space<vmem>> -> memref<1x5x64xi32, #tpu.memory_space<vmem>>
    %dma_start3A_28 = tpu.memref_squeeze %dma_start3A_27 : memref<1x5x64xi32, #tpu.memory_space<vmem>> -> memref<5x64xi32, #tpu.memory_space<vmem>>
    %dma_start3A_29 = arith.constant 0 : i32
    %dma_start3A_30 = arith.constant 0 : i32
    %dma_start3A_31 = tpu.memref_slice %arg3[%rem3A_22, %add3A, %dma_start3A_23, %dma_start3A_29, %dma_start3A_30] : memref<26x32x8x5x64xi32, #tpu.memory_space<hbm>> -> memref<1x1x1x5x64xi32, #tpu.memory_space<hbm>>
    %dma_start3A_32 = tpu.memref_squeeze %dma_start3A_31 : memref<1x1x1x5x64xi32, #tpu.memory_space<hbm>> -> memref<5x64xi32, #tpu.memory_space<hbm>>
    %dma_start3A_33 = arith.constant 0 : i32
    %dma_start3A_34 = arith.constant 0 : i32
    %dma_start3A_35 = tpu.memref_slice %arg5[%dma_start3A_24, %dma_start3A_33, %dma_start3A_34] : memref<2x5x64xi32, #tpu.memory_space<vmem>> -> memref<1x5x64xi32, #tpu.memory_space<vmem>>
    %dma_start3A_36 = tpu.memref_squeeze %dma_start3A_35 : memref<1x5x64xi32, #tpu.memory_space<vmem>> -> memref<5x64xi32, #tpu.memory_space<vmem>>
    %dma_start3A_37 = arith.constant 0 : i32
    %dma_start3A_38 = arith.constant 0 : i32
    %dma_start3A_39 = tpu.memref_slice %arg3[%rem3A_22, %add3A, %dma_start3A_23, %dma_start3A_37, %dma_start3A_38] : memref<26x32x8x5x64xi32, #tpu.memory_space<hbm>> -> memref<1x1x1x5x64xi32, #tpu.memory_space<hbm>>
    %dma_start3A_40 = tpu.memref_squeeze %dma_start3A_39 : memref<1x1x1x5x64xi32, #tpu.memory_space<hbm>> -> memref<5x64xi32, #tpu.memory_space<hbm>>
    tpu.enqueue_dma source(%dma_start3A_40 : memref<5x64xi32, #tpu.memory_space<hbm>>) target(%dma_start3A_36 : memref<5x64xi32, #tpu.memory_space<vmem>>) target_semaphore(%arg9 : memref<!tpu.dma_semaphore, #tpu.memory_space<semaphore_mem>>)
    %dma_wait3A = arith.constant 0 : i32
    %dma_wait3A_41 = arith.constant 0 : i32
    %dma_wait3A_42 = arith.constant 0 : i32
    %dma_wait3A_43 = arith.constant 0 : i32
    %dma_wait3A_44 = arith.constant 0 : i32
    %dma_wait3A_45 = arith.constant 0 : i32
    %dma_wait3A_46 = tpu.memref_slice %arg5[%dma_wait3A_43, %dma_wait3A_44, %dma_wait3A_45] : memref<2x5x64xi32, #tpu.memory_space<vmem>> -> memref<1x5x64xi32, #tpu.memory_space<vmem>>
    %dma_wait3A_47 = tpu.memref_squeeze %dma_wait3A_46 : memref<1x5x64xi32, #tpu.memory_space<vmem>> -> memref<5x64xi32, #tpu.memory_space<vmem>>
    %dma_wait3A_48 = arith.constant 0 : i32
    %dma_wait3A_49 = arith.constant 0 : i32
    %dma_wait3A_50 = tpu.memref_slice %arg3[%dma_wait3A, %dma_wait3A_41, %dma_wait3A_42, %dma_wait3A_48, %dma_wait3A_49] : memref<26x32x8x5x64xi32, #tpu.memory_space<hbm>> -> memref<1x1x1x5x64xi32, #tpu.memory_space<hbm>>
    %dma_wait3A_51 = tpu.memref_squeeze %dma_wait3A_50 : memref<1x1x1x5x64xi32, #tpu.memory_space<hbm>> -> memref<5x64xi32, #tpu.memory_space<hbm>>
    %dma_wait3A_52 = arith.constant 0 : i32
    %dma_wait3A_53 = arith.constant 0 : i32
    %dma_wait3A_54 = tpu.memref_slice %arg5[%dma_wait3A_43, %dma_wait3A_52, %dma_wait3A_53] : memref<2x5x64xi32, #tpu.memory_space<vmem>> -> memref<1x5x64xi32, #tpu.memory_space<vmem>>
    %dma_wait3A_55 = tpu.memref_squeeze %dma_wait3A_54 : memref<1x5x64xi32, #tpu.memory_space<vmem>> -> memref<5x64xi32, #tpu.memory_space<vmem>>
    %dma_wait3A_56 = arith.constant 0 : i32
    %dma_wait3A_57 = arith.constant 0 : i32
    %dma_wait3A_58 = tpu.memref_slice %arg3[%dma_wait3A, %dma_wait3A_41, %dma_wait3A_42, %dma_wait3A_56, %dma_wait3A_57] : memref<26x32x8x5x64xi32, #tpu.memory_space<hbm>> -> memref<1x1x1x5x64xi32, #tpu.memory_space<hbm>>
    %dma_wait3A_59 = tpu.memref_squeeze %dma_wait3A_58 : memref<1x1x1x5x64xi32, #tpu.memory_space<hbm>> -> memref<5x64xi32, #tpu.memory_space<hbm>>
    tpu.wait_dma2 semaphore(%arg8 : memref<!tpu.dma_semaphore, #tpu.memory_space<semaphore_mem>>) src(%dma_wait3A_59 : memref<5x64xi32, #tpu.memory_space<hbm>>) dst(%dma_wait3A_55 : memref<5x64xi32, #tpu.memory_space<vmem>>)
    %rem3A_60 = arith.constant 0 : i32
    %rem3A_61 = arith.constant 26 : i32
    %rem3A_62 = arith.remsi %rem3A_60, %rem3A_61 : i32
    %mul3A_63 = arith.constant 100000 : i32
    %mul3A_64 = arith.muli %rem3A_62, %mul3A_63 : i32
    %broadcast_in_dim3A = vector.broadcast %mul3A_64 : i32 to vector<16xi32>
    %get3A = arith.constant 0 : i32
    %get3A_65 = arith.constant 0 : i32
    %get3A_66 = arith.index_cast %get3A : i32 to index
    %get3A_67 = arith.index_cast %get3A_65 : i32 to index
    %get3A_68 = arith.constant 0 : index
    %get3A_69 = tpu.vector_load %arg5[%get3A_66, %get3A_67, %get3A_68] {strides = array<i32>} : memref<2x5x64xi32, #tpu.memory_space<vmem>>, vector<1x1x16xi32>,
    %get3A_70 = vector.shape_cast %get3A_69 : vector<1x1x16xi32> to vector<16xi32>
    %add3A_71 = arith.addi %get3A_70, %broadcast_in_dim3A : vector<16xi32>
    %swap3A = arith.constant 0 : i32
    %swap3A_72 = arith.constant 0 : i32
    %swap3A_73 = arith.index_cast %swap3A : i32 to index
    %swap3A_74 = arith.index_cast %swap3A_72 : i32 to index
    %swap3A_75 = arith.constant 0 : index
    %swap3A_76 = tpu.vector_load %arg5[%swap3A_73, %swap3A_74, %swap3A_75] {strides = array<i32>} : memref<2x5x64xi32, #tpu.memory_space<vmem>>, vector<1x1x16xi32>,
    %swap3A_77 = vector.shape_cast %swap3A_76 : vector<1x1x16xi32> to vector<16xi32>
    %swap3A_78 = vector.shape_cast %add3A_71 : vector<16xi32> to vector<1x1x16xi32>
    tpu.vector_store %arg5[%swap3A_73, %swap3A_74, %swap3A_75], %swap3A_78 {strides = array<i32>} : memref<2x5x64xi32, #tpu.memory_space<vmem>>, vector<1x1x16xi32>,
    %get3A_79 = arith.constant 0 : i32
    %get3A_80 = arith.constant 0 : i32
    %get3A_81 = arith.index_cast %get3A_79 : i32 to index
    %get3A_82 = arith.index_cast %get3A_80 : i32 to index
    %get3A_83 = arith.constant 16 : index
    %get3A_84 = tpu.vector_load %arg5[%get3A_81, %get3A_82, %get3A_83] {strides = array<i32>} : memref<2x5x64xi32, #tpu.memory_space<vmem>>, vector<1x1x16xi32>,
    %get3A_85 = vector.shape_cast %get3A_84 : vector<1x1x16xi32> to vector<16xi32>
    %add3A_86 = arith.addi %get3A_85, %broadcast_in_dim3A : vector<16xi32>
    %swap3A_87 = arith.constant 0 : i32
    %swap3A_88 = arith.constant 0 : i32
    %swap3A_89 = arith.index_cast %swap3A_87 : i32 to index
    %swap3A_90 = arith.index_cast %swap3A_88 : i32 to index
    %swap3A_91 = arith.constant 16 : index
    %swap3A_92 = tpu.vector_load %arg5[%swap3A_89, %swap3A_90, %swap3A_91] {strides = array<i32>} : memref<2x5x64xi32, #tpu.memory_space<vmem>>, vector<1x1x16xi32>,
    %swap3A_93 = vector.shape_cast %swap3A_92 : vector<1x1x16xi32> to vector<16xi32>
    %swap3A_94 = vector.shape_cast %add3A_86 : vector<16xi32> to vector<1x1x16xi32>
    tpu.vector_store %arg5[%swap3A_89, %swap3A_90, %swap3A_91], %swap3A_94 {strides = array<i32>} : memref<2x5x64xi32, #tpu.memory_space<vmem>>, vector<1x1x16xi32>,
    %get3A_95 = arith.constant 0 : i32
    %get3A_96 = arith.constant 0 : i32
    %get3A_97 = arith.index_cast %get3A_95 : i32 to index
    %get3A_98 = arith.index_cast %get3A_96 : i32 to index
    %get3A_99 = arith.constant 32 : index
    %get3A_100 = tpu.vector_load %arg5[%get3A_97, %get3A_98, %get3A_99] {strides = array<i32>} : memref<2x5x64xi32, #tpu.memory_space<vmem>>, vector<1x1x16xi32>,
    %get3A_101 = vector.shape_cast %get3A_100 : vector<1x1x16xi32> to vector<16xi32>
    %add3A_102 = arith.addi %get3A_101, %broadcast_in_dim3A : vector<16xi32>
    %swap3A_103 = arith.constant 0 : i32
    %swap3A_104 = arith.constant 0 : i32
    %swap3A_105 = arith.index_cast %swap3A_103 : i32 to index
    %swap3A_106 = arith.index_cast %swap3A_104 : i32 to index
    %swap3A_107 = arith.constant 32 : index
    %swap3A_108 = tpu.vector_load %arg5[%swap3A_105, %swap3A_106, %swap3A_107] {strides = array<i32>} : memref<2x5x64xi32, #tpu.memory_space<vmem>>, vector<1x1x16xi32>,
    %swap3A_109 = vector.shape_cast %swap3A_108 : vector<1x1x16xi32> to vector<16xi32>
    %swap3A_110 = vector.shape_cast %add3A_102 : vector<16xi32> to vector<1x1x16xi32>
    tpu.vector_store %arg5[%swap3A_105, %swap3A_106, %swap3A_107], %swap3A_110 {strides = array<i32>} : memref<2x5x64xi32, #tpu.memory_space<vmem>>, vector<1x1x16xi32>,
    %get3A_111 = arith.constant 0 : i32
    %get3A_112 = arith.constant 0 : i32
    %get3A_113 = arith.index_cast %get3A_111 : i32 to index
    %get3A_114 = arith.index_cast %get3A_112 : i32 to index
    %get3A_115 = arith.constant 48 : index
    %get3A_116 = tpu.vector_load %arg5[%get3A_113, %get3A_114, %get3A_115] {strides = array<i32>} : memref<2x5x64xi32, #tpu.memory_space<vmem>>, vector<1x1x16xi32>,
    %get3A_117 = vector.shape_cast %get3A_116 : vector<1x1x16xi32> to vector<16xi32>
    %add3A_118 = arith.addi %get3A_117, %broadcast_in_dim3A : vector<16xi32>
    %swap3A_119 = arith.constant 0 : i32
    %swap3A_120 = arith.constant 0 : i32
    %swap3A_121 = arith.index_cast %swap3A_119 : i32 to index
    %swap3A_122 = arith.index_cast %swap3A_120 : i32 to index
    %swap3A_123 = arith.constant 48 : index
    %swap3A_124 = tpu.vector_load %arg5[%swap3A_121, %swap3A_122, %swap3A_123] {strides = array<i32>} : memref<2x5x64xi32, #tpu.memory_space<vmem>>, vector<1x1x16xi32>,
    %swap3A_125 = vector.shape_cast %swap3A_124 : vector<1x1x16xi32> to vector<16xi32>
    %swap3A_126 = vector.shape_cast %add3A_118 : vector<16xi32> to vector<1x1x16xi32>
    tpu.vector_store %arg5[%swap3A_121, %swap3A_122, %swap3A_123], %swap3A_126 {strides = array<i32>} : memref<2x5x64xi32, #tpu.memory_space<vmem>>, vector<1x1x16xi32>,
    %get3A_127 = arith.constant 0 : i32
    %get3A_128 = arith.constant 1 : i32
    %get3A_129 = arith.index_cast %get3A_127 : i32 to index
    %get3A_130 = arith.index_cast %get3A_128 : i32 to index
    %get3A_131 = arith.constant 0 : index
    %get3A_132 = tpu.vector_load %arg5[%get3A_129, %get3A_130, %get3A_131] {strides = array<i32>} : memref<2x5x64xi32, #tpu.memory_space<vmem>>, vector<1x1x16xi32>,
    %get3A_133 = vector.shape_cast %get3A_132 : vector<1x1x16xi32> to vector<16xi32>
    %add3A_134 = arith.addi %get3A_133, %broadcast_in_dim3A : vector<16xi32>
    %swap3A_135 = arith.constant 0 : i32
    %swap3A_136 = arith.constant 1 : i32
    %swap3A_137 = arith.index_cast %swap3A_135 : i32 to index
    %swap3A_138 = arith.index_cast %swap3A_136 : i32 to index
    %swap3A_139 = arith.constant 0 : index
    %swap3A_140 = tpu.vector_load %arg5[%swap3A_137, %swap3A_138, %swap3A_139] {strides = array<i32>} : memref<2x5x64xi32, #tpu.memory_space<vmem>>, vector<1x1x16xi32>,
    %swap3A_141 = vector.shape_cast %swap3A_140 : vector<1x1x16xi32> to vector<16xi32>
    %swap3A_142 = vector.shape_cast %add3A_134 : vector<16xi32> to vector<1x1x16xi32>
    tpu.vector_store %arg5[%swap3A_137, %swap3A_138, %swap3A_139], %swap3A_142 {strides = array<i32>} : memref<2x5x64xi32, #tpu.memory_space<vmem>>, vector<1x1x16xi32>,
    %get3A_143 = arith.constant 0 : i32
    %get3A_144 = arith.constant 1 : i32
    %get3A_145 = arith.index_cast %get3A_143 : i32 to index
    %get3A_146 = arith.index_cast %get3A_144 : i32 to index
    %get3A_147 = arith.constant 16 : index
    %get3A_148 = tpu.vector_load %arg5[%get3A_145, %get3A_146, %get3A_147] {strides = array<i32>} : memref<2x5x64xi32, #tpu.memory_space<vmem>>, vector<1x1x16xi32>,
    %get3A_149 = vector.shape_cast %get3A_148 : vector<1x1x16xi32> to vector<16xi32>
    %add3A_150 = arith.addi %get3A_149, %broadcast_in_dim3A : vector<16xi32>
    %swap3A_151 = arith.constant 0 : i32
    %swap3A_152 = arith.constant 1 : i32
    %swap3A_153 = arith.index_cast %swap3A_151 : i32 to index
    %swap3A_154 = arith.index_cast %swap3A_152 : i32 to index
    %swap3A_155 = arith.constant 16 : index
    %swap3A_156 = tpu.vector_load %arg5[%swap3A_153, %swap3A_154, %swap3A_155] {strides = array<i32>} : memref<2x5x64xi32, #tpu.memory_space<vmem>>, vector<1x1x16xi32>,
    %swap3A_157 = vector.shape_cast %swap3A_156 : vector<1x1x16xi32> to vector<16xi32>
    %swap3A_158 = vector.shape_cast %add3A_150 : vector<16xi32> to vector<1x1x16xi32>
    tpu.vector_store %arg5[%swap3A_153, %swap3A_154, %swap3A_155], %swap3A_158 {strides = array<i32>} : memref<2x5x64xi32, #tpu.memory_space<vmem>>, vector<1x1x16xi32>,
    %get3A_159 = arith.constant 0 : i32
    %get3A_160 = arith.constant 1 : i32
    %get3A_161 = arith.index_cast %get3A_159 : i32 to index
    %get3A_162 = arith.index_cast %get3A_160 : i32 to index
    %get3A_163 = arith.constant 32 : index
    %get3A_164 = tpu.vector_load %arg5[%get3A_161, %get3A_162, %get3A_163] {strides = array<i32>} : memref<2x5x64xi32, #tpu.memory_space<vmem>>, vector<1x1x16xi32>,
    %get3A_165 = vector.shape_cast %get3A_164 : vector<1x1x16xi32> to vector<16xi32>
    %add3A_166 = arith.addi %get3A_165, %broadcast_in_dim3A : vector<16xi32>
    %swap3A_167 = arith.constant 0 : i32
    %swap3A_168 = arith.constant 1 : i32
    %swap3A_169 = arith.index_cast %swap3A_167 : i32 to index
    %swap3A_170 = arith.index_cast %swap3A_168 : i32 to index
    %swap3A_171 = arith.constant 32 : index
    %swap3A_172 = tpu.vector_load %arg5[%swap3A_169, %swap3A_170, %swap3A_171] {strides = array<i32>} : memref<2x5x64xi32, #tpu.memory_space<vmem>>, vector<1x1x16xi32>,
    %swap3A_173 = vector.shape_cast %swap3A_172 : vector<1x1x16xi32> to vector<16xi32>
    %swap3A_174 = vector.shape_cast %add3A_166 : vector<16xi32> to vector<1x1x16xi32>
    tpu.vector_store %arg5[%swap3A_169, %swap3A_170, %swap3A_171], %swap3A_174 {strides = array<i32>} : memref<2x5x64xi32, #tpu.memory_space<vmem>>, vector<1x1x16xi32>,
    %get3A_175 = arith.constant 0 : i32
    %get3A_176 = arith.constant 1 : i32
    %get3A_177 = arith.index_cast %get3A_175 : i32 to index
    %get3A_178 = arith.index_cast %get3A_176 : i32 to index
    %get3A_179 = arith.constant 48 : index
    %get3A_180 = tpu.vector_load %arg5[%get3A_177, %get3A_178, %get3A_179] {strides = array<i32>} : memref<2x5x64xi32, #tpu.memory_space<vmem>>, vector<1x1x16xi32>,
    %get3A_181 = vector.shape_cast %get3A_180 : vector<1x1x16xi32> to vector<16xi32>
    %add3A_182 = arith.addi %get3A_181, %broadcast_in_dim3A : vector<16xi32>
    %swap3A_183 = arith.constant 0 : i32
    %swap3A_184 = arith.constant 1 : i32
    %swap3A_185 = arith.index_cast %swap3A_183 : i32 to index
    %swap3A_186 = arith.index_cast %swap3A_184 : i32 to index
    %swap3A_187 = arith.constant 48 : index
    %swap3A_188 = tpu.vector_load %arg5[%swap3A_185, %swap3A_186, %swap3A_187] {strides = array<i32>} : memref<2x5x64xi32, #tpu.memory_space<vmem>>, vector<1x1x16xi32>,
    %swap3A_189 = vector.shape_cast %swap3A_188 : vector<1x1x16xi32> to vector<16xi32>
    %swap3A_190 = vector.shape_cast %add3A_182 : vector<16xi32> to vector<1x1x16xi32>
    tpu.vector_store %arg5[%swap3A_185, %swap3A_186, %swap3A_187], %swap3A_190 {strides = array<i32>} : memref<2x5x64xi32, #tpu.memory_space<vmem>>, vector<1x1x16xi32>,
    %get3A_191 = arith.constant 0 : i32
    %get3A_192 = arith.constant 2 : i32
    %get3A_193 = arith.index_cast %get3A_191 : i32 to index
    %get3A_194 = arith.index_cast %get3A_192 : i32 to index
    %get3A_195 = arith.constant 0 : index
    %get3A_196 = tpu.vector_load %arg5[%get3A_193, %get3A_194, %get3A_195] {strides = array<i32>} : memref<2x5x64xi32, #tpu.memory_space<vmem>>, vector<1x1x16xi32>,
    %get3A_197 = vector.shape_cast %get3A_196 : vector<1x1x16xi32> to vector<16xi32>
    %add3A_198 = arith.addi %get3A_197, %broadcast_in_dim3A : vector<16xi32>
    %swap3A_199 = arith.constant 0 : i32
    %swap3A_200 = arith.constant 2 : i32
    %swap3A_201 = arith.index_cast %swap3A_199 : i32 to index
    %swap3A_202 = arith.index_cast %swap3A_200 : i32 to index
    %swap3A_203 = arith.constant 0 : index
    %swap3A_204 = tpu.vector_load %arg5[%swap3A_201, %swap3A_202, %swap3A_203] {strides = array<i32>} : memref<2x5x64xi32, #tpu.memory_space<vmem>>, vector<1x1x16xi32>,
    %swap3A_205 = vector.shape_cast %swap3A_204 : vector<1x1x16xi32> to vector<16xi32>
    %swap3A_206 = vector.shape_cast %add3A_198 : vector<16xi32> to vector<1x1x16xi32>
    tpu.vector_store %arg5[%swap3A_201, %swap3A_202, %swap3A_203], %swap3A_206 {strides = array<i32>} : memref<2x5x64xi32, #tpu.memory_space<vmem>>, vector<1x1x16xi32>,
    %get3A_207 = arith.constant 0 : i32
    %get3A_208 = arith.constant 2 : i32
    %get3A_209 = arith.index_cast %get3A_207 : i32 to index
    %get3A_210 = arith.index_cast %get3A_208 : i32 to index
    %get3A_211 = arith.constant 16 : index
    %get3A_212 = tpu.vector_load %arg5[%get3A_209, %get3A_210, %get3A_211] {strides = array<i32>} : memref<2x5x64xi32, #tpu.memory_space<vmem>>, vector<1x1x16xi32>,
    %get3A_213 = vector.shape_cast %get3A_212 : vector<1x1x16xi32> to vector<16xi32>
    %add3A_214 = arith.addi %get3A_213, %broadcast_in_dim3A : vector<16xi32>
    %swap3A_215 = arith.constant 0 : i32
    %swap3A_216 = arith.constant 2 : i32
    %swap3A_217 = arith.index_cast %swap3A_215 : i32 to index
    %swap3A_218 = arith.index_cast %swap3A_216 : i32 to index
    %swap3A_219 = arith.constant 16 : index
    %swap3A_220 = tpu.vector_load %arg5[%swap3A_217, %swap3A_218, %swap3A_219] {strides = array<i32>} : memref<2x5x64xi32, #tpu.memory_space<vmem>>, vector<1x1x16xi32>,
    %swap3A_221 = vector.shape_cast %swap3A_220 : vector<1x1x16xi32> to vector<16xi32>
    %swap3A_222 = vector.shape_cast %add3A_214 : vector<16xi32> to vector<1x1x16xi32>
    tpu.vector_store %arg5[%swap3A_217, %swap3A_218, %swap3A_219], %swap3A_222 {strides = array<i32>} : memref<2x5x64xi32, #tpu.memory_space<vmem>>, vector<1x1x16xi32>,
    %get3A_223 = arith.constant 0 : i32
    %get3A_224 = arith.constant 2 : i32
    %get3A_225 = arith.index_cast %get3A_223 : i32 to index
    %get3A_226 = arith.index_cast %get3A_224 : i32 to index
    %get3A_227 = arith.constant 32 : index
    %get3A_228 = tpu.vector_load %arg5[%get3A_225, %get3A_226, %get3A_227] {strides = array<i32>} : memref<2x5x64xi32, #tpu.memory_space<vmem>>, vector<1x1x16xi32>,
    %get3A_229 = vector.shape_cast %get3A_228 : vector<1x1x16xi32> to vector<16xi32>
    %add3A_230 = arith.addi %get3A_229, %broadcast_in_dim3A : vector<16xi32>
    %swap3A_231 = arith.constant 0 : i32
    %swap3A_232 = arith.constant 2 : i32
    %swap3A_233 = arith.index_cast %swap3A_231 : i32 to index
    %swap3A_234 = arith.index_cast %swap3A_232 : i32 to index
    %swap3A_235 = arith.constant 32 : index
    %swap3A_236 = tpu.vector_load %arg5[%swap3A_233, %swap3A_234, %swap3A_235] {strides = array<i32>} : memref<2x5x64xi32, #tpu.memory_space<vmem>>, vector<1x1x16xi32>,
    %swap3A_237 = vector.shape_cast %swap3A_236 : vector<1x1x16xi32> to vector<16xi32>
    %swap3A_238 = vector.shape_cast %add3A_230 : vector<16xi32> to vector<1x1x16xi32>
    tpu.vector_store %arg5[%swap3A_233, %swap3A_234, %swap3A_235], %swap3A_238 {strides = array<i32>} : memref<2x5x64xi32, #tpu.memory_space<vmem>>, vector<1x1x16xi32>,
    %get3A_239 = arith.constant 0 : i32
    %get3A_240 = arith.constant 2 : i32
    %get3A_241 = arith.index_cast %get3A_239 : i32 to index
    %get3A_242 = arith.index_cast %get3A_240 : i32 to index
    %get3A_243 = arith.constant 48 : index
    %get3A_244 = tpu.vector_load %arg5[%get3A_241, %get3A_242, %get3A_243] {strides = array<i32>} : memref<2x5x64xi32, #tpu.memory_space<vmem>>, vector<1x1x16xi32>,
    %get3A_245 = vector.shape_cast %get3A_244 : vector<1x1x16xi32> to vector<16xi32>
    %add3A_246 = arith.addi %get3A_245, %broadcast_in_dim3A : vector<16xi32>
    %swap3A_247 = arith.constant 0 : i32
    %swap3A_248 = arith.constant 2 : i32
    %swap3A_249 = arith.index_cast %swap3A_247 : i32 to index
    %swap3A_250 = arith.index_cast %swap3A_248 : i32 to index
    %swap3A_251 = arith.constant 48 : index
    %swap3A_252 = tpu.vector_load %arg5[%swap3A_249, %swap3A_250, %swap3A_251] {strides = array<i32>} : memref<2x5x64xi32, #tpu.memory_space<vmem>>, vector<1x1x16xi32>,
    %swap3A_253 = vector.shape_cast %swap3A_252 : vector<1x1x16xi32> to vector<16xi32>
    %swap3A_254 = vector.shape_cast %add3A_246 : vector<16xi32> to vector<1x1x16xi32>
    tpu.vector_store %arg5[%swap3A_249, %swap3A_250, %swap3A_251], %swap3A_254 {strides = array<i32>} : memref<2x5x64xi32, #tpu.memory_space<vmem>>, vector<1x1x16xi32>,
    %get3A_255 = arith.constant 0 : i32
    %get3A_256 = arith.constant 3 : i32
    %get3A_257 = arith.index_cast %get3A_255 : i32 to index
    %get3A_258 = arith.index_cast %get3A_256 : i32 to index
    %get3A_259 = arith.constant 0 : index
    %get3A_260 = tpu.vector_load %arg5[%get3A_257, %get3A_258, %get3A_259] {strides = array<i32>} : memref<2x5x64xi32, #tpu.memory_space<vmem>>, vector<1x1x16xi32>,
    %get3A_261 = vector.shape_cast %get3A_260 : vector<1x1x16xi32> to vector<16xi32>
    %add3A_262 = arith.addi %get3A_261, %broadcast_in_dim3A : vector<16xi32>
    %swap3A_263 = arith.constant 0 : i32
    %swap3A_264 = arith.constant 3 : i32
    %swap3A_265 = arith.index_cast %swap3A_263 : i32 to index
    %swap3A_266 = arith.index_cast %swap3A_264 : i32 to index
    %swap3A_267 = arith.constant 0 : index
    %swap3A_268 = tpu.vector_load %arg5[%swap3A_265, %swap3A_266, %swap3A_267] {strides = array<i32>} : memref<2x5x64xi32, #tpu.memory_space<vmem>>, vector<1x1x16xi32>,
    %swap3A_269 = vector.shape_cast %swap3A_268 : vector<1x1x16xi32> to vector<16xi32>
    %swap3A_270 = vector.shape_cast %add3A_262 : vector<16xi32> to vector<1x1x16xi32>
    tpu.vector_store %arg5[%swap3A_265, %swap3A_266, %swap3A_267], %swap3A_270 {strides = array<i32>} : memref<2x5x64xi32, #tpu.memory_space<vmem>>, vector<1x1x16xi32>,
    %get3A_271 = arith.constant 0 : i32
    %get3A_272 = arith.constant 3 : i32
    %get3A_273 = arith.index_cast %get3A_271 : i32 to index
    %get3A_274 = arith.index_cast %get3A_272 : i32 to index
    %get3A_275 = arith.constant 16 : index
    %get3A_276 = tpu.vector_load %arg5[%get3A_273, %get3A_274, %get3A_275] {strides = array<i32>} : memref<2x5x64xi32, #tpu.memory_space<vmem>>, vector<1x1x16xi32>,
    %get3A_277 = vector.shape_cast %get3A_276 : vector<1x1x16xi32> to vector<16xi32>
    %add3A_278 = arith.addi %get3A_277, %broadcast_in_dim3A : vector<16xi32>
    %swap3A_279 = arith.constant 0 : i32
    %swap3A_280 = arith.constant 3 : i32
    %swap3A_281 = arith.index_cast %swap3A_279 : i32 to index
    %swap3A_282 = arith.index_cast %swap3A_280 : i32 to index
    %swap3A_283 = arith.constant 16 : index
    %swap3A_284 = tpu.vector_load %arg5[%swap3A_281, %swap3A_282, %swap3A_283] {strides = array<i32>} : memref<2x5x64xi32, #tpu.memory_space<vmem>>, vector<1x1x16xi32>,
    %swap3A_285 = vector.shape_cast %swap3A_284 : vector<1x1x16xi32> to vector<16xi32>
    %swap3A_286 = vector.shape_cast %add3A_278 : vector<16xi32> to vector<1x1x16xi32>
    tpu.vector_store %arg5[%swap3A_281, %swap3A_282, %swap3A_283], %swap3A_286 {strides = array<i32>} : memref<2x5x64xi32, #tpu.memory_space<vmem>>, vector<1x1x16xi32>,
    %get3A_287 = arith.constant 0 : i32
    %get3A_288 = arith.constant 3 : i32
    %get3A_289 = arith.index_cast %get3A_287 : i32 to index
    %get3A_290 = arith.index_cast %get3A_288 : i32 to index
    %get3A_291 = arith.constant 32 : index
    %get3A_292 = tpu.vector_load %arg5[%get3A_289, %get3A_290, %get3A_291] {strides = array<i32>} : memref<2x5x64xi32, #tpu.memory_space<vmem>>, vector<1x1x16xi32>,
    %get3A_293 = vector.shape_cast %get3A_292 : vector<1x1x16xi32> to vector<16xi32>
    %add3A_294 = arith.addi %get3A_293, %broadcast_in_dim3A : vector<16xi32>
    %swap3A_295 = arith.constant 0 : i32
    %swap3A_296 = arith.constant 3 : i32
    %swap3A_297 = arith.index_cast %swap3A_295 : i32 to index
    %swap3A_298 = arith.index_cast %swap3A_296 : i32 to index
    %swap3A_299 = arith.constant 32 : index
    %swap3A_300 = tpu.vector_load %arg5[%swap3A_297, %swap3A_298, %swap3A_299] {strides = array<i32>} : memref<2x5x64xi32, #tpu.memory_space<vmem>>, vector<1x1x16xi32>,
    %swap3A_301 = vector.shape_cast %swap3A_300 : vector<1x1x16xi32> to vector<16xi32>
    %swap3A_302 = vector.shape_cast %add3A_294 : vector<16xi32> to vector<1x1x16xi32>
    tpu.vector_store %arg5[%swap3A_297, %swap3A_298, %swap3A_299], %swap3A_302 {strides = array<i32>} : memref<2x5x64xi32, #tpu.memory_space<vmem>>, vector<1x1x16xi32>,
    %get3A_303 = arith.constant 0 : i32
    %get3A_304 = arith.constant 3 : i32
    %get3A_305 = arith.index_cast %get3A_303 : i32 to index
    %get3A_306 = arith.index_cast %get3A_304 : i32 to index
    %get3A_307 = arith.constant 48 : index
    %get3A_308 = tpu.vector_load %arg5[%get3A_305, %get3A_306, %get3A_307] {strides = array<i32>} : memref<2x5x64xi32, #tpu.memory_space<vmem>>, vector<1x1x16xi32>,
    %get3A_309 = vector.shape_cast %get3A_308 : vector<1x1x16xi32> to vector<16xi32>
    %add3A_310 = arith.addi %get3A_309, %broadcast_in_dim3A : vector<16xi32>
    %swap3A_311 = arith.constant 0 : i32
    %swap3A_312 = arith.constant 3 : i32
    %swap3A_313 = arith.index_cast %swap3A_311 : i32 to index
    %swap3A_314 = arith.index_cast %swap3A_312 : i32 to index
    %swap3A_315 = arith.constant 48 : index
    %swap3A_316 = tpu.vector_load %arg5[%swap3A_313, %swap3A_314, %swap3A_315] {strides = array<i32>} : memref<2x5x64xi32, #tpu.memory_space<vmem>>, vector<1x1x16xi32>,
    %swap3A_317 = vector.shape_cast %swap3A_316 : vector<1x1x16xi32> to vector<16xi32>
    %swap3A_318 = vector.shape_cast %add3A_310 : vector<16xi32> to vector<1x1x16xi32>
    tpu.vector_store %arg5[%swap3A_313, %swap3A_314, %swap3A_315], %swap3A_318 {strides = array<i32>} : memref<2x5x64xi32, #tpu.memory_space<vmem>>, vector<1x1x16xi32>,
    %get3A_319 = arith.constant 0 : i32
    %get3A_320 = arith.constant 4 : i32
    %get3A_321 = arith.index_cast %get3A_319 : i32 to index
    %get3A_322 = arith.index_cast %get3A_320 : i32 to index
    %get3A_323 = arith.constant 0 : index
    %get3A_324 = tpu.vector_load %arg5[%get3A_321, %get3A_322, %get3A_323] {strides = array<i32>} : memref<2x5x64xi32, #tpu.memory_space<vmem>>, vector<1x1x16xi32>,
    %get3A_325 = vector.shape_cast %get3A_324 : vector<1x1x16xi32> to vector<16xi32>
    %add3A_326 = arith.addi %get3A_325, %broadcast_in_dim3A : vector<16xi32>
    %swap3A_327 = arith.constant 0 : i32
    %swap3A_328 = arith.constant 4 : i32
    %swap3A_329 = arith.index_cast %swap3A_327 : i32 to index
    %swap3A_330 = arith.index_cast %swap3A_328 : i32 to index
    %swap3A_331 = arith.constant 0 : index
    %swap3A_332 = tpu.vector_load %arg5[%swap3A_329, %swap3A_330, %swap3A_331] {strides = array<i32>} : memref<2x5x64xi32, #tpu.memory_space<vmem>>, vector<1x1x16xi32>,
    %swap3A_333 = vector.shape_cast %swap3A_332 : vector<1x1x16xi32> to vector<16xi32>
    %swap3A_334 = vector.shape_cast %add3A_326 : vector<16xi32> to vector<1x1x16xi32>
    tpu.vector_store %arg5[%swap3A_329, %swap3A_330, %swap3A_331], %swap3A_334 {strides = array<i32>} : memref<2x5x64xi32, #tpu.memory_space<vmem>>, vector<1x1x16xi32>,
    %get3A_335 = arith.constant 0 : i32
    %get3A_336 = arith.constant 4 : i32
    %get3A_337 = arith.index_cast %get3A_335 : i32 to index
    %get3A_338 = arith.index_cast %get3A_336 : i32 to index
    %get3A_339 = arith.constant 16 : index
    %get3A_340 = tpu.vector_load %arg5[%get3A_337, %get3A_338, %get3A_339] {strides = array<i32>} : memref<2x5x64xi32, #tpu.memory_space<vmem>>, vector<1x1x16xi32>,
    %get3A_341 = vector.shape_cast %get3A_340 : vector<1x1x16xi32> to vector<16xi32>
    %add3A_342 = arith.addi %get3A_341, %broadcast_in_dim3A : vector<16xi32>
    %swap3A_343 = arith.constant 0 : i32
    %swap3A_344 = arith.constant 4 : i32
    %swap3A_345 = arith.index_cast %swap3A_343 : i32 to index
    %swap3A_346 = arith.index_cast %swap3A_344 : i32 to index
    %swap3A_347 = arith.constant 16 : index
    %swap3A_348 = tpu.vector_load %arg5[%swap3A_345, %swap3A_346, %swap3A_347] {strides = array<i32>} : memref<2x5x64xi32, #tpu.memory_space<vmem>>, vector<1x1x16xi32>,
    %swap3A_349 = vector.shape_cast %swap3A_348 : vector<1x1x16xi32> to vector<16xi32>
    %swap3A_350 = vector.shape_cast %add3A_342 : vector<16xi32> to vector<1x1x16xi32>
    tpu.vector_store %arg5[%swap3A_345, %swap3A_346, %swap3A_347], %swap3A_350 {strides = array<i32>} : memref<2x5x64xi32, #tpu.memory_space<vmem>>, vector<1x1x16xi32>,
    %get3A_351 = arith.constant 0 : i32
    %get3A_352 = arith.constant 4 : i32
    %get3A_353 = arith.index_cast %get3A_351 : i32 to index
    %get3A_354 = arith.index_cast %get3A_352 : i32 to index
    %get3A_355 = arith.constant 32 : index
    %get3A_356 = tpu.vector_load %arg5[%get3A_353, %get3A_354, %get3A_355] {strides = array<i32>} : memref<2x5x64xi32, #tpu.memory_space<vmem>>, vector<1x1x16xi32>,
    %get3A_357 = vector.shape_cast %get3A_356 : vector<1x1x16xi32> to vector<16xi32>
    %add3A_358 = arith.addi %get3A_357, %broadcast_in_dim3A : vector<16xi32>
    %swap3A_359 = arith.constant 0 : i32
    %swap3A_360 = arith.constant 4 : i32
    %swap3A_361 = arith.index_cast %swap3A_359 : i32 to index
    %swap3A_362 = arith.index_cast %swap3A_360 : i32 to index
    %swap3A_363 = arith.constant 32 : index
    %swap3A_364 = tpu.vector_load %arg5[%swap3A_361, %swap3A_362, %swap3A_363] {strides = array<i32>} : memref<2x5x64xi32, #tpu.memory_space<vmem>>, vector<1x1x16xi32>,
    %swap3A_365 = vector.shape_cast %swap3A_364 : vector<1x1x16xi32> to vector<16xi32>
    %swap3A_366 = vector.shape_cast %add3A_358 : vector<16xi32> to vector<1x1x16xi32>
    tpu.vector_store %arg5[%swap3A_361, %swap3A_362, %swap3A_363], %swap3A_366 {strides = array<i32>} : memref<2x5x64xi32, #tpu.memory_space<vmem>>, vector<1x1x16xi32>,
    %get3A_367 = arith.constant 0 : i32
    %get3A_368 = arith.constant 4 : i32
    %get3A_369 = arith.index_cast %get3A_367 : i32 to index
    %get3A_370 = arith.index_cast %get3A_368 : i32 to index
    %get3A_371 = arith.constant 48 : index
    %get3A_372 = tpu.vector_load %arg5[%get3A_369, %get3A_370, %get3A_371] {strides = array<i32>} : memref<2x5x64xi32, #tpu.memory_space<vmem>>, vector<1x1x16xi32>,
    %get3A_373 = vector.shape_cast %get3A_372 : vector<1x1x16xi32> to vector<16xi32>
    %add3A_374 = arith.addi %get3A_373, %broadcast_in_dim3A : vector<16xi32>
    %swap3A_375 = arith.constant 0 : i32
    %swap3A_376 = arith.constant 4 : i32
    %swap3A_377 = arith.index_cast %swap3A_375 : i32 to index
    %swap3A_378 = arith.index_cast %swap3A_376 : i32 to index
    %swap3A_379 = arith.constant 48 : index
    %swap3A_380 = tpu.vector_load %arg5[%swap3A_377, %swap3A_378, %swap3A_379] {strides = array<i32>} : memref<2x5x64xi32, #tpu.memory_space<vmem>>, vector<1x1x16xi32>,
    %swap3A_381 = vector.shape_cast %swap3A_380 : vector<1x1x16xi32> to vector<16xi32>
    %swap3A_382 = vector.shape_cast %add3A_374 : vector<16xi32> to vector<1x1x16xi32>
    tpu.vector_store %arg5[%swap3A_377, %swap3A_378, %swap3A_379], %swap3A_382 {strides = array<i32>} : memref<2x5x64xi32, #tpu.memory_space<vmem>>, vector<1x1x16xi32>,
    %dma_start3A_383 = arith.constant 0 : i32
    %dma_start3A_384 = arith.constant 0 : i32
    %dma_start3A_385 = arith.constant 0 : i32
    %dma_start3A_386 = arith.constant 0 : i32
    %dma_start3A_387 = arith.constant 0 : i32
    %dma_start3A_388 = tpu.memref_slice %arg6[%dma_start3A_385, %dma_start3A_386, %dma_start3A_387] : memref<2x320x64xf32, #tpu.memory_space<vmem>> -> memref<1x64x64xf32, #tpu.memory_space<vmem>>
    %dma_start3A_389 = tpu.memref_squeeze %dma_start3A_388 : memref<1x64x64xf32, #tpu.memory_space<vmem>> -> memref<64x64xf32, #tpu.memory_space<vmem>>
    %dma_start3A_390 = arith.constant 0 : i32
    %dma_start3A_391 = tpu.memref_slice %arg5[%dma_start3A_383, %dma_start3A_384, %dma_start3A_390] : memref<2x5x64xi32, #tpu.memory_space<vmem>> -> memref<1x1x64xi32, #tpu.memory_space<vmem>>
    %dma_start3A_392 = tpu.memref_squeeze %dma_start3A_391 : memref<1x1x64xi32, #tpu.memory_space<vmem>> -> memref<64xi32, #tpu.memory_space<vmem>>
    %dma_start3A_393 = arith.constant 0 : i32
    %dma_start3A_394 = arith.constant 0 : i32
    %dma_start3A_395 = tpu.memref_slice %arg2[%dma_start3A_393, %dma_start3A_394] : memref<2600000x64xf32, #tpu.memory_space<hbm>> -> memref<2600000x64xf32, #tpu.memory_space<hbm>>
    tpu.enqueue_indirect_dma source(%dma_start3A_395 : memref<2600000x64xf32, #tpu.memory_space<hbm>>) target(%dma_start3A_389 : memref<64x64xf32, #tpu.memory_space<vmem>>) offsets(%dma_start3A_392 : memref<64xi32, #tpu.memory_space<vmem>>) semaphore(%arg10 : memref<!tpu.dma_semaphore, #tpu.memory_space<semaphore_mem>>)
    %dma_start3A_396 = arith.constant 0 : i32
    %dma_start3A_397 = arith.constant 1 : i32
    %dma_start3A_398 = arith.constant 0 : i32
    %dma_start3A_399 = arith.constant 64 : i32
    %dma_start3A_400 = arith.constant 0 : i32
    %dma_start3A_401 = tpu.memref_slice %arg6[%dma_start3A_398, %dma_start3A_399, %dma_start3A_400] : memref<2x320x64xf32, #tpu.memory_space<vmem>> -> memref<1x64x64xf32, #tpu.memory_space<vmem>>
    %dma_start3A_402 = tpu.memref_squeeze %dma_start3A_401 : memref<1x64x64xf32, #tpu.memory_space<vmem>> -> memref<64x64xf32, #tpu.memory_space<vmem>>
    %dma_start3A_403 = arith.constant 0 : i32
    %dma_start3A_404 = tpu.memref_slice %arg5[%dma_start3A_396, %dma_start3A_397, %dma_start3A_403] : memref<2x5x64xi32, #tpu.memory_space<vmem>> -> memref<1x1x64xi32, #tpu.memory_space<vmem>>
    %dma_start3A_405 = tpu.memref_squeeze %dma_start3A_404 : memref<1x1x64xi32, #tpu.memory_space<vmem>> -> memref<64xi32, #tpu.memory_space<vmem>>
    %dma_start3A_406 = arith.constant 0 : i32
    %dma_start3A_407 = arith.constant 0 : i32
    %dma_start3A_408 = tpu.memref_slice %arg2[%dma_start3A_406, %dma_start3A_407] : memref<2600000x64xf32, #tpu.memory_space<hbm>> -> memref<2600000x64xf32, #tpu.memory_space<hbm>>
    tpu.enqueue_indirect_dma source(%dma_start3A_408 : memref<2600000x64xf32, #tpu.memory_space<hbm>>) target(%dma_start3A_402 : memref<64x64xf32, #tpu.memory_space<vmem>>) offsets(%dma_start3A_405 : memref<64xi32, #tpu.memory_space<vmem>>) semaphore(%arg10 : memref<!tpu.dma_semaphore, #tpu.memory_space<semaphore_mem>>)
    %dma_start3A_409 = arith.constant 0 : i32
    %dma_start3A_410 = arith.constant 2 : i32
    %dma_start3A_411 = arith.constant 0 : i32
    %dma_start3A_412 = arith.constant 128 : i32
    %dma_start3A_413 = arith.constant 0 : i32
    %dma_start3A_414 = tpu.memref_slice %arg6[%dma_start3A_411, %dma_start3A_412, %dma_start3A_413] : memref<2x320x64xf32, #tpu.memory_space<vmem>> -> memref<1x64x64xf32, #tpu.memory_space<vmem>>
    %dma_start3A_415 = tpu.memref_squeeze %dma_start3A_414 : memref<1x64x64xf32, #tpu.memory_space<vmem>> -> memref<64x64xf32, #tpu.memory_space<vmem>>
    %dma_start3A_416 = arith.constant 0 : i32
    %dma_start3A_417 = tpu.memref_slice %arg5[%dma_start3A_409, %dma_start3A_410, %dma_start3A_416] : memref<2x5x64xi32, #tpu.memory_space<vmem>> -> memref<1x1x64xi32, #tpu.memory_space<vmem>>
    %dma_start3A_418 = tpu.memref_squeeze %dma_start3A_417 : memref<1x1x64xi32, #tpu.memory_space<vmem>> -> memref<64xi32, #tpu.memory_space<vmem>>
    %dma_start3A_419 = arith.constant 0 : i32
    %dma_start3A_420 = arith.constant 0 : i32
    %dma_start3A_421 = tpu.memref_slice %arg2[%dma_start3A_419, %dma_start3A_420] : memref<2600000x64xf32, #tpu.memory_space<hbm>> -> memref<2600000x64xf32, #tpu.memory_space<hbm>>
    tpu.enqueue_indirect_dma source(%dma_start3A_421 : memref<2600000x64xf32, #tpu.memory_space<hbm>>) target(%dma_start3A_415 : memref<64x64xf32, #tpu.memory_space<vmem>>) offsets(%dma_start3A_418 : memref<64xi32, #tpu.memory_space<vmem>>) semaphore(%arg10 : memref<!tpu.dma_semaphore, #tpu.memory_space<semaphore_mem>>)
    %dma_start3A_422 = arith.constant 0 : i32
    %dma_start3A_423 = arith.constant 3 : i32
    %dma_start3A_424 = arith.constant 0 : i32
    %dma_start3A_425 = arith.constant 192 : i32
    %dma_start3A_426 = arith.constant 0 : i32
    %dma_start3A_427 = tpu.memref_slice %arg6[%dma_start3A_424, %dma_start3A_425, %dma_start3A_426] : memref<2x320x64xf32, #tpu.memory_space<vmem>> -> memref<1x64x64xf32, #tpu.memory_space<vmem>>
    %dma_start3A_428 = tpu.memref_squeeze %dma_start3A_427 : memref<1x64x64xf32, #tpu.memory_space<vmem>> -> memref<64x64xf32, #tpu.memory_space<vmem>>
    %dma_start3A_429 = arith.constant 0 : i32
    %dma_start3A_430 = tpu.memref_slice %arg5[%dma_start3A_422, %dma_start3A_423, %dma_start3A_429] : memref<2x5x64xi32, #tpu.memory_space<vmem>> -> memref<1x1x64xi32, #tpu.memory_space<vmem>>
    %dma_start3A_431 = tpu.memref_squeeze %dma_start3A_430 : memref<1x1x64xi32, #tpu.memory_space<vmem>> -> memref<64xi32, #tpu.memory_space<vmem>>
    %dma_start3A_432 = arith.constant 0 : i32
    %dma_start3A_433 = arith.constant 0 : i32
    %dma_start3A_434 = tpu.memref_slice %arg2[%dma_start3A_432, %dma_start3A_433] : memref<2600000x64xf32, #tpu.memory_space<hbm>> -> memref<2600000x64xf32, #tpu.memory_space<hbm>>
    tpu.enqueue_indirect_dma source(%dma_start3A_434 : memref<2600000x64xf32, #tpu.memory_space<hbm>>) target(%dma_start3A_428 : memref<64x64xf32, #tpu.memory_space<vmem>>) offsets(%dma_start3A_431 : memref<64xi32, #tpu.memory_space<vmem>>) semaphore(%arg10 : memref<!tpu.dma_semaphore, #tpu.memory_space<semaphore_mem>>)
    %dma_start3A_435 = arith.constant 0 : i32
    %dma_start3A_436 = arith.constant 4 : i32
    %dma_start3A_437 = arith.constant 0 : i32
    %dma_start3A_438 = arith.constant 256 : i32
    %dma_start3A_439 = arith.constant 0 : i32
    %dma_start3A_440 = tpu.memref_slice %arg6[%dma_start3A_437, %dma_start3A_438, %dma_start3A_439] : memref<2x320x64xf32, #tpu.memory_space<vmem>> -> memref<1x64x64xf32, #tpu.memory_space<vmem>>
    %dma_start3A_441 = tpu.memref_squeeze %dma_start3A_440 : memref<1x64x64xf32, #tpu.memory_space<vmem>> -> memref<64x64xf32, #tpu.memory_space<vmem>>
    %dma_start3A_442 = arith.constant 0 : i32
    %dma_start3A_443 = tpu.memref_slice %arg5[%dma_start3A_435, %dma_start3A_436, %dma_start3A_442] : memref<2x5x64xi32, #tpu.memory_space<vmem>> -> memref<1x1x64xi32, #tpu.memory_space<vmem>>
    %dma_start3A_444 = tpu.memref_squeeze %dma_start3A_443 : memref<1x1x64xi32, #tpu.memory_space<vmem>> -> memref<64xi32, #tpu.memory_space<vmem>>
    %dma_start3A_445 = arith.constant 0 : i32
    %dma_start3A_446 = arith.constant 0 : i32
    %dma_start3A_447 = tpu.memref_slice %arg2[%dma_start3A_445, %dma_start3A_446] : memref<2600000x64xf32, #tpu.memory_space<hbm>> -> memref<2600000x64xf32, #tpu.memory_space<hbm>>
    tpu.enqueue_indirect_dma source(%dma_start3A_447 : memref<2600000x64xf32, #tpu.memory_space<hbm>>) target(%dma_start3A_441 : memref<64x64xf32, #tpu.memory_space<vmem>>) offsets(%dma_start3A_444 : memref<64xi32, #tpu.memory_space<vmem>>) semaphore(%arg10 : memref<!tpu.dma_semaphore, #tpu.memory_space<semaphore_mem>>)
    %scan3A = arith.constant 0 : i32
    %scan3A_448 = arith.constant 0 : i32
    %scan3A_449 = arith.constant 104 : i32
    %scan3A_450 = arith.addi %scan3A_448, %scan3A_449 : i32
    %scan3A_451 = arith.constant 1 : i32
    scf.for %scan3A_453 = %scan3A_448 to %scan3A_450 step %scan3A_451  : i32 {
      %mul3A_454 = arith.constant 2 : i32
      %mul3A_455 = arith.muli %mul3A_454, %scan3A_453 : i32
      %add3A_456 = arith.constant 0 : i32
      %add3A_457 = arith.addi %mul3A_455, %add3A_456 : i32
      %add3A_458 = arith.constant 1 : i32
      %add3A_459 = arith.addi %add3A_457, %add3A_458 : i32
      %lt3A = arith.constant 208 : i32
      %lt3A_460 = arith.cmpi slt, %add3A_459, %lt3A : i32
      %convert_element_type3A = arith.extui %lt3A_460 : i1 to i32
      %cond3A = arith.constant 0 : i32
      %cond3A_461 = arith.cmpi ne, %convert_element_type3A, %cond3A : i32
      scf.if %cond3A_461 {
        %dma_wait3A_585 = arith.constant 0 : i32
        %dma_wait3A_586 = arith.constant 0 : i32
        %dma_wait3A_587 = arith.constant 0 : i32
        %dma_wait3A_588 = arith.constant 1 : i32
        %dma_wait3A_589 = arith.constant 0 : i32
        %dma_wait3A_590 = arith.constant 0 : i32
        %dma_wait3A_591 = tpu.memref_slice %arg5[%dma_wait3A_588, %dma_wait3A_589, %dma_wait3A_590] : memref<2x5x64xi32, #tpu.memory_space<vmem>> -> memref<1x5x64xi32, #tpu.memory_space<vmem>>
        %dma_wait3A_592 = tpu.memref_squeeze %dma_wait3A_591 : memref<1x5x64xi32, #tpu.memory_space<vmem>> -> memref<5x64xi32, #tpu.memory_space<vmem>>
        %dma_wait3A_593 = arith.constant 0 : i32
        %dma_wait3A_594 = arith.constant 0 : i32
        %dma_wait3A_595 = tpu.memref_slice %arg3[%dma_wait3A_585, %dma_wait3A_586, %dma_wait3A_587, %dma_wait3A_593, %dma_wait3A_594] : memref<26x32x8x5x64xi32, #tpu.memory_space<hbm>> -> memref<1x1x1x5x64xi32, #tpu.memory_space<hbm>>
        %dma_wait3A_596 = tpu.memref_squeeze %dma_wait3A_595 : memref<1x1x1x5x64xi32, #tpu.memory_space<hbm>> -> memref<5x64xi32, #tpu.memory_space<hbm>>
        %dma_wait3A_597 = arith.constant 0 : i32
        %dma_wait3A_598 = arith.constant 0 : i32
        %dma_wait3A_599 = tpu.memref_slice %arg5[%dma_wait3A_588, %dma_wait3A_597, %dma_wait3A_598] : memref<2x5x64xi32, #tpu.memory_space<vmem>> -> memref<1x5x64xi32, #tpu.memory_space<vmem>>
        %dma_wait3A_600 = tpu.memref_squeeze %dma_wait3A_599 : memref<1x5x64xi32, #tpu.memory_space<vmem>> -> memref<5x64xi32, #tpu.memory_space<vmem>>
        %dma_wait3A_601 = arith.constant 0 : i32
        %dma_wait3A_602 = arith.constant 0 : i32
        %dma_wait3A_603 = tpu.memref_slice %arg3[%dma_wait3A_585, %dma_wait3A_586, %dma_wait3A_587, %dma_wait3A_601, %dma_wait3A_602] : memref<26x32x8x5x64xi32, #tpu.memory_space<hbm>> -> memref<1x1x1x5x64xi32, #tpu.memory_space<hbm>>
        %dma_wait3A_604 = tpu.memref_squeeze %dma_wait3A_603 : memref<1x1x1x5x64xi32, #tpu.memory_space<hbm>> -> memref<5x64xi32, #tpu.memory_space<hbm>>
        tpu.wait_dma2 semaphore(%arg9 : memref<!tpu.dma_semaphore, #tpu.memory_space<semaphore_mem>>) src(%dma_wait3A_604 : memref<5x64xi32, #tpu.memory_space<hbm>>) dst(%dma_wait3A_600 : memref<5x64xi32, #tpu.memory_space<vmem>>)
        %add3A_605 = arith.constant 1 : i32
        %add3A_606 = arith.addi %add3A_457, %add3A_605 : i32
        %rem3A_607 = arith.constant 26 : i32
        %rem3A_608 = arith.remsi %add3A_606, %rem3A_607 : i32
        %mul3A_609 = arith.constant 100000 : i32
        %mul3A_610 = arith.muli %rem3A_608, %mul3A_609 : i32
        %broadcast_in_dim3A_611 = vector.broadcast %mul3A_610 : i32 to vector<16xi32>
        %get3A_612 = arith.constant 1 : i32
        %get3A_613 = arith.constant 0 : i32
        %get3A_614 = arith.index_cast %get3A_612 : i32 to index
        %get3A_615 = arith.index_cast %get3A_613 : i32 to index
        %get3A_616 = arith.constant 0 : index
        %get3A_617 = tpu.vector_load %arg5[%get3A_614, %get3A_615, %get3A_616] {strides = array<i32>} : memref<2x5x64xi32, #tpu.memory_space<vmem>>, vector<1x1x16xi32>,
        %get3A_618 = vector.shape_cast %get3A_617 : vector<1x1x16xi32> to vector<16xi32>
        %add3A_619 = arith.addi %get3A_618, %broadcast_in_dim3A_611 : vector<16xi32>
        %swap3A_620 = arith.constant 1 : i32
        %swap3A_621 = arith.constant 0 : i32
        %swap3A_622 = arith.index_cast %swap3A_620 : i32 to index
        %swap3A_623 = arith.index_cast %swap3A_621 : i32 to index
        %swap3A_624 = arith.constant 0 : index
        %swap3A_625 = tpu.vector_load %arg5[%swap3A_622, %swap3A_623, %swap3A_624] {strides = array<i32>} : memref<2x5x64xi32, #tpu.memory_space<vmem>>, vector<1x1x16xi32>,
        %swap3A_626 = vector.shape_cast %swap3A_625 : vector<1x1x16xi32> to vector<16xi32>
        %swap3A_627 = vector.shape_cast %add3A_619 : vector<16xi32> to vector<1x1x16xi32>
        tpu.vector_store %arg5[%swap3A_622, %swap3A_623, %swap3A_624], %swap3A_627 {strides = array<i32>} : memref<2x5x64xi32, #tpu.memory_space<vmem>>, vector<1x1x16xi32>,
        %get3A_628 = arith.constant 1 : i32
        %get3A_629 = arith.constant 0 : i32
        %get3A_630 = arith.index_cast %get3A_628 : i32 to index
        %get3A_631 = arith.index_cast %get3A_629 : i32 to index
        %get3A_632 = arith.constant 16 : index
        %get3A_633 = tpu.vector_load %arg5[%get3A_630, %get3A_631, %get3A_632] {strides = array<i32>} : memref<2x5x64xi32, #tpu.memory_space<vmem>>, vector<1x1x16xi32>,
        %get3A_634 = vector.shape_cast %get3A_633 : vector<1x1x16xi32> to vector<16xi32>
        %add3A_635 = arith.addi %get3A_634, %broadcast_in_dim3A_611 : vector<16xi32>
        %swap3A_636 = arith.constant 1 : i32
        %swap3A_637 = arith.constant 0 : i32
        %swap3A_638 = arith.index_cast %swap3A_636 : i32 to index
        %swap3A_639 = arith.index_cast %swap3A_637 : i32 to index
        %swap3A_640 = arith.constant 16 : index
        %swap3A_641 = tpu.vector_load %arg5[%swap3A_638, %swap3A_639, %swap3A_640] {strides = array<i32>} : memref<2x5x64xi32, #tpu.memory_space<vmem>>, vector<1x1x16xi32>,
        %swap3A_642 = vector.shape_cast %swap3A_641 : vector<1x1x16xi32> to vector<16xi32>
        %swap3A_643 = vector.shape_cast %add3A_635 : vector<16xi32> to vector<1x1x16xi32>
        tpu.vector_store %arg5[%swap3A_638, %swap3A_639, %swap3A_640], %swap3A_643 {strides = array<i32>} : memref<2x5x64xi32, #tpu.memory_space<vmem>>, vector<1x1x16xi32>,
        %get3A_644 = arith.constant 1 : i32
        %get3A_645 = arith.constant 0 : i32
        %get3A_646 = arith.index_cast %get3A_644 : i32 to index
        %get3A_647 = arith.index_cast %get3A_645 : i32 to index
        %get3A_648 = arith.constant 32 : index
        %get3A_649 = tpu.vector_load %arg5[%get3A_646, %get3A_647, %get3A_648] {strides = array<i32>} : memref<2x5x64xi32, #tpu.memory_space<vmem>>, vector<1x1x16xi32>,
        %get3A_650 = vector.shape_cast %get3A_649 : vector<1x1x16xi32> to vector<16xi32>
        %add3A_651 = arith.addi %get3A_650, %broadcast_in_dim3A_611 : vector<16xi32>
        %swap3A_652 = arith.constant 1 : i32
        %swap3A_653 = arith.constant 0 : i32
        %swap3A_654 = arith.index_cast %swap3A_652 : i32 to index
        %swap3A_655 = arith.index_cast %swap3A_653 : i32 to index
        %swap3A_656 = arith.constant 32 : index
        %swap3A_657 = tpu.vector_load %arg5[%swap3A_654, %swap3A_655, %swap3A_656] {strides = array<i32>} : memref<2x5x64xi32, #tpu.memory_space<vmem>>, vector<1x1x16xi32>,
        %swap3A_658 = vector.shape_cast %swap3A_657 : vector<1x1x16xi32> to vector<16xi32>
        %swap3A_659 = vector.shape_cast %add3A_651 : vector<16xi32> to vector<1x1x16xi32>
        tpu.vector_store %arg5[%swap3A_654, %swap3A_655, %swap3A_656], %swap3A_659 {strides = array<i32>} : memref<2x5x64xi32, #tpu.memory_space<vmem>>, vector<1x1x16xi32>,
        %get3A_660 = arith.constant 1 : i32
        %get3A_661 = arith.constant 0 : i32
        %get3A_662 = arith.index_cast %get3A_660 : i32 to index
        %get3A_663 = arith.index_cast %get3A_661 : i32 to index
        %get3A_664 = arith.constant 48 : index
        %get3A_665 = tpu.vector_load %arg5[%get3A_662, %get3A_663, %get3A_664] {strides = array<i32>} : memref<2x5x64xi32, #tpu.memory_space<vmem>>, vector<1x1x16xi32>,
        %get3A_666 = vector.shape_cast %get3A_665 : vector<1x1x16xi32> to vector<16xi32>
        %add3A_667 = arith.addi %get3A_666, %broadcast_in_dim3A_611 : vector<16xi32>
        %swap3A_668 = arith.constant 1 : i32
        %swap3A_669 = arith.constant 0 : i32
        %swap3A_670 = arith.index_cast %swap3A_668 : i32 to index
        %swap3A_671 = arith.index_cast %swap3A_669 : i32 to index
        %swap3A_672 = arith.constant 48 : index
        %swap3A_673 = tpu.vector_load %arg5[%swap3A_670, %swap3A_671, %swap3A_672] {strides = array<i32>} : memref<2x5x64xi32, #tpu.memory_space<vmem>>, vector<1x1x16xi32>,
        %swap3A_674 = vector.shape_cast %swap3A_673 : vector<1x1x16xi32> to vector<16xi32>
        %swap3A_675 = vector.shape_cast %add3A_667 : vector<16xi32> to vector<1x1x16xi32>
        tpu.vector_store %arg5[%swap3A_670, %swap3A_671, %swap3A_672], %swap3A_675 {strides = array<i32>} : memref<2x5x64xi32, #tpu.memory_space<vmem>>, vector<1x1x16xi32>,
        %get3A_676 = arith.constant 1 : i32
        %get3A_677 = arith.constant 1 : i32
        %get3A_678 = arith.index_cast %get3A_676 : i32 to index
        %get3A_679 = arith.index_cast %get3A_677 : i32 to index
        %get3A_680 = arith.constant 0 : index
        %get3A_681 = tpu.vector_load %arg5[%get3A_678, %get3A_679, %get3A_680] {strides = array<i32>} : memref<2x5x64xi32, #tpu.memory_space<vmem>>, vector<1x1x16xi32>,
        %get3A_682 = vector.shape_cast %get3A_681 : vector<1x1x16xi32> to vector<16xi32>
        %add3A_683 = arith.addi %get3A_682, %broadcast_in_dim3A_611 : vector<16xi32>
        %swap3A_684 = arith.constant 1 : i32
        %swap3A_685 = arith.constant 1 : i32
        %swap3A_686 = arith.index_cast %swap3A_684 : i32 to index
        %swap3A_687 = arith.index_cast %swap3A_685 : i32 to index
        %swap3A_688 = arith.constant 0 : index
        %swap3A_689 = tpu.vector_load %arg5[%swap3A_686, %swap3A_687, %swap3A_688] {strides = array<i32>} : memref<2x5x64xi32, #tpu.memory_space<vmem>>, vector<1x1x16xi32>,
        %swap3A_690 = vector.shape_cast %swap3A_689 : vector<1x1x16xi32> to vector<16xi32>
        %swap3A_691 = vector.shape_cast %add3A_683 : vector<16xi32> to vector<1x1x16xi32>
        tpu.vector_store %arg5[%swap3A_686, %swap3A_687, %swap3A_688], %swap3A_691 {strides = array<i32>} : memref<2x5x64xi32, #tpu.memory_space<vmem>>, vector<1x1x16xi32>,
        %get3A_692 = arith.constant 1 : i32
        %get3A_693 = arith.constant 1 : i32
        %get3A_694 = arith.index_cast %get3A_692 : i32 to index
        %get3A_695 = arith.index_cast %get3A_693 : i32 to index
        %get3A_696 = arith.constant 16 : index
        %get3A_697 = tpu.vector_load %arg5[%get3A_694, %get3A_695, %get3A_696] {strides = array<i32>} : memref<2x5x64xi32, #tpu.memory_space<vmem>>, vector<1x1x16xi32>,
        %get3A_698 = vector.shape_cast %get3A_697 : vector<1x1x16xi32> to vector<16xi32>
        %add3A_699 = arith.addi %get3A_698, %broadcast_in_dim3A_611 : vector<16xi32>
        %swap3A_700 = arith.constant 1 : i32
        %swap3A_701 = arith.constant 1 : i32
        %swap3A_702 = arith.index_cast %swap3A_700 : i32 to index
        %swap3A_703 = arith.index_cast %swap3A_701 : i32 to index
        %swap3A_704 = arith.constant 16 : index
        %swap3A_705 = tpu.vector_load %arg5[%swap3A_702, %swap3A_703, %swap3A_704] {strides = array<i32>} : memref<2x5x64xi32, #tpu.memory_space<vmem>>, vector<1x1x16xi32>,
        %swap3A_706 = vector.shape_cast %swap3A_705 : vector<1x1x16xi32> to vector<16xi32>
        %swap3A_707 = vector.shape_cast %add3A_699 : vector<16xi32> to vector<1x1x16xi32>
        tpu.vector_store %arg5[%swap3A_702, %swap3A_703, %swap3A_704], %swap3A_707 {strides = array<i32>} : memref<2x5x64xi32, #tpu.memory_space<vmem>>, vector<1x1x16xi32>,
        %get3A_708 = arith.constant 1 : i32
        %get3A_709 = arith.constant 1 : i32
        %get3A_710 = arith.index_cast %get3A_708 : i32 to index
        %get3A_711 = arith.index_cast %get3A_709 : i32 to index
        %get3A_712 = arith.constant 32 : index
        %get3A_713 = tpu.vector_load %arg5[%get3A_710, %get3A_711, %get3A_712] {strides = array<i32>} : memref<2x5x64xi32, #tpu.memory_space<vmem>>, vector<1x1x16xi32>,
        %get3A_714 = vector.shape_cast %get3A_713 : vector<1x1x16xi32> to vector<16xi32>
        %add3A_715 = arith.addi %get3A_714, %broadcast_in_dim3A_611 : vector<16xi32>
        %swap3A_716 = arith.constant 1 : i32
        %swap3A_717 = arith.constant 1 : i32
        %swap3A_718 = arith.index_cast %swap3A_716 : i32 to index
        %swap3A_719 = arith.index_cast %swap3A_717 : i32 to index
        %swap3A_720 = arith.constant 32 : index
        %swap3A_721 = tpu.vector_load %arg5[%swap3A_718, %swap3A_719, %swap3A_720] {strides = array<i32>} : memref<2x5x64xi32, #tpu.memory_space<vmem>>, vector<1x1x16xi32>,
        %swap3A_722 = vector.shape_cast %swap3A_721 : vector<1x1x16xi32> to vector<16xi32>
        %swap3A_723 = vector.shape_cast %add3A_715 : vector<16xi32> to vector<1x1x16xi32>
        tpu.vector_store %arg5[%swap3A_718, %swap3A_719, %swap3A_720], %swap3A_723 {strides = array<i32>} : memref<2x5x64xi32, #tpu.memory_space<vmem>>, vector<1x1x16xi32>,
        %get3A_724 = arith.constant 1 : i32
        %get3A_725 = arith.constant 1 : i32
        %get3A_726 = arith.index_cast %get3A_724 : i32 to index
        %get3A_727 = arith.index_cast %get3A_725 : i32 to index
        %get3A_728 = arith.constant 48 : index
        %get3A_729 = tpu.vector_load %arg5[%get3A_726, %get3A_727, %get3A_728] {strides = array<i32>} : memref<2x5x64xi32, #tpu.memory_space<vmem>>, vector<1x1x16xi32>,
        %get3A_730 = vector.shape_cast %get3A_729 : vector<1x1x16xi32> to vector<16xi32>
        %add3A_731 = arith.addi %get3A_730, %broadcast_in_dim3A_611 : vector<16xi32>
        %swap3A_732 = arith.constant 1 : i32
        %swap3A_733 = arith.constant 1 : i32
        %swap3A_734 = arith.index_cast %swap3A_732 : i32 to index
        %swap3A_735 = arith.index_cast %swap3A_733 : i32 to index
        %swap3A_736 = arith.constant 48 : index
        %swap3A_737 = tpu.vector_load %arg5[%swap3A_734, %swap3A_735, %swap3A_736] {strides = array<i32>} : memref<2x5x64xi32, #tpu.memory_space<vmem>>, vector<1x1x16xi32>,
        %swap3A_738 = vector.shape_cast %swap3A_737 : vector<1x1x16xi32> to vector<16xi32>
        %swap3A_739 = vector.shape_cast %add3A_731 : vector<16xi32> to vector<1x1x16xi32>
        tpu.vector_store %arg5[%swap3A_734, %swap3A_735, %swap3A_736], %swap3A_739 {strides = array<i32>} : memref<2x5x64xi32, #tpu.memory_space<vmem>>, vector<1x1x16xi32>,
        %get3A_740 = arith.constant 1 : i32
        %get3A_741 = arith.constant 2 : i32
        %get3A_742 = arith.index_cast %get3A_740 : i32 to index
        %get3A_743 = arith.index_cast %get3A_741 : i32 to index
        %get3A_744 = arith.constant 0 : index
        %get3A_745 = tpu.vector_load %arg5[%get3A_742, %get3A_743, %get3A_744] {strides = array<i32>} : memref<2x5x64xi32, #tpu.memory_space<vmem>>, vector<1x1x16xi32>,
        %get3A_746 = vector.shape_cast %get3A_745 : vector<1x1x16xi32> to vector<16xi32>
        %add3A_747 = arith.addi %get3A_746, %broadcast_in_dim3A_611 : vector<16xi32>
        %swap3A_748 = arith.constant 1 : i32
        %swap3A_749 = arith.constant 2 : i32
        %swap3A_750 = arith.index_cast %swap3A_748 : i32 to index
        %swap3A_751 = arith.index_cast %swap3A_749 : i32 to index
        %swap3A_752 = arith.constant 0 : index
        %swap3A_753 = tpu.vector_load %arg5[%swap3A_750, %swap3A_751, %swap3A_752] {strides = array<i32>} : memref<2x5x64xi32, #tpu.memory_space<vmem>>, vector<1x1x16xi32>,
        %swap3A_754 = vector.shape_cast %swap3A_753 : vector<1x1x16xi32> to vector<16xi32>
        %swap3A_755 = vector.shape_cast %add3A_747 : vector<16xi32> to vector<1x1x16xi32>
        tpu.vector_store %arg5[%swap3A_750, %swap3A_751, %swap3A_752], %swap3A_755 {strides = array<i32>} : memref<2x5x64xi32, #tpu.memory_space<vmem>>, vector<1x1x16xi32>,
        %get3A_756 = arith.constant 1 : i32
        %get3A_757 = arith.constant 2 : i32
        %get3A_758 = arith.index_cast %get3A_756 : i32 to index
        %get3A_759 = arith.index_cast %get3A_757 : i32 to index
        %get3A_760 = arith.constant 16 : index
        %get3A_761 = tpu.vector_load %arg5[%get3A_758, %get3A_759, %get3A_760] {strides = array<i32>} : memref<2x5x64xi32, #tpu.memory_space<vmem>>, vector<1x1x16xi32>,
        %get3A_762 = vector.shape_cast %get3A_761 : vector<1x1x16xi32> to vector<16xi32>
        %add3A_763 = arith.addi %get3A_762, %broadcast_in_dim3A_611 : vector<16xi32>
        %swap3A_764 = arith.constant 1 : i32
        %swap3A_765 = arith.constant 2 : i32
        %swap3A_766 = arith.index_cast %swap3A_764 : i32 to index
        %swap3A_767 = arith.index_cast %swap3A_765 : i32 to index
        %swap3A_768 = arith.constant 16 : index
        %swap3A_769 = tpu.vector_load %arg5[%swap3A_766, %swap3A_767, %swap3A_768] {strides = array<i32>} : memref<2x5x64xi32, #tpu.memory_space<vmem>>, vector<1x1x16xi32>,
        %swap3A_770 = vector.shape_cast %swap3A_769 : vector<1x1x16xi32> to vector<16xi32>
        %swap3A_771 = vector.shape_cast %add3A_763 : vector<16xi32> to vector<1x1x16xi32>
        tpu.vector_store %arg5[%swap3A_766, %swap3A_767, %swap3A_768], %swap3A_771 {strides = array<i32>} : memref<2x5x64xi32, #tpu.memory_space<vmem>>, vector<1x1x16xi32>,
        %get3A_772 = arith.constant 1 : i32
        %get3A_773 = arith.constant 2 : i32
        %get3A_774 = arith.index_cast %get3A_772 : i32 to index
        %get3A_775 = arith.index_cast %get3A_773 : i32 to index
        %get3A_776 = arith.constant 32 : index
        %get3A_777 = tpu.vector_load %arg5[%get3A_774, %get3A_775, %get3A_776] {strides = array<i32>} : memref<2x5x64xi32, #tpu.memory_space<vmem>>, vector<1x1x16xi32>,
        %get3A_778 = vector.shape_cast %get3A_777 : vector<1x1x16xi32> to vector<16xi32>
        %add3A_779 = arith.addi %get3A_778, %broadcast_in_dim3A_611 : vector<16xi32>
        %swap3A_780 = arith.constant 1 : i32
        %swap3A_781 = arith.constant 2 : i32
        %swap3A_782 = arith.index_cast %swap3A_780 : i32 to index
        %swap3A_783 = arith.index_cast %swap3A_781 : i32 to index
        %swap3A_784 = arith.constant 32 : index
        %swap3A_785 = tpu.vector_load %arg5[%swap3A_782, %swap3A_783, %swap3A_784] {strides = array<i32>} : memref<2x5x64xi32, #tpu.memory_space<vmem>>, vector<1x1x16xi32>,
        %swap3A_786 = vector.shape_cast %swap3A_785 : vector<1x1x16xi32> to vector<16xi32>
        %swap3A_787 = vector.shape_cast %add3A_779 : vector<16xi32> to vector<1x1x16xi32>
        tpu.vector_store %arg5[%swap3A_782, %swap3A_783, %swap3A_784], %swap3A_787 {strides = array<i32>} : memref<2x5x64xi32, #tpu.memory_space<vmem>>, vector<1x1x16xi32>,
        %get3A_788 = arith.constant 1 : i32
        %get3A_789 = arith.constant 2 : i32
        %get3A_790 = arith.index_cast %get3A_788 : i32 to index
        %get3A_791 = arith.index_cast %get3A_789 : i32 to index
        %get3A_792 = arith.constant 48 : index
        %get3A_793 = tpu.vector_load %arg5[%get3A_790, %get3A_791, %get3A_792] {strides = array<i32>} : memref<2x5x64xi32, #tpu.memory_space<vmem>>, vector<1x1x16xi32>,
        %get3A_794 = vector.shape_cast %get3A_793 : vector<1x1x16xi32> to vector<16xi32>
        %add3A_795 = arith.addi %get3A_794, %broadcast_in_dim3A_611 : vector<16xi32>
        %swap3A_796 = arith.constant 1 : i32
        %swap3A_797 = arith.constant 2 : i32
        %swap3A_798 = arith.index_cast %swap3A_796 : i32 to index
        %swap3A_799 = arith.index_cast %swap3A_797 : i32 to index
        %swap3A_800 = arith.constant 48 : index
        %swap3A_801 = tpu.vector_load %arg5[%swap3A_798, %swap3A_799, %swap3A_800] {strides = array<i32>} : memref<2x5x64xi32, #tpu.memory_space<vmem>>, vector<1x1x16xi32>,
        %swap3A_802 = vector.shape_cast %swap3A_801 : vector<1x1x16xi32> to vector<16xi32>
        %swap3A_803 = vector.shape_cast %add3A_795 : vector<16xi32> to vector<1x1x16xi32>
        tpu.vector_store %arg5[%swap3A_798, %swap3A_799, %swap3A_800], %swap3A_803 {strides = array<i32>} : memref<2x5x64xi32, #tpu.memory_space<vmem>>, vector<1x1x16xi32>,
        %get3A_804 = arith.constant 1 : i32
        %get3A_805 = arith.constant 3 : i32
        %get3A_806 = arith.index_cast %get3A_804 : i32 to index
        %get3A_807 = arith.index_cast %get3A_805 : i32 to index
        %get3A_808 = arith.constant 0 : index
        %get3A_809 = tpu.vector_load %arg5[%get3A_806, %get3A_807, %get3A_808] {strides = array<i32>} : memref<2x5x64xi32, #tpu.memory_space<vmem>>, vector<1x1x16xi32>,
        %get3A_810 = vector.shape_cast %get3A_809 : vector<1x1x16xi32> to vector<16xi32>
        %add3A_811 = arith.addi %get3A_810, %broadcast_in_dim3A_611 : vector<16xi32>
        %swap3A_812 = arith.constant 1 : i32
        %swap3A_813 = arith.constant 3 : i32
        %swap3A_814 = arith.index_cast %swap3A_812 : i32 to index
        %swap3A_815 = arith.index_cast %swap3A_813 : i32 to index
        %swap3A_816 = arith.constant 0 : index
        %swap3A_817 = tpu.vector_load %arg5[%swap3A_814, %swap3A_815, %swap3A_816] {strides = array<i32>} : memref<2x5x64xi32, #tpu.memory_space<vmem>>, vector<1x1x16xi32>,
        %swap3A_818 = vector.shape_cast %swap3A_817 : vector<1x1x16xi32> to vector<16xi32>
        %swap3A_819 = vector.shape_cast %add3A_811 : vector<16xi32> to vector<1x1x16xi32>
        tpu.vector_store %arg5[%swap3A_814, %swap3A_815, %swap3A_816], %swap3A_819 {strides = array<i32>} : memref<2x5x64xi32, #tpu.memory_space<vmem>>, vector<1x1x16xi32>,
        %get3A_820 = arith.constant 1 : i32
        %get3A_821 = arith.constant 3 : i32
        %get3A_822 = arith.index_cast %get3A_820 : i32 to index
        %get3A_823 = arith.index_cast %get3A_821 : i32 to index
        %get3A_824 = arith.constant 16 : index
        %get3A_825 = tpu.vector_load %arg5[%get3A_822, %get3A_823, %get3A_824] {strides = array<i32>} : memref<2x5x64xi32, #tpu.memory_space<vmem>>, vector<1x1x16xi32>,
        %get3A_826 = vector.shape_cast %get3A_825 : vector<1x1x16xi32> to vector<16xi32>
        %add3A_827 = arith.addi %get3A_826, %broadcast_in_dim3A_611 : vector<16xi32>
        %swap3A_828 = arith.constant 1 : i32
        %swap3A_829 = arith.constant 3 : i32
        %swap3A_830 = arith.index_cast %swap3A_828 : i32 to index
        %swap3A_831 = arith.index_cast %swap3A_829 : i32 to index
        %swap3A_832 = arith.constant 16 : index
        %swap3A_833 = tpu.vector_load %arg5[%swap3A_830, %swap3A_831, %swap3A_832] {strides = array<i32>} : memref<2x5x64xi32, #tpu.memory_space<vmem>>, vector<1x1x16xi32>,
        %swap3A_834 = vector.shape_cast %swap3A_833 : vector<1x1x16xi32> to vector<16xi32>
        %swap3A_835 = vector.shape_cast %add3A_827 : vector<16xi32> to vector<1x1x16xi32>
        tpu.vector_store %arg5[%swap3A_830, %swap3A_831, %swap3A_832], %swap3A_835 {strides = array<i32>} : memref<2x5x64xi32, #tpu.memory_space<vmem>>, vector<1x1x16xi32>,
        %get3A_836 = arith.constant 1 : i32
        %get3A_837 = arith.constant 3 : i32
        %get3A_838 = arith.index_cast %get3A_836 : i32 to index
        %get3A_839 = arith.index_cast %get3A_837 : i32 to index
        %get3A_840 = arith.constant 32 : index
        %get3A_841 = tpu.vector_load %arg5[%get3A_838, %get3A_839, %get3A_840] {strides = array<i32>} : memref<2x5x64xi32, #tpu.memory_space<vmem>>, vector<1x1x16xi32>,
        %get3A_842 = vector.shape_cast %get3A_841 : vector<1x1x16xi32> to vector<16xi32>
        %add3A_843 = arith.addi %get3A_842, %broadcast_in_dim3A_611 : vector<16xi32>
        %swap3A_844 = arith.constant 1 : i32
        %swap3A_845 = arith.constant 3 : i32
        %swap3A_846 = arith.index_cast %swap3A_844 : i32 to index
        %swap3A_847 = arith.index_cast %swap3A_845 : i32 to index
        %swap3A_848 = arith.constant 32 : index
        %swap3A_849 = tpu.vector_load %arg5[%swap3A_846, %swap3A_847, %swap3A_848] {strides = array<i32>} : memref<2x5x64xi32, #tpu.memory_space<vmem>>, vector<1x1x16xi32>,
        %swap3A_850 = vector.shape_cast %swap3A_849 : vector<1x1x16xi32> to vector<16xi32>
        %swap3A_851 = vector.shape_cast %add3A_843 : vector<16xi32> to vector<1x1x16xi32>
        tpu.vector_store %arg5[%swap3A_846, %swap3A_847, %swap3A_848], %swap3A_851 {strides = array<i32>} : memref<2x5x64xi32, #tpu.memory_space<vmem>>, vector<1x1x16xi32>,
        %get3A_852 = arith.constant 1 : i32
        %get3A_853 = arith.constant 3 : i32
        %get3A_854 = arith.index_cast %get3A_852 : i32 to index
        %get3A_855 = arith.index_cast %get3A_853 : i32 to index
        %get3A_856 = arith.constant 48 : index
        %get3A_857 = tpu.vector_load %arg5[%get3A_854, %get3A_855, %get3A_856] {strides = array<i32>} : memref<2x5x64xi32, #tpu.memory_space<vmem>>, vector<1x1x16xi32>,
        %get3A_858 = vector.shape_cast %get3A_857 : vector<1x1x16xi32> to vector<16xi32>
        %add3A_859 = arith.addi %get3A_858, %broadcast_in_dim3A_611 : vector<16xi32>
        %swap3A_860 = arith.constant 1 : i32
        %swap3A_861 = arith.constant 3 : i32
        %swap3A_862 = arith.index_cast %swap3A_860 : i32 to index
        %swap3A_863 = arith.index_cast %swap3A_861 : i32 to index
        %swap3A_864 = arith.constant 48 : index
        %swap3A_865 = tpu.vector_load %arg5[%swap3A_862, %swap3A_863, %swap3A_864] {strides = array<i32>} : memref<2x5x64xi32, #tpu.memory_space<vmem>>, vector<1x1x16xi32>,
        %swap3A_866 = vector.shape_cast %swap3A_865 : vector<1x1x16xi32> to vector<16xi32>
        %swap3A_867 = vector.shape_cast %add3A_859 : vector<16xi32> to vector<1x1x16xi32>
        tpu.vector_store %arg5[%swap3A_862, %swap3A_863, %swap3A_864], %swap3A_867 {strides = array<i32>} : memref<2x5x64xi32, #tpu.memory_space<vmem>>, vector<1x1x16xi32>,
        %get3A_868 = arith.constant 1 : i32
        %get3A_869 = arith.constant 4 : i32
        %get3A_870 = arith.index_cast %get3A_868 : i32 to index
        %get3A_871 = arith.index_cast %get3A_869 : i32 to index
        %get3A_872 = arith.constant 0 : index
        %get3A_873 = tpu.vector_load %arg5[%get3A_870, %get3A_871, %get3A_872] {strides = array<i32>} : memref<2x5x64xi32, #tpu.memory_space<vmem>>, vector<1x1x16xi32>,
        %get3A_874 = vector.shape_cast %get3A_873 : vector<1x1x16xi32> to vector<16xi32>
        %add3A_875 = arith.addi %get3A_874, %broadcast_in_dim3A_611 : vector<16xi32>
        %swap3A_876 = arith.constant 1 : i32
        %swap3A_877 = arith.constant 4 : i32
        %swap3A_878 = arith.index_cast %swap3A_876 : i32 to index
        %swap3A_879 = arith.index_cast %swap3A_877 : i32 to index
        %swap3A_880 = arith.constant 0 : index
        %swap3A_881 = tpu.vector_load %arg5[%swap3A_878, %swap3A_879, %swap3A_880] {strides = array<i32>} : memref<2x5x64xi32, #tpu.memory_space<vmem>>, vector<1x1x16xi32>,
        %swap3A_882 = vector.shape_cast %swap3A_881 : vector<1x1x16xi32> to vector<16xi32>
        %swap3A_883 = vector.shape_cast %add3A_875 : vector<16xi32> to vector<1x1x16xi32>
        tpu.vector_store %arg5[%swap3A_878, %swap3A_879, %swap3A_880], %swap3A_883 {strides = array<i32>} : memref<2x5x64xi32, #tpu.memory_space<vmem>>, vector<1x1x16xi32>,
        %get3A_884 = arith.constant 1 : i32
        %get3A_885 = arith.constant 4 : i32
        %get3A_886 = arith.index_cast %get3A_884 : i32 to index
        %get3A_887 = arith.index_cast %get3A_885 : i32 to index
        %get3A_888 = arith.constant 16 : index
        %get3A_889 = tpu.vector_load %arg5[%get3A_886, %get3A_887, %get3A_888] {strides = array<i32>} : memref<2x5x64xi32, #tpu.memory_space<vmem>>, vector<1x1x16xi32>,
        %get3A_890 = vector.shape_cast %get3A_889 : vector<1x1x16xi32> to vector<16xi32>
        %add3A_891 = arith.addi %get3A_890, %broadcast_in_dim3A_611 : vector<16xi32>
        %swap3A_892 = arith.constant 1 : i32
        %swap3A_893 = arith.constant 4 : i32
        %swap3A_894 = arith.index_cast %swap3A_892 : i32 to index
        %swap3A_895 = arith.index_cast %swap3A_893 : i32 to index
        %swap3A_896 = arith.constant 16 : index
        %swap3A_897 = tpu.vector_load %arg5[%swap3A_894, %swap3A_895, %swap3A_896] {strides = array<i32>} : memref<2x5x64xi32, #tpu.memory_space<vmem>>, vector<1x1x16xi32>,
        %swap3A_898 = vector.shape_cast %swap3A_897 : vector<1x1x16xi32> to vector<16xi32>
        %swap3A_899 = vector.shape_cast %add3A_891 : vector<16xi32> to vector<1x1x16xi32>
        tpu.vector_store %arg5[%swap3A_894, %swap3A_895, %swap3A_896], %swap3A_899 {strides = array<i32>} : memref<2x5x64xi32, #tpu.memory_space<vmem>>, vector<1x1x16xi32>,
        %get3A_900 = arith.constant 1 : i32
        %get3A_901 = arith.constant 4 : i32
        %get3A_902 = arith.index_cast %get3A_900 : i32 to index
        %get3A_903 = arith.index_cast %get3A_901 : i32 to index
        %get3A_904 = arith.constant 32 : index
        %get3A_905 = tpu.vector_load %arg5[%get3A_902, %get3A_903, %get3A_904] {strides = array<i32>} : memref<2x5x64xi32, #tpu.memory_space<vmem>>, vector<1x1x16xi32>,
        %get3A_906 = vector.shape_cast %get3A_905 : vector<1x1x16xi32> to vector<16xi32>
        %add3A_907 = arith.addi %get3A_906, %broadcast_in_dim3A_611 : vector<16xi32>
        %swap3A_908 = arith.constant 1 : i32
        %swap3A_909 = arith.constant 4 : i32
        %swap3A_910 = arith.index_cast %swap3A_908 : i32 to index
        %swap3A_911 = arith.index_cast %swap3A_909 : i32 to index
        %swap3A_912 = arith.constant 32 : index
        %swap3A_913 = tpu.vector_load %arg5[%swap3A_910, %swap3A_911, %swap3A_912] {strides = array<i32>} : memref<2x5x64xi32, #tpu.memory_space<vmem>>, vector<1x1x16xi32>,
        %swap3A_914 = vector.shape_cast %swap3A_913 : vector<1x1x16xi32> to vector<16xi32>
        %swap3A_915 = vector.shape_cast %add3A_907 : vector<16xi32> to vector<1x1x16xi32>
        tpu.vector_store %arg5[%swap3A_910, %swap3A_911, %swap3A_912], %swap3A_915 {strides = array<i32>} : memref<2x5x64xi32, #tpu.memory_space<vmem>>, vector<1x1x16xi32>,
        %get3A_916 = arith.constant 1 : i32
        %get3A_917 = arith.constant 4 : i32
        %get3A_918 = arith.index_cast %get3A_916 : i32 to index
        %get3A_919 = arith.index_cast %get3A_917 : i32 to index
        %get3A_920 = arith.constant 48 : index
        %get3A_921 = tpu.vector_load %arg5[%get3A_918, %get3A_919, %get3A_920] {strides = array<i32>} : memref<2x5x64xi32, #tpu.memory_space<vmem>>, vector<1x1x16xi32>,
        %get3A_922 = vector.shape_cast %get3A_921 : vector<1x1x16xi32> to vector<16xi32>
        %add3A_923 = arith.addi %get3A_922, %broadcast_in_dim3A_611 : vector<16xi32>
        %swap3A_924 = arith.constant 1 : i32
        %swap3A_925 = arith.constant 4 : i32
        %swap3A_926 = arith.index_cast %swap3A_924 : i32 to index
        %swap3A_927 = arith.index_cast %swap3A_925 : i32 to index
        %swap3A_928 = arith.constant 48 : index
        %swap3A_929 = tpu.vector_load %arg5[%swap3A_926, %swap3A_927, %swap3A_928] {strides = array<i32>} : memref<2x5x64xi32, #tpu.memory_space<vmem>>, vector<1x1x16xi32>,
        %swap3A_930 = vector.shape_cast %swap3A_929 : vector<1x1x16xi32> to vector<16xi32>
        %swap3A_931 = vector.shape_cast %add3A_923 : vector<16xi32> to vector<1x1x16xi32>
        tpu.vector_store %arg5[%swap3A_926, %swap3A_927, %swap3A_928], %swap3A_931 {strides = array<i32>} : memref<2x5x64xi32, #tpu.memory_space<vmem>>, vector<1x1x16xi32>,
        %dma_start3A_932 = arith.constant 1 : i32
        %dma_start3A_933 = arith.constant 0 : i32
        %dma_start3A_934 = arith.constant 1 : i32
        %dma_start3A_935 = arith.constant 0 : i32
        %dma_start3A_936 = arith.constant 0 : i32
        %dma_start3A_937 = tpu.memref_slice %arg6[%dma_start3A_934, %dma_start3A_935, %dma_start3A_936] : memref<2x320x64xf32, #tpu.memory_space<vmem>> -> memref<1x64x64xf32, #tpu.memory_space<vmem>>
        %dma_start3A_938 = tpu.memref_squeeze %dma_start3A_937 : memref<1x64x64xf32, #tpu.memory_space<vmem>> -> memref<64x64xf32, #tpu.memory_space<vmem>>
        %dma_start3A_939 = arith.constant 0 : i32
        %dma_start3A_940 = tpu.memref_slice %arg5[%dma_start3A_932, %dma_start3A_933, %dma_start3A_939] : memref<2x5x64xi32, #tpu.memory_space<vmem>> -> memref<1x1x64xi32, #tpu.memory_space<vmem>>
        %dma_start3A_941 = tpu.memref_squeeze %dma_start3A_940 : memref<1x1x64xi32, #tpu.memory_space<vmem>> -> memref<64xi32, #tpu.memory_space<vmem>>
        %dma_start3A_942 = arith.constant 0 : i32
        %dma_start3A_943 = arith.constant 0 : i32
        %dma_start3A_944 = tpu.memref_slice %arg2[%dma_start3A_942, %dma_start3A_943] : memref<2600000x64xf32, #tpu.memory_space<hbm>> -> memref<2600000x64xf32, #tpu.memory_space<hbm>>
        tpu.enqueue_indirect_dma source(%dma_start3A_944 : memref<2600000x64xf32, #tpu.memory_space<hbm>>) target(%dma_start3A_938 : memref<64x64xf32, #tpu.memory_space<vmem>>) offsets(%dma_start3A_941 : memref<64xi32, #tpu.memory_space<vmem>>) semaphore(%arg11 : memref<!tpu.dma_semaphore, #tpu.memory_space<semaphore_mem>>)
        %dma_start3A_945 = arith.constant 1 : i32
        %dma_start3A_946 = arith.constant 1 : i32
        %dma_start3A_947 = arith.constant 1 : i32
        %dma_start3A_948 = arith.constant 64 : i32
        %dma_start3A_949 = arith.constant 0 : i32
        %dma_start3A_950 = tpu.memref_slice %arg6[%dma_start3A_947, %dma_start3A_948, %dma_start3A_949] : memref<2x320x64xf32, #tpu.memory_space<vmem>> -> memref<1x64x64xf32, #tpu.memory_space<vmem>>
        %dma_start3A_951 = tpu.memref_squeeze %dma_start3A_950 : memref<1x64x64xf32, #tpu.memory_space<vmem>> -> memref<64x64xf32, #tpu.memory_space<vmem>>
        %dma_start3A_952 = arith.constant 0 : i32
        %dma_start3A_953 = tpu.memref_slice %arg5[%dma_start3A_945, %dma_start3A_946, %dma_start3A_952] : memref<2x5x64xi32, #tpu.memory_space<vmem>> -> memref<1x1x64xi32, #tpu.memory_space<vmem>>
        %dma_start3A_954 = tpu.memref_squeeze %dma_start3A_953 : memref<1x1x64xi32, #tpu.memory_space<vmem>> -> memref<64xi32, #tpu.memory_space<vmem>>
        %dma_start3A_955 = arith.constant 0 : i32
        %dma_start3A_956 = arith.constant 0 : i32
        %dma_start3A_957 = tpu.memref_slice %arg2[%dma_start3A_955, %dma_start3A_956] : memref<2600000x64xf32, #tpu.memory_space<hbm>> -> memref<2600000x64xf32, #tpu.memory_space<hbm>>
        tpu.enqueue_indirect_dma source(%dma_start3A_957 : memref<2600000x64xf32, #tpu.memory_space<hbm>>) target(%dma_start3A_951 : memref<64x64xf32, #tpu.memory_space<vmem>>) offsets(%dma_start3A_954 : memref<64xi32, #tpu.memory_space<vmem>>) semaphore(%arg11 : memref<!tpu.dma_semaphore, #tpu.memory_space<semaphore_mem>>)
        %dma_start3A_958 = arith.constant 1 : i32
        %dma_start3A_959 = arith.constant 2 : i32
        %dma_start3A_960 = arith.constant 1 : i32
        %dma_start3A_961 = arith.constant 128 : i32
        %dma_start3A_962 = arith.constant 0 : i32
        %dma_start3A_963 = tpu.memref_slice %arg6[%dma_start3A_960, %dma_start3A_961, %dma_start3A_962] : memref<2x320x64xf32, #tpu.memory_space<vmem>> -> memref<1x64x64xf32, #tpu.memory_space<vmem>>
        %dma_start3A_964 = tpu.memref_squeeze %dma_start3A_963 : memref<1x64x64xf32, #tpu.memory_space<vmem>> -> memref<64x64xf32, #tpu.memory_space<vmem>>
        %dma_start3A_965 = arith.constant 0 : i32
        %dma_start3A_966 = tpu.memref_slice %arg5[%dma_start3A_958, %dma_start3A_959, %dma_start3A_965] : memref<2x5x64xi32, #tpu.memory_space<vmem>> -> memref<1x1x64xi32, #tpu.memory_space<vmem>>
        %dma_start3A_967 = tpu.memref_squeeze %dma_start3A_966 : memref<1x1x64xi32, #tpu.memory_space<vmem>> -> memref<64xi32, #tpu.memory_space<vmem>>
        %dma_start3A_968 = arith.constant 0 : i32
        %dma_start3A_969 = arith.constant 0 : i32
        %dma_start3A_970 = tpu.memref_slice %arg2[%dma_start3A_968, %dma_start3A_969] : memref<2600000x64xf32, #tpu.memory_space<hbm>> -> memref<2600000x64xf32, #tpu.memory_space<hbm>>
        tpu.enqueue_indirect_dma source(%dma_start3A_970 : memref<2600000x64xf32, #tpu.memory_space<hbm>>) target(%dma_start3A_964 : memref<64x64xf32, #tpu.memory_space<vmem>>) offsets(%dma_start3A_967 : memref<64xi32, #tpu.memory_space<vmem>>) semaphore(%arg11 : memref<!tpu.dma_semaphore, #tpu.memory_space<semaphore_mem>>)
        %dma_start3A_971 = arith.constant 1 : i32
        %dma_start3A_972 = arith.constant 3 : i32
        %dma_start3A_973 = arith.constant 1 : i32
        %dma_start3A_974 = arith.constant 192 : i32
        %dma_start3A_975 = arith.constant 0 : i32
        %dma_start3A_976 = tpu.memref_slice %arg6[%dma_start3A_973, %dma_start3A_974, %dma_start3A_975] : memref<2x320x64xf32, #tpu.memory_space<vmem>> -> memref<1x64x64xf32, #tpu.memory_space<vmem>>
        %dma_start3A_977 = tpu.memref_squeeze %dma_start3A_976 : memref<1x64x64xf32, #tpu.memory_space<vmem>> -> memref<64x64xf32, #tpu.memory_space<vmem>>
        %dma_start3A_978 = arith.constant 0 : i32
        %dma_start3A_979 = tpu.memref_slice %arg5[%dma_start3A_971, %dma_start3A_972, %dma_start3A_978] : memref<2x5x64xi32, #tpu.memory_space<vmem>> -> memref<1x1x64xi32, #tpu.memory_space<vmem>>
        %dma_start3A_980 = tpu.memref_squeeze %dma_start3A_979 : memref<1x1x64xi32, #tpu.memory_space<vmem>> -> memref<64xi32, #tpu.memory_space<vmem>>
        %dma_start3A_981 = arith.constant 0 : i32
        %dma_start3A_982 = arith.constant 0 : i32
        %dma_start3A_983 = tpu.memref_slice %arg2[%dma_start3A_981, %dma_start3A_982] : memref<2600000x64xf32, #tpu.memory_space<hbm>> -> memref<2600000x64xf32, #tpu.memory_space<hbm>>
        tpu.enqueue_indirect_dma source(%dma_start3A_983 : memref<2600000x64xf32, #tpu.memory_space<hbm>>) target(%dma_start3A_977 : memref<64x64xf32, #tpu.memory_space<vmem>>) offsets(%dma_start3A_980 : memref<64xi32, #tpu.memory_space<vmem>>) semaphore(%arg11 : memref<!tpu.dma_semaphore, #tpu.memory_space<semaphore_mem>>)
        %dma_start3A_984 = arith.constant 1 : i32
        %dma_start3A_985 = arith.constant 4 : i32
        %dma_start3A_986 = arith.constant 1 : i32
        %dma_start3A_987 = arith.constant 256 : i32
        %dma_start3A_988 = arith.constant 0 : i32
        %dma_start3A_989 = tpu.memref_slice %arg6[%dma_start3A_986, %dma_start3A_987, %dma_start3A_988] : memref<2x320x64xf32, #tpu.memory_space<vmem>> -> memref<1x64x64xf32, #tpu.memory_space<vmem>>
        %dma_start3A_990 = tpu.memref_squeeze %dma_start3A_989 : memref<1x64x64xf32, #tpu.memory_space<vmem>> -> memref<64x64xf32, #tpu.memory_space<vmem>>
        %dma_start3A_991 = arith.constant 0 : i32
        %dma_start3A_992 = tpu.memref_slice %arg5[%dma_start3A_984, %dma_start3A_985, %dma_start3A_991] : memref<2x5x64xi32, #tpu.memory_space<vmem>> -> memref<1x1x64xi32, #tpu.memory_space<vmem>>
        %dma_start3A_993 = tpu.memref_squeeze %dma_start3A_992 : memref<1x1x64xi32, #tpu.memory_space<vmem>> -> memref<64xi32, #tpu.memory_space<vmem>>
        %dma_start3A_994 = arith.constant 0 : i32
        %dma_start3A_995 = arith.constant 0 : i32
        %dma_start3A_996 = tpu.memref_slice %arg2[%dma_start3A_994, %dma_start3A_995] : memref<2600000x64xf32, #tpu.memory_space<hbm>> -> memref<2600000x64xf32, #tpu.memory_space<hbm>>
        tpu.enqueue_indirect_dma source(%dma_start3A_996 : memref<2600000x64xf32, #tpu.memory_space<hbm>>) target(%dma_start3A_990 : memref<64x64xf32, #tpu.memory_space<vmem>>) offsets(%dma_start3A_993 : memref<64xi32, #tpu.memory_space<vmem>>) semaphore(%arg11 : memref<!tpu.dma_semaphore, #tpu.memory_space<semaphore_mem>>)
      } else {
      }
      %dma_wait3A_462 = arith.constant 0 : i32
      %dma_wait3A_463 = arith.constant 0 : i32
      %dma_wait3A_464 = arith.constant 0 : i32
      %dma_wait3A_465 = tpu.memref_slice %arg6[%dma_wait3A_462, %dma_wait3A_463, %dma_wait3A_464] : memref<2x320x64xf32, #tpu.memory_space<vmem>> -> memref<1x320x64xf32, #tpu.memory_space<vmem>>
      %dma_wait3A_466 = tpu.memref_squeeze %dma_wait3A_465 : memref<1x320x64xf32, #tpu.memory_space<vmem>> -> memref<320x64xf32, #tpu.memory_space<vmem>>
      %dma_wait3A_467 = arith.constant 0 : i32
      %dma_wait3A_468 = arith.constant 0 : i32
      %dma_wait3A_469 = tpu.memref_slice %arg2[%dma_wait3A_467, %dma_wait3A_468] : memref<2600000x64xf32, #tpu.memory_space<hbm>> -> memref<320x64xf32, #tpu.memory_space<hbm>>
      %dma_wait3A_470 = arith.constant 0 : i32
      %dma_wait3A_471 = arith.constant 0 : i32
      %dma_wait3A_472 = tpu.memref_slice %arg6[%dma_wait3A_462, %dma_wait3A_470, %dma_wait3A_471] : memref<2x320x64xf32, #tpu.memory_space<vmem>> -> memref<1x320x64xf32, #tpu.memory_space<vmem>>
      %dma_wait3A_473 = tpu.memref_squeeze %dma_wait3A_472 : memref<1x320x64xf32, #tpu.memory_space<vmem>> -> memref<320x64xf32, #tpu.memory_space<vmem>>
      %dma_wait3A_474 = arith.constant 0 : i32
      %dma_wait3A_475 = arith.constant 0 : i32
      %dma_wait3A_476 = tpu.memref_slice %arg2[%dma_wait3A_474, %dma_wait3A_475] : memref<2600000x64xf32, #tpu.memory_space<hbm>> -> memref<320x64xf32, #tpu.memory_space<hbm>>
      tpu.wait_dma2 semaphore(%arg10 : memref<!tpu.dma_semaphore, #tpu.memory_space<semaphore_mem>>) src(%dma_wait3A_476 : memref<320x64xf32, #tpu.memory_space<hbm>>) dst(%dma_wait3A_473 : memref<320x64xf32, #tpu.memory_space<vmem>>)
      %add3A_477 = arith.constant 2 : i32
      %add3A_478 = arith.addi %add3A_457, %add3A_477 : i32
      %lt3A_479 = arith.constant 208 : i32
      %lt3A_480 = arith.cmpi slt, %add3A_478, %lt3A_479 : i32
      %convert_element_type3A_481 = arith.extui %lt3A_480 : i1 to i32
      %cond3A_482 = arith.constant 0 : i32
      %cond3A_483 = arith.cmpi ne, %convert_element_type3A_481, %cond3A_482 : i32
      scf.if %cond3A_483 {
        %add3A_585 = arith.constant 2 : i32
        %add3A_586 = arith.addi %add3A_457, %add3A_585 : i32
        %jit3A_587 = arith.constant 26 : i32
        %div3A_588 = arith.divsi %add3A_586, %jit3A_587 : i32
        %sign3A_589 = arith.constant 0 : i32
        %sign3A_590 = arith.cmpi sgt, %add3A_586, %sign3A_589 : i32
        %sign3A_591 = arith.extui %sign3A_590 : i1 to i32
        %sign3A_592 = arith.constant 0 : i32
        %sign3A_593 = arith.cmpi slt, %add3A_586, %sign3A_592 : i32
        %sign3A_594 = arith.extui %sign3A_593 : i1 to i32
        %sign3A_595 = arith.subi %sign3A_591, %sign3A_594 : i32
        %sign3A_596 = arith.constant 0 : i32
        %sign3A_597 = arith.cmpi sgt, %jit3A_587, %sign3A_596 : i32
        %sign3A_598 = arith.extui %sign3A_597 : i1 to i32
        %sign3A_599 = arith.constant 0 : i32
        %sign3A_600 = arith.cmpi slt, %jit3A_587, %sign3A_599 : i32
        %sign3A_601 = arith.extui %sign3A_600 : i1 to i32
        %sign3A_602 = arith.subi %sign3A_598, %sign3A_601 : i32
        %ne3A_603 = arith.cmpi ne, %sign3A_595, %sign3A_602 : i32
        %rem3A_604 = arith.remsi %add3A_586, %jit3A_587 : i32
        %ne3A_605 = arith.constant 0 : i32
        %ne3A_606 = arith.cmpi ne, %rem3A_604, %ne3A_605 : i32
        %and3A_607 = arith.andi %ne3A_603, %ne3A_606 : i1
        %sub3A_608 = arith.constant 1 : i32
        %sub3A_609 = arith.subi %div3A_588, %sub3A_608 : i32
        %select_n3A_610 = arith.select %and3A_607, %sub3A_609, %div3A_588 : i32
        %rem3A_611 = arith.constant 26 : i32
        %rem3A_612 = arith.remsi %add3A_586, %rem3A_611 : i32
        %dma_start3A_613 = arith.constant 0 : i32
        %dma_start3A_614 = arith.constant 0 : i32
        %dma_start3A_615 = arith.constant 0 : i32
        %dma_start3A_616 = tpu.memref_slice %arg5[%dma_start3A_613, %dma_start3A_614, %dma_start3A_615] : memref<2x5x64xi32, #tpu.memory_space<vmem>> -> memref<1x5x64xi32, #tpu.memory_space<vmem>>
        %dma_start3A_617 = tpu.memref_squeeze %dma_start3A_616 : memref<1x5x64xi32, #tpu.memory_space<vmem>> -> memref<5x64xi32, #tpu.memory_space<vmem>>
        %dma_start3A_618 = arith.constant 0 : i32
        %dma_start3A_619 = arith.constant 0 : i32
        %dma_start3A_620 = tpu.memref_slice %arg3[%rem3A_612, %add3A, %select_n3A_610, %dma_start3A_618, %dma_start3A_619] : memref<26x32x8x5x64xi32, #tpu.memory_space<hbm>> -> memref<1x1x1x5x64xi32, #tpu.memory_space<hbm>>
        %dma_start3A_621 = tpu.memref_squeeze %dma_start3A_620 : memref<1x1x1x5x64xi32, #tpu.memory_space<hbm>> -> memref<5x64xi32, #tpu.memory_space<hbm>>
        %dma_start3A_622 = arith.constant 0 : i32
        %dma_start3A_623 = arith.constant 0 : i32
        %dma_start3A_624 = tpu.memref_slice %arg5[%dma_start3A_613, %dma_start3A_622, %dma_start3A_623] : memref<2x5x64xi32, #tpu.memory_space<vmem>> -> memref<1x5x64xi32, #tpu.memory_space<vmem>>
        %dma_start3A_625 = tpu.memref_squeeze %dma_start3A_624 : memref<1x5x64xi32, #tpu.memory_space<vmem>> -> memref<5x64xi32, #tpu.memory_space<vmem>>
        %dma_start3A_626 = arith.constant 0 : i32
        %dma_start3A_627 = arith.constant 0 : i32
        %dma_start3A_628 = tpu.memref_slice %arg3[%rem3A_612, %add3A, %select_n3A_610, %dma_start3A_626, %dma_start3A_627] : memref<26x32x8x5x64xi32, #tpu.memory_space<hbm>> -> memref<1x1x1x5x64xi32, #tpu.memory_space<hbm>>
        %dma_start3A_629 = tpu.memref_squeeze %dma_start3A_628 : memref<1x1x1x5x64xi32, #tpu.memory_space<hbm>> -> memref<5x64xi32, #tpu.memory_space<hbm>>
        tpu.enqueue_dma source(%dma_start3A_629 : memref<5x64xi32, #tpu.memory_space<hbm>>) target(%dma_start3A_625 : memref<5x64xi32, #tpu.memory_space<vmem>>) target_semaphore(%arg8 : memref<!tpu.dma_semaphore, #tpu.memory_space<semaphore_mem>>)
      } else {
      }
      %jit3A = arith.constant 26 : i32
      %div3A = arith.divsi %add3A_457, %jit3A : i32
      %sign3A = arith.constant 0 : i32
      %sign3A_484 = arith.cmpi sgt, %add3A_457, %sign3A : i32
      %sign3A_485 = arith.extui %sign3A_484 : i1 to i32
      %sign3A_486 = arith.constant 0 : i32
      %sign3A_487 = arith.cmpi slt, %add3A_457, %sign3A_486 : i32
      %sign3A_488 = arith.extui %sign3A_487 : i1 to i32
      %sign3A_489 = arith.subi %sign3A_485, %sign3A_488 : i32
      %sign3A_490 = arith.constant 0 : i32
      %sign3A_491 = arith.cmpi sgt, %jit3A, %sign3A_490 : i32
      %sign3A_492 = arith.extui %sign3A_491 : i1 to i32
      %sign3A_493 = arith.constant 0 : i32
      %sign3A_494 = arith.cmpi slt, %jit3A, %sign3A_493 : i32
      %sign3A_495 = arith.extui %sign3A_494 : i1 to i32
      %sign3A_496 = arith.subi %sign3A_492, %sign3A_495 : i32
      %ne3A = arith.cmpi ne, %sign3A_489, %sign3A_496 : i32
      %rem3A_497 = arith.remsi %add3A_457, %jit3A : i32
      %ne3A_498 = arith.constant 0 : i32
      %ne3A_499 = arith.cmpi ne, %rem3A_497, %ne3A_498 : i32
      %and3A = arith.andi %ne3A, %ne3A_499 : i1
      %sub3A = arith.constant 1 : i32
      %sub3A_500 = arith.subi %div3A, %sub3A : i32
      %select_n3A = arith.select %and3A, %sub3A_500, %div3A : i32
      %rem3A_501 = arith.constant 26 : i32
      %rem3A_502 = arith.remsi %add3A_457, %rem3A_501 : i32
      %mul3A_503 = arith.constant 64 : i32
      %mul3A_504 = arith.muli %rem3A_502, %mul3A_503 : i32
      %scan3A_505 = arith.constant 0 : i32
      %scan3A_506 = arith.constant 0 : i32
      %scan3A_507 = arith.constant 16 : i32
      %scan3A_508 = arith.addi %scan3A_506, %scan3A_507 : i32
      %scan3A_509 = arith.constant 1 : i32
      scf.for %scan3A_585 = %scan3A_506 to %scan3A_508 step %scan3A_509  : i32 {
        %mul3A_586 = arith.constant 20 : i32
        %mul3A_587 = arith.muli %scan3A_585, %mul3A_586 : i32
        %get3A_588 = arith.constant 0 : i32
        %get3A_589 = arith.index_cast %get3A_588 : i32 to index
        %get3A_590 = arith.index_cast %mul3A_587 : i32 to index
        %get3A_591 = arith.constant 0 : index
        %get3A_592 = tpu.vector_load %arg6[%get3A_589, %get3A_590, %get3A_591] {strides = array<i32>} : memref<2x320x64xf32, #tpu.memory_space<vmem>>, vector<1x1x16xf32>,
        %get3A_593 = vector.shape_cast %get3A_592 : vector<1x1x16xf32> to vector<16xf32>
        %add3A_594 = arith.constant 1 : i32
        %add3A_595 = arith.addi %mul3A_587, %add3A_594 : i32
        %get3A_596 = arith.constant 0 : i32
        %get3A_597 = arith.index_cast %get3A_596 : i32 to index
        %get3A_598 = arith.index_cast %add3A_595 : i32 to index
        %get3A_599 = arith.constant 0 : index
        %get3A_600 = tpu.vector_load %arg6[%get3A_597, %get3A_598, %get3A_599] {strides = array<i32>} : memref<2x320x64xf32, #tpu.memory_space<vmem>>, vector<1x1x16xf32>,
        %get3A_601 = vector.shape_cast %get3A_600 : vector<1x1x16xf32> to vector<16xf32>
        %add3A_602 = arith.addf %get3A_593, %get3A_601 : vector<16xf32>
        %add3A_603 = arith.constant 2 : i32
        %add3A_604 = arith.addi %mul3A_587, %add3A_603 : i32
        %get3A_605 = arith.constant 0 : i32
        %get3A_606 = arith.index_cast %get3A_605 : i32 to index
        %get3A_607 = arith.index_cast %add3A_604 : i32 to index
        %get3A_608 = arith.constant 0 : index
        %get3A_609 = tpu.vector_load %arg6[%get3A_606, %get3A_607, %get3A_608] {strides = array<i32>} : memref<2x320x64xf32, #tpu.memory_space<vmem>>, vector<1x1x16xf32>,
        %get3A_610 = vector.shape_cast %get3A_609 : vector<1x1x16xf32> to vector<16xf32>
        %add3A_611 = arith.addf %add3A_602, %get3A_610 : vector<16xf32>
        %add3A_612 = arith.constant 3 : i32
        %add3A_613 = arith.addi %mul3A_587, %add3A_612 : i32
        %get3A_614 = arith.constant 0 : i32
        %get3A_615 = arith.index_cast %get3A_614 : i32 to index
        %get3A_616 = arith.index_cast %add3A_613 : i32 to index
        %get3A_617 = arith.constant 0 : index
        %get3A_618 = tpu.vector_load %arg6[%get3A_615, %get3A_616, %get3A_617] {strides = array<i32>} : memref<2x320x64xf32, #tpu.memory_space<vmem>>, vector<1x1x16xf32>,
        %get3A_619 = vector.shape_cast %get3A_618 : vector<1x1x16xf32> to vector<16xf32>
        %add3A_620 = arith.addf %add3A_611, %get3A_619 : vector<16xf32>
        %add3A_621 = arith.constant 4 : i32
        %add3A_622 = arith.addi %mul3A_587, %add3A_621 : i32
        %get3A_623 = arith.constant 0 : i32
        %get3A_624 = arith.index_cast %get3A_623 : i32 to index
        %get3A_625 = arith.index_cast %add3A_622 : i32 to index
        %get3A_626 = arith.constant 0 : index
        %get3A_627 = tpu.vector_load %arg6[%get3A_624, %get3A_625, %get3A_626] {strides = array<i32>} : memref<2x320x64xf32, #tpu.memory_space<vmem>>, vector<1x1x16xf32>,
        %get3A_628 = vector.shape_cast %get3A_627 : vector<1x1x16xf32> to vector<16xf32>
        %add3A_629 = arith.addf %add3A_620, %get3A_628 : vector<16xf32>
        %add3A_630 = arith.constant 5 : i32
        %add3A_631 = arith.addi %mul3A_587, %add3A_630 : i32
        %get3A_632 = arith.constant 0 : i32
        %get3A_633 = arith.index_cast %get3A_632 : i32 to index
        %get3A_634 = arith.index_cast %add3A_631 : i32 to index
        %get3A_635 = arith.constant 0 : index
        %get3A_636 = tpu.vector_load %arg6[%get3A_633, %get3A_634, %get3A_635] {strides = array<i32>} : memref<2x320x64xf32, #tpu.memory_space<vmem>>, vector<1x1x16xf32>,
        %get3A_637 = vector.shape_cast %get3A_636 : vector<1x1x16xf32> to vector<16xf32>
        %add3A_638 = arith.addf %add3A_629, %get3A_637 : vector<16xf32>
        %add3A_639 = arith.constant 6 : i32
        %add3A_640 = arith.addi %mul3A_587, %add3A_639 : i32
        %get3A_641 = arith.constant 0 : i32
        %get3A_642 = arith.index_cast %get3A_641 : i32 to index
        %get3A_643 = arith.index_cast %add3A_640 : i32 to index
        %get3A_644 = arith.constant 0 : index
        %get3A_645 = tpu.vector_load %arg6[%get3A_642, %get3A_643, %get3A_644] {strides = array<i32>} : memref<2x320x64xf32, #tpu.memory_space<vmem>>, vector<1x1x16xf32>,
        %get3A_646 = vector.shape_cast %get3A_645 : vector<1x1x16xf32> to vector<16xf32>
        %add3A_647 = arith.addf %add3A_638, %get3A_646 : vector<16xf32>
        %add3A_648 = arith.constant 7 : i32
        %add3A_649 = arith.addi %mul3A_587, %add3A_648 : i32
        %get3A_650 = arith.constant 0 : i32
        %get3A_651 = arith.index_cast %get3A_650 : i32 to index
        %get3A_652 = arith.index_cast %add3A_649 : i32 to index
        %get3A_653 = arith.constant 0 : index
        %get3A_654 = tpu.vector_load %arg6[%get3A_651, %get3A_652, %get3A_653] {strides = array<i32>} : memref<2x320x64xf32, #tpu.memory_space<vmem>>, vector<1x1x16xf32>,
        %get3A_655 = vector.shape_cast %get3A_654 : vector<1x1x16xf32> to vector<16xf32>
        %add3A_656 = arith.addf %add3A_647, %get3A_655 : vector<16xf32>
        %add3A_657 = arith.constant 8 : i32
        %add3A_658 = arith.addi %mul3A_587, %add3A_657 : i32
        %get3A_659 = arith.constant 0 : i32
        %get3A_660 = arith.index_cast %get3A_659 : i32 to index
        %get3A_661 = arith.index_cast %add3A_658 : i32 to index
        %get3A_662 = arith.constant 0 : index
        %get3A_663 = tpu.vector_load %arg6[%get3A_660, %get3A_661, %get3A_662] {strides = array<i32>} : memref<2x320x64xf32, #tpu.memory_space<vmem>>, vector<1x1x16xf32>,
        %get3A_664 = vector.shape_cast %get3A_663 : vector<1x1x16xf32> to vector<16xf32>
        %add3A_665 = arith.addf %add3A_656, %get3A_664 : vector<16xf32>
        %add3A_666 = arith.constant 9 : i32
        %add3A_667 = arith.addi %mul3A_587, %add3A_666 : i32
        %get3A_668 = arith.constant 0 : i32
        %get3A_669 = arith.index_cast %get3A_668 : i32 to index
        %get3A_670 = arith.index_cast %add3A_667 : i32 to index
        %get3A_671 = arith.constant 0 : index
        %get3A_672 = tpu.vector_load %arg6[%get3A_669, %get3A_670, %get3A_671] {strides = array<i32>} : memref<2x320x64xf32, #tpu.memory_space<vmem>>, vector<1x1x16xf32>,
        %get3A_673 = vector.shape_cast %get3A_672 : vector<1x1x16xf32> to vector<16xf32>
        %add3A_674 = arith.addf %add3A_665, %get3A_673 : vector<16xf32>
        %add3A_675 = arith.constant 10 : i32
        %add3A_676 = arith.addi %mul3A_587, %add3A_675 : i32
        %get3A_677 = arith.constant 0 : i32
        %get3A_678 = arith.index_cast %get3A_677 : i32 to index
        %get3A_679 = arith.index_cast %add3A_676 : i32 to index
        %get3A_680 = arith.constant 0 : index
        %get3A_681 = tpu.vector_load %arg6[%get3A_678, %get3A_679, %get3A_680] {strides = array<i32>} : memref<2x320x64xf32, #tpu.memory_space<vmem>>, vector<1x1x16xf32>,
        %get3A_682 = vector.shape_cast %get3A_681 : vector<1x1x16xf32> to vector<16xf32>
        %add3A_683 = arith.addf %add3A_674, %get3A_682 : vector<16xf32>
        %add3A_684 = arith.constant 11 : i32
        %add3A_685 = arith.addi %mul3A_587, %add3A_684 : i32
        %get3A_686 = arith.constant 0 : i32
        %get3A_687 = arith.index_cast %get3A_686 : i32 to index
        %get3A_688 = arith.index_cast %add3A_685 : i32 to index
        %get3A_689 = arith.constant 0 : index
        %get3A_690 = tpu.vector_load %arg6[%get3A_687, %get3A_688, %get3A_689] {strides = array<i32>} : memref<2x320x64xf32, #tpu.memory_space<vmem>>, vector<1x1x16xf32>,
        %get3A_691 = vector.shape_cast %get3A_690 : vector<1x1x16xf32> to vector<16xf32>
        %add3A_692 = arith.addf %add3A_683, %get3A_691 : vector<16xf32>
        %add3A_693 = arith.constant 12 : i32
        %add3A_694 = arith.addi %mul3A_587, %add3A_693 : i32
        %get3A_695 = arith.constant 0 : i32
        %get3A_696 = arith.index_cast %get3A_695 : i32 to index
        %get3A_697 = arith.index_cast %add3A_694 : i32 to index
        %get3A_698 = arith.constant 0 : index
        %get3A_699 = tpu.vector_load %arg6[%get3A_696, %get3A_697, %get3A_698] {strides = array<i32>} : memref<2x320x64xf32, #tpu.memory_space<vmem>>, vector<1x1x16xf32>,
        %get3A_700 = vector.shape_cast %get3A_699 : vector<1x1x16xf32> to vector<16xf32>
        %add3A_701 = arith.addf %add3A_692, %get3A_700 : vector<16xf32>
        %add3A_702 = arith.constant 13 : i32
        %add3A_703 = arith.addi %mul3A_587, %add3A_702 : i32
        %get3A_704 = arith.constant 0 : i32
        %get3A_705 = arith.index_cast %get3A_704 : i32 to index
        %get3A_706 = arith.index_cast %add3A_703 : i32 to index
        %get3A_707 = arith.constant 0 : index
        %get3A_708 = tpu.vector_load %arg6[%get3A_705, %get3A_706, %get3A_707] {strides = array<i32>} : memref<2x320x64xf32, #tpu.memory_space<vmem>>, vector<1x1x16xf32>,
        %get3A_709 = vector.shape_cast %get3A_708 : vector<1x1x16xf32> to vector<16xf32>
        %add3A_710 = arith.addf %add3A_701, %get3A_709 : vector<16xf32>
        %add3A_711 = arith.constant 14 : i32
        %add3A_712 = arith.addi %mul3A_587, %add3A_711 : i32
        %get3A_713 = arith.constant 0 : i32
        %get3A_714 = arith.index_cast %get3A_713 : i32 to index
        %get3A_715 = arith.index_cast %add3A_712 : i32 to index
        %get3A_716 = arith.constant 0 : index
        %get3A_717 = tpu.vector_load %arg6[%get3A_714, %get3A_715, %get3A_716] {strides = array<i32>} : memref<2x320x64xf32, #tpu.memory_space<vmem>>, vector<1x1x16xf32>,
        %get3A_718 = vector.shape_cast %get3A_717 : vector<1x1x16xf32> to vector<16xf32>
        %add3A_719 = arith.addf %add3A_710, %get3A_718 : vector<16xf32>
        %add3A_720 = arith.constant 15 : i32
        %add3A_721 = arith.addi %mul3A_587, %add3A_720 : i32
        %get3A_722 = arith.constant 0 : i32
        %get3A_723 = arith.index_cast %get3A_722 : i32 to index
        %get3A_724 = arith.index_cast %add3A_721 : i32 to index
        %get3A_725 = arith.constant 0 : index
        %get3A_726 = tpu.vector_load %arg6[%get3A_723, %get3A_724, %get3A_725] {strides = array<i32>} : memref<2x320x64xf32, #tpu.memory_space<vmem>>, vector<1x1x16xf32>,
        %get3A_727 = vector.shape_cast %get3A_726 : vector<1x1x16xf32> to vector<16xf32>
        %add3A_728 = arith.addf %add3A_719, %get3A_727 : vector<16xf32>
        %add3A_729 = arith.constant 16 : i32
        %add3A_730 = arith.addi %mul3A_587, %add3A_729 : i32
        %get3A_731 = arith.constant 0 : i32
        %get3A_732 = arith.index_cast %get3A_731 : i32 to index
        %get3A_733 = arith.index_cast %add3A_730 : i32 to index
        %get3A_734 = arith.constant 0 : index
        %get3A_735 = tpu.vector_load %arg6[%get3A_732, %get3A_733, %get3A_734] {strides = array<i32>} : memref<2x320x64xf32, #tpu.memory_space<vmem>>, vector<1x1x16xf32>,
        %get3A_736 = vector.shape_cast %get3A_735 : vector<1x1x16xf32> to vector<16xf32>
        %add3A_737 = arith.addf %add3A_728, %get3A_736 : vector<16xf32>
        %add3A_738 = arith.constant 17 : i32
        %add3A_739 = arith.addi %mul3A_587, %add3A_738 : i32
        %get3A_740 = arith.constant 0 : i32
        %get3A_741 = arith.index_cast %get3A_740 : i32 to index
        %get3A_742 = arith.index_cast %add3A_739 : i32 to index
        %get3A_743 = arith.constant 0 : index
        %get3A_744 = tpu.vector_load %arg6[%get3A_741, %get3A_742, %get3A_743] {strides = array<i32>} : memref<2x320x64xf32, #tpu.memory_space<vmem>>, vector<1x1x16xf32>,
        %get3A_745 = vector.shape_cast %get3A_744 : vector<1x1x16xf32> to vector<16xf32>
        %add3A_746 = arith.addf %add3A_737, %get3A_745 : vector<16xf32>
        %add3A_747 = arith.constant 18 : i32
        %add3A_748 = arith.addi %mul3A_587, %add3A_747 : i32
        %get3A_749 = arith.constant 0 : i32
        %get3A_750 = arith.index_cast %get3A_749 : i32 to index
        %get3A_751 = arith.index_cast %add3A_748 : i32 to index
        %get3A_752 = arith.constant 0 : index
        %get3A_753 = tpu.vector_load %arg6[%get3A_750, %get3A_751, %get3A_752] {strides = array<i32>} : memref<2x320x64xf32, #tpu.memory_space<vmem>>, vector<1x1x16xf32>,
        %get3A_754 = vector.shape_cast %get3A_753 : vector<1x1x16xf32> to vector<16xf32>
        %add3A_755 = arith.addf %add3A_746, %get3A_754 : vector<16xf32>
        %add3A_756 = arith.constant 19 : i32
        %add3A_757 = arith.addi %mul3A_587, %add3A_756 : i32
        %get3A_758 = arith.constant 0 : i32
        %get3A_759 = arith.index_cast %get3A_758 : i32 to index
        %get3A_760 = arith.index_cast %add3A_757 : i32 to index
        %get3A_761 = arith.constant 0 : index
        %get3A_762 = tpu.vector_load %arg6[%get3A_759, %get3A_760, %get3A_761] {strides = array<i32>} : memref<2x320x64xf32, #tpu.memory_space<vmem>>, vector<1x1x16xf32>,
        %get3A_763 = vector.shape_cast %get3A_762 : vector<1x1x16xf32> to vector<16xf32>
        %add3A_764 = arith.addf %add3A_755, %get3A_763 : vector<16xf32>
        %add3A_765 = arith.constant 0 : i32
        %add3A_766 = arith.addi %mul3A_504, %add3A_765 : i32
        %swap3A_767 = arith.index_cast %scan3A_585 : i32 to index
        %swap3A_768 = arith.index_cast %add3A_766 : i32 to index
        %swap3A_769 = tpu.vector_load %arg7[%swap3A_767, %swap3A_768] {strides = array<i32>} : memref<16x1664xf32, #tpu.memory_space<vmem>>, vector<1x16xf32>,
        %swap3A_770 = vector.shape_cast %swap3A_769 : vector<1x16xf32> to vector<16xf32>
        %swap3A_771 = vector.shape_cast %add3A_764 : vector<16xf32> to vector<1x16xf32>
        tpu.vector_store %arg7[%swap3A_767, %swap3A_768], %swap3A_771 {strides = array<i32>} : memref<16x1664xf32, #tpu.memory_space<vmem>>, vector<1x16xf32>,
        %get3A_772 = arith.constant 0 : i32
        %get3A_773 = arith.index_cast %get3A_772 : i32 to index
        %get3A_774 = arith.index_cast %mul3A_587 : i32 to index
        %get3A_775 = arith.constant 16 : index
        %get3A_776 = tpu.vector_load %arg6[%get3A_773, %get3A_774, %get3A_775] {strides = array<i32>} : memref<2x320x64xf32, #tpu.memory_space<vmem>>, vector<1x1x16xf32>,
        %get3A_777 = vector.shape_cast %get3A_776 : vector<1x1x16xf32> to vector<16xf32>
        %add3A_778 = arith.constant 1 : i32
        %add3A_779 = arith.addi %mul3A_587, %add3A_778 : i32
        %get3A_780 = arith.constant 0 : i32
        %get3A_781 = arith.index_cast %get3A_780 : i32 to index
        %get3A_782 = arith.index_cast %add3A_779 : i32 to index
        %get3A_783 = arith.constant 16 : index
        %get3A_784 = tpu.vector_load %arg6[%get3A_781, %get3A_782, %get3A_783] {strides = array<i32>} : memref<2x320x64xf32, #tpu.memory_space<vmem>>, vector<1x1x16xf32>,
        %get3A_785 = vector.shape_cast %get3A_784 : vector<1x1x16xf32> to vector<16xf32>
        %add3A_786 = arith.addf %get3A_777, %get3A_785 : vector<16xf32>
        %add3A_787 = arith.constant 2 : i32
        %add3A_788 = arith.addi %mul3A_587, %add3A_787 : i32
        %get3A_789 = arith.constant 0 : i32
        %get3A_790 = arith.index_cast %get3A_789 : i32 to index
        %get3A_791 = arith.index_cast %add3A_788 : i32 to index
        %get3A_792 = arith.constant 16 : index
        %get3A_793 = tpu.vector_load %arg6[%get3A_790, %get3A_791, %get3A_792] {strides = array<i32>} : memref<2x320x64xf32, #tpu.memory_space<vmem>>, vector<1x1x16xf32>,
        %get3A_794 = vector.shape_cast %get3A_793 : vector<1x1x16xf32> to vector<16xf32>
        %add3A_795 = arith.addf %add3A_786, %get3A_794 : vector<16xf32>
        %add3A_796 = arith.constant 3 : i32
        %add3A_797 = arith.addi %mul3A_587, %add3A_796 : i32
        %get3A_798 = arith.constant 0 : i32
        %get3A_799 = arith.index_cast %get3A_798 : i32 to index
        %get3A_800 = arith.index_cast %add3A_797 : i32 to index
        %get3A_801 = arith.constant 16 : index
        %get3A_802 = tpu.vector_load %arg6[%get3A_799, %get3A_800, %get3A_801] {strides = array<i32>} : memref<2x320x64xf32, #tpu.memory_space<vmem>>, vector<1x1x16xf32>,
        %get3A_803 = vector.shape_cast %get3A_802 : vector<1x1x16xf32> to vector<16xf32>
        %add3A_804 = arith.addf %add3A_795, %get3A_803 : vector<16xf32>
        %add3A_805 = arith.constant 4 : i32
        %add3A_806 = arith.addi %mul3A_587, %add3A_805 : i32
        %get3A_807 = arith.constant 0 : i32
        %get3A_808 = arith.index_cast %get3A_807 : i32 to index
        %get3A_809 = arith.index_cast %add3A_806 : i32 to index
        %get3A_810 = arith.constant 16 : index
        %get3A_811 = tpu.vector_load %arg6[%get3A_808, %get3A_809, %get3A_810] {strides = array<i32>} : memref<2x320x64xf32, #tpu.memory_space<vmem>>, vector<1x1x16xf32>,
        %get3A_812 = vector.shape_cast %get3A_811 : vector<1x1x16xf32> to vector<16xf32>
        %add3A_813 = arith.addf %add3A_804, %get3A_812 : vector<16xf32>
        %add3A_814 = arith.constant 5 : i32
        %add3A_815 = arith.addi %mul3A_587, %add3A_814 : i32
        %get3A_816 = arith.constant 0 : i32
        %get3A_817 = arith.index_cast %get3A_816 : i32 to index
        %get3A_818 = arith.index_cast %add3A_815 : i32 to index
        %get3A_819 = arith.constant 16 : index
        %get3A_820 = tpu.vector_load %arg6[%get3A_817, %get3A_818, %get3A_819] {strides = array<i32>} : memref<2x320x64xf32, #tpu.memory_space<vmem>>, vector<1x1x16xf32>,
        %get3A_821 = vector.shape_cast %get3A_820 : vector<1x1x16xf32> to vector<16xf32>
        %add3A_822 = arith.addf %add3A_813, %get3A_821 : vector<16xf32>
        %add3A_823 = arith.constant 6 : i32
        %add3A_824 = arith.addi %mul3A_587, %add3A_823 : i32
        %get3A_825 = arith.constant 0 : i32
        %get3A_826 = arith.index_cast %get3A_825 : i32 to index
        %get3A_827 = arith.index_cast %add3A_824 : i32 to index
        %get3A_828 = arith.constant 16 : index
        %get3A_829 = tpu.vector_load %arg6[%get3A_826, %get3A_827, %get3A_828] {strides = array<i32>} : memref<2x320x64xf32, #tpu.memory_space<vmem>>, vector<1x1x16xf32>,
        %get3A_830 = vector.shape_cast %get3A_829 : vector<1x1x16xf32> to vector<16xf32>
        %add3A_831 = arith.addf %add3A_822, %get3A_830 : vector<16xf32>
        %add3A_832 = arith.constant 7 : i32
        %add3A_833 = arith.addi %mul3A_587, %add3A_832 : i32
        %get3A_834 = arith.constant 0 : i32
        %get3A_835 = arith.index_cast %get3A_834 : i32 to index
        %get3A_836 = arith.index_cast %add3A_833 : i32 to index
        %get3A_837 = arith.constant 16 : index
        %get3A_838 = tpu.vector_load %arg6[%get3A_835, %get3A_836, %get3A_837] {strides = array<i32>} : memref<2x320x64xf32, #tpu.memory_space<vmem>>, vector<1x1x16xf32>,
        %get3A_839 = vector.shape_cast %get3A_838 : vector<1x1x16xf32> to vector<16xf32>
        %add3A_840 = arith.addf %add3A_831, %get3A_839 : vector<16xf32>
        %add3A_841 = arith.constant 8 : i32
        %add3A_842 = arith.addi %mul3A_587, %add3A_841 : i32
        %get3A_843 = arith.constant 0 : i32
        %get3A_844 = arith.index_cast %get3A_843 : i32 to index
        %get3A_845 = arith.index_cast %add3A_842 : i32 to index
        %get3A_846 = arith.constant 16 : index
        %get3A_847 = tpu.vector_load %arg6[%get3A_844, %get3A_845, %get3A_846] {strides = array<i32>} : memref<2x320x64xf32, #tpu.memory_space<vmem>>, vector<1x1x16xf32>,
        %get3A_848 = vector.shape_cast %get3A_847 : vector<1x1x16xf32> to vector<16xf32>
        %add3A_849 = arith.addf %add3A_840, %get3A_848 : vector<16xf32>
        %add3A_850 = arith.constant 9 : i32
        %add3A_851 = arith.addi %mul3A_587, %add3A_850 : i32
        %get3A_852 = arith.constant 0 : i32
        %get3A_853 = arith.index_cast %get3A_852 : i32 to index
        %get3A_854 = arith.index_cast %add3A_851 : i32 to index
        %get3A_855 = arith.constant 16 : index
        %get3A_856 = tpu.vector_load %arg6[%get3A_853, %get3A_854, %get3A_855] {strides = array<i32>} : memref<2x320x64xf32, #tpu.memory_space<vmem>>, vector<1x1x16xf32>,
        %get3A_857 = vector.shape_cast %get3A_856 : vector<1x1x16xf32> to vector<16xf32>
        %add3A_858 = arith.addf %add3A_849, %get3A_857 : vector<16xf32>
        %add3A_859 = arith.constant 10 : i32
        %add3A_860 = arith.addi %mul3A_587, %add3A_859 : i32
        %get3A_861 = arith.constant 0 : i32
        %get3A_862 = arith.index_cast %get3A_861 : i32 to index
        %get3A_863 = arith.index_cast %add3A_860 : i32 to index
        %get3A_864 = arith.constant 16 : index
        %get3A_865 = tpu.vector_load %arg6[%get3A_862, %get3A_863, %get3A_864] {strides = array<i32>} : memref<2x320x64xf32, #tpu.memory_space<vmem>>, vector<1x1x16xf32>,
        %get3A_866 = vector.shape_cast %get3A_865 : vector<1x1x16xf32> to vector<16xf32>
        %add3A_867 = arith.addf %add3A_858, %get3A_866 : vector<16xf32>
        %add3A_868 = arith.constant 11 : i32
        %add3A_869 = arith.addi %mul3A_587, %add3A_868 : i32
        %get3A_870 = arith.constant 0 : i32
        %get3A_871 = arith.index_cast %get3A_870 : i32 to index
        %get3A_872 = arith.index_cast %add3A_869 : i32 to index
        %get3A_873 = arith.constant 16 : index
        %get3A_874 = tpu.vector_load %arg6[%get3A_871, %get3A_872, %get3A_873] {strides = array<i32>} : memref<2x320x64xf32, #tpu.memory_space<vmem>>, vector<1x1x16xf32>,
        %get3A_875 = vector.shape_cast %get3A_874 : vector<1x1x16xf32> to vector<16xf32>
        %add3A_876 = arith.addf %add3A_867, %get3A_875 : vector<16xf32>
        %add3A_877 = arith.constant 12 : i32
        %add3A_878 = arith.addi %mul3A_587, %add3A_877 : i32
        %get3A_879 = arith.constant 0 : i32
        %get3A_880 = arith.index_cast %get3A_879 : i32 to index
        %get3A_881 = arith.index_cast %add3A_878 : i32 to index
        %get3A_882 = arith.constant 16 : index
        %get3A_883 = tpu.vector_load %arg6[%get3A_880, %get3A_881, %get3A_882] {strides = array<i32>} : memref<2x320x64xf32, #tpu.memory_space<vmem>>, vector<1x1x16xf32>,
        %get3A_884 = vector.shape_cast %get3A_883 : vector<1x1x16xf32> to vector<16xf32>
        %add3A_885 = arith.addf %add3A_876, %get3A_884 : vector<16xf32>
        %add3A_886 = arith.constant 13 : i32
        %add3A_887 = arith.addi %mul3A_587, %add3A_886 : i32
        %get3A_888 = arith.constant 0 : i32
        %get3A_889 = arith.index_cast %get3A_888 : i32 to index
        %get3A_890 = arith.index_cast %add3A_887 : i32 to index
        %get3A_891 = arith.constant 16 : index
        %get3A_892 = tpu.vector_load %arg6[%get3A_889, %get3A_890, %get3A_891] {strides = array<i32>} : memref<2x320x64xf32, #tpu.memory_space<vmem>>, vector<1x1x16xf32>,
        %get3A_893 = vector.shape_cast %get3A_892 : vector<1x1x16xf32> to vector<16xf32>
        %add3A_894 = arith.addf %add3A_885, %get3A_893 : vector<16xf32>
        %add3A_895 = arith.constant 14 : i32
        %add3A_896 = arith.addi %mul3A_587, %add3A_895 : i32
        %get3A_897 = arith.constant 0 : i32
        %get3A_898 = arith.index_cast %get3A_897 : i32 to index
        %get3A_899 = arith.index_cast %add3A_896 : i32 to index
        %get3A_900 = arith.constant 16 : index
        %get3A_901 = tpu.vector_load %arg6[%get3A_898, %get3A_899, %get3A_900] {strides = array<i32>} : memref<2x320x64xf32, #tpu.memory_space<vmem>>, vector<1x1x16xf32>,
        %get3A_902 = vector.shape_cast %get3A_901 : vector<1x1x16xf32> to vector<16xf32>
        %add3A_903 = arith.addf %add3A_894, %get3A_902 : vector<16xf32>
        %add3A_904 = arith.constant 15 : i32
        %add3A_905 = arith.addi %mul3A_587, %add3A_904 : i32
        %get3A_906 = arith.constant 0 : i32
        %get3A_907 = arith.index_cast %get3A_906 : i32 to index
        %get3A_908 = arith.index_cast %add3A_905 : i32 to index
        %get3A_909 = arith.constant 16 : index
        %get3A_910 = tpu.vector_load %arg6[%get3A_907, %get3A_908, %get3A_909] {strides = array<i32>} : memref<2x320x64xf32, #tpu.memory_space<vmem>>, vector<1x1x16xf32>,
        %get3A_911 = vector.shape_cast %get3A_910 : vector<1x1x16xf32> to vector<16xf32>
        %add3A_912 = arith.addf %add3A_903, %get3A_911 : vector<16xf32>
        %add3A_913 = arith.constant 16 : i32
        %add3A_914 = arith.addi %mul3A_587, %add3A_913 : i32
        %get3A_915 = arith.constant 0 : i32
        %get3A_916 = arith.index_cast %get3A_915 : i32 to index
        %get3A_917 = arith.index_cast %add3A_914 : i32 to index
        %get3A_918 = arith.constant 16 : index
        %get3A_919 = tpu.vector_load %arg6[%get3A_916, %get3A_917, %get3A_918] {strides = array<i32>} : memref<2x320x64xf32, #tpu.memory_space<vmem>>, vector<1x1x16xf32>,
        %get3A_920 = vector.shape_cast %get3A_919 : vector<1x1x16xf32> to vector<16xf32>
        %add3A_921 = arith.addf %add3A_912, %get3A_920 : vector<16xf32>
        %add3A_922 = arith.constant 17 : i32
        %add3A_923 = arith.addi %mul3A_587, %add3A_922 : i32
        %get3A_924 = arith.constant 0 : i32
        %get3A_925 = arith.index_cast %get3A_924 : i32 to index
        %get3A_926 = arith.index_cast %add3A_923 : i32 to index
        %get3A_927 = arith.constant 16 : index
        %get3A_928 = tpu.vector_load %arg6[%get3A_925, %get3A_926, %get3A_927] {strides = array<i32>} : memref<2x320x64xf32, #tpu.memory_space<vmem>>, vector<1x1x16xf32>,
        %get3A_929 = vector.shape_cast %get3A_928 : vector<1x1x16xf32> to vector<16xf32>
        %add3A_930 = arith.addf %add3A_921, %get3A_929 : vector<16xf32>
        %add3A_931 = arith.constant 18 : i32
        %add3A_932 = arith.addi %mul3A_587, %add3A_931 : i32
        %get3A_933 = arith.constant 0 : i32
        %get3A_934 = arith.index_cast %get3A_933 : i32 to index
        %get3A_935 = arith.index_cast %add3A_932 : i32 to index
        %get3A_936 = arith.constant 16 : index
        %get3A_937 = tpu.vector_load %arg6[%get3A_934, %get3A_935, %get3A_936] {strides = array<i32>} : memref<2x320x64xf32, #tpu.memory_space<vmem>>, vector<1x1x16xf32>,
        %get3A_938 = vector.shape_cast %get3A_937 : vector<1x1x16xf32> to vector<16xf32>
        %add3A_939 = arith.addf %add3A_930, %get3A_938 : vector<16xf32>
        %add3A_940 = arith.constant 19 : i32
        %add3A_941 = arith.addi %mul3A_587, %add3A_940 : i32
        %get3A_942 = arith.constant 0 : i32
        %get3A_943 = arith.index_cast %get3A_942 : i32 to index
        %get3A_944 = arith.index_cast %add3A_941 : i32 to index
        %get3A_945 = arith.constant 16 : index
        %get3A_946 = tpu.vector_load %arg6[%get3A_943, %get3A_944, %get3A_945] {strides = array<i32>} : memref<2x320x64xf32, #tpu.memory_space<vmem>>, vector<1x1x16xf32>,
        %get3A_947 = vector.shape_cast %get3A_946 : vector<1x1x16xf32> to vector<16xf32>
        %add3A_948 = arith.addf %add3A_939, %get3A_947 : vector<16xf32>
        %add3A_949 = arith.constant 16 : i32
        %add3A_950 = arith.addi %mul3A_504, %add3A_949 : i32
        %swap3A_951 = arith.index_cast %scan3A_585 : i32 to index
        %swap3A_952 = arith.index_cast %add3A_950 : i32 to index
        %swap3A_953 = tpu.vector_load %arg7[%swap3A_951, %swap3A_952] {strides = array<i32>} : memref<16x1664xf32, #tpu.memory_space<vmem>>, vector<1x16xf32>,
        %swap3A_954 = vector.shape_cast %swap3A_953 : vector<1x16xf32> to vector<16xf32>
        %swap3A_955 = vector.shape_cast %add3A_948 : vector<16xf32> to vector<1x16xf32>
        tpu.vector_store %arg7[%swap3A_951, %swap3A_952], %swap3A_955 {strides = array<i32>} : memref<16x1664xf32, #tpu.memory_space<vmem>>, vector<1x16xf32>,
        %get3A_956 = arith.constant 0 : i32
        %get3A_957 = arith.index_cast %get3A_956 : i32 to index
        %get3A_958 = arith.index_cast %mul3A_587 : i32 to index
        %get3A_959 = arith.constant 32 : index
        %get3A_960 = tpu.vector_load %arg6[%get3A_957, %get3A_958, %get3A_959] {strides = array<i32>} : memref<2x320x64xf32, #tpu.memory_space<vmem>>, vector<1x1x16xf32>,
        %get3A_961 = vector.shape_cast %get3A_960 : vector<1x1x16xf32> to vector<16xf32>
        %add3A_962 = arith.constant 1 : i32
        %add3A_963 = arith.addi %mul3A_587, %add3A_962 : i32
        %get3A_964 = arith.constant 0 : i32
        %get3A_965 = arith.index_cast %get3A_964 : i32 to index
        %get3A_966 = arith.index_cast %add3A_963 : i32 to index
        %get3A_967 = arith.constant 32 : index
        %get3A_968 = tpu.vector_load %arg6[%get3A_965, %get3A_966, %get3A_967] {strides = array<i32>} : memref<2x320x64xf32, #tpu.memory_space<vmem>>, vector<1x1x16xf32>,
        %get3A_969 = vector.shape_cast %get3A_968 : vector<1x1x16xf32> to vector<16xf32>
        %add3A_970 = arith.addf %get3A_961, %get3A_969 : vector<16xf32>
        %add3A_971 = arith.constant 2 : i32
        %add3A_972 = arith.addi %mul3A_587, %add3A_971 : i32
        %get3A_973 = arith.constant 0 : i32
        %get3A_974 = arith.index_cast %get3A_973 : i32 to index
        %get3A_975 = arith.index_cast %add3A_972 : i32 to index
        %get3A_976 = arith.constant 32 : index
        %get3A_977 = tpu.vector_load %arg6[%get3A_974, %get3A_975, %get3A_976] {strides = array<i32>} : memref<2x320x64xf32, #tpu.memory_space<vmem>>, vector<1x1x16xf32>,
        %get3A_978 = vector.shape_cast %get3A_977 : vector<1x1x16xf32> to vector<16xf32>
        %add3A_979 = arith.addf %add3A_970, %get3A_978 : vector<16xf32>
        %add3A_980 = arith.constant 3 : i32
        %add3A_981 = arith.addi %mul3A_587, %add3A_980 : i32
        %get3A_982 = arith.constant 0 : i32
        %get3A_983 = arith.index_cast %get3A_982 : i32 to index
        %get3A_984 = arith.index_cast %add3A_981 : i32 to index
        %get3A_985 = arith.constant 32 : index
        %get3A_986 = tpu.vector_load %arg6[%get3A_983, %get3A_984, %get3A_985] {strides = array<i32>} : memref<2x320x64xf32, #tpu.memory_space<vmem>>, vector<1x1x16xf32>,
        %get3A_987 = vector.shape_cast %get3A_986 : vector<1x1x16xf32> to vector<16xf32>
        %add3A_988 = arith.addf %add3A_979, %get3A_987 : vector<16xf32>
        %add3A_989 = arith.constant 4 : i32
        %add3A_990 = arith.addi %mul3A_587, %add3A_989 : i32
        %get3A_991 = arith.constant 0 : i32
        %get3A_992 = arith.index_cast %get3A_991 : i32 to index
        %get3A_993 = arith.index_cast %add3A_990 : i32 to index
        %get3A_994 = arith.constant 32 : index
        %get3A_995 = tpu.vector_load %arg6[%get3A_992, %get3A_993, %get3A_994] {strides = array<i32>} : memref<2x320x64xf32, #tpu.memory_space<vmem>>, vector<1x1x16xf32>,
        %get3A_996 = vector.shape_cast %get3A_995 : vector<1x1x16xf32> to vector<16xf32>
        %add3A_997 = arith.addf %add3A_988, %get3A_996 : vector<16xf32>
        %add3A_998 = arith.constant 5 : i32
        %add3A_999 = arith.addi %mul3A_587, %add3A_998 : i32
        %get3A_1000 = arith.constant 0 : i32
        %get3A_1001 = arith.index_cast %get3A_1000 : i32 to index
        %get3A_1002 = arith.index_cast %add3A_999 : i32 to index
        %get3A_1003 = arith.constant 32 : index
        %get3A_1004 = tpu.vector_load %arg6[%get3A_1001, %get3A_1002, %get3A_1003] {strides = array<i32>} : memref<2x320x64xf32, #tpu.memory_space<vmem>>, vector<1x1x16xf32>,
        %get3A_1005 = vector.shape_cast %get3A_1004 : vector<1x1x16xf32> to vector<16xf32>
        %add3A_1006 = arith.addf %add3A_997, %get3A_1005 : vector<16xf32>
        %add3A_1007 = arith.constant 6 : i32
        %add3A_1008 = arith.addi %mul3A_587, %add3A_1007 : i32
        %get3A_1009 = arith.constant 0 : i32
        %get3A_1010 = arith.index_cast %get3A_1009 : i32 to index
        %get3A_1011 = arith.index_cast %add3A_1008 : i32 to index
        %get3A_1012 = arith.constant 32 : index
        %get3A_1013 = tpu.vector_load %arg6[%get3A_1010, %get3A_1011, %get3A_1012] {strides = array<i32>} : memref<2x320x64xf32, #tpu.memory_space<vmem>>, vector<1x1x16xf32>,
        %get3A_1014 = vector.shape_cast %get3A_1013 : vector<1x1x16xf32> to vector<16xf32>
        %add3A_1015 = arith.addf %add3A_1006, %get3A_1014 : vector<16xf32>
        %add3A_1016 = arith.constant 7 : i32
        %add3A_1017 = arith.addi %mul3A_587, %add3A_1016 : i32
        %get3A_1018 = arith.constant 0 : i32
        %get3A_1019 = arith.index_cast %get3A_1018 : i32 to index
        %get3A_1020 = arith.index_cast %add3A_1017 : i32 to index
        %get3A_1021 = arith.constant 32 : index
        %get3A_1022 = tpu.vector_load %arg6[%get3A_1019, %get3A_1020, %get3A_1021] {strides = array<i32>} : memref<2x320x64xf32, #tpu.memory_space<vmem>>, vector<1x1x16xf32>,
        %get3A_1023 = vector.shape_cast %get3A_1022 : vector<1x1x16xf32> to vector<16xf32>
        %add3A_1024 = arith.addf %add3A_1015, %get3A_1023 : vector<16xf32>
        %add3A_1025 = arith.constant 8 : i32
        %add3A_1026 = arith.addi %mul3A_587, %add3A_1025 : i32
        %get3A_1027 = arith.constant 0 : i32
        %get3A_1028 = arith.index_cast %get3A_1027 : i32 to index
        %get3A_1029 = arith.index_cast %add3A_1026 : i32 to index
        %get3A_1030 = arith.constant 32 : index
        %get3A_1031 = tpu.vector_load %arg6[%get3A_1028, %get3A_1029, %get3A_1030] {strides = array<i32>} : memref<2x320x64xf32, #tpu.memory_space<vmem>>, vector<1x1x16xf32>,
        %get3A_1032 = vector.shape_cast %get3A_1031 : vector<1x1x16xf32> to vector<16xf32>
        %add3A_1033 = arith.addf %add3A_1024, %get3A_1032 : vector<16xf32>
        %add3A_1034 = arith.constant 9 : i32
        %add3A_1035 = arith.addi %mul3A_587, %add3A_1034 : i32
        %get3A_1036 = arith.constant 0 : i32
        %get3A_1037 = arith.index_cast %get3A_1036 : i32 to index
        %get3A_1038 = arith.index_cast %add3A_1035 : i32 to index
        %get3A_1039 = arith.constant 32 : index
        %get3A_1040 = tpu.vector_load %arg6[%get3A_1037, %get3A_1038, %get3A_1039] {strides = array<i32>} : memref<2x320x64xf32, #tpu.memory_space<vmem>>, vector<1x1x16xf32>,
        %get3A_1041 = vector.shape_cast %get3A_1040 : vector<1x1x16xf32> to vector<16xf32>
        %add3A_1042 = arith.addf %add3A_1033, %get3A_1041 : vector<16xf32>
        %add3A_1043 = arith.constant 10 : i32
        %add3A_1044 = arith.addi %mul3A_587, %add3A_1043 : i32
        %get3A_1045 = arith.constant 0 : i32
        %get3A_1046 = arith.index_cast %get3A_1045 : i32 to index
        %get3A_1047 = arith.index_cast %add3A_1044 : i32 to index
        %get3A_1048 = arith.constant 32 : index
        %get3A_1049 = tpu.vector_load %arg6[%get3A_1046, %get3A_1047, %get3A_1048] {strides = array<i32>} : memref<2x320x64xf32, #tpu.memory_space<vmem>>, vector<1x1x16xf32>,
        %get3A_1050 = vector.shape_cast %get3A_1049 : vector<1x1x16xf32> to vector<16xf32>
        %add3A_1051 = arith.addf %add3A_1042, %get3A_1050 : vector<16xf32>
        %add3A_1052 = arith.constant 11 : i32
        %add3A_1053 = arith.addi %mul3A_587, %add3A_1052 : i32
        %get3A_1054 = arith.constant 0 : i32
        %get3A_1055 = arith.index_cast %get3A_1054 : i32 to index
        %get3A_1056 = arith.index_cast %add3A_1053 : i32 to index
        %get3A_1057 = arith.constant 32 : index
        %get3A_1058 = tpu.vector_load %arg6[%get3A_1055, %get3A_1056, %get3A_1057] {strides = array<i32>} : memref<2x320x64xf32, #tpu.memory_space<vmem>>, vector<1x1x16xf32>,
        %get3A_1059 = vector.shape_cast %get3A_1058 : vector<1x1x16xf32> to vector<16xf32>
        %add3A_1060 = arith.addf %add3A_1051, %get3A_1059 : vector<16xf32>
        %add3A_1061 = arith.constant 12 : i32
        %add3A_1062 = arith.addi %mul3A_587, %add3A_1061 : i32
        %get3A_1063 = arith.constant 0 : i32
        %get3A_1064 = arith.index_cast %get3A_1063 : i32 to index
        %get3A_1065 = arith.index_cast %add3A_1062 : i32 to index
        %get3A_1066 = arith.constant 32 : index
        %get3A_1067 = tpu.vector_load %arg6[%get3A_1064, %get3A_1065, %get3A_1066] {strides = array<i32>} : memref<2x320x64xf32, #tpu.memory_space<vmem>>, vector<1x1x16xf32>,
        %get3A_1068 = vector.shape_cast %get3A_1067 : vector<1x1x16xf32> to vector<16xf32>
        %add3A_1069 = arith.addf %add3A_1060, %get3A_1068 : vector<16xf32>
        %add3A_1070 = arith.constant 13 : i32
        %add3A_1071 = arith.addi %mul3A_587, %add3A_1070 : i32
        %get3A_1072 = arith.constant 0 : i32
        %get3A_1073 = arith.index_cast %get3A_1072 : i32 to index
        %get3A_1074 = arith.index_cast %add3A_1071 : i32 to index
        %get3A_1075 = arith.constant 32 : index
        %get3A_1076 = tpu.vector_load %arg6[%get3A_1073, %get3A_1074, %get3A_1075] {strides = array<i32>} : memref<2x320x64xf32, #tpu.memory_space<vmem>>, vector<1x1x16xf32>,
        %get3A_1077 = vector.shape_cast %get3A_1076 : vector<1x1x16xf32> to vector<16xf32>
        %add3A_1078 = arith.addf %add3A_1069, %get3A_1077 : vector<16xf32>
        %add3A_1079 = arith.constant 14 : i32
        %add3A_1080 = arith.addi %mul3A_587, %add3A_1079 : i32
        %get3A_1081 = arith.constant 0 : i32
        %get3A_1082 = arith.index_cast %get3A_1081 : i32 to index
        %get3A_1083 = arith.index_cast %add3A_1080 : i32 to index
        %get3A_1084 = arith.constant 32 : index
        %get3A_1085 = tpu.vector_load %arg6[%get3A_1082, %get3A_1083, %get3A_1084] {strides = array<i32>} : memref<2x320x64xf32, #tpu.memory_space<vmem>>, vector<1x1x16xf32>,
        %get3A_1086 = vector.shape_cast %get3A_1085 : vector<1x1x16xf32> to vector<16xf32>
        %add3A_1087 = arith.addf %add3A_1078, %get3A_1086 : vector<16xf32>
        %add3A_1088 = arith.constant 15 : i32
        %add3A_1089 = arith.addi %mul3A_587, %add3A_1088 : i32
        %get3A_1090 = arith.constant 0 : i32
        %get3A_1091 = arith.index_cast %get3A_1090 : i32 to index
        %get3A_1092 = arith.index_cast %add3A_1089 : i32 to index
        %get3A_1093 = arith.constant 32 : index
        %get3A_1094 = tpu.vector_load %arg6[%get3A_1091, %get3A_1092, %get3A_1093] {strides = array<i32>} : memref<2x320x64xf32, #tpu.memory_space<vmem>>, vector<1x1x16xf32>,
        %get3A_1095 = vector.shape_cast %get3A_1094 : vector<1x1x16xf32> to vector<16xf32>
        %add3A_1096 = arith.addf %add3A_1087, %get3A_1095 : vector<16xf32>
        %add3A_1097 = arith.constant 16 : i32
        %add3A_1098 = arith.addi %mul3A_587, %add3A_1097 : i32
        %get3A_1099 = arith.constant 0 : i32
        %get3A_1100 = arith.index_cast %get3A_1099 : i32 to index
        %get3A_1101 = arith.index_cast %add3A_1098 : i32 to index
        %get3A_1102 = arith.constant 32 : index
        %get3A_1103 = tpu.vector_load %arg6[%get3A_1100, %get3A_1101, %get3A_1102] {strides = array<i32>} : memref<2x320x64xf32, #tpu.memory_space<vmem>>, vector<1x1x16xf32>,
        %get3A_1104 = vector.shape_cast %get3A_1103 : vector<1x1x16xf32> to vector<16xf32>
        %add3A_1105 = arith.addf %add3A_1096, %get3A_1104 : vector<16xf32>
        %add3A_1106 = arith.constant 17 : i32
        %add3A_1107 = arith.addi %mul3A_587, %add3A_1106 : i32
        %get3A_1108 = arith.constant 0 : i32
        %get3A_1109 = arith.index_cast %get3A_1108 : i32 to index
        %get3A_1110 = arith.index_cast %add3A_1107 : i32 to index
        %get3A_1111 = arith.constant 32 : index
        %get3A_1112 = tpu.vector_load %arg6[%get3A_1109, %get3A_1110, %get3A_1111] {strides = array<i32>} : memref<2x320x64xf32, #tpu.memory_space<vmem>>, vector<1x1x16xf32>,
        %get3A_1113 = vector.shape_cast %get3A_1112 : vector<1x1x16xf32> to vector<16xf32>
        %add3A_1114 = arith.addf %add3A_1105, %get3A_1113 : vector<16xf32>
        %add3A_1115 = arith.constant 18 : i32
        %add3A_1116 = arith.addi %mul3A_587, %add3A_1115 : i32
        %get3A_1117 = arith.constant 0 : i32
        %get3A_1118 = arith.index_cast %get3A_1117 : i32 to index
        %get3A_1119 = arith.index_cast %add3A_1116 : i32 to index
        %get3A_1120 = arith.constant 32 : index
        %get3A_1121 = tpu.vector_load %arg6[%get3A_1118, %get3A_1119, %get3A_1120] {strides = array<i32>} : memref<2x320x64xf32, #tpu.memory_space<vmem>>, vector<1x1x16xf32>,
        %get3A_1122 = vector.shape_cast %get3A_1121 : vector<1x1x16xf32> to vector<16xf32>
        %add3A_1123 = arith.addf %add3A_1114, %get3A_1122 : vector<16xf32>
        %add3A_1124 = arith.constant 19 : i32
        %add3A_1125 = arith.addi %mul3A_587, %add3A_1124 : i32
        %get3A_1126 = arith.constant 0 : i32
        %get3A_1127 = arith.index_cast %get3A_1126 : i32 to index
        %get3A_1128 = arith.index_cast %add3A_1125 : i32 to index
        %get3A_1129 = arith.constant 32 : index
        %get3A_1130 = tpu.vector_load %arg6[%get3A_1127, %get3A_1128, %get3A_1129] {strides = array<i32>} : memref<2x320x64xf32, #tpu.memory_space<vmem>>, vector<1x1x16xf32>,
        %get3A_1131 = vector.shape_cast %get3A_1130 : vector<1x1x16xf32> to vector<16xf32>
        %add3A_1132 = arith.addf %add3A_1123, %get3A_1131 : vector<16xf32>
        %add3A_1133 = arith.constant 32 : i32
        %add3A_1134 = arith.addi %mul3A_504, %add3A_1133 : i32
        %swap3A_1135 = arith.index_cast %scan3A_585 : i32 to index
        %swap3A_1136 = arith.index_cast %add3A_1134 : i32 to index
        %swap3A_1137 = tpu.vector_load %arg7[%swap3A_1135, %swap3A_1136] {strides = array<i32>} : memref<16x1664xf32, #tpu.memory_space<vmem>>, vector<1x16xf32>,
        %swap3A_1138 = vector.shape_cast %swap3A_1137 : vector<1x16xf32> to vector<16xf32>
        %swap3A_1139 = vector.shape_cast %add3A_1132 : vector<16xf32> to vector<1x16xf32>
        tpu.vector_store %arg7[%swap3A_1135, %swap3A_1136], %swap3A_1139 {strides = array<i32>} : memref<16x1664xf32, #tpu.memory_space<vmem>>, vector<1x16xf32>,
        %get3A_1140 = arith.constant 0 : i32
        %get3A_1141 = arith.index_cast %get3A_1140 : i32 to index
        %get3A_1142 = arith.index_cast %mul3A_587 : i32 to index
        %get3A_1143 = arith.constant 48 : index
        %get3A_1144 = tpu.vector_load %arg6[%get3A_1141, %get3A_1142, %get3A_1143] {strides = array<i32>} : memref<2x320x64xf32, #tpu.memory_space<vmem>>, vector<1x1x16xf32>,
        %get3A_1145 = vector.shape_cast %get3A_1144 : vector<1x1x16xf32> to vector<16xf32>
        %add3A_1146 = arith.constant 1 : i32
        %add3A_1147 = arith.addi %mul3A_587, %add3A_1146 : i32
        %get3A_1148 = arith.constant 0 : i32
        %get3A_1149 = arith.index_cast %get3A_1148 : i32 to index
        %get3A_1150 = arith.index_cast %add3A_1147 : i32 to index
        %get3A_1151 = arith.constant 48 : index
        %get3A_1152 = tpu.vector_load %arg6[%get3A_1149, %get3A_1150, %get3A_1151] {strides = array<i32>} : memref<2x320x64xf32, #tpu.memory_space<vmem>>, vector<1x1x16xf32>,
        %get3A_1153 = vector.shape_cast %get3A_1152 : vector<1x1x16xf32> to vector<16xf32>
        %add3A_1154 = arith.addf %get3A_1145, %get3A_1153 : vector<16xf32>
        %add3A_1155 = arith.constant 2 : i32
        %add3A_1156 = arith.addi %mul3A_587, %add3A_1155 : i32
        %get3A_1157 = arith.constant 0 : i32
        %get3A_1158 = arith.index_cast %get3A_1157 : i32 to index
        %get3A_1159 = arith.index_cast %add3A_1156 : i32 to index
        %get3A_1160 = arith.constant 48 : index
        %get3A_1161 = tpu.vector_load %arg6[%get3A_1158, %get3A_1159, %get3A_1160] {strides = array<i32>} : memref<2x320x64xf32, #tpu.memory_space<vmem>>, vector<1x1x16xf32>,
        %get3A_1162 = vector.shape_cast %get3A_1161 : vector<1x1x16xf32> to vector<16xf32>
        %add3A_1163 = arith.addf %add3A_1154, %get3A_1162 : vector<16xf32>
        %add3A_1164 = arith.constant 3 : i32
        %add3A_1165 = arith.addi %mul3A_587, %add3A_1164 : i32
        %get3A_1166 = arith.constant 0 : i32
        %get3A_1167 = arith.index_cast %get3A_1166 : i32 to index
        %get3A_1168 = arith.index_cast %add3A_1165 : i32 to index
        %get3A_1169 = arith.constant 48 : index
        %get3A_1170 = tpu.vector_load %arg6[%get3A_1167, %get3A_1168, %get3A_1169] {strides = array<i32>} : memref<2x320x64xf32, #tpu.memory_space<vmem>>, vector<1x1x16xf32>,
        %get3A_1171 = vector.shape_cast %get3A_1170 : vector<1x1x16xf32> to vector<16xf32>
        %add3A_1172 = arith.addf %add3A_1163, %get3A_1171 : vector<16xf32>
        %add3A_1173 = arith.constant 4 : i32
        %add3A_1174 = arith.addi %mul3A_587, %add3A_1173 : i32
        %get3A_1175 = arith.constant 0 : i32
        %get3A_1176 = arith.index_cast %get3A_1175 : i32 to index
        %get3A_1177 = arith.index_cast %add3A_1174 : i32 to index
        %get3A_1178 = arith.constant 48 : index
        %get3A_1179 = tpu.vector_load %arg6[%get3A_1176, %get3A_1177, %get3A_1178] {strides = array<i32>} : memref<2x320x64xf32, #tpu.memory_space<vmem>>, vector<1x1x16xf32>,
        %get3A_1180 = vector.shape_cast %get3A_1179 : vector<1x1x16xf32> to vector<16xf32>
        %add3A_1181 = arith.addf %add3A_1172, %get3A_1180 : vector<16xf32>
        %add3A_1182 = arith.constant 5 : i32
        %add3A_1183 = arith.addi %mul3A_587, %add3A_1182 : i32
        %get3A_1184 = arith.constant 0 : i32
        %get3A_1185 = arith.index_cast %get3A_1184 : i32 to index
        %get3A_1186 = arith.index_cast %add3A_1183 : i32 to index
        %get3A_1187 = arith.constant 48 : index
        %get3A_1188 = tpu.vector_load %arg6[%get3A_1185, %get3A_1186, %get3A_1187] {strides = array<i32>} : memref<2x320x64xf32, #tpu.memory_space<vmem>>, vector<1x1x16xf32>,
        %get3A_1189 = vector.shape_cast %get3A_1188 : vector<1x1x16xf32> to vector<16xf32>
        %add3A_1190 = arith.addf %add3A_1181, %get3A_1189 : vector<16xf32>
        %add3A_1191 = arith.constant 6 : i32
        %add3A_1192 = arith.addi %mul3A_587, %add3A_1191 : i32
        %get3A_1193 = arith.constant 0 : i32
        %get3A_1194 = arith.index_cast %get3A_1193 : i32 to index
        %get3A_1195 = arith.index_cast %add3A_1192 : i32 to index
        %get3A_1196 = arith.constant 48 : index
        %get3A_1197 = tpu.vector_load %arg6[%get3A_1194, %get3A_1195, %get3A_1196] {strides = array<i32>} : memref<2x320x64xf32, #tpu.memory_space<vmem>>, vector<1x1x16xf32>,
        %get3A_1198 = vector.shape_cast %get3A_1197 : vector<1x1x16xf32> to vector<16xf32>
        %add3A_1199 = arith.addf %add3A_1190, %get3A_1198 : vector<16xf32>
        %add3A_1200 = arith.constant 7 : i32
        %add3A_1201 = arith.addi %mul3A_587, %add3A_1200 : i32
        %get3A_1202 = arith.constant 0 : i32
        %get3A_1203 = arith.index_cast %get3A_1202 : i32 to index
        %get3A_1204 = arith.index_cast %add3A_1201 : i32 to index
        %get3A_1205 = arith.constant 48 : index
        %get3A_1206 = tpu.vector_load %arg6[%get3A_1203, %get3A_1204, %get3A_1205] {strides = array<i32>} : memref<2x320x64xf32, #tpu.memory_space<vmem>>, vector<1x1x16xf32>,
        %get3A_1207 = vector.shape_cast %get3A_1206 : vector<1x1x16xf32> to vector<16xf32>
        %add3A_1208 = arith.addf %add3A_1199, %get3A_1207 : vector<16xf32>
        %add3A_1209 = arith.constant 8 : i32
        %add3A_1210 = arith.addi %mul3A_587, %add3A_1209 : i32
        %get3A_1211 = arith.constant 0 : i32
        %get3A_1212 = arith.index_cast %get3A_1211 : i32 to index
        %get3A_1213 = arith.index_cast %add3A_1210 : i32 to index
        %get3A_1214 = arith.constant 48 : index
        %get3A_1215 = tpu.vector_load %arg6[%get3A_1212, %get3A_1213, %get3A_1214] {strides = array<i32>} : memref<2x320x64xf32, #tpu.memory_space<vmem>>, vector<1x1x16xf32>,
        %get3A_1216 = vector.shape_cast %get3A_1215 : vector<1x1x16xf32> to vector<16xf32>
        %add3A_1217 = arith.addf %add3A_1208, %get3A_1216 : vector<16xf32>
        %add3A_1218 = arith.constant 9 : i32
        %add3A_1219 = arith.addi %mul3A_587, %add3A_1218 : i32
        %get3A_1220 = arith.constant 0 : i32
        %get3A_1221 = arith.index_cast %get3A_1220 : i32 to index
        %get3A_1222 = arith.index_cast %add3A_1219 : i32 to index
        %get3A_1223 = arith.constant 48 : index
        %get3A_1224 = tpu.vector_load %arg6[%get3A_1221, %get3A_1222, %get3A_1223] {strides = array<i32>} : memref<2x320x64xf32, #tpu.memory_space<vmem>>, vector<1x1x16xf32>,
        %get3A_1225 = vector.shape_cast %get3A_1224 : vector<1x1x16xf32> to vector<16xf32>
        %add3A_1226 = arith.addf %add3A_1217, %get3A_1225 : vector<16xf32>
        %add3A_1227 = arith.constant 10 : i32
        %add3A_1228 = arith.addi %mul3A_587, %add3A_1227 : i32
        %get3A_1229 = arith.constant 0 : i32
        %get3A_1230 = arith.index_cast %get3A_1229 : i32 to index
        %get3A_1231 = arith.index_cast %add3A_1228 : i32 to index
        %get3A_1232 = arith.constant 48 : index
        %get3A_1233 = tpu.vector_load %arg6[%get3A_1230, %get3A_1231, %get3A_1232] {strides = array<i32>} : memref<2x320x64xf32, #tpu.memory_space<vmem>>, vector<1x1x16xf32>,
        %get3A_1234 = vector.shape_cast %get3A_1233 : vector<1x1x16xf32> to vector<16xf32>
        %add3A_1235 = arith.addf %add3A_1226, %get3A_1234 : vector<16xf32>
        %add3A_1236 = arith.constant 11 : i32
        %add3A_1237 = arith.addi %mul3A_587, %add3A_1236 : i32
        %get3A_1238 = arith.constant 0 : i32
        %get3A_1239 = arith.index_cast %get3A_1238 : i32 to index
        %get3A_1240 = arith.index_cast %add3A_1237 : i32 to index
        %get3A_1241 = arith.constant 48 : index
        %get3A_1242 = tpu.vector_load %arg6[%get3A_1239, %get3A_1240, %get3A_1241] {strides = array<i32>} : memref<2x320x64xf32, #tpu.memory_space<vmem>>, vector<1x1x16xf32>,
        %get3A_1243 = vector.shape_cast %get3A_1242 : vector<1x1x16xf32> to vector<16xf32>
        %add3A_1244 = arith.addf %add3A_1235, %get3A_1243 : vector<16xf32>
        %add3A_1245 = arith.constant 12 : i32
        %add3A_1246 = arith.addi %mul3A_587, %add3A_1245 : i32
        %get3A_1247 = arith.constant 0 : i32
        %get3A_1248 = arith.index_cast %get3A_1247 : i32 to index
        %get3A_1249 = arith.index_cast %add3A_1246 : i32 to index
        %get3A_1250 = arith.constant 48 : index
        %get3A_1251 = tpu.vector_load %arg6[%get3A_1248, %get3A_1249, %get3A_1250] {strides = array<i32>} : memref<2x320x64xf32, #tpu.memory_space<vmem>>, vector<1x1x16xf32>,
        %get3A_1252 = vector.shape_cast %get3A_1251 : vector<1x1x16xf32> to vector<16xf32>
        %add3A_1253 = arith.addf %add3A_1244, %get3A_1252 : vector<16xf32>
        %add3A_1254 = arith.constant 13 : i32
        %add3A_1255 = arith.addi %mul3A_587, %add3A_1254 : i32
        %get3A_1256 = arith.constant 0 : i32
        %get3A_1257 = arith.index_cast %get3A_1256 : i32 to index
        %get3A_1258 = arith.index_cast %add3A_1255 : i32 to index
        %get3A_1259 = arith.constant 48 : index
        %get3A_1260 = tpu.vector_load %arg6[%get3A_1257, %get3A_1258, %get3A_1259] {strides = array<i32>} : memref<2x320x64xf32, #tpu.memory_space<vmem>>, vector<1x1x16xf32>,
        %get3A_1261 = vector.shape_cast %get3A_1260 : vector<1x1x16xf32> to vector<16xf32>
        %add3A_1262 = arith.addf %add3A_1253, %get3A_1261 : vector<16xf32>
        %add3A_1263 = arith.constant 14 : i32
        %add3A_1264 = arith.addi %mul3A_587, %add3A_1263 : i32
        %get3A_1265 = arith.constant 0 : i32
        %get3A_1266 = arith.index_cast %get3A_1265 : i32 to index
        %get3A_1267 = arith.index_cast %add3A_1264 : i32 to index
        %get3A_1268 = arith.constant 48 : index
        %get3A_1269 = tpu.vector_load %arg6[%get3A_1266, %get3A_1267, %get3A_1268] {strides = array<i32>} : memref<2x320x64xf32, #tpu.memory_space<vmem>>, vector<1x1x16xf32>,
        %get3A_1270 = vector.shape_cast %get3A_1269 : vector<1x1x16xf32> to vector<16xf32>
        %add3A_1271 = arith.addf %add3A_1262, %get3A_1270 : vector<16xf32>
        %add3A_1272 = arith.constant 15 : i32
        %add3A_1273 = arith.addi %mul3A_587, %add3A_1272 : i32
        %get3A_1274 = arith.constant 0 : i32
        %get3A_1275 = arith.index_cast %get3A_1274 : i32 to index
        %get3A_1276 = arith.index_cast %add3A_1273 : i32 to index
        %get3A_1277 = arith.constant 48 : index
        %get3A_1278 = tpu.vector_load %arg6[%get3A_1275, %get3A_1276, %get3A_1277] {strides = array<i32>} : memref<2x320x64xf32, #tpu.memory_space<vmem>>, vector<1x1x16xf32>,
        %get3A_1279 = vector.shape_cast %get3A_1278 : vector<1x1x16xf32> to vector<16xf32>
        %add3A_1280 = arith.addf %add3A_1271, %get3A_1279 : vector<16xf32>
        %add3A_1281 = arith.constant 16 : i32
        %add3A_1282 = arith.addi %mul3A_587, %add3A_1281 : i32
        %get3A_1283 = arith.constant 0 : i32
        %get3A_1284 = arith.index_cast %get3A_1283 : i32 to index
        %get3A_1285 = arith.index_cast %add3A_1282 : i32 to index
        %get3A_1286 = arith.constant 48 : index
        %get3A_1287 = tpu.vector_load %arg6[%get3A_1284, %get3A_1285, %get3A_1286] {strides = array<i32>} : memref<2x320x64xf32, #tpu.memory_space<vmem>>, vector<1x1x16xf32>,
        %get3A_1288 = vector.shape_cast %get3A_1287 : vector<1x1x16xf32> to vector<16xf32>
        %add3A_1289 = arith.addf %add3A_1280, %get3A_1288 : vector<16xf32>
        %add3A_1290 = arith.constant 17 : i32
        %add3A_1291 = arith.addi %mul3A_587, %add3A_1290 : i32
        %get3A_1292 = arith.constant 0 : i32
        %get3A_1293 = arith.index_cast %get3A_1292 : i32 to index
        %get3A_1294 = arith.index_cast %add3A_1291 : i32 to index
        %get3A_1295 = arith.constant 48 : index
        %get3A_1296 = tpu.vector_load %arg6[%get3A_1293, %get3A_1294, %get3A_1295] {strides = array<i32>} : memref<2x320x64xf32, #tpu.memory_space<vmem>>, vector<1x1x16xf32>,
        %get3A_1297 = vector.shape_cast %get3A_1296 : vector<1x1x16xf32> to vector<16xf32>
        %add3A_1298 = arith.addf %add3A_1289, %get3A_1297 : vector<16xf32>
        %add3A_1299 = arith.constant 18 : i32
        %add3A_1300 = arith.addi %mul3A_587, %add3A_1299 : i32
        %get3A_1301 = arith.constant 0 : i32
        %get3A_1302 = arith.index_cast %get3A_1301 : i32 to index
        %get3A_1303 = arith.index_cast %add3A_1300 : i32 to index
        %get3A_1304 = arith.constant 48 : index
        %get3A_1305 = tpu.vector_load %arg6[%get3A_1302, %get3A_1303, %get3A_1304] {strides = array<i32>} : memref<2x320x64xf32, #tpu.memory_space<vmem>>, vector<1x1x16xf32>,
        %get3A_1306 = vector.shape_cast %get3A_1305 : vector<1x1x16xf32> to vector<16xf32>
        %add3A_1307 = arith.addf %add3A_1298, %get3A_1306 : vector<16xf32>
        %add3A_1308 = arith.constant 19 : i32
        %add3A_1309 = arith.addi %mul3A_587, %add3A_1308 : i32
        %get3A_1310 = arith.constant 0 : i32
        %get3A_1311 = arith.index_cast %get3A_1310 : i32 to index
        %get3A_1312 = arith.index_cast %add3A_1309 : i32 to index
        %get3A_1313 = arith.constant 48 : index
        %get3A_1314 = tpu.vector_load %arg6[%get3A_1311, %get3A_1312, %get3A_1313] {strides = array<i32>} : memref<2x320x64xf32, #tpu.memory_space<vmem>>, vector<1x1x16xf32>,
        %get3A_1315 = vector.shape_cast %get3A_1314 : vector<1x1x16xf32> to vector<16xf32>
        %add3A_1316 = arith.addf %add3A_1307, %get3A_1315 : vector<16xf32>
        %add3A_1317 = arith.constant 48 : i32
        %add3A_1318 = arith.addi %mul3A_504, %add3A_1317 : i32
        %swap3A_1319 = arith.index_cast %scan3A_585 : i32 to index
        %swap3A_1320 = arith.index_cast %add3A_1318 : i32 to index
        %swap3A_1321 = tpu.vector_load %arg7[%swap3A_1319, %swap3A_1320] {strides = array<i32>} : memref<16x1664xf32, #tpu.memory_space<vmem>>, vector<1x16xf32>,
        %swap3A_1322 = vector.shape_cast %swap3A_1321 : vector<1x16xf32> to vector<16xf32>
        %swap3A_1323 = vector.shape_cast %add3A_1316 : vector<16xf32> to vector<1x16xf32>
        tpu.vector_store %arg7[%swap3A_1319, %swap3A_1320], %swap3A_1323 {strides = array<i32>} : memref<16x1664xf32, #tpu.memory_space<vmem>>, vector<1x16xf32>,
      }
      %scan3A_510 = arith.constant 16 : i32
      %eq3A = arith.constant 25 : i32
      %eq3A_511 = arith.cmpi eq, %rem3A_502, %eq3A : i32
      %convert_element_type3A_512 = arith.extui %eq3A_511 : i1 to i32
      %cond3A_513 = arith.constant 0 : i32
      %cond3A_514 = arith.cmpi ne, %convert_element_type3A_512, %cond3A_513 : i32
      scf.if %cond3A_514 {
        %mul3A_585 = arith.constant 128 : i32
        %mul3A_586 = arith.muli %add3A, %mul3A_585 : i32
        %mul3A_587 = arith.constant 16 : i32
        %mul3A_588 = arith.muli %select_n3A, %mul3A_587 : i32
        %add3A_589 = arith.addi %mul3A_586, %mul3A_588 : i32
        "tpu.region"() ({
          %run_scoped3A = tpu.sem_alloc : memref<!tpu.dma_semaphore, #tpu.memory_space<semaphore_mem>>
          %dma_start3A_590 = arith.constant 0 : i32
          %dma_start3A_591 = tpu.memref_slice %arg4[%add3A_589, %dma_start3A_590] : memref<4096x1664xf32, #tpu.memory_space<hbm>> -> memref<16x1664xf32, #tpu.memory_space<hbm>>
          %dma_start3A_592 = arith.constant 0 : i32
          %dma_start3A_593 = tpu.memref_slice %arg4[%add3A_589, %dma_start3A_592] : memref<4096x1664xf32, #tpu.memory_space<hbm>> -> memref<16x1664xf32, #tpu.memory_space<hbm>>
          tpu.enqueue_dma source(%arg7 : memref<16x1664xf32, #tpu.memory_space<vmem>>) target(%dma_start3A_593 : memref<16x1664xf32, #tpu.memory_space<hbm>>) target_semaphore(%run_scoped3A : memref<!tpu.dma_semaphore, #tpu.memory_space<semaphore_mem>>)
          %dma_wait3A_594 = arith.constant 0 : i32
          %dma_wait3A_595 = tpu.memref_slice %arg4[%add3A_589, %dma_wait3A_594] : memref<4096x1664xf32, #tpu.memory_space<hbm>> -> memref<16x1664xf32, #tpu.memory_space<hbm>>
          %dma_wait3A_596 = arith.constant 0 : i32
          %dma_wait3A_597 = tpu.memref_slice %arg4[%add3A_589, %dma_wait3A_596] : memref<4096x1664xf32, #tpu.memory_space<hbm>> -> memref<16x1664xf32, #tpu.memory_space<hbm>>
          tpu.wait_dma2 semaphore(%run_scoped3A : memref<!tpu.dma_semaphore, #tpu.memory_space<semaphore_mem>>) src(%arg7 : memref<16x1664xf32, #tpu.memory_space<vmem>>) dst(%dma_wait3A_597 : memref<16x1664xf32, #tpu.memory_space<hbm>>)
          tpu.yield
        }) : () -> ()
      } else {
      }
      %add3A_515 = arith.constant 1 : i32
      %add3A_516 = arith.addi %mul3A_455, %add3A_515 : i32
      %add3A_517 = arith.constant 1 : i32
      %add3A_518 = arith.addi %add3A_516, %add3A_517 : i32
      %lt3A_519 = arith.constant 208 : i32
      %lt3A_520 = arith.cmpi slt, %add3A_518, %lt3A_519 : i32
      %convert_element_type3A_521 = arith.extui %lt3A_520 : i1 to i32
      %cond3A_522 = arith.constant 0 : i32
      %cond3A_523 = arith.cmpi ne, %convert_element_type3A_521, %cond3A_522 : i32
      scf.if %cond3A_523 {
        %dma_wait3A_585 = arith.constant 0 : i32
        %dma_wait3A_586 = arith.constant 0 : i32
        %dma_wait3A_587 = arith.constant 0 : i32
        %dma_wait3A_588 = arith.constant 0 : i32
        %dma_wait3A_589 = arith.constant 0 : i32
        %dma_wait3A_590 = arith.constant 0 : i32
        %dma_wait3A_591 = tpu.memref_slice %arg5[%dma_wait3A_588, %dma_wait3A_589, %dma_wait3A_590] : memref<2x5x64xi32, #tpu.memory_space<vmem>> -> memref<1x5x64xi32, #tpu.memory_space<vmem>>
        %dma_wait3A_592 = tpu.memref_squeeze %dma_wait3A_591 : memref<1x5x64xi32, #tpu.memory_space<vmem>> -> memref<5x64xi32, #tpu.memory_space<vmem>>
        %dma_wait3A_593 = arith.constant 0 : i32
        %dma_wait3A_594 = arith.constant 0 : i32
        %dma_wait3A_595 = tpu.memref_slice %arg3[%dma_wait3A_585, %dma_wait3A_586, %dma_wait3A_587, %dma_wait3A_593, %dma_wait3A_594] : memref<26x32x8x5x64xi32, #tpu.memory_space<hbm>> -> memref<1x1x1x5x64xi32, #tpu.memory_space<hbm>>
        %dma_wait3A_596 = tpu.memref_squeeze %dma_wait3A_595 : memref<1x1x1x5x64xi32, #tpu.memory_space<hbm>> -> memref<5x64xi32, #tpu.memory_space<hbm>>
        %dma_wait3A_597 = arith.constant 0 : i32
        %dma_wait3A_598 = arith.constant 0 : i32
        %dma_wait3A_599 = tpu.memref_slice %arg5[%dma_wait3A_588, %dma_wait3A_597, %dma_wait3A_598] : memref<2x5x64xi32, #tpu.memory_space<vmem>> -> memref<1x5x64xi32, #tpu.memory_space<vmem>>
        %dma_wait3A_600 = tpu.memref_squeeze %dma_wait3A_599 : memref<1x5x64xi32, #tpu.memory_space<vmem>> -> memref<5x64xi32, #tpu.memory_space<vmem>>
        %dma_wait3A_601 = arith.constant 0 : i32
        %dma_wait3A_602 = arith.constant 0 : i32
        %dma_wait3A_603 = tpu.memref_slice %arg3[%dma_wait3A_585, %dma_wait3A_586, %dma_wait3A_587, %dma_wait3A_601, %dma_wait3A_602] : memref<26x32x8x5x64xi32, #tpu.memory_space<hbm>> -> memref<1x1x1x5x64xi32, #tpu.memory_space<hbm>>
        %dma_wait3A_604 = tpu.memref_squeeze %dma_wait3A_603 : memref<1x1x1x5x64xi32, #tpu.memory_space<hbm>> -> memref<5x64xi32, #tpu.memory_space<hbm>>
        tpu.wait_dma2 semaphore(%arg8 : memref<!tpu.dma_semaphore, #tpu.memory_space<semaphore_mem>>) src(%dma_wait3A_604 : memref<5x64xi32, #tpu.memory_space<hbm>>) dst(%dma_wait3A_600 : memref<5x64xi32, #tpu.memory_space<vmem>>)
        %add3A_605 = arith.constant 1 : i32
        %add3A_606 = arith.addi %add3A_516, %add3A_605 : i32
        %rem3A_607 = arith.constant 26 : i32
        %rem3A_608 = arith.remsi %add3A_606, %rem3A_607 : i32
        %mul3A_609 = arith.constant 100000 : i32
        %mul3A_610 = arith.muli %rem3A_608, %mul3A_609 : i32
        %broadcast_in_dim3A_611 = vector.broadcast %mul3A_610 : i32 to vector<16xi32>
        %get3A_612 = arith.constant 0 : i32
        %get3A_613 = arith.constant 0 : i32
        %get3A_614 = arith.index_cast %get3A_612 : i32 to index
        %get3A_615 = arith.index_cast %get3A_613 : i32 to index
        %get3A_616 = arith.constant 0 : index
        %get3A_617 = tpu.vector_load %arg5[%get3A_614, %get3A_615, %get3A_616] {strides = array<i32>} : memref<2x5x64xi32, #tpu.memory_space<vmem>>, vector<1x1x16xi32>,
        %get3A_618 = vector.shape_cast %get3A_617 : vector<1x1x16xi32> to vector<16xi32>
        %add3A_619 = arith.addi %get3A_618, %broadcast_in_dim3A_611 : vector<16xi32>
        %swap3A_620 = arith.constant 0 : i32
        %swap3A_621 = arith.constant 0 : i32
        %swap3A_622 = arith.index_cast %swap3A_620 : i32 to index
        %swap3A_623 = arith.index_cast %swap3A_621 : i32 to index
        %swap3A_624 = arith.constant 0 : index
        %swap3A_625 = tpu.vector_load %arg5[%swap3A_622, %swap3A_623, %swap3A_624] {strides = array<i32>} : memref<2x5x64xi32, #tpu.memory_space<vmem>>, vector<1x1x16xi32>,
        %swap3A_626 = vector.shape_cast %swap3A_625 : vector<1x1x16xi32> to vector<16xi32>
        %swap3A_627 = vector.shape_cast %add3A_619 : vector<16xi32> to vector<1x1x16xi32>
        tpu.vector_store %arg5[%swap3A_622, %swap3A_623, %swap3A_624], %swap3A_627 {strides = array<i32>} : memref<2x5x64xi32, #tpu.memory_space<vmem>>, vector<1x1x16xi32>,
        %get3A_628 = arith.constant 0 : i32
        %get3A_629 = arith.constant 0 : i32
        %get3A_630 = arith.index_cast %get3A_628 : i32 to index
        %get3A_631 = arith.index_cast %get3A_629 : i32 to index
        %get3A_632 = arith.constant 16 : index
        %get3A_633 = tpu.vector_load %arg5[%get3A_630, %get3A_631, %get3A_632] {strides = array<i32>} : memref<2x5x64xi32, #tpu.memory_space<vmem>>, vector<1x1x16xi32>,
        %get3A_634 = vector.shape_cast %get3A_633 : vector<1x1x16xi32> to vector<16xi32>
        %add3A_635 = arith.addi %get3A_634, %broadcast_in_dim3A_611 : vector<16xi32>
        %swap3A_636 = arith.constant 0 : i32
        %swap3A_637 = arith.constant 0 : i32
        %swap3A_638 = arith.index_cast %swap3A_636 : i32 to index
        %swap3A_639 = arith.index_cast %swap3A_637 : i32 to index
        %swap3A_640 = arith.constant 16 : index
        %swap3A_641 = tpu.vector_load %arg5[%swap3A_638, %swap3A_639, %swap3A_640] {strides = array<i32>} : memref<2x5x64xi32, #tpu.memory_space<vmem>>, vector<1x1x16xi32>,
        %swap3A_642 = vector.shape_cast %swap3A_641 : vector<1x1x16xi32> to vector<16xi32>
        %swap3A_643 = vector.shape_cast %add3A_635 : vector<16xi32> to vector<1x1x16xi32>
        tpu.vector_store %arg5[%swap3A_638, %swap3A_639, %swap3A_640], %swap3A_643 {strides = array<i32>} : memref<2x5x64xi32, #tpu.memory_space<vmem>>, vector<1x1x16xi32>,
        %get3A_644 = arith.constant 0 : i32
        %get3A_645 = arith.constant 0 : i32
        %get3A_646 = arith.index_cast %get3A_644 : i32 to index
        %get3A_647 = arith.index_cast %get3A_645 : i32 to index
        %get3A_648 = arith.constant 32 : index
        %get3A_649 = tpu.vector_load %arg5[%get3A_646, %get3A_647, %get3A_648] {strides = array<i32>} : memref<2x5x64xi32, #tpu.memory_space<vmem>>, vector<1x1x16xi32>,
        %get3A_650 = vector.shape_cast %get3A_649 : vector<1x1x16xi32> to vector<16xi32>
        %add3A_651 = arith.addi %get3A_650, %broadcast_in_dim3A_611 : vector<16xi32>
        %swap3A_652 = arith.constant 0 : i32
        %swap3A_653 = arith.constant 0 : i32
        %swap3A_654 = arith.index_cast %swap3A_652 : i32 to index
        %swap3A_655 = arith.index_cast %swap3A_653 : i32 to index
        %swap3A_656 = arith.constant 32 : index
        %swap3A_657 = tpu.vector_load %arg5[%swap3A_654, %swap3A_655, %swap3A_656] {strides = array<i32>} : memref<2x5x64xi32, #tpu.memory_space<vmem>>, vector<1x1x16xi32>,
        %swap3A_658 = vector.shape_cast %swap3A_657 : vector<1x1x16xi32> to vector<16xi32>
        %swap3A_659 = vector.shape_cast %add3A_651 : vector<16xi32> to vector<1x1x16xi32>
        tpu.vector_store %arg5[%swap3A_654, %swap3A_655, %swap3A_656], %swap3A_659 {strides = array<i32>} : memref<2x5x64xi32, #tpu.memory_space<vmem>>, vector<1x1x16xi32>,
        %get3A_660 = arith.constant 0 : i32
        %get3A_661 = arith.constant 0 : i32
        %get3A_662 = arith.index_cast %get3A_660 : i32 to index
        %get3A_663 = arith.index_cast %get3A_661 : i32 to index
        %get3A_664 = arith.constant 48 : index
        %get3A_665 = tpu.vector_load %arg5[%get3A_662, %get3A_663, %get3A_664] {strides = array<i32>} : memref<2x5x64xi32, #tpu.memory_space<vmem>>, vector<1x1x16xi32>,
        %get3A_666 = vector.shape_cast %get3A_665 : vector<1x1x16xi32> to vector<16xi32>
        %add3A_667 = arith.addi %get3A_666, %broadcast_in_dim3A_611 : vector<16xi32>
        %swap3A_668 = arith.constant 0 : i32
        %swap3A_669 = arith.constant 0 : i32
        %swap3A_670 = arith.index_cast %swap3A_668 : i32 to index
        %swap3A_671 = arith.index_cast %swap3A_669 : i32 to index
        %swap3A_672 = arith.constant 48 : index
        %swap3A_673 = tpu.vector_load %arg5[%swap3A_670, %swap3A_671, %swap3A_672] {strides = array<i32>} : memref<2x5x64xi32, #tpu.memory_space<vmem>>, vector<1x1x16xi32>,
        %swap3A_674 = vector.shape_cast %swap3A_673 : vector<1x1x16xi32> to vector<16xi32>
        %swap3A_675 = vector.shape_cast %add3A_667 : vector<16xi32> to vector<1x1x16xi32>
        tpu.vector_store %arg5[%swap3A_670, %swap3A_671, %swap3A_672], %swap3A_675 {strides = array<i32>} : memref<2x5x64xi32, #tpu.memory_space<vmem>>, vector<1x1x16xi32>,
        %get3A_676 = arith.constant 0 : i32
        %get3A_677 = arith.constant 1 : i32
        %get3A_678 = arith.index_cast %get3A_676 : i32 to index
        %get3A_679 = arith.index_cast %get3A_677 : i32 to index
        %get3A_680 = arith.constant 0 : index
        %get3A_681 = tpu.vector_load %arg5[%get3A_678, %get3A_679, %get3A_680] {strides = array<i32>} : memref<2x5x64xi32, #tpu.memory_space<vmem>>, vector<1x1x16xi32>,
        %get3A_682 = vector.shape_cast %get3A_681 : vector<1x1x16xi32> to vector<16xi32>
        %add3A_683 = arith.addi %get3A_682, %broadcast_in_dim3A_611 : vector<16xi32>
        %swap3A_684 = arith.constant 0 : i32
        %swap3A_685 = arith.constant 1 : i32
        %swap3A_686 = arith.index_cast %swap3A_684 : i32 to index
        %swap3A_687 = arith.index_cast %swap3A_685 : i32 to index
        %swap3A_688 = arith.constant 0 : index
        %swap3A_689 = tpu.vector_load %arg5[%swap3A_686, %swap3A_687, %swap3A_688] {strides = array<i32>} : memref<2x5x64xi32, #tpu.memory_space<vmem>>, vector<1x1x16xi32>,
        %swap3A_690 = vector.shape_cast %swap3A_689 : vector<1x1x16xi32> to vector<16xi32>
        %swap3A_691 = vector.shape_cast %add3A_683 : vector<16xi32> to vector<1x1x16xi32>
        tpu.vector_store %arg5[%swap3A_686, %swap3A_687, %swap3A_688], %swap3A_691 {strides = array<i32>} : memref<2x5x64xi32, #tpu.memory_space<vmem>>, vector<1x1x16xi32>,
        %get3A_692 = arith.constant 0 : i32
        %get3A_693 = arith.constant 1 : i32
        %get3A_694 = arith.index_cast %get3A_692 : i32 to index
        %get3A_695 = arith.index_cast %get3A_693 : i32 to index
        %get3A_696 = arith.constant 16 : index
        %get3A_697 = tpu.vector_load %arg5[%get3A_694, %get3A_695, %get3A_696] {strides = array<i32>} : memref<2x5x64xi32, #tpu.memory_space<vmem>>, vector<1x1x16xi32>,
        %get3A_698 = vector.shape_cast %get3A_697 : vector<1x1x16xi32> to vector<16xi32>
        %add3A_699 = arith.addi %get3A_698, %broadcast_in_dim3A_611 : vector<16xi32>
        %swap3A_700 = arith.constant 0 : i32
        %swap3A_701 = arith.constant 1 : i32
        %swap3A_702 = arith.index_cast %swap3A_700 : i32 to index
        %swap3A_703 = arith.index_cast %swap3A_701 : i32 to index
        %swap3A_704 = arith.constant 16 : index
        %swap3A_705 = tpu.vector_load %arg5[%swap3A_702, %swap3A_703, %swap3A_704] {strides = array<i32>} : memref<2x5x64xi32, #tpu.memory_space<vmem>>, vector<1x1x16xi32>,
        %swap3A_706 = vector.shape_cast %swap3A_705 : vector<1x1x16xi32> to vector<16xi32>
        %swap3A_707 = vector.shape_cast %add3A_699 : vector<16xi32> to vector<1x1x16xi32>
        tpu.vector_store %arg5[%swap3A_702, %swap3A_703, %swap3A_704], %swap3A_707 {strides = array<i32>} : memref<2x5x64xi32, #tpu.memory_space<vmem>>, vector<1x1x16xi32>,
        %get3A_708 = arith.constant 0 : i32
        %get3A_709 = arith.constant 1 : i32
        %get3A_710 = arith.index_cast %get3A_708 : i32 to index
        %get3A_711 = arith.index_cast %get3A_709 : i32 to index
        %get3A_712 = arith.constant 32 : index
        %get3A_713 = tpu.vector_load %arg5[%get3A_710, %get3A_711, %get3A_712] {strides = array<i32>} : memref<2x5x64xi32, #tpu.memory_space<vmem>>, vector<1x1x16xi32>,
        %get3A_714 = vector.shape_cast %get3A_713 : vector<1x1x16xi32> to vector<16xi32>
        %add3A_715 = arith.addi %get3A_714, %broadcast_in_dim3A_611 : vector<16xi32>
        %swap3A_716 = arith.constant 0 : i32
        %swap3A_717 = arith.constant 1 : i32
        %swap3A_718 = arith.index_cast %swap3A_716 : i32 to index
        %swap3A_719 = arith.index_cast %swap3A_717 : i32 to index
        %swap3A_720 = arith.constant 32 : index
        %swap3A_721 = tpu.vector_load %arg5[%swap3A_718, %swap3A_719, %swap3A_720] {strides = array<i32>} : memref<2x5x64xi32, #tpu.memory_space<vmem>>, vector<1x1x16xi32>,
        %swap3A_722 = vector.shape_cast %swap3A_721 : vector<1x1x16xi32> to vector<16xi32>
        %swap3A_723 = vector.shape_cast %add3A_715 : vector<16xi32> to vector<1x1x16xi32>
        tpu.vector_store %arg5[%swap3A_718, %swap3A_719, %swap3A_720], %swap3A_723 {strides = array<i32>} : memref<2x5x64xi32, #tpu.memory_space<vmem>>, vector<1x1x16xi32>,
        %get3A_724 = arith.constant 0 : i32
        %get3A_725 = arith.constant 1 : i32
        %get3A_726 = arith.index_cast %get3A_724 : i32 to index
        %get3A_727 = arith.index_cast %get3A_725 : i32 to index
        %get3A_728 = arith.constant 48 : index
        %get3A_729 = tpu.vector_load %arg5[%get3A_726, %get3A_727, %get3A_728] {strides = array<i32>} : memref<2x5x64xi32, #tpu.memory_space<vmem>>, vector<1x1x16xi32>,
        %get3A_730 = vector.shape_cast %get3A_729 : vector<1x1x16xi32> to vector<16xi32>
        %add3A_731 = arith.addi %get3A_730, %broadcast_in_dim3A_611 : vector<16xi32>
        %swap3A_732 = arith.constant 0 : i32
        %swap3A_733 = arith.constant 1 : i32
        %swap3A_734 = arith.index_cast %swap3A_732 : i32 to index
        %swap3A_735 = arith.index_cast %swap3A_733 : i32 to index
        %swap3A_736 = arith.constant 48 : index
        %swap3A_737 = tpu.vector_load %arg5[%swap3A_734, %swap3A_735, %swap3A_736] {strides = array<i32>} : memref<2x5x64xi32, #tpu.memory_space<vmem>>, vector<1x1x16xi32>,
        %swap3A_738 = vector.shape_cast %swap3A_737 : vector<1x1x16xi32> to vector<16xi32>
        %swap3A_739 = vector.shape_cast %add3A_731 : vector<16xi32> to vector<1x1x16xi32>
        tpu.vector_store %arg5[%swap3A_734, %swap3A_735, %swap3A_736], %swap3A_739 {strides = array<i32>} : memref<2x5x64xi32, #tpu.memory_space<vmem>>, vector<1x1x16xi32>,
        %get3A_740 = arith.constant 0 : i32
        %get3A_741 = arith.constant 2 : i32
        %get3A_742 = arith.index_cast %get3A_740 : i32 to index
        %get3A_743 = arith.index_cast %get3A_741 : i32 to index
        %get3A_744 = arith.constant 0 : index
        %get3A_745 = tpu.vector_load %arg5[%get3A_742, %get3A_743, %get3A_744] {strides = array<i32>} : memref<2x5x64xi32, #tpu.memory_space<vmem>>, vector<1x1x16xi32>,
        %get3A_746 = vector.shape_cast %get3A_745 : vector<1x1x16xi32> to vector<16xi32>
        %add3A_747 = arith.addi %get3A_746, %broadcast_in_dim3A_611 : vector<16xi32>
        %swap3A_748 = arith.constant 0 : i32
        %swap3A_749 = arith.constant 2 : i32
        %swap3A_750 = arith.index_cast %swap3A_748 : i32 to index
        %swap3A_751 = arith.index_cast %swap3A_749 : i32 to index
        %swap3A_752 = arith.constant 0 : index
        %swap3A_753 = tpu.vector_load %arg5[%swap3A_750, %swap3A_751, %swap3A_752] {strides = array<i32>} : memref<2x5x64xi32, #tpu.memory_space<vmem>>, vector<1x1x16xi32>,
        %swap3A_754 = vector.shape_cast %swap3A_753 : vector<1x1x16xi32> to vector<16xi32>
        %swap3A_755 = vector.shape_cast %add3A_747 : vector<16xi32> to vector<1x1x16xi32>
        tpu.vector_store %arg5[%swap3A_750, %swap3A_751, %swap3A_752], %swap3A_755 {strides = array<i32>} : memref<2x5x64xi32, #tpu.memory_space<vmem>>, vector<1x1x16xi32>,
        %get3A_756 = arith.constant 0 : i32
        %get3A_757 = arith.constant 2 : i32
        %get3A_758 = arith.index_cast %get3A_756 : i32 to index
        %get3A_759 = arith.index_cast %get3A_757 : i32 to index
        %get3A_760 = arith.constant 16 : index
        %get3A_761 = tpu.vector_load %arg5[%get3A_758, %get3A_759, %get3A_760] {strides = array<i32>} : memref<2x5x64xi32, #tpu.memory_space<vmem>>, vector<1x1x16xi32>,
        %get3A_762 = vector.shape_cast %get3A_761 : vector<1x1x16xi32> to vector<16xi32>
        %add3A_763 = arith.addi %get3A_762, %broadcast_in_dim3A_611 : vector<16xi32>
        %swap3A_764 = arith.constant 0 : i32
        %swap3A_765 = arith.constant 2 : i32
        %swap3A_766 = arith.index_cast %swap3A_764 : i32 to index
        %swap3A_767 = arith.index_cast %swap3A_765 : i32 to index
        %swap3A_768 = arith.constant 16 : index
        %swap3A_769 = tpu.vector_load %arg5[%swap3A_766, %swap3A_767, %swap3A_768] {strides = array<i32>} : memref<2x5x64xi32, #tpu.memory_space<vmem>>, vector<1x1x16xi32>,
        %swap3A_770 = vector.shape_cast %swap3A_769 : vector<1x1x16xi32> to vector<16xi32>
        %swap3A_771 = vector.shape_cast %add3A_763 : vector<16xi32> to vector<1x1x16xi32>
        tpu.vector_store %arg5[%swap3A_766, %swap3A_767, %swap3A_768], %swap3A_771 {strides = array<i32>} : memref<2x5x64xi32, #tpu.memory_space<vmem>>, vector<1x1x16xi32>,
        %get3A_772 = arith.constant 0 : i32
        %get3A_773 = arith.constant 2 : i32
        %get3A_774 = arith.index_cast %get3A_772 : i32 to index
        %get3A_775 = arith.index_cast %get3A_773 : i32 to index
        %get3A_776 = arith.constant 32 : index
        %get3A_777 = tpu.vector_load %arg5[%get3A_774, %get3A_775, %get3A_776] {strides = array<i32>} : memref<2x5x64xi32, #tpu.memory_space<vmem>>, vector<1x1x16xi32>,
        %get3A_778 = vector.shape_cast %get3A_777 : vector<1x1x16xi32> to vector<16xi32>
        %add3A_779 = arith.addi %get3A_778, %broadcast_in_dim3A_611 : vector<16xi32>
        %swap3A_780 = arith.constant 0 : i32
        %swap3A_781 = arith.constant 2 : i32
        %swap3A_782 = arith.index_cast %swap3A_780 : i32 to index
        %swap3A_783 = arith.index_cast %swap3A_781 : i32 to index
        %swap3A_784 = arith.constant 32 : index
        %swap3A_785 = tpu.vector_load %arg5[%swap3A_782, %swap3A_783, %swap3A_784] {strides = array<i32>} : memref<2x5x64xi32, #tpu.memory_space<vmem>>, vector<1x1x16xi32>,
        %swap3A_786 = vector.shape_cast %swap3A_785 : vector<1x1x16xi32> to vector<16xi32>
        %swap3A_787 = vector.shape_cast %add3A_779 : vector<16xi32> to vector<1x1x16xi32>
        tpu.vector_store %arg5[%swap3A_782, %swap3A_783, %swap3A_784], %swap3A_787 {strides = array<i32>} : memref<2x5x64xi32, #tpu.memory_space<vmem>>, vector<1x1x16xi32>,
        %get3A_788 = arith.constant 0 : i32
        %get3A_789 = arith.constant 2 : i32
        %get3A_790 = arith.index_cast %get3A_788 : i32 to index
        %get3A_791 = arith.index_cast %get3A_789 : i32 to index
        %get3A_792 = arith.constant 48 : index
        %get3A_793 = tpu.vector_load %arg5[%get3A_790, %get3A_791, %get3A_792] {strides = array<i32>} : memref<2x5x64xi32, #tpu.memory_space<vmem>>, vector<1x1x16xi32>,
        %get3A_794 = vector.shape_cast %get3A_793 : vector<1x1x16xi32> to vector<16xi32>
        %add3A_795 = arith.addi %get3A_794, %broadcast_in_dim3A_611 : vector<16xi32>
        %swap3A_796 = arith.constant 0 : i32
        %swap3A_797 = arith.constant 2 : i32
        %swap3A_798 = arith.index_cast %swap3A_796 : i32 to index
        %swap3A_799 = arith.index_cast %swap3A_797 : i32 to index
        %swap3A_800 = arith.constant 48 : index
        %swap3A_801 = tpu.vector_load %arg5[%swap3A_798, %swap3A_799, %swap3A_800] {strides = array<i32>} : memref<2x5x64xi32, #tpu.memory_space<vmem>>, vector<1x1x16xi32>,
        %swap3A_802 = vector.shape_cast %swap3A_801 : vector<1x1x16xi32> to vector<16xi32>
        %swap3A_803 = vector.shape_cast %add3A_795 : vector<16xi32> to vector<1x1x16xi32>
        tpu.vector_store %arg5[%swap3A_798, %swap3A_799, %swap3A_800], %swap3A_803 {strides = array<i32>} : memref<2x5x64xi32, #tpu.memory_space<vmem>>, vector<1x1x16xi32>,
        %get3A_804 = arith.constant 0 : i32
        %get3A_805 = arith.constant 3 : i32
        %get3A_806 = arith.index_cast %get3A_804 : i32 to index
        %get3A_807 = arith.index_cast %get3A_805 : i32 to index
        %get3A_808 = arith.constant 0 : index
        %get3A_809 = tpu.vector_load %arg5[%get3A_806, %get3A_807, %get3A_808] {strides = array<i32>} : memref<2x5x64xi32, #tpu.memory_space<vmem>>, vector<1x1x16xi32>,
        %get3A_810 = vector.shape_cast %get3A_809 : vector<1x1x16xi32> to vector<16xi32>
        %add3A_811 = arith.addi %get3A_810, %broadcast_in_dim3A_611 : vector<16xi32>
        %swap3A_812 = arith.constant 0 : i32
        %swap3A_813 = arith.constant 3 : i32
        %swap3A_814 = arith.index_cast %swap3A_812 : i32 to index
        %swap3A_815 = arith.index_cast %swap3A_813 : i32 to index
        %swap3A_816 = arith.constant 0 : index
        %swap3A_817 = tpu.vector_load %arg5[%swap3A_814, %swap3A_815, %swap3A_816] {strides = array<i32>} : memref<2x5x64xi32, #tpu.memory_space<vmem>>, vector<1x1x16xi32>,
        %swap3A_818 = vector.shape_cast %swap3A_817 : vector<1x1x16xi32> to vector<16xi32>
        %swap3A_819 = vector.shape_cast %add3A_811 : vector<16xi32> to vector<1x1x16xi32>
        tpu.vector_store %arg5[%swap3A_814, %swap3A_815, %swap3A_816], %swap3A_819 {strides = array<i32>} : memref<2x5x64xi32, #tpu.memory_space<vmem>>, vector<1x1x16xi32>,
        %get3A_820 = arith.constant 0 : i32
        %get3A_821 = arith.constant 3 : i32
        %get3A_822 = arith.index_cast %get3A_820 : i32 to index
        %get3A_823 = arith.index_cast %get3A_821 : i32 to index
        %get3A_824 = arith.constant 16 : index
        %get3A_825 = tpu.vector_load %arg5[%get3A_822, %get3A_823, %get3A_824] {strides = array<i32>} : memref<2x5x64xi32, #tpu.memory_space<vmem>>, vector<1x1x16xi32>,
        %get3A_826 = vector.shape_cast %get3A_825 : vector<1x1x16xi32> to vector<16xi32>
        %add3A_827 = arith.addi %get3A_826, %broadcast_in_dim3A_611 : vector<16xi32>
        %swap3A_828 = arith.constant 0 : i32
        %swap3A_829 = arith.constant 3 : i32
        %swap3A_830 = arith.index_cast %swap3A_828 : i32 to index
        %swap3A_831 = arith.index_cast %swap3A_829 : i32 to index
        %swap3A_832 = arith.constant 16 : index
        %swap3A_833 = tpu.vector_load %arg5[%swap3A_830, %swap3A_831, %swap3A_832] {strides = array<i32>} : memref<2x5x64xi32, #tpu.memory_space<vmem>>, vector<1x1x16xi32>,
        %swap3A_834 = vector.shape_cast %swap3A_833 : vector<1x1x16xi32> to vector<16xi32>
        %swap3A_835 = vector.shape_cast %add3A_827 : vector<16xi32> to vector<1x1x16xi32>
        tpu.vector_store %arg5[%swap3A_830, %swap3A_831, %swap3A_832], %swap3A_835 {strides = array<i32>} : memref<2x5x64xi32, #tpu.memory_space<vmem>>, vector<1x1x16xi32>,
        %get3A_836 = arith.constant 0 : i32
        %get3A_837 = arith.constant 3 : i32
        %get3A_838 = arith.index_cast %get3A_836 : i32 to index
        %get3A_839 = arith.index_cast %get3A_837 : i32 to index
        %get3A_840 = arith.constant 32 : index
        %get3A_841 = tpu.vector_load %arg5[%get3A_838, %get3A_839, %get3A_840] {strides = array<i32>} : memref<2x5x64xi32, #tpu.memory_space<vmem>>, vector<1x1x16xi32>,
        %get3A_842 = vector.shape_cast %get3A_841 : vector<1x1x16xi32> to vector<16xi32>
        %add3A_843 = arith.addi %get3A_842, %broadcast_in_dim3A_611 : vector<16xi32>
        %swap3A_844 = arith.constant 0 : i32
        %swap3A_845 = arith.constant 3 : i32
        %swap3A_846 = arith.index_cast %swap3A_844 : i32 to index
        %swap3A_847 = arith.index_cast %swap3A_845 : i32 to index
        %swap3A_848 = arith.constant 32 : index
        %swap3A_849 = tpu.vector_load %arg5[%swap3A_846, %swap3A_847, %swap3A_848] {strides = array<i32>} : memref<2x5x64xi32, #tpu.memory_space<vmem>>, vector<1x1x16xi32>,
        %swap3A_850 = vector.shape_cast %swap3A_849 : vector<1x1x16xi32> to vector<16xi32>
        %swap3A_851 = vector.shape_cast %add3A_843 : vector<16xi32> to vector<1x1x16xi32>
        tpu.vector_store %arg5[%swap3A_846, %swap3A_847, %swap3A_848], %swap3A_851 {strides = array<i32>} : memref<2x5x64xi32, #tpu.memory_space<vmem>>, vector<1x1x16xi32>,
        %get3A_852 = arith.constant 0 : i32
        %get3A_853 = arith.constant 3 : i32
        %get3A_854 = arith.index_cast %get3A_852 : i32 to index
        %get3A_855 = arith.index_cast %get3A_853 : i32 to index
        %get3A_856 = arith.constant 48 : index
        %get3A_857 = tpu.vector_load %arg5[%get3A_854, %get3A_855, %get3A_856] {strides = array<i32>} : memref<2x5x64xi32, #tpu.memory_space<vmem>>, vector<1x1x16xi32>,
        %get3A_858 = vector.shape_cast %get3A_857 : vector<1x1x16xi32> to vector<16xi32>
        %add3A_859 = arith.addi %get3A_858, %broadcast_in_dim3A_611 : vector<16xi32>
        %swap3A_860 = arith.constant 0 : i32
        %swap3A_861 = arith.constant 3 : i32
        %swap3A_862 = arith.index_cast %swap3A_860 : i32 to index
        %swap3A_863 = arith.index_cast %swap3A_861 : i32 to index
        %swap3A_864 = arith.constant 48 : index
        %swap3A_865 = tpu.vector_load %arg5[%swap3A_862, %swap3A_863, %swap3A_864] {strides = array<i32>} : memref<2x5x64xi32, #tpu.memory_space<vmem>>, vector<1x1x16xi32>,
        %swap3A_866 = vector.shape_cast %swap3A_865 : vector<1x1x16xi32> to vector<16xi32>
        %swap3A_867 = vector.shape_cast %add3A_859 : vector<16xi32> to vector<1x1x16xi32>
        tpu.vector_store %arg5[%swap3A_862, %swap3A_863, %swap3A_864], %swap3A_867 {strides = array<i32>} : memref<2x5x64xi32, #tpu.memory_space<vmem>>, vector<1x1x16xi32>,
        %get3A_868 = arith.constant 0 : i32
        %get3A_869 = arith.constant 4 : i32
        %get3A_870 = arith.index_cast %get3A_868 : i32 to index
        %get3A_871 = arith.index_cast %get3A_869 : i32 to index
        %get3A_872 = arith.constant 0 : index
        %get3A_873 = tpu.vector_load %arg5[%get3A_870, %get3A_871, %get3A_872] {strides = array<i32>} : memref<2x5x64xi32, #tpu.memory_space<vmem>>, vector<1x1x16xi32>,
        %get3A_874 = vector.shape_cast %get3A_873 : vector<1x1x16xi32> to vector<16xi32>
        %add3A_875 = arith.addi %get3A_874, %broadcast_in_dim3A_611 : vector<16xi32>
        %swap3A_876 = arith.constant 0 : i32
        %swap3A_877 = arith.constant 4 : i32
        %swap3A_878 = arith.index_cast %swap3A_876 : i32 to index
        %swap3A_879 = arith.index_cast %swap3A_877 : i32 to index
        %swap3A_880 = arith.constant 0 : index
        %swap3A_881 = tpu.vector_load %arg5[%swap3A_878, %swap3A_879, %swap3A_880] {strides = array<i32>} : memref<2x5x64xi32, #tpu.memory_space<vmem>>, vector<1x1x16xi32>,
        %swap3A_882 = vector.shape_cast %swap3A_881 : vector<1x1x16xi32> to vector<16xi32>
        %swap3A_883 = vector.shape_cast %add3A_875 : vector<16xi32> to vector<1x1x16xi32>
        tpu.vector_store %arg5[%swap3A_878, %swap3A_879, %swap3A_880], %swap3A_883 {strides = array<i32>} : memref<2x5x64xi32, #tpu.memory_space<vmem>>, vector<1x1x16xi32>,
        %get3A_884 = arith.constant 0 : i32
        %get3A_885 = arith.constant 4 : i32
        %get3A_886 = arith.index_cast %get3A_884 : i32 to index
        %get3A_887 = arith.index_cast %get3A_885 : i32 to index
        %get3A_888 = arith.constant 16 : index
        %get3A_889 = tpu.vector_load %arg5[%get3A_886, %get3A_887, %get3A_888] {strides = array<i32>} : memref<2x5x64xi32, #tpu.memory_space<vmem>>, vector<1x1x16xi32>,
        %get3A_890 = vector.shape_cast %get3A_889 : vector<1x1x16xi32> to vector<16xi32>
        %add3A_891 = arith.addi %get3A_890, %broadcast_in_dim3A_611 : vector<16xi32>
        %swap3A_892 = arith.constant 0 : i32
        %swap3A_893 = arith.constant 4 : i32
        %swap3A_894 = arith.index_cast %swap3A_892 : i32 to index
        %swap3A_895 = arith.index_cast %swap3A_893 : i32 to index
        %swap3A_896 = arith.constant 16 : index
        %swap3A_897 = tpu.vector_load %arg5[%swap3A_894, %swap3A_895, %swap3A_896] {strides = array<i32>} : memref<2x5x64xi32, #tpu.memory_space<vmem>>, vector<1x1x16xi32>,
        %swap3A_898 = vector.shape_cast %swap3A_897 : vector<1x1x16xi32> to vector<16xi32>
        %swap3A_899 = vector.shape_cast %add3A_891 : vector<16xi32> to vector<1x1x16xi32>
        tpu.vector_store %arg5[%swap3A_894, %swap3A_895, %swap3A_896], %swap3A_899 {strides = array<i32>} : memref<2x5x64xi32, #tpu.memory_space<vmem>>, vector<1x1x16xi32>,
        %get3A_900 = arith.constant 0 : i32
        %get3A_901 = arith.constant 4 : i32
        %get3A_902 = arith.index_cast %get3A_900 : i32 to index
        %get3A_903 = arith.index_cast %get3A_901 : i32 to index
        %get3A_904 = arith.constant 32 : index
        %get3A_905 = tpu.vector_load %arg5[%get3A_902, %get3A_903, %get3A_904] {strides = array<i32>} : memref<2x5x64xi32, #tpu.memory_space<vmem>>, vector<1x1x16xi32>,
        %get3A_906 = vector.shape_cast %get3A_905 : vector<1x1x16xi32> to vector<16xi32>
        %add3A_907 = arith.addi %get3A_906, %broadcast_in_dim3A_611 : vector<16xi32>
        %swap3A_908 = arith.constant 0 : i32
        %swap3A_909 = arith.constant 4 : i32
        %swap3A_910 = arith.index_cast %swap3A_908 : i32 to index
        %swap3A_911 = arith.index_cast %swap3A_909 : i32 to index
        %swap3A_912 = arith.constant 32 : index
        %swap3A_913 = tpu.vector_load %arg5[%swap3A_910, %swap3A_911, %swap3A_912] {strides = array<i32>} : memref<2x5x64xi32, #tpu.memory_space<vmem>>, vector<1x1x16xi32>,
        %swap3A_914 = vector.shape_cast %swap3A_913 : vector<1x1x16xi32> to vector<16xi32>
        %swap3A_915 = vector.shape_cast %add3A_907 : vector<16xi32> to vector<1x1x16xi32>
        tpu.vector_store %arg5[%swap3A_910, %swap3A_911, %swap3A_912], %swap3A_915 {strides = array<i32>} : memref<2x5x64xi32, #tpu.memory_space<vmem>>, vector<1x1x16xi32>,
        %get3A_916 = arith.constant 0 : i32
        %get3A_917 = arith.constant 4 : i32
        %get3A_918 = arith.index_cast %get3A_916 : i32 to index
        %get3A_919 = arith.index_cast %get3A_917 : i32 to index
        %get3A_920 = arith.constant 48 : index
        %get3A_921 = tpu.vector_load %arg5[%get3A_918, %get3A_919, %get3A_920] {strides = array<i32>} : memref<2x5x64xi32, #tpu.memory_space<vmem>>, vector<1x1x16xi32>,
        %get3A_922 = vector.shape_cast %get3A_921 : vector<1x1x16xi32> to vector<16xi32>
        %add3A_923 = arith.addi %get3A_922, %broadcast_in_dim3A_611 : vector<16xi32>
        %swap3A_924 = arith.constant 0 : i32
        %swap3A_925 = arith.constant 4 : i32
        %swap3A_926 = arith.index_cast %swap3A_924 : i32 to index
        %swap3A_927 = arith.index_cast %swap3A_925 : i32 to index
        %swap3A_928 = arith.constant 48 : index
        %swap3A_929 = tpu.vector_load %arg5[%swap3A_926, %swap3A_927, %swap3A_928] {strides = array<i32>} : memref<2x5x64xi32, #tpu.memory_space<vmem>>, vector<1x1x16xi32>,
        %swap3A_930 = vector.shape_cast %swap3A_929 : vector<1x1x16xi32> to vector<16xi32>
        %swap3A_931 = vector.shape_cast %add3A_923 : vector<16xi32> to vector<1x1x16xi32>
        tpu.vector_store %arg5[%swap3A_926, %swap3A_927, %swap3A_928], %swap3A_931 {strides = array<i32>} : memref<2x5x64xi32, #tpu.memory_space<vmem>>, vector<1x1x16xi32>,
        %dma_start3A_932 = arith.constant 0 : i32
        %dma_start3A_933 = arith.constant 0 : i32
        %dma_start3A_934 = arith.constant 0 : i32
        %dma_start3A_935 = arith.constant 0 : i32
        %dma_start3A_936 = arith.constant 0 : i32
        %dma_start3A_937 = tpu.memref_slice %arg6[%dma_start3A_934, %dma_start3A_935, %dma_start3A_936] : memref<2x320x64xf32, #tpu.memory_space<vmem>> -> memref<1x64x64xf32, #tpu.memory_space<vmem>>
        %dma_start3A_938 = tpu.memref_squeeze %dma_start3A_937 : memref<1x64x64xf32, #tpu.memory_space<vmem>> -> memref<64x64xf32, #tpu.memory_space<vmem>>
        %dma_start3A_939 = arith.constant 0 : i32
        %dma_start3A_940 = tpu.memref_slice %arg5[%dma_start3A_932, %dma_start3A_933, %dma_start3A_939] : memref<2x5x64xi32, #tpu.memory_space<vmem>> -> memref<1x1x64xi32, #tpu.memory_space<vmem>>
        %dma_start3A_941 = tpu.memref_squeeze %dma_start3A_940 : memref<1x1x64xi32, #tpu.memory_space<vmem>> -> memref<64xi32, #tpu.memory_space<vmem>>
        %dma_start3A_942 = arith.constant 0 : i32
        %dma_start3A_943 = arith.constant 0 : i32
        %dma_start3A_944 = tpu.memref_slice %arg2[%dma_start3A_942, %dma_start3A_943] : memref<2600000x64xf32, #tpu.memory_space<hbm>> -> memref<2600000x64xf32, #tpu.memory_space<hbm>>
        tpu.enqueue_indirect_dma source(%dma_start3A_944 : memref<2600000x64xf32, #tpu.memory_space<hbm>>) target(%dma_start3A_938 : memref<64x64xf32, #tpu.memory_space<vmem>>) offsets(%dma_start3A_941 : memref<64xi32, #tpu.memory_space<vmem>>) semaphore(%arg10 : memref<!tpu.dma_semaphore, #tpu.memory_space<semaphore_mem>>)
        %dma_start3A_945 = arith.constant 0 : i32
        %dma_start3A_946 = arith.constant 1 : i32
        %dma_start3A_947 = arith.constant 0 : i32
        %dma_start3A_948 = arith.constant 64 : i32
        %dma_start3A_949 = arith.constant 0 : i32
        %dma_start3A_950 = tpu.memref_slice %arg6[%dma_start3A_947, %dma_start3A_948, %dma_start3A_949] : memref<2x320x64xf32, #tpu.memory_space<vmem>> -> memref<1x64x64xf32, #tpu.memory_space<vmem>>
        %dma_start3A_951 = tpu.memref_squeeze %dma_start3A_950 : memref<1x64x64xf32, #tpu.memory_space<vmem>> -> memref<64x64xf32, #tpu.memory_space<vmem>>
        %dma_start3A_952 = arith.constant 0 : i32
        %dma_start3A_953 = tpu.memref_slice %arg5[%dma_start3A_945, %dma_start3A_946, %dma_start3A_952] : memref<2x5x64xi32, #tpu.memory_space<vmem>> -> memref<1x1x64xi32, #tpu.memory_space<vmem>>
        %dma_start3A_954 = tpu.memref_squeeze %dma_start3A_953 : memref<1x1x64xi32, #tpu.memory_space<vmem>> -> memref<64xi32, #tpu.memory_space<vmem>>
        %dma_start3A_955 = arith.constant 0 : i32
        %dma_start3A_956 = arith.constant 0 : i32
        %dma_start3A_957 = tpu.memref_slice %arg2[%dma_start3A_955, %dma_start3A_956] : memref<2600000x64xf32, #tpu.memory_space<hbm>> -> memref<2600000x64xf32, #tpu.memory_space<hbm>>
        tpu.enqueue_indirect_dma source(%dma_start3A_957 : memref<2600000x64xf32, #tpu.memory_space<hbm>>) target(%dma_start3A_951 : memref<64x64xf32, #tpu.memory_space<vmem>>) offsets(%dma_start3A_954 : memref<64xi32, #tpu.memory_space<vmem>>) semaphore(%arg10 : memref<!tpu.dma_semaphore, #tpu.memory_space<semaphore_mem>>)
        %dma_start3A_958 = arith.constant 0 : i32
        %dma_start3A_959 = arith.constant 2 : i32
        %dma_start3A_960 = arith.constant 0 : i32
        %dma_start3A_961 = arith.constant 128 : i32
        %dma_start3A_962 = arith.constant 0 : i32
        %dma_start3A_963 = tpu.memref_slice %arg6[%dma_start3A_960, %dma_start3A_961, %dma_start3A_962] : memref<2x320x64xf32, #tpu.memory_space<vmem>> -> memref<1x64x64xf32, #tpu.memory_space<vmem>>
        %dma_start3A_964 = tpu.memref_squeeze %dma_start3A_963 : memref<1x64x64xf32, #tpu.memory_space<vmem>> -> memref<64x64xf32, #tpu.memory_space<vmem>>
        %dma_start3A_965 = arith.constant 0 : i32
        %dma_start3A_966 = tpu.memref_slice %arg5[%dma_start3A_958, %dma_start3A_959, %dma_start3A_965] : memref<2x5x64xi32, #tpu.memory_space<vmem>> -> memref<1x1x64xi32, #tpu.memory_space<vmem>>
        %dma_start3A_967 = tpu.memref_squeeze %dma_start3A_966 : memref<1x1x64xi32, #tpu.memory_space<vmem>> -> memref<64xi32, #tpu.memory_space<vmem>>
        %dma_start3A_968 = arith.constant 0 : i32
        %dma_start3A_969 = arith.constant 0 : i32
        %dma_start3A_970 = tpu.memref_slice %arg2[%dma_start3A_968, %dma_start3A_969] : memref<2600000x64xf32, #tpu.memory_space<hbm>> -> memref<2600000x64xf32, #tpu.memory_space<hbm>>
        tpu.enqueue_indirect_dma source(%dma_start3A_970 : memref<2600000x64xf32, #tpu.memory_space<hbm>>) target(%dma_start3A_964 : memref<64x64xf32, #tpu.memory_space<vmem>>) offsets(%dma_start3A_967 : memref<64xi32, #tpu.memory_space<vmem>>) semaphore(%arg10 : memref<!tpu.dma_semaphore, #tpu.memory_space<semaphore_mem>>)
        %dma_start3A_971 = arith.constant 0 : i32
        %dma_start3A_972 = arith.constant 3 : i32
        %dma_start3A_973 = arith.constant 0 : i32
        %dma_start3A_974 = arith.constant 192 : i32
        %dma_start3A_975 = arith.constant 0 : i32
        %dma_start3A_976 = tpu.memref_slice %arg6[%dma_start3A_973, %dma_start3A_974, %dma_start3A_975] : memref<2x320x64xf32, #tpu.memory_space<vmem>> -> memref<1x64x64xf32, #tpu.memory_space<vmem>>
        %dma_start3A_977 = tpu.memref_squeeze %dma_start3A_976 : memref<1x64x64xf32, #tpu.memory_space<vmem>> -> memref<64x64xf32, #tpu.memory_space<vmem>>
        %dma_start3A_978 = arith.constant 0 : i32
        %dma_start3A_979 = tpu.memref_slice %arg5[%dma_start3A_971, %dma_start3A_972, %dma_start3A_978] : memref<2x5x64xi32, #tpu.memory_space<vmem>> -> memref<1x1x64xi32, #tpu.memory_space<vmem>>
        %dma_start3A_980 = tpu.memref_squeeze %dma_start3A_979 : memref<1x1x64xi32, #tpu.memory_space<vmem>> -> memref<64xi32, #tpu.memory_space<vmem>>
        %dma_start3A_981 = arith.constant 0 : i32
        %dma_start3A_982 = arith.constant 0 : i32
        %dma_start3A_983 = tpu.memref_slice %arg2[%dma_start3A_981, %dma_start3A_982] : memref<2600000x64xf32, #tpu.memory_space<hbm>> -> memref<2600000x64xf32, #tpu.memory_space<hbm>>
        tpu.enqueue_indirect_dma source(%dma_start3A_983 : memref<2600000x64xf32, #tpu.memory_space<hbm>>) target(%dma_start3A_977 : memref<64x64xf32, #tpu.memory_space<vmem>>) offsets(%dma_start3A_980 : memref<64xi32, #tpu.memory_space<vmem>>) semaphore(%arg10 : memref<!tpu.dma_semaphore, #tpu.memory_space<semaphore_mem>>)
        %dma_start3A_984 = arith.constant 0 : i32
        %dma_start3A_985 = arith.constant 4 : i32
        %dma_start3A_986 = arith.constant 0 : i32
        %dma_start3A_987 = arith.constant 256 : i32
        %dma_start3A_988 = arith.constant 0 : i32
        %dma_start3A_989 = tpu.memref_slice %arg6[%dma_start3A_986, %dma_start3A_987, %dma_start3A_988] : memref<2x320x64xf32, #tpu.memory_space<vmem>> -> memref<1x64x64xf32, #tpu.memory_space<vmem>>
        %dma_start3A_990 = tpu.memref_squeeze %dma_start3A_989 : memref<1x64x64xf32, #tpu.memory_space<vmem>> -> memref<64x64xf32, #tpu.memory_space<vmem>>
        %dma_start3A_991 = arith.constant 0 : i32
        %dma_start3A_992 = tpu.memref_slice %arg5[%dma_start3A_984, %dma_start3A_985, %dma_start3A_991] : memref<2x5x64xi32, #tpu.memory_space<vmem>> -> memref<1x1x64xi32, #tpu.memory_space<vmem>>
        %dma_start3A_993 = tpu.memref_squeeze %dma_start3A_992 : memref<1x1x64xi32, #tpu.memory_space<vmem>> -> memref<64xi32, #tpu.memory_space<vmem>>
        %dma_start3A_994 = arith.constant 0 : i32
        %dma_start3A_995 = arith.constant 0 : i32
        %dma_start3A_996 = tpu.memref_slice %arg2[%dma_start3A_994, %dma_start3A_995] : memref<2600000x64xf32, #tpu.memory_space<hbm>> -> memref<2600000x64xf32, #tpu.memory_space<hbm>>
        tpu.enqueue_indirect_dma source(%dma_start3A_996 : memref<2600000x64xf32, #tpu.memory_space<hbm>>) target(%dma_start3A_990 : memref<64x64xf32, #tpu.memory_space<vmem>>) offsets(%dma_start3A_993 : memref<64xi32, #tpu.memory_space<vmem>>) semaphore(%arg10 : memref<!tpu.dma_semaphore, #tpu.memory_space<semaphore_mem>>)
      } else {
      }
      %dma_wait3A_524 = arith.constant 1 : i32
      %dma_wait3A_525 = arith.constant 0 : i32
      %dma_wait3A_526 = arith.constant 0 : i32
      %dma_wait3A_527 = tpu.memref_slice %arg6[%dma_wait3A_524, %dma_wait3A_525, %dma_wait3A_526] : memref<2x320x64xf32, #tpu.memory_space<vmem>> -> memref<1x320x64xf32, #tpu.memory_space<vmem>>
      %dma_wait3A_528 = tpu.memref_squeeze %dma_wait3A_527 : memref<1x320x64xf32, #tpu.memory_space<vmem>> -> memref<320x64xf32, #tpu.memory_space<vmem>>
      %dma_wait3A_529 = arith.constant 0 : i32
      %dma_wait3A_530 = arith.constant 0 : i32
      %dma_wait3A_531 = tpu.memref_slice %arg2[%dma_wait3A_529, %dma_wait3A_530] : memref<2600000x64xf32, #tpu.memory_space<hbm>> -> memref<320x64xf32, #tpu.memory_space<hbm>>
      %dma_wait3A_532 = arith.constant 0 : i32
      %dma_wait3A_533 = arith.constant 0 : i32
      %dma_wait3A_534 = tpu.memref_slice %arg6[%dma_wait3A_524, %dma_wait3A_532, %dma_wait3A_533] : memref<2x320x64xf32, #tpu.memory_space<vmem>> -> memref<1x320x64xf32, #tpu.memory_space<vmem>>
      %dma_wait3A_535 = tpu.memref_squeeze %dma_wait3A_534 : memref<1x320x64xf32, #tpu.memory_space<vmem>> -> memref<320x64xf32, #tpu.memory_space<vmem>>
      %dma_wait3A_536 = arith.constant 0 : i32
      %dma_wait3A_537 = arith.constant 0 : i32
      %dma_wait3A_538 = tpu.memref_slice %arg2[%dma_wait3A_536, %dma_wait3A_537] : memref<2600000x64xf32, #tpu.memory_space<hbm>> -> memref<320x64xf32, #tpu.memory_space<hbm>>
      tpu.wait_dma2 semaphore(%arg11 : memref<!tpu.dma_semaphore, #tpu.memory_space<semaphore_mem>>) src(%dma_wait3A_538 : memref<320x64xf32, #tpu.memory_space<hbm>>) dst(%dma_wait3A_535 : memref<320x64xf32, #tpu.memory_space<vmem>>)
      %add3A_539 = arith.constant 2 : i32
      %add3A_540 = arith.addi %add3A_516, %add3A_539 : i32
      %lt3A_541 = arith.constant 208 : i32
      %lt3A_542 = arith.cmpi slt, %add3A_540, %lt3A_541 : i32
      %convert_element_type3A_543 = arith.extui %lt3A_542 : i1 to i32
      %cond3A_544 = arith.constant 0 : i32
      %cond3A_545 = arith.cmpi ne, %convert_element_type3A_543, %cond3A_544 : i32
      scf.if %cond3A_545 {
        %add3A_585 = arith.constant 2 : i32
        %add3A_586 = arith.addi %add3A_516, %add3A_585 : i32
        %jit3A_587 = arith.constant 26 : i32
        %div3A_588 = arith.divsi %add3A_586, %jit3A_587 : i32
        %sign3A_589 = arith.constant 0 : i32
        %sign3A_590 = arith.cmpi sgt, %add3A_586, %sign3A_589 : i32
        %sign3A_591 = arith.extui %sign3A_590 : i1 to i32
        %sign3A_592 = arith.constant 0 : i32
        %sign3A_593 = arith.cmpi slt, %add3A_586, %sign3A_592 : i32
        %sign3A_594 = arith.extui %sign3A_593 : i1 to i32
        %sign3A_595 = arith.subi %sign3A_591, %sign3A_594 : i32
        %sign3A_596 = arith.constant 0 : i32
        %sign3A_597 = arith.cmpi sgt, %jit3A_587, %sign3A_596 : i32
        %sign3A_598 = arith.extui %sign3A_597 : i1 to i32
        %sign3A_599 = arith.constant 0 : i32
        %sign3A_600 = arith.cmpi slt, %jit3A_587, %sign3A_599 : i32
        %sign3A_601 = arith.extui %sign3A_600 : i1 to i32
        %sign3A_602 = arith.subi %sign3A_598, %sign3A_601 : i32
        %ne3A_603 = arith.cmpi ne, %sign3A_595, %sign3A_602 : i32
        %rem3A_604 = arith.remsi %add3A_586, %jit3A_587 : i32
        %ne3A_605 = arith.constant 0 : i32
        %ne3A_606 = arith.cmpi ne, %rem3A_604, %ne3A_605 : i32
        %and3A_607 = arith.andi %ne3A_603, %ne3A_606 : i1
        %sub3A_608 = arith.constant 1 : i32
        %sub3A_609 = arith.subi %div3A_588, %sub3A_608 : i32
        %select_n3A_610 = arith.select %and3A_607, %sub3A_609, %div3A_588 : i32
        %rem3A_611 = arith.constant 26 : i32
        %rem3A_612 = arith.remsi %add3A_586, %rem3A_611 : i32
        %dma_start3A_613 = arith.constant 1 : i32
        %dma_start3A_614 = arith.constant 0 : i32
        %dma_start3A_615 = arith.constant 0 : i32
        %dma_start3A_616 = tpu.memref_slice %arg5[%dma_start3A_613, %dma_start3A_614, %dma_start3A_615] : memref<2x5x64xi32, #tpu.memory_space<vmem>> -> memref<1x5x64xi32, #tpu.memory_space<vmem>>
        %dma_start3A_617 = tpu.memref_squeeze %dma_start3A_616 : memref<1x5x64xi32, #tpu.memory_space<vmem>> -> memref<5x64xi32, #tpu.memory_space<vmem>>
        %dma_start3A_618 = arith.constant 0 : i32
        %dma_start3A_619 = arith.constant 0 : i32
        %dma_start3A_620 = tpu.memref_slice %arg3[%rem3A_612, %add3A, %select_n3A_610, %dma_start3A_618, %dma_start3A_619] : memref<26x32x8x5x64xi32, #tpu.memory_space<hbm>> -> memref<1x1x1x5x64xi32, #tpu.memory_space<hbm>>
        %dma_start3A_621 = tpu.memref_squeeze %dma_start3A_620 : memref<1x1x1x5x64xi32, #tpu.memory_space<hbm>> -> memref<5x64xi32, #tpu.memory_space<hbm>>
        %dma_start3A_622 = arith.constant 0 : i32
        %dma_start3A_623 = arith.constant 0 : i32
        %dma_start3A_624 = tpu.memref_slice %arg5[%dma_start3A_613, %dma_start3A_622, %dma_start3A_623] : memref<2x5x64xi32, #tpu.memory_space<vmem>> -> memref<1x5x64xi32, #tpu.memory_space<vmem>>
        %dma_start3A_625 = tpu.memref_squeeze %dma_start3A_624 : memref<1x5x64xi32, #tpu.memory_space<vmem>> -> memref<5x64xi32, #tpu.memory_space<vmem>>
        %dma_start3A_626 = arith.constant 0 : i32
        %dma_start3A_627 = arith.constant 0 : i32
        %dma_start3A_628 = tpu.memref_slice %arg3[%rem3A_612, %add3A, %select_n3A_610, %dma_start3A_626, %dma_start3A_627] : memref<26x32x8x5x64xi32, #tpu.memory_space<hbm>> -> memref<1x1x1x5x64xi32, #tpu.memory_space<hbm>>
        %dma_start3A_629 = tpu.memref_squeeze %dma_start3A_628 : memref<1x1x1x5x64xi32, #tpu.memory_space<hbm>> -> memref<5x64xi32, #tpu.memory_space<hbm>>
        tpu.enqueue_dma source(%dma_start3A_629 : memref<5x64xi32, #tpu.memory_space<hbm>>) target(%dma_start3A_625 : memref<5x64xi32, #tpu.memory_space<vmem>>) target_semaphore(%arg9 : memref<!tpu.dma_semaphore, #tpu.memory_space<semaphore_mem>>)
      } else {
      }
      %jit3A_546 = arith.constant 26 : i32
      %div3A_547 = arith.divsi %add3A_516, %jit3A_546 : i32
      %sign3A_548 = arith.constant 0 : i32
      %sign3A_549 = arith.cmpi sgt, %add3A_516, %sign3A_548 : i32
      %sign3A_550 = arith.extui %sign3A_549 : i1 to i32
      %sign3A_551 = arith.constant 0 : i32
      %sign3A_552 = arith.cmpi slt, %add3A_516, %sign3A_551 : i32
      %sign3A_553 = arith.extui %sign3A_552 : i1 to i32
      %sign3A_554 = arith.subi %sign3A_550, %sign3A_553 : i32
      %sign3A_555 = arith.constant 0 : i32
      %sign3A_556 = arith.cmpi sgt, %jit3A_546, %sign3A_555 : i32
      %sign3A_557 = arith.extui %sign3A_556 : i1 to i32
      %sign3A_558 = arith.constant 0 : i32
      %sign3A_559 = arith.cmpi slt, %jit3A_546, %sign3A_558 : i32
      %sign3A_560 = arith.extui %sign3A_559 : i1 to i32
      %sign3A_561 = arith.subi %sign3A_557, %sign3A_560 : i32
      %ne3A_562 = arith.cmpi ne, %sign3A_554, %sign3A_561 : i32
      %rem3A_563 = arith.remsi %add3A_516, %jit3A_546 : i32
      %ne3A_564 = arith.constant 0 : i32
      %ne3A_565 = arith.cmpi ne, %rem3A_563, %ne3A_564 : i32
      %and3A_566 = arith.andi %ne3A_562, %ne3A_565 : i1
      %sub3A_567 = arith.constant 1 : i32
      %sub3A_568 = arith.subi %div3A_547, %sub3A_567 : i32
      %select_n3A_569 = arith.select %and3A_566, %sub3A_568, %div3A_547 : i32
      %rem3A_570 = arith.constant 26 : i32
      %rem3A_571 = arith.remsi %add3A_516, %rem3A_570 : i32
      %mul3A_572 = arith.constant 64 : i32
      %mul3A_573 = arith.muli %rem3A_571, %mul3A_572 : i32
      %scan3A_574 = arith.constant 0 : i32
      %scan3A_575 = arith.constant 0 : i32
      %scan3A_576 = arith.constant 16 : i32
      %scan3A_577 = arith.addi %scan3A_575, %scan3A_576 : i32
      %scan3A_578 = arith.constant 1 : i32
      scf.for %scan3A_585 = %scan3A_575 to %scan3A_577 step %scan3A_578  : i32 {
        %mul3A_586 = arith.constant 20 : i32
        %mul3A_587 = arith.muli %scan3A_585, %mul3A_586 : i32
        %get3A_588 = arith.constant 1 : i32
        %get3A_589 = arith.index_cast %get3A_588 : i32 to index
        %get3A_590 = arith.index_cast %mul3A_587 : i32 to index
        %get3A_591 = arith.constant 0 : index
        %get3A_592 = tpu.vector_load %arg6[%get3A_589, %get3A_590, %get3A_591] {strides = array<i32>} : memref<2x320x64xf32, #tpu.memory_space<vmem>>, vector<1x1x16xf32>,
        %get3A_593 = vector.shape_cast %get3A_592 : vector<1x1x16xf32> to vector<16xf32>
        %add3A_594 = arith.constant 1 : i32
        %add3A_595 = arith.addi %mul3A_587, %add3A_594 : i32
        %get3A_596 = arith.constant 1 : i32
        %get3A_597 = arith.index_cast %get3A_596 : i32 to index
        %get3A_598 = arith.index_cast %add3A_595 : i32 to index
        %get3A_599 = arith.constant 0 : index
        %get3A_600 = tpu.vector_load %arg6[%get3A_597, %get3A_598, %get3A_599] {strides = array<i32>} : memref<2x320x64xf32, #tpu.memory_space<vmem>>, vector<1x1x16xf32>,
        %get3A_601 = vector.shape_cast %get3A_600 : vector<1x1x16xf32> to vector<16xf32>
        %add3A_602 = arith.addf %get3A_593, %get3A_601 : vector<16xf32>
        %add3A_603 = arith.constant 2 : i32
        %add3A_604 = arith.addi %mul3A_587, %add3A_603 : i32
        %get3A_605 = arith.constant 1 : i32
        %get3A_606 = arith.index_cast %get3A_605 : i32 to index
        %get3A_607 = arith.index_cast %add3A_604 : i32 to index
        %get3A_608 = arith.constant 0 : index
        %get3A_609 = tpu.vector_load %arg6[%get3A_606, %get3A_607, %get3A_608] {strides = array<i32>} : memref<2x320x64xf32, #tpu.memory_space<vmem>>, vector<1x1x16xf32>,
        %get3A_610 = vector.shape_cast %get3A_609 : vector<1x1x16xf32> to vector<16xf32>
        %add3A_611 = arith.addf %add3A_602, %get3A_610 : vector<16xf32>
        %add3A_612 = arith.constant 3 : i32
        %add3A_613 = arith.addi %mul3A_587, %add3A_612 : i32
        %get3A_614 = arith.constant 1 : i32
        %get3A_615 = arith.index_cast %get3A_614 : i32 to index
        %get3A_616 = arith.index_cast %add3A_613 : i32 to index
        %get3A_617 = arith.constant 0 : index
        %get3A_618 = tpu.vector_load %arg6[%get3A_615, %get3A_616, %get3A_617] {strides = array<i32>} : memref<2x320x64xf32, #tpu.memory_space<vmem>>, vector<1x1x16xf32>,
        %get3A_619 = vector.shape_cast %get3A_618 : vector<1x1x16xf32> to vector<16xf32>
        %add3A_620 = arith.addf %add3A_611, %get3A_619 : vector<16xf32>
        %add3A_621 = arith.constant 4 : i32
        %add3A_622 = arith.addi %mul3A_587, %add3A_621 : i32
        %get3A_623 = arith.constant 1 : i32
        %get3A_624 = arith.index_cast %get3A_623 : i32 to index
        %get3A_625 = arith.index_cast %add3A_622 : i32 to index
        %get3A_626 = arith.constant 0 : index
        %get3A_627 = tpu.vector_load %arg6[%get3A_624, %get3A_625, %get3A_626] {strides = array<i32>} : memref<2x320x64xf32, #tpu.memory_space<vmem>>, vector<1x1x16xf32>,
        %get3A_628 = vector.shape_cast %get3A_627 : vector<1x1x16xf32> to vector<16xf32>
        %add3A_629 = arith.addf %add3A_620, %get3A_628 : vector<16xf32>
        %add3A_630 = arith.constant 5 : i32
        %add3A_631 = arith.addi %mul3A_587, %add3A_630 : i32
        %get3A_632 = arith.constant 1 : i32
        %get3A_633 = arith.index_cast %get3A_632 : i32 to index
        %get3A_634 = arith.index_cast %add3A_631 : i32 to index
        %get3A_635 = arith.constant 0 : index
        %get3A_636 = tpu.vector_load %arg6[%get3A_633, %get3A_634, %get3A_635] {strides = array<i32>} : memref<2x320x64xf32, #tpu.memory_space<vmem>>, vector<1x1x16xf32>,
        %get3A_637 = vector.shape_cast %get3A_636 : vector<1x1x16xf32> to vector<16xf32>
        %add3A_638 = arith.addf %add3A_629, %get3A_637 : vector<16xf32>
        %add3A_639 = arith.constant 6 : i32
        %add3A_640 = arith.addi %mul3A_587, %add3A_639 : i32
        %get3A_641 = arith.constant 1 : i32
        %get3A_642 = arith.index_cast %get3A_641 : i32 to index
        %get3A_643 = arith.index_cast %add3A_640 : i32 to index
        %get3A_644 = arith.constant 0 : index
        %get3A_645 = tpu.vector_load %arg6[%get3A_642, %get3A_643, %get3A_644] {strides = array<i32>} : memref<2x320x64xf32, #tpu.memory_space<vmem>>, vector<1x1x16xf32>,
        %get3A_646 = vector.shape_cast %get3A_645 : vector<1x1x16xf32> to vector<16xf32>
        %add3A_647 = arith.addf %add3A_638, %get3A_646 : vector<16xf32>
        %add3A_648 = arith.constant 7 : i32
        %add3A_649 = arith.addi %mul3A_587, %add3A_648 : i32
        %get3A_650 = arith.constant 1 : i32
        %get3A_651 = arith.index_cast %get3A_650 : i32 to index
        %get3A_652 = arith.index_cast %add3A_649 : i32 to index
        %get3A_653 = arith.constant 0 : index
        %get3A_654 = tpu.vector_load %arg6[%get3A_651, %get3A_652, %get3A_653] {strides = array<i32>} : memref<2x320x64xf32, #tpu.memory_space<vmem>>, vector<1x1x16xf32>,
        %get3A_655 = vector.shape_cast %get3A_654 : vector<1x1x16xf32> to vector<16xf32>
        %add3A_656 = arith.addf %add3A_647, %get3A_655 : vector<16xf32>
        %add3A_657 = arith.constant 8 : i32
        %add3A_658 = arith.addi %mul3A_587, %add3A_657 : i32
        %get3A_659 = arith.constant 1 : i32
        %get3A_660 = arith.index_cast %get3A_659 : i32 to index
        %get3A_661 = arith.index_cast %add3A_658 : i32 to index
        %get3A_662 = arith.constant 0 : index
        %get3A_663 = tpu.vector_load %arg6[%get3A_660, %get3A_661, %get3A_662] {strides = array<i32>} : memref<2x320x64xf32, #tpu.memory_space<vmem>>, vector<1x1x16xf32>,
        %get3A_664 = vector.shape_cast %get3A_663 : vector<1x1x16xf32> to vector<16xf32>
        %add3A_665 = arith.addf %add3A_656, %get3A_664 : vector<16xf32>
        %add3A_666 = arith.constant 9 : i32
        %add3A_667 = arith.addi %mul3A_587, %add3A_666 : i32
        %get3A_668 = arith.constant 1 : i32
        %get3A_669 = arith.index_cast %get3A_668 : i32 to index
        %get3A_670 = arith.index_cast %add3A_667 : i32 to index
        %get3A_671 = arith.constant 0 : index
        %get3A_672 = tpu.vector_load %arg6[%get3A_669, %get3A_670, %get3A_671] {strides = array<i32>} : memref<2x320x64xf32, #tpu.memory_space<vmem>>, vector<1x1x16xf32>,
        %get3A_673 = vector.shape_cast %get3A_672 : vector<1x1x16xf32> to vector<16xf32>
        %add3A_674 = arith.addf %add3A_665, %get3A_673 : vector<16xf32>
        %add3A_675 = arith.constant 10 : i32
        %add3A_676 = arith.addi %mul3A_587, %add3A_675 : i32
        %get3A_677 = arith.constant 1 : i32
        %get3A_678 = arith.index_cast %get3A_677 : i32 to index
        %get3A_679 = arith.index_cast %add3A_676 : i32 to index
        %get3A_680 = arith.constant 0 : index
        %get3A_681 = tpu.vector_load %arg6[%get3A_678, %get3A_679, %get3A_680] {strides = array<i32>} : memref<2x320x64xf32, #tpu.memory_space<vmem>>, vector<1x1x16xf32>,
        %get3A_682 = vector.shape_cast %get3A_681 : vector<1x1x16xf32> to vector<16xf32>
        %add3A_683 = arith.addf %add3A_674, %get3A_682 : vector<16xf32>
        %add3A_684 = arith.constant 11 : i32
        %add3A_685 = arith.addi %mul3A_587, %add3A_684 : i32
        %get3A_686 = arith.constant 1 : i32
        %get3A_687 = arith.index_cast %get3A_686 : i32 to index
        %get3A_688 = arith.index_cast %add3A_685 : i32 to index
        %get3A_689 = arith.constant 0 : index
        %get3A_690 = tpu.vector_load %arg6[%get3A_687, %get3A_688, %get3A_689] {strides = array<i32>} : memref<2x320x64xf32, #tpu.memory_space<vmem>>, vector<1x1x16xf32>,
        %get3A_691 = vector.shape_cast %get3A_690 : vector<1x1x16xf32> to vector<16xf32>
        %add3A_692 = arith.addf %add3A_683, %get3A_691 : vector<16xf32>
        %add3A_693 = arith.constant 12 : i32
        %add3A_694 = arith.addi %mul3A_587, %add3A_693 : i32
        %get3A_695 = arith.constant 1 : i32
        %get3A_696 = arith.index_cast %get3A_695 : i32 to index
        %get3A_697 = arith.index_cast %add3A_694 : i32 to index
        %get3A_698 = arith.constant 0 : index
        %get3A_699 = tpu.vector_load %arg6[%get3A_696, %get3A_697, %get3A_698] {strides = array<i32>} : memref<2x320x64xf32, #tpu.memory_space<vmem>>, vector<1x1x16xf32>,
        %get3A_700 = vector.shape_cast %get3A_699 : vector<1x1x16xf32> to vector<16xf32>
        %add3A_701 = arith.addf %add3A_692, %get3A_700 : vector<16xf32>
        %add3A_702 = arith.constant 13 : i32
        %add3A_703 = arith.addi %mul3A_587, %add3A_702 : i32
        %get3A_704 = arith.constant 1 : i32
        %get3A_705 = arith.index_cast %get3A_704 : i32 to index
        %get3A_706 = arith.index_cast %add3A_703 : i32 to index
        %get3A_707 = arith.constant 0 : index
        %get3A_708 = tpu.vector_load %arg6[%get3A_705, %get3A_706, %get3A_707] {strides = array<i32>} : memref<2x320x64xf32, #tpu.memory_space<vmem>>, vector<1x1x16xf32>,
        %get3A_709 = vector.shape_cast %get3A_708 : vector<1x1x16xf32> to vector<16xf32>
        %add3A_710 = arith.addf %add3A_701, %get3A_709 : vector<16xf32>
        %add3A_711 = arith.constant 14 : i32
        %add3A_712 = arith.addi %mul3A_587, %add3A_711 : i32
        %get3A_713 = arith.constant 1 : i32
        %get3A_714 = arith.index_cast %get3A_713 : i32 to index
        %get3A_715 = arith.index_cast %add3A_712 : i32 to index
        %get3A_716 = arith.constant 0 : index
        %get3A_717 = tpu.vector_load %arg6[%get3A_714, %get3A_715, %get3A_716] {strides = array<i32>} : memref<2x320x64xf32, #tpu.memory_space<vmem>>, vector<1x1x16xf32>,
        %get3A_718 = vector.shape_cast %get3A_717 : vector<1x1x16xf32> to vector<16xf32>
        %add3A_719 = arith.addf %add3A_710, %get3A_718 : vector<16xf32>
        %add3A_720 = arith.constant 15 : i32
        %add3A_721 = arith.addi %mul3A_587, %add3A_720 : i32
        %get3A_722 = arith.constant 1 : i32
        %get3A_723 = arith.index_cast %get3A_722 : i32 to index
        %get3A_724 = arith.index_cast %add3A_721 : i32 to index
        %get3A_725 = arith.constant 0 : index
        %get3A_726 = tpu.vector_load %arg6[%get3A_723, %get3A_724, %get3A_725] {strides = array<i32>} : memref<2x320x64xf32, #tpu.memory_space<vmem>>, vector<1x1x16xf32>,
        %get3A_727 = vector.shape_cast %get3A_726 : vector<1x1x16xf32> to vector<16xf32>
        %add3A_728 = arith.addf %add3A_719, %get3A_727 : vector<16xf32>
        %add3A_729 = arith.constant 16 : i32
        %add3A_730 = arith.addi %mul3A_587, %add3A_729 : i32
        %get3A_731 = arith.constant 1 : i32
        %get3A_732 = arith.index_cast %get3A_731 : i32 to index
        %get3A_733 = arith.index_cast %add3A_730 : i32 to index
        %get3A_734 = arith.constant 0 : index
        %get3A_735 = tpu.vector_load %arg6[%get3A_732, %get3A_733, %get3A_734] {strides = array<i32>} : memref<2x320x64xf32, #tpu.memory_space<vmem>>, vector<1x1x16xf32>,
        %get3A_736 = vector.shape_cast %get3A_735 : vector<1x1x16xf32> to vector<16xf32>
        %add3A_737 = arith.addf %add3A_728, %get3A_736 : vector<16xf32>
        %add3A_738 = arith.constant 17 : i32
        %add3A_739 = arith.addi %mul3A_587, %add3A_738 : i32
        %get3A_740 = arith.constant 1 : i32
        %get3A_741 = arith.index_cast %get3A_740 : i32 to index
        %get3A_742 = arith.index_cast %add3A_739 : i32 to index
        %get3A_743 = arith.constant 0 : index
        %get3A_744 = tpu.vector_load %arg6[%get3A_741, %get3A_742, %get3A_743] {strides = array<i32>} : memref<2x320x64xf32, #tpu.memory_space<vmem>>, vector<1x1x16xf32>,
        %get3A_745 = vector.shape_cast %get3A_744 : vector<1x1x16xf32> to vector<16xf32>
        %add3A_746 = arith.addf %add3A_737, %get3A_745 : vector<16xf32>
        %add3A_747 = arith.constant 18 : i32
        %add3A_748 = arith.addi %mul3A_587, %add3A_747 : i32
        %get3A_749 = arith.constant 1 : i32
        %get3A_750 = arith.index_cast %get3A_749 : i32 to index
        %get3A_751 = arith.index_cast %add3A_748 : i32 to index
        %get3A_752 = arith.constant 0 : index
        %get3A_753 = tpu.vector_load %arg6[%get3A_750, %get3A_751, %get3A_752] {strides = array<i32>} : memref<2x320x64xf32, #tpu.memory_space<vmem>>, vector<1x1x16xf32>,
        %get3A_754 = vector.shape_cast %get3A_753 : vector<1x1x16xf32> to vector<16xf32>
        %add3A_755 = arith.addf %add3A_746, %get3A_754 : vector<16xf32>
        %add3A_756 = arith.constant 19 : i32
        %add3A_757 = arith.addi %mul3A_587, %add3A_756 : i32
        %get3A_758 = arith.constant 1 : i32
        %get3A_759 = arith.index_cast %get3A_758 : i32 to index
        %get3A_760 = arith.index_cast %add3A_757 : i32 to index
        %get3A_761 = arith.constant 0 : index
        %get3A_762 = tpu.vector_load %arg6[%get3A_759, %get3A_760, %get3A_761] {strides = array<i32>} : memref<2x320x64xf32, #tpu.memory_space<vmem>>, vector<1x1x16xf32>,
        %get3A_763 = vector.shape_cast %get3A_762 : vector<1x1x16xf32> to vector<16xf32>
        %add3A_764 = arith.addf %add3A_755, %get3A_763 : vector<16xf32>
        %add3A_765 = arith.constant 0 : i32
        %add3A_766 = arith.addi %mul3A_573, %add3A_765 : i32
        %swap3A_767 = arith.index_cast %scan3A_585 : i32 to index
        %swap3A_768 = arith.index_cast %add3A_766 : i32 to index
        %swap3A_769 = tpu.vector_load %arg7[%swap3A_767, %swap3A_768] {strides = array<i32>} : memref<16x1664xf32, #tpu.memory_space<vmem>>, vector<1x16xf32>,
        %swap3A_770 = vector.shape_cast %swap3A_769 : vector<1x16xf32> to vector<16xf32>
        %swap3A_771 = vector.shape_cast %add3A_764 : vector<16xf32> to vector<1x16xf32>
        tpu.vector_store %arg7[%swap3A_767, %swap3A_768], %swap3A_771 {strides = array<i32>} : memref<16x1664xf32, #tpu.memory_space<vmem>>, vector<1x16xf32>,
        %get3A_772 = arith.constant 1 : i32
        %get3A_773 = arith.index_cast %get3A_772 : i32 to index
        %get3A_774 = arith.index_cast %mul3A_587 : i32 to index
        %get3A_775 = arith.constant 16 : index
        %get3A_776 = tpu.vector_load %arg6[%get3A_773, %get3A_774, %get3A_775] {strides = array<i32>} : memref<2x320x64xf32, #tpu.memory_space<vmem>>, vector<1x1x16xf32>,
        %get3A_777 = vector.shape_cast %get3A_776 : vector<1x1x16xf32> to vector<16xf32>
        %add3A_778 = arith.constant 1 : i32
        %add3A_779 = arith.addi %mul3A_587, %add3A_778 : i32
        %get3A_780 = arith.constant 1 : i32
        %get3A_781 = arith.index_cast %get3A_780 : i32 to index
        %get3A_782 = arith.index_cast %add3A_779 : i32 to index
        %get3A_783 = arith.constant 16 : index
        %get3A_784 = tpu.vector_load %arg6[%get3A_781, %get3A_782, %get3A_783] {strides = array<i32>} : memref<2x320x64xf32, #tpu.memory_space<vmem>>, vector<1x1x16xf32>,
        %get3A_785 = vector.shape_cast %get3A_784 : vector<1x1x16xf32> to vector<16xf32>
        %add3A_786 = arith.addf %get3A_777, %get3A_785 : vector<16xf32>
        %add3A_787 = arith.constant 2 : i32
        %add3A_788 = arith.addi %mul3A_587, %add3A_787 : i32
        %get3A_789 = arith.constant 1 : i32
        %get3A_790 = arith.index_cast %get3A_789 : i32 to index
        %get3A_791 = arith.index_cast %add3A_788 : i32 to index
        %get3A_792 = arith.constant 16 : index
        %get3A_793 = tpu.vector_load %arg6[%get3A_790, %get3A_791, %get3A_792] {strides = array<i32>} : memref<2x320x64xf32, #tpu.memory_space<vmem>>, vector<1x1x16xf32>,
        %get3A_794 = vector.shape_cast %get3A_793 : vector<1x1x16xf32> to vector<16xf32>
        %add3A_795 = arith.addf %add3A_786, %get3A_794 : vector<16xf32>
        %add3A_796 = arith.constant 3 : i32
        %add3A_797 = arith.addi %mul3A_587, %add3A_796 : i32
        %get3A_798 = arith.constant 1 : i32
        %get3A_799 = arith.index_cast %get3A_798 : i32 to index
        %get3A_800 = arith.index_cast %add3A_797 : i32 to index
        %get3A_801 = arith.constant 16 : index
        %get3A_802 = tpu.vector_load %arg6[%get3A_799, %get3A_800, %get3A_801] {strides = array<i32>} : memref<2x320x64xf32, #tpu.memory_space<vmem>>, vector<1x1x16xf32>,
        %get3A_803 = vector.shape_cast %get3A_802 : vector<1x1x16xf32> to vector<16xf32>
        %add3A_804 = arith.addf %add3A_795, %get3A_803 : vector<16xf32>
        %add3A_805 = arith.constant 4 : i32
        %add3A_806 = arith.addi %mul3A_587, %add3A_805 : i32
        %get3A_807 = arith.constant 1 : i32
        %get3A_808 = arith.index_cast %get3A_807 : i32 to index
        %get3A_809 = arith.index_cast %add3A_806 : i32 to index
        %get3A_810 = arith.constant 16 : index
        %get3A_811 = tpu.vector_load %arg6[%get3A_808, %get3A_809, %get3A_810] {strides = array<i32>} : memref<2x320x64xf32, #tpu.memory_space<vmem>>, vector<1x1x16xf32>,
        %get3A_812 = vector.shape_cast %get3A_811 : vector<1x1x16xf32> to vector<16xf32>
        %add3A_813 = arith.addf %add3A_804, %get3A_812 : vector<16xf32>
        %add3A_814 = arith.constant 5 : i32
        %add3A_815 = arith.addi %mul3A_587, %add3A_814 : i32
        %get3A_816 = arith.constant 1 : i32
        %get3A_817 = arith.index_cast %get3A_816 : i32 to index
        %get3A_818 = arith.index_cast %add3A_815 : i32 to index
        %get3A_819 = arith.constant 16 : index
        %get3A_820 = tpu.vector_load %arg6[%get3A_817, %get3A_818, %get3A_819] {strides = array<i32>} : memref<2x320x64xf32, #tpu.memory_space<vmem>>, vector<1x1x16xf32>,
        %get3A_821 = vector.shape_cast %get3A_820 : vector<1x1x16xf32> to vector<16xf32>
        %add3A_822 = arith.addf %add3A_813, %get3A_821 : vector<16xf32>
        %add3A_823 = arith.constant 6 : i32
        %add3A_824 = arith.addi %mul3A_587, %add3A_823 : i32
        %get3A_825 = arith.constant 1 : i32
        %get3A_826 = arith.index_cast %get3A_825 : i32 to index
        %get3A_827 = arith.index_cast %add3A_824 : i32 to index
        %get3A_828 = arith.constant 16 : index
        %get3A_829 = tpu.vector_load %arg6[%get3A_826, %get3A_827, %get3A_828] {strides = array<i32>} : memref<2x320x64xf32, #tpu.memory_space<vmem>>, vector<1x1x16xf32>,
        %get3A_830 = vector.shape_cast %get3A_829 : vector<1x1x16xf32> to vector<16xf32>
        %add3A_831 = arith.addf %add3A_822, %get3A_830 : vector<16xf32>
        %add3A_832 = arith.constant 7 : i32
        %add3A_833 = arith.addi %mul3A_587, %add3A_832 : i32
        %get3A_834 = arith.constant 1 : i32
        %get3A_835 = arith.index_cast %get3A_834 : i32 to index
        %get3A_836 = arith.index_cast %add3A_833 : i32 to index
        %get3A_837 = arith.constant 16 : index
        %get3A_838 = tpu.vector_load %arg6[%get3A_835, %get3A_836, %get3A_837] {strides = array<i32>} : memref<2x320x64xf32, #tpu.memory_space<vmem>>, vector<1x1x16xf32>,
        %get3A_839 = vector.shape_cast %get3A_838 : vector<1x1x16xf32> to vector<16xf32>
        %add3A_840 = arith.addf %add3A_831, %get3A_839 : vector<16xf32>
        %add3A_841 = arith.constant 8 : i32
        %add3A_842 = arith.addi %mul3A_587, %add3A_841 : i32
        %get3A_843 = arith.constant 1 : i32
        %get3A_844 = arith.index_cast %get3A_843 : i32 to index
        %get3A_845 = arith.index_cast %add3A_842 : i32 to index
        %get3A_846 = arith.constant 16 : index
        %get3A_847 = tpu.vector_load %arg6[%get3A_844, %get3A_845, %get3A_846] {strides = array<i32>} : memref<2x320x64xf32, #tpu.memory_space<vmem>>, vector<1x1x16xf32>,
        %get3A_848 = vector.shape_cast %get3A_847 : vector<1x1x16xf32> to vector<16xf32>
        %add3A_849 = arith.addf %add3A_840, %get3A_848 : vector<16xf32>
        %add3A_850 = arith.constant 9 : i32
        %add3A_851 = arith.addi %mul3A_587, %add3A_850 : i32
        %get3A_852 = arith.constant 1 : i32
        %get3A_853 = arith.index_cast %get3A_852 : i32 to index
        %get3A_854 = arith.index_cast %add3A_851 : i32 to index
        %get3A_855 = arith.constant 16 : index
        %get3A_856 = tpu.vector_load %arg6[%get3A_853, %get3A_854, %get3A_855] {strides = array<i32>} : memref<2x320x64xf32, #tpu.memory_space<vmem>>, vector<1x1x16xf32>,
        %get3A_857 = vector.shape_cast %get3A_856 : vector<1x1x16xf32> to vector<16xf32>
        %add3A_858 = arith.addf %add3A_849, %get3A_857 : vector<16xf32>
        %add3A_859 = arith.constant 10 : i32
        %add3A_860 = arith.addi %mul3A_587, %add3A_859 : i32
        %get3A_861 = arith.constant 1 : i32
        %get3A_862 = arith.index_cast %get3A_861 : i32 to index
        %get3A_863 = arith.index_cast %add3A_860 : i32 to index
        %get3A_864 = arith.constant 16 : index
        %get3A_865 = tpu.vector_load %arg6[%get3A_862, %get3A_863, %get3A_864] {strides = array<i32>} : memref<2x320x64xf32, #tpu.memory_space<vmem>>, vector<1x1x16xf32>,
        %get3A_866 = vector.shape_cast %get3A_865 : vector<1x1x16xf32> to vector<16xf32>
        %add3A_867 = arith.addf %add3A_858, %get3A_866 : vector<16xf32>
        %add3A_868 = arith.constant 11 : i32
        %add3A_869 = arith.addi %mul3A_587, %add3A_868 : i32
        %get3A_870 = arith.constant 1 : i32
        %get3A_871 = arith.index_cast %get3A_870 : i32 to index
        %get3A_872 = arith.index_cast %add3A_869 : i32 to index
        %get3A_873 = arith.constant 16 : index
        %get3A_874 = tpu.vector_load %arg6[%get3A_871, %get3A_872, %get3A_873] {strides = array<i32>} : memref<2x320x64xf32, #tpu.memory_space<vmem>>, vector<1x1x16xf32>,
        %get3A_875 = vector.shape_cast %get3A_874 : vector<1x1x16xf32> to vector<16xf32>
        %add3A_876 = arith.addf %add3A_867, %get3A_875 : vector<16xf32>
        %add3A_877 = arith.constant 12 : i32
        %add3A_878 = arith.addi %mul3A_587, %add3A_877 : i32
        %get3A_879 = arith.constant 1 : i32
        %get3A_880 = arith.index_cast %get3A_879 : i32 to index
        %get3A_881 = arith.index_cast %add3A_878 : i32 to index
        %get3A_882 = arith.constant 16 : index
        %get3A_883 = tpu.vector_load %arg6[%get3A_880, %get3A_881, %get3A_882] {strides = array<i32>} : memref<2x320x64xf32, #tpu.memory_space<vmem>>, vector<1x1x16xf32>,
        %get3A_884 = vector.shape_cast %get3A_883 : vector<1x1x16xf32> to vector<16xf32>
        %add3A_885 = arith.addf %add3A_876, %get3A_884 : vector<16xf32>
        %add3A_886 = arith.constant 13 : i32
        %add3A_887 = arith.addi %mul3A_587, %add3A_886 : i32
        %get3A_888 = arith.constant 1 : i32
        %get3A_889 = arith.index_cast %get3A_888 : i32 to index
        %get3A_890 = arith.index_cast %add3A_887 : i32 to index
        %get3A_891 = arith.constant 16 : index
        %get3A_892 = tpu.vector_load %arg6[%get3A_889, %get3A_890, %get3A_891] {strides = array<i32>} : memref<2x320x64xf32, #tpu.memory_space<vmem>>, vector<1x1x16xf32>,
        %get3A_893 = vector.shape_cast %get3A_892 : vector<1x1x16xf32> to vector<16xf32>
        %add3A_894 = arith.addf %add3A_885, %get3A_893 : vector<16xf32>
        %add3A_895 = arith.constant 14 : i32
        %add3A_896 = arith.addi %mul3A_587, %add3A_895 : i32
        %get3A_897 = arith.constant 1 : i32
        %get3A_898 = arith.index_cast %get3A_897 : i32 to index
        %get3A_899 = arith.index_cast %add3A_896 : i32 to index
        %get3A_900 = arith.constant 16 : index
        %get3A_901 = tpu.vector_load %arg6[%get3A_898, %get3A_899, %get3A_900] {strides = array<i32>} : memref<2x320x64xf32, #tpu.memory_space<vmem>>, vector<1x1x16xf32>,
        %get3A_902 = vector.shape_cast %get3A_901 : vector<1x1x16xf32> to vector<16xf32>
        %add3A_903 = arith.addf %add3A_894, %get3A_902 : vector<16xf32>
        %add3A_904 = arith.constant 15 : i32
        %add3A_905 = arith.addi %mul3A_587, %add3A_904 : i32
        %get3A_906 = arith.constant 1 : i32
        %get3A_907 = arith.index_cast %get3A_906 : i32 to index
        %get3A_908 = arith.index_cast %add3A_905 : i32 to index
        %get3A_909 = arith.constant 16 : index
        %get3A_910 = tpu.vector_load %arg6[%get3A_907, %get3A_908, %get3A_909] {strides = array<i32>} : memref<2x320x64xf32, #tpu.memory_space<vmem>>, vector<1x1x16xf32>,
        %get3A_911 = vector.shape_cast %get3A_910 : vector<1x1x16xf32> to vector<16xf32>
        %add3A_912 = arith.addf %add3A_903, %get3A_911 : vector<16xf32>
        %add3A_913 = arith.constant 16 : i32
        %add3A_914 = arith.addi %mul3A_587, %add3A_913 : i32
        %get3A_915 = arith.constant 1 : i32
        %get3A_916 = arith.index_cast %get3A_915 : i32 to index
        %get3A_917 = arith.index_cast %add3A_914 : i32 to index
        %get3A_918 = arith.constant 16 : index
        %get3A_919 = tpu.vector_load %arg6[%get3A_916, %get3A_917, %get3A_918] {strides = array<i32>} : memref<2x320x64xf32, #tpu.memory_space<vmem>>, vector<1x1x16xf32>,
        %get3A_920 = vector.shape_cast %get3A_919 : vector<1x1x16xf32> to vector<16xf32>
        %add3A_921 = arith.addf %add3A_912, %get3A_920 : vector<16xf32>
        %add3A_922 = arith.constant 17 : i32
        %add3A_923 = arith.addi %mul3A_587, %add3A_922 : i32
        %get3A_924 = arith.constant 1 : i32
        %get3A_925 = arith.index_cast %get3A_924 : i32 to index
        %get3A_926 = arith.index_cast %add3A_923 : i32 to index
        %get3A_927 = arith.constant 16 : index
        %get3A_928 = tpu.vector_load %arg6[%get3A_925, %get3A_926, %get3A_927] {strides = array<i32>} : memref<2x320x64xf32, #tpu.memory_space<vmem>>, vector<1x1x16xf32>,
        %get3A_929 = vector.shape_cast %get3A_928 : vector<1x1x16xf32> to vector<16xf32>
        %add3A_930 = arith.addf %add3A_921, %get3A_929 : vector<16xf32>
        %add3A_931 = arith.constant 18 : i32
        %add3A_932 = arith.addi %mul3A_587, %add3A_931 : i32
        %get3A_933 = arith.constant 1 : i32
        %get3A_934 = arith.index_cast %get3A_933 : i32 to index
        %get3A_935 = arith.index_cast %add3A_932 : i32 to index
        %get3A_936 = arith.constant 16 : index
        %get3A_937 = tpu.vector_load %arg6[%get3A_934, %get3A_935, %get3A_936] {strides = array<i32>} : memref<2x320x64xf32, #tpu.memory_space<vmem>>, vector<1x1x16xf32>,
        %get3A_938 = vector.shape_cast %get3A_937 : vector<1x1x16xf32> to vector<16xf32>
        %add3A_939 = arith.addf %add3A_930, %get3A_938 : vector<16xf32>
        %add3A_940 = arith.constant 19 : i32
        %add3A_941 = arith.addi %mul3A_587, %add3A_940 : i32
        %get3A_942 = arith.constant 1 : i32
        %get3A_943 = arith.index_cast %get3A_942 : i32 to index
        %get3A_944 = arith.index_cast %add3A_941 : i32 to index
        %get3A_945 = arith.constant 16 : index
        %get3A_946 = tpu.vector_load %arg6[%get3A_943, %get3A_944, %get3A_945] {strides = array<i32>} : memref<2x320x64xf32, #tpu.memory_space<vmem>>, vector<1x1x16xf32>,
        %get3A_947 = vector.shape_cast %get3A_946 : vector<1x1x16xf32> to vector<16xf32>
        %add3A_948 = arith.addf %add3A_939, %get3A_947 : vector<16xf32>
        %add3A_949 = arith.constant 16 : i32
        %add3A_950 = arith.addi %mul3A_573, %add3A_949 : i32
        %swap3A_951 = arith.index_cast %scan3A_585 : i32 to index
        %swap3A_952 = arith.index_cast %add3A_950 : i32 to index
        %swap3A_953 = tpu.vector_load %arg7[%swap3A_951, %swap3A_952] {strides = array<i32>} : memref<16x1664xf32, #tpu.memory_space<vmem>>, vector<1x16xf32>,
        %swap3A_954 = vector.shape_cast %swap3A_953 : vector<1x16xf32> to vector<16xf32>
        %swap3A_955 = vector.shape_cast %add3A_948 : vector<16xf32> to vector<1x16xf32>
        tpu.vector_store %arg7[%swap3A_951, %swap3A_952], %swap3A_955 {strides = array<i32>} : memref<16x1664xf32, #tpu.memory_space<vmem>>, vector<1x16xf32>,
        %get3A_956 = arith.constant 1 : i32
        %get3A_957 = arith.index_cast %get3A_956 : i32 to index
        %get3A_958 = arith.index_cast %mul3A_587 : i32 to index
        %get3A_959 = arith.constant 32 : index
        %get3A_960 = tpu.vector_load %arg6[%get3A_957, %get3A_958, %get3A_959] {strides = array<i32>} : memref<2x320x64xf32, #tpu.memory_space<vmem>>, vector<1x1x16xf32>,
        %get3A_961 = vector.shape_cast %get3A_960 : vector<1x1x16xf32> to vector<16xf32>
        %add3A_962 = arith.constant 1 : i32
        %add3A_963 = arith.addi %mul3A_587, %add3A_962 : i32
        %get3A_964 = arith.constant 1 : i32
        %get3A_965 = arith.index_cast %get3A_964 : i32 to index
        %get3A_966 = arith.index_cast %add3A_963 : i32 to index
        %get3A_967 = arith.constant 32 : index
        %get3A_968 = tpu.vector_load %arg6[%get3A_965, %get3A_966, %get3A_967] {strides = array<i32>} : memref<2x320x64xf32, #tpu.memory_space<vmem>>, vector<1x1x16xf32>,
        %get3A_969 = vector.shape_cast %get3A_968 : vector<1x1x16xf32> to vector<16xf32>
        %add3A_970 = arith.addf %get3A_961, %get3A_969 : vector<16xf32>
        %add3A_971 = arith.constant 2 : i32
        %add3A_972 = arith.addi %mul3A_587, %add3A_971 : i32
        %get3A_973 = arith.constant 1 : i32
        %get3A_974 = arith.index_cast %get3A_973 : i32 to index
        %get3A_975 = arith.index_cast %add3A_972 : i32 to index
        %get3A_976 = arith.constant 32 : index
        %get3A_977 = tpu.vector_load %arg6[%get3A_974, %get3A_975, %get3A_976] {strides = array<i32>} : memref<2x320x64xf32, #tpu.memory_space<vmem>>, vector<1x1x16xf32>,
        %get3A_978 = vector.shape_cast %get3A_977 : vector<1x1x16xf32> to vector<16xf32>
        %add3A_979 = arith.addf %add3A_970, %get3A_978 : vector<16xf32>
        %add3A_980 = arith.constant 3 : i32
        %add3A_981 = arith.addi %mul3A_587, %add3A_980 : i32
        %get3A_982 = arith.constant 1 : i32
        %get3A_983 = arith.index_cast %get3A_982 : i32 to index
        %get3A_984 = arith.index_cast %add3A_981 : i32 to index
        %get3A_985 = arith.constant 32 : index
        %get3A_986 = tpu.vector_load %arg6[%get3A_983, %get3A_984, %get3A_985] {strides = array<i32>} : memref<2x320x64xf32, #tpu.memory_space<vmem>>, vector<1x1x16xf32>,
        %get3A_987 = vector.shape_cast %get3A_986 : vector<1x1x16xf32> to vector<16xf32>
        %add3A_988 = arith.addf %add3A_979, %get3A_987 : vector<16xf32>
        %add3A_989 = arith.constant 4 : i32
        %add3A_990 = arith.addi %mul3A_587, %add3A_989 : i32
        %get3A_991 = arith.constant 1 : i32
        %get3A_992 = arith.index_cast %get3A_991 : i32 to index
        %get3A_993 = arith.index_cast %add3A_990 : i32 to index
        %get3A_994 = arith.constant 32 : index
        %get3A_995 = tpu.vector_load %arg6[%get3A_992, %get3A_993, %get3A_994] {strides = array<i32>} : memref<2x320x64xf32, #tpu.memory_space<vmem>>, vector<1x1x16xf32>,
        %get3A_996 = vector.shape_cast %get3A_995 : vector<1x1x16xf32> to vector<16xf32>
        %add3A_997 = arith.addf %add3A_988, %get3A_996 : vector<16xf32>
        %add3A_998 = arith.constant 5 : i32
        %add3A_999 = arith.addi %mul3A_587, %add3A_998 : i32
        %get3A_1000 = arith.constant 1 : i32
        %get3A_1001 = arith.index_cast %get3A_1000 : i32 to index
        %get3A_1002 = arith.index_cast %add3A_999 : i32 to index
        %get3A_1003 = arith.constant 32 : index
        %get3A_1004 = tpu.vector_load %arg6[%get3A_1001, %get3A_1002, %get3A_1003] {strides = array<i32>} : memref<2x320x64xf32, #tpu.memory_space<vmem>>, vector<1x1x16xf32>,
        %get3A_1005 = vector.shape_cast %get3A_1004 : vector<1x1x16xf32> to vector<16xf32>
        %add3A_1006 = arith.addf %add3A_997, %get3A_1005 : vector<16xf32>
        %add3A_1007 = arith.constant 6 : i32
        %add3A_1008 = arith.addi %mul3A_587, %add3A_1007 : i32
        %get3A_1009 = arith.constant 1 : i32
        %get3A_1010 = arith.index_cast %get3A_1009 : i32 to index
        %get3A_1011 = arith.index_cast %add3A_1008 : i32 to index
        %get3A_1012 = arith.constant 32 : index
        %get3A_1013 = tpu.vector_load %arg6[%get3A_1010, %get3A_1011, %get3A_1012] {strides = array<i32>} : memref<2x320x64xf32, #tpu.memory_space<vmem>>, vector<1x1x16xf32>,
        %get3A_1014 = vector.shape_cast %get3A_1013 : vector<1x1x16xf32> to vector<16xf32>
        %add3A_1015 = arith.addf %add3A_1006, %get3A_1014 : vector<16xf32>
        %add3A_1016 = arith.constant 7 : i32
        %add3A_1017 = arith.addi %mul3A_587, %add3A_1016 : i32
        %get3A_1018 = arith.constant 1 : i32
        %get3A_1019 = arith.index_cast %get3A_1018 : i32 to index
        %get3A_1020 = arith.index_cast %add3A_1017 : i32 to index
        %get3A_1021 = arith.constant 32 : index
        %get3A_1022 = tpu.vector_load %arg6[%get3A_1019, %get3A_1020, %get3A_1021] {strides = array<i32>} : memref<2x320x64xf32, #tpu.memory_space<vmem>>, vector<1x1x16xf32>,
        %get3A_1023 = vector.shape_cast %get3A_1022 : vector<1x1x16xf32> to vector<16xf32>
        %add3A_1024 = arith.addf %add3A_1015, %get3A_1023 : vector<16xf32>
        %add3A_1025 = arith.constant 8 : i32
        %add3A_1026 = arith.addi %mul3A_587, %add3A_1025 : i32
        %get3A_1027 = arith.constant 1 : i32
        %get3A_1028 = arith.index_cast %get3A_1027 : i32 to index
        %get3A_1029 = arith.index_cast %add3A_1026 : i32 to index
        %get3A_1030 = arith.constant 32 : index
        %get3A_1031 = tpu.vector_load %arg6[%get3A_1028, %get3A_1029, %get3A_1030] {strides = array<i32>} : memref<2x320x64xf32, #tpu.memory_space<vmem>>, vector<1x1x16xf32>,
        %get3A_1032 = vector.shape_cast %get3A_1031 : vector<1x1x16xf32> to vector<16xf32>
        %add3A_1033 = arith.addf %add3A_1024, %get3A_1032 : vector<16xf32>
        %add3A_1034 = arith.constant 9 : i32
        %add3A_1035 = arith.addi %mul3A_587, %add3A_1034 : i32
        %get3A_1036 = arith.constant 1 : i32
        %get3A_1037 = arith.index_cast %get3A_1036 : i32 to index
        %get3A_1038 = arith.index_cast %add3A_1035 : i32 to index
        %get3A_1039 = arith.constant 32 : index
        %get3A_1040 = tpu.vector_load %arg6[%get3A_1037, %get3A_1038, %get3A_1039] {strides = array<i32>} : memref<2x320x64xf32, #tpu.memory_space<vmem>>, vector<1x1x16xf32>,
        %get3A_1041 = vector.shape_cast %get3A_1040 : vector<1x1x16xf32> to vector<16xf32>
        %add3A_1042 = arith.addf %add3A_1033, %get3A_1041 : vector<16xf32>
        %add3A_1043 = arith.constant 10 : i32
        %add3A_1044 = arith.addi %mul3A_587, %add3A_1043 : i32
        %get3A_1045 = arith.constant 1 : i32
        %get3A_1046 = arith.index_cast %get3A_1045 : i32 to index
        %get3A_1047 = arith.index_cast %add3A_1044 : i32 to index
        %get3A_1048 = arith.constant 32 : index
        %get3A_1049 = tpu.vector_load %arg6[%get3A_1046, %get3A_1047, %get3A_1048] {strides = array<i32>} : memref<2x320x64xf32, #tpu.memory_space<vmem>>, vector<1x1x16xf32>,
        %get3A_1050 = vector.shape_cast %get3A_1049 : vector<1x1x16xf32> to vector<16xf32>
        %add3A_1051 = arith.addf %add3A_1042, %get3A_1050 : vector<16xf32>
        %add3A_1052 = arith.constant 11 : i32
        %add3A_1053 = arith.addi %mul3A_587, %add3A_1052 : i32
        %get3A_1054 = arith.constant 1 : i32
        %get3A_1055 = arith.index_cast %get3A_1054 : i32 to index
        %get3A_1056 = arith.index_cast %add3A_1053 : i32 to index
        %get3A_1057 = arith.constant 32 : index
        %get3A_1058 = tpu.vector_load %arg6[%get3A_1055, %get3A_1056, %get3A_1057] {strides = array<i32>} : memref<2x320x64xf32, #tpu.memory_space<vmem>>, vector<1x1x16xf32>,
        %get3A_1059 = vector.shape_cast %get3A_1058 : vector<1x1x16xf32> to vector<16xf32>
        %add3A_1060 = arith.addf %add3A_1051, %get3A_1059 : vector<16xf32>
        %add3A_1061 = arith.constant 12 : i32
        %add3A_1062 = arith.addi %mul3A_587, %add3A_1061 : i32
        %get3A_1063 = arith.constant 1 : i32
        %get3A_1064 = arith.index_cast %get3A_1063 : i32 to index
        %get3A_1065 = arith.index_cast %add3A_1062 : i32 to index
        %get3A_1066 = arith.constant 32 : index
        %get3A_1067 = tpu.vector_load %arg6[%get3A_1064, %get3A_1065, %get3A_1066] {strides = array<i32>} : memref<2x320x64xf32, #tpu.memory_space<vmem>>, vector<1x1x16xf32>,
        %get3A_1068 = vector.shape_cast %get3A_1067 : vector<1x1x16xf32> to vector<16xf32>
        %add3A_1069 = arith.addf %add3A_1060, %get3A_1068 : vector<16xf32>
        %add3A_1070 = arith.constant 13 : i32
        %add3A_1071 = arith.addi %mul3A_587, %add3A_1070 : i32
        %get3A_1072 = arith.constant 1 : i32
        %get3A_1073 = arith.index_cast %get3A_1072 : i32 to index
        %get3A_1074 = arith.index_cast %add3A_1071 : i32 to index
        %get3A_1075 = arith.constant 32 : index
        %get3A_1076 = tpu.vector_load %arg6[%get3A_1073, %get3A_1074, %get3A_1075] {strides = array<i32>} : memref<2x320x64xf32, #tpu.memory_space<vmem>>, vector<1x1x16xf32>,
        %get3A_1077 = vector.shape_cast %get3A_1076 : vector<1x1x16xf32> to vector<16xf32>
        %add3A_1078 = arith.addf %add3A_1069, %get3A_1077 : vector<16xf32>
        %add3A_1079 = arith.constant 14 : i32
        %add3A_1080 = arith.addi %mul3A_587, %add3A_1079 : i32
        %get3A_1081 = arith.constant 1 : i32
        %get3A_1082 = arith.index_cast %get3A_1081 : i32 to index
        %get3A_1083 = arith.index_cast %add3A_1080 : i32 to index
        %get3A_1084 = arith.constant 32 : index
        %get3A_1085 = tpu.vector_load %arg6[%get3A_1082, %get3A_1083, %get3A_1084] {strides = array<i32>} : memref<2x320x64xf32, #tpu.memory_space<vmem>>, vector<1x1x16xf32>,
        %get3A_1086 = vector.shape_cast %get3A_1085 : vector<1x1x16xf32> to vector<16xf32>
        %add3A_1087 = arith.addf %add3A_1078, %get3A_1086 : vector<16xf32>
        %add3A_1088 = arith.constant 15 : i32
        %add3A_1089 = arith.addi %mul3A_587, %add3A_1088 : i32
        %get3A_1090 = arith.constant 1 : i32
        %get3A_1091 = arith.index_cast %get3A_1090 : i32 to index
        %get3A_1092 = arith.index_cast %add3A_1089 : i32 to index
        %get3A_1093 = arith.constant 32 : index
        %get3A_1094 = tpu.vector_load %arg6[%get3A_1091, %get3A_1092, %get3A_1093] {strides = array<i32>} : memref<2x320x64xf32, #tpu.memory_space<vmem>>, vector<1x1x16xf32>,
        %get3A_1095 = vector.shape_cast %get3A_1094 : vector<1x1x16xf32> to vector<16xf32>
        %add3A_1096 = arith.addf %add3A_1087, %get3A_1095 : vector<16xf32>
        %add3A_1097 = arith.constant 16 : i32
        %add3A_1098 = arith.addi %mul3A_587, %add3A_1097 : i32
        %get3A_1099 = arith.constant 1 : i32
        %get3A_1100 = arith.index_cast %get3A_1099 : i32 to index
        %get3A_1101 = arith.index_cast %add3A_1098 : i32 to index
        %get3A_1102 = arith.constant 32 : index
        %get3A_1103 = tpu.vector_load %arg6[%get3A_1100, %get3A_1101, %get3A_1102] {strides = array<i32>} : memref<2x320x64xf32, #tpu.memory_space<vmem>>, vector<1x1x16xf32>,
        %get3A_1104 = vector.shape_cast %get3A_1103 : vector<1x1x16xf32> to vector<16xf32>
        %add3A_1105 = arith.addf %add3A_1096, %get3A_1104 : vector<16xf32>
        %add3A_1106 = arith.constant 17 : i32
        %add3A_1107 = arith.addi %mul3A_587, %add3A_1106 : i32
        %get3A_1108 = arith.constant 1 : i32
        %get3A_1109 = arith.index_cast %get3A_1108 : i32 to index
        %get3A_1110 = arith.index_cast %add3A_1107 : i32 to index
        %get3A_1111 = arith.constant 32 : index
        %get3A_1112 = tpu.vector_load %arg6[%get3A_1109, %get3A_1110, %get3A_1111] {strides = array<i32>} : memref<2x320x64xf32, #tpu.memory_space<vmem>>, vector<1x1x16xf32>,
        %get3A_1113 = vector.shape_cast %get3A_1112 : vector<1x1x16xf32> to vector<16xf32>
        %add3A_1114 = arith.addf %add3A_1105, %get3A_1113 : vector<16xf32>
        %add3A_1115 = arith.constant 18 : i32
        %add3A_1116 = arith.addi %mul3A_587, %add3A_1115 : i32
        %get3A_1117 = arith.constant 1 : i32
        %get3A_1118 = arith.index_cast %get3A_1117 : i32 to index
        %get3A_1119 = arith.index_cast %add3A_1116 : i32 to index
        %get3A_1120 = arith.constant 32 : index
        %get3A_1121 = tpu.vector_load %arg6[%get3A_1118, %get3A_1119, %get3A_1120] {strides = array<i32>} : memref<2x320x64xf32, #tpu.memory_space<vmem>>, vector<1x1x16xf32>,
        %get3A_1122 = vector.shape_cast %get3A_1121 : vector<1x1x16xf32> to vector<16xf32>
        %add3A_1123 = arith.addf %add3A_1114, %get3A_1122 : vector<16xf32>
        %add3A_1124 = arith.constant 19 : i32
        %add3A_1125 = arith.addi %mul3A_587, %add3A_1124 : i32
        %get3A_1126 = arith.constant 1 : i32
        %get3A_1127 = arith.index_cast %get3A_1126 : i32 to index
        %get3A_1128 = arith.index_cast %add3A_1125 : i32 to index
        %get3A_1129 = arith.constant 32 : index
        %get3A_1130 = tpu.vector_load %arg6[%get3A_1127, %get3A_1128, %get3A_1129] {strides = array<i32>} : memref<2x320x64xf32, #tpu.memory_space<vmem>>, vector<1x1x16xf32>,
        %get3A_1131 = vector.shape_cast %get3A_1130 : vector<1x1x16xf32> to vector<16xf32>
        %add3A_1132 = arith.addf %add3A_1123, %get3A_1131 : vector<16xf32>
        %add3A_1133 = arith.constant 32 : i32
        %add3A_1134 = arith.addi %mul3A_573, %add3A_1133 : i32
        %swap3A_1135 = arith.index_cast %scan3A_585 : i32 to index
        %swap3A_1136 = arith.index_cast %add3A_1134 : i32 to index
        %swap3A_1137 = tpu.vector_load %arg7[%swap3A_1135, %swap3A_1136] {strides = array<i32>} : memref<16x1664xf32, #tpu.memory_space<vmem>>, vector<1x16xf32>,
        %swap3A_1138 = vector.shape_cast %swap3A_1137 : vector<1x16xf32> to vector<16xf32>
        %swap3A_1139 = vector.shape_cast %add3A_1132 : vector<16xf32> to vector<1x16xf32>
        tpu.vector_store %arg7[%swap3A_1135, %swap3A_1136], %swap3A_1139 {strides = array<i32>} : memref<16x1664xf32, #tpu.memory_space<vmem>>, vector<1x16xf32>,
        %get3A_1140 = arith.constant 1 : i32
        %get3A_1141 = arith.index_cast %get3A_1140 : i32 to index
        %get3A_1142 = arith.index_cast %mul3A_587 : i32 to index
        %get3A_1143 = arith.constant 48 : index
        %get3A_1144 = tpu.vector_load %arg6[%get3A_1141, %get3A_1142, %get3A_1143] {strides = array<i32>} : memref<2x320x64xf32, #tpu.memory_space<vmem>>, vector<1x1x16xf32>,
        %get3A_1145 = vector.shape_cast %get3A_1144 : vector<1x1x16xf32> to vector<16xf32>
        %add3A_1146 = arith.constant 1 : i32
        %add3A_1147 = arith.addi %mul3A_587, %add3A_1146 : i32
        %get3A_1148 = arith.constant 1 : i32
        %get3A_1149 = arith.index_cast %get3A_1148 : i32 to index
        %get3A_1150 = arith.index_cast %add3A_1147 : i32 to index
        %get3A_1151 = arith.constant 48 : index
        %get3A_1152 = tpu.vector_load %arg6[%get3A_1149, %get3A_1150, %get3A_1151] {strides = array<i32>} : memref<2x320x64xf32, #tpu.memory_space<vmem>>, vector<1x1x16xf32>,
        %get3A_1153 = vector.shape_cast %get3A_1152 : vector<1x1x16xf32> to vector<16xf32>
        %add3A_1154 = arith.addf %get3A_1145, %get3A_1153 : vector<16xf32>
        %add3A_1155 = arith.constant 2 : i32
        %add3A_1156 = arith.addi %mul3A_587, %add3A_1155 : i32
        %get3A_1157 = arith.constant 1 : i32
        %get3A_1158 = arith.index_cast %get3A_1157 : i32 to index
        %get3A_1159 = arith.index_cast %add3A_1156 : i32 to index
        %get3A_1160 = arith.constant 48 : index
        %get3A_1161 = tpu.vector_load %arg6[%get3A_1158, %get3A_1159, %get3A_1160] {strides = array<i32>} : memref<2x320x64xf32, #tpu.memory_space<vmem>>, vector<1x1x16xf32>,
        %get3A_1162 = vector.shape_cast %get3A_1161 : vector<1x1x16xf32> to vector<16xf32>
        %add3A_1163 = arith.addf %add3A_1154, %get3A_1162 : vector<16xf32>
        %add3A_1164 = arith.constant 3 : i32
        %add3A_1165 = arith.addi %mul3A_587, %add3A_1164 : i32
        %get3A_1166 = arith.constant 1 : i32
        %get3A_1167 = arith.index_cast %get3A_1166 : i32 to index
        %get3A_1168 = arith.index_cast %add3A_1165 : i32 to index
        %get3A_1169 = arith.constant 48 : index
        %get3A_1170 = tpu.vector_load %arg6[%get3A_1167, %get3A_1168, %get3A_1169] {strides = array<i32>} : memref<2x320x64xf32, #tpu.memory_space<vmem>>, vector<1x1x16xf32>,
        %get3A_1171 = vector.shape_cast %get3A_1170 : vector<1x1x16xf32> to vector<16xf32>
        %add3A_1172 = arith.addf %add3A_1163, %get3A_1171 : vector<16xf32>
        %add3A_1173 = arith.constant 4 : i32
        %add3A_1174 = arith.addi %mul3A_587, %add3A_1173 : i32
        %get3A_1175 = arith.constant 1 : i32
        %get3A_1176 = arith.index_cast %get3A_1175 : i32 to index
        %get3A_1177 = arith.index_cast %add3A_1174 : i32 to index
        %get3A_1178 = arith.constant 48 : index
        %get3A_1179 = tpu.vector_load %arg6[%get3A_1176, %get3A_1177, %get3A_1178] {strides = array<i32>} : memref<2x320x64xf32, #tpu.memory_space<vmem>>, vector<1x1x16xf32>,
        %get3A_1180 = vector.shape_cast %get3A_1179 : vector<1x1x16xf32> to vector<16xf32>
        %add3A_1181 = arith.addf %add3A_1172, %get3A_1180 : vector<16xf32>
        %add3A_1182 = arith.constant 5 : i32
        %add3A_1183 = arith.addi %mul3A_587, %add3A_1182 : i32
        %get3A_1184 = arith.constant 1 : i32
        %get3A_1185 = arith.index_cast %get3A_1184 : i32 to index
        %get3A_1186 = arith.index_cast %add3A_1183 : i32 to index
        %get3A_1187 = arith.constant 48 : index
        %get3A_1188 = tpu.vector_load %arg6[%get3A_1185, %get3A_1186, %get3A_1187] {strides = array<i32>} : memref<2x320x64xf32, #tpu.memory_space<vmem>>, vector<1x1x16xf32>,
        %get3A_1189 = vector.shape_cast %get3A_1188 : vector<1x1x16xf32> to vector<16xf32>
        %add3A_1190 = arith.addf %add3A_1181, %get3A_1189 : vector<16xf32>
        %add3A_1191 = arith.constant 6 : i32
        %add3A_1192 = arith.addi %mul3A_587, %add3A_1191 : i32
        %get3A_1193 = arith.constant 1 : i32
        %get3A_1194 = arith.index_cast %get3A_1193 : i32 to index
        %get3A_1195 = arith.index_cast %add3A_1192 : i32 to index
        %get3A_1196 = arith.constant 48 : index
        %get3A_1197 = tpu.vector_load %arg6[%get3A_1194, %get3A_1195, %get3A_1196] {strides = array<i32>} : memref<2x320x64xf32, #tpu.memory_space<vmem>>, vector<1x1x16xf32>,
        %get3A_1198 = vector.shape_cast %get3A_1197 : vector<1x1x16xf32> to vector<16xf32>
        %add3A_1199 = arith.addf %add3A_1190, %get3A_1198 : vector<16xf32>
        %add3A_1200 = arith.constant 7 : i32
        %add3A_1201 = arith.addi %mul3A_587, %add3A_1200 : i32
        %get3A_1202 = arith.constant 1 : i32
        %get3A_1203 = arith.index_cast %get3A_1202 : i32 to index
        %get3A_1204 = arith.index_cast %add3A_1201 : i32 to index
        %get3A_1205 = arith.constant 48 : index
        %get3A_1206 = tpu.vector_load %arg6[%get3A_1203, %get3A_1204, %get3A_1205] {strides = array<i32>} : memref<2x320x64xf32, #tpu.memory_space<vmem>>, vector<1x1x16xf32>,
        %get3A_1207 = vector.shape_cast %get3A_1206 : vector<1x1x16xf32> to vector<16xf32>
        %add3A_1208 = arith.addf %add3A_1199, %get3A_1207 : vector<16xf32>
        %add3A_1209 = arith.constant 8 : i32
        %add3A_1210 = arith.addi %mul3A_587, %add3A_1209 : i32
        %get3A_1211 = arith.constant 1 : i32
        %get3A_1212 = arith.index_cast %get3A_1211 : i32 to index
        %get3A_1213 = arith.index_cast %add3A_1210 : i32 to index
        %get3A_1214 = arith.constant 48 : index
        %get3A_1215 = tpu.vector_load %arg6[%get3A_1212, %get3A_1213, %get3A_1214] {strides = array<i32>} : memref<2x320x64xf32, #tpu.memory_space<vmem>>, vector<1x1x16xf32>,
        %get3A_1216 = vector.shape_cast %get3A_1215 : vector<1x1x16xf32> to vector<16xf32>
        %add3A_1217 = arith.addf %add3A_1208, %get3A_1216 : vector<16xf32>
        %add3A_1218 = arith.constant 9 : i32
        %add3A_1219 = arith.addi %mul3A_587, %add3A_1218 : i32
        %get3A_1220 = arith.constant 1 : i32
        %get3A_1221 = arith.index_cast %get3A_1220 : i32 to index
        %get3A_1222 = arith.index_cast %add3A_1219 : i32 to index
        %get3A_1223 = arith.constant 48 : index
        %get3A_1224 = tpu.vector_load %arg6[%get3A_1221, %get3A_1222, %get3A_1223] {strides = array<i32>} : memref<2x320x64xf32, #tpu.memory_space<vmem>>, vector<1x1x16xf32>,
        %get3A_1225 = vector.shape_cast %get3A_1224 : vector<1x1x16xf32> to vector<16xf32>
        %add3A_1226 = arith.addf %add3A_1217, %get3A_1225 : vector<16xf32>
        %add3A_1227 = arith.constant 10 : i32
        %add3A_1228 = arith.addi %mul3A_587, %add3A_1227 : i32
        %get3A_1229 = arith.constant 1 : i32
        %get3A_1230 = arith.index_cast %get3A_1229 : i32 to index
        %get3A_1231 = arith.index_cast %add3A_1228 : i32 to index
        %get3A_1232 = arith.constant 48 : index
        %get3A_1233 = tpu.vector_load %arg6[%get3A_1230, %get3A_1231, %get3A_1232] {strides = array<i32>} : memref<2x320x64xf32, #tpu.memory_space<vmem>>, vector<1x1x16xf32>,
        %get3A_1234 = vector.shape_cast %get3A_1233 : vector<1x1x16xf32> to vector<16xf32>
        %add3A_1235 = arith.addf %add3A_1226, %get3A_1234 : vector<16xf32>
        %add3A_1236 = arith.constant 11 : i32
        %add3A_1237 = arith.addi %mul3A_587, %add3A_1236 : i32
        %get3A_1238 = arith.constant 1 : i32
        %get3A_1239 = arith.index_cast %get3A_1238 : i32 to index
        %get3A_1240 = arith.index_cast %add3A_1237 : i32 to index
        %get3A_1241 = arith.constant 48 : index
        %get3A_1242 = tpu.vector_load %arg6[%get3A_1239, %get3A_1240, %get3A_1241] {strides = array<i32>} : memref<2x320x64xf32, #tpu.memory_space<vmem>>, vector<1x1x16xf32>,
        %get3A_1243 = vector.shape_cast %get3A_1242 : vector<1x1x16xf32> to vector<16xf32>
        %add3A_1244 = arith.addf %add3A_1235, %get3A_1243 : vector<16xf32>
        %add3A_1245 = arith.constant 12 : i32
        %add3A_1246 = arith.addi %mul3A_587, %add3A_1245 : i32
        %get3A_1247 = arith.constant 1 : i32
        %get3A_1248 = arith.index_cast %get3A_1247 : i32 to index
        %get3A_1249 = arith.index_cast %add3A_1246 : i32 to index
        %get3A_1250 = arith.constant 48 : index
        %get3A_1251 = tpu.vector_load %arg6[%get3A_1248, %get3A_1249, %get3A_1250] {strides = array<i32>} : memref<2x320x64xf32, #tpu.memory_space<vmem>>, vector<1x1x16xf32>,
        %get3A_1252 = vector.shape_cast %get3A_1251 : vector<1x1x16xf32> to vector<16xf32>
        %add3A_1253 = arith.addf %add3A_1244, %get3A_1252 : vector<16xf32>
        %add3A_1254 = arith.constant 13 : i32
        %add3A_1255 = arith.addi %mul3A_587, %add3A_1254 : i32
        %get3A_1256 = arith.constant 1 : i32
        %get3A_1257 = arith.index_cast %get3A_1256 : i32 to index
        %get3A_1258 = arith.index_cast %add3A_1255 : i32 to index
        %get3A_1259 = arith.constant 48 : index
        %get3A_1260 = tpu.vector_load %arg6[%get3A_1257, %get3A_1258, %get3A_1259] {strides = array<i32>} : memref<2x320x64xf32, #tpu.memory_space<vmem>>, vector<1x1x16xf32>,
        %get3A_1261 = vector.shape_cast %get3A_1260 : vector<1x1x16xf32> to vector<16xf32>
        %add3A_1262 = arith.addf %add3A_1253, %get3A_1261 : vector<16xf32>
        %add3A_1263 = arith.constant 14 : i32
        %add3A_1264 = arith.addi %mul3A_587, %add3A_1263 : i32
        %get3A_1265 = arith.constant 1 : i32
        %get3A_1266 = arith.index_cast %get3A_1265 : i32 to index
        %get3A_1267 = arith.index_cast %add3A_1264 : i32 to index
        %get3A_1268 = arith.constant 48 : index
        %get3A_1269 = tpu.vector_load %arg6[%get3A_1266, %get3A_1267, %get3A_1268] {strides = array<i32>} : memref<2x320x64xf32, #tpu.memory_space<vmem>>, vector<1x1x16xf32>,
        %get3A_1270 = vector.shape_cast %get3A_1269 : vector<1x1x16xf32> to vector<16xf32>
        %add3A_1271 = arith.addf %add3A_1262, %get3A_1270 : vector<16xf32>
        %add3A_1272 = arith.constant 15 : i32
        %add3A_1273 = arith.addi %mul3A_587, %add3A_1272 : i32
        %get3A_1274 = arith.constant 1 : i32
        %get3A_1275 = arith.index_cast %get3A_1274 : i32 to index
        %get3A_1276 = arith.index_cast %add3A_1273 : i32 to index
        %get3A_1277 = arith.constant 48 : index
        %get3A_1278 = tpu.vector_load %arg6[%get3A_1275, %get3A_1276, %get3A_1277] {strides = array<i32>} : memref<2x320x64xf32, #tpu.memory_space<vmem>>, vector<1x1x16xf32>,
        %get3A_1279 = vector.shape_cast %get3A_1278 : vector<1x1x16xf32> to vector<16xf32>
        %add3A_1280 = arith.addf %add3A_1271, %get3A_1279 : vector<16xf32>
        %add3A_1281 = arith.constant 16 : i32
        %add3A_1282 = arith.addi %mul3A_587, %add3A_1281 : i32
        %get3A_1283 = arith.constant 1 : i32
        %get3A_1284 = arith.index_cast %get3A_1283 : i32 to index
        %get3A_1285 = arith.index_cast %add3A_1282 : i32 to index
        %get3A_1286 = arith.constant 48 : index
        %get3A_1287 = tpu.vector_load %arg6[%get3A_1284, %get3A_1285, %get3A_1286] {strides = array<i32>} : memref<2x320x64xf32, #tpu.memory_space<vmem>>, vector<1x1x16xf32>,
        %get3A_1288 = vector.shape_cast %get3A_1287 : vector<1x1x16xf32> to vector<16xf32>
        %add3A_1289 = arith.addf %add3A_1280, %get3A_1288 : vector<16xf32>
        %add3A_1290 = arith.constant 17 : i32
        %add3A_1291 = arith.addi %mul3A_587, %add3A_1290 : i32
        %get3A_1292 = arith.constant 1 : i32
        %get3A_1293 = arith.index_cast %get3A_1292 : i32 to index
        %get3A_1294 = arith.index_cast %add3A_1291 : i32 to index
        %get3A_1295 = arith.constant 48 : index
        %get3A_1296 = tpu.vector_load %arg6[%get3A_1293, %get3A_1294, %get3A_1295] {strides = array<i32>} : memref<2x320x64xf32, #tpu.memory_space<vmem>>, vector<1x1x16xf32>,
        %get3A_1297 = vector.shape_cast %get3A_1296 : vector<1x1x16xf32> to vector<16xf32>
        %add3A_1298 = arith.addf %add3A_1289, %get3A_1297 : vector<16xf32>
        %add3A_1299 = arith.constant 18 : i32
        %add3A_1300 = arith.addi %mul3A_587, %add3A_1299 : i32
        %get3A_1301 = arith.constant 1 : i32
        %get3A_1302 = arith.index_cast %get3A_1301 : i32 to index
        %get3A_1303 = arith.index_cast %add3A_1300 : i32 to index
        %get3A_1304 = arith.constant 48 : index
        %get3A_1305 = tpu.vector_load %arg6[%get3A_1302, %get3A_1303, %get3A_1304] {strides = array<i32>} : memref<2x320x64xf32, #tpu.memory_space<vmem>>, vector<1x1x16xf32>,
        %get3A_1306 = vector.shape_cast %get3A_1305 : vector<1x1x16xf32> to vector<16xf32>
        %add3A_1307 = arith.addf %add3A_1298, %get3A_1306 : vector<16xf32>
        %add3A_1308 = arith.constant 19 : i32
        %add3A_1309 = arith.addi %mul3A_587, %add3A_1308 : i32
        %get3A_1310 = arith.constant 1 : i32
        %get3A_1311 = arith.index_cast %get3A_1310 : i32 to index
        %get3A_1312 = arith.index_cast %add3A_1309 : i32 to index
        %get3A_1313 = arith.constant 48 : index
        %get3A_1314 = tpu.vector_load %arg6[%get3A_1311, %get3A_1312, %get3A_1313] {strides = array<i32>} : memref<2x320x64xf32, #tpu.memory_space<vmem>>, vector<1x1x16xf32>,
        %get3A_1315 = vector.shape_cast %get3A_1314 : vector<1x1x16xf32> to vector<16xf32>
        %add3A_1316 = arith.addf %add3A_1307, %get3A_1315 : vector<16xf32>
        %add3A_1317 = arith.constant 48 : i32
        %add3A_1318 = arith.addi %mul3A_573, %add3A_1317 : i32
        %swap3A_1319 = arith.index_cast %scan3A_585 : i32 to index
        %swap3A_1320 = arith.index_cast %add3A_1318 : i32 to index
        %swap3A_1321 = tpu.vector_load %arg7[%swap3A_1319, %swap3A_1320] {strides = array<i32>} : memref<16x1664xf32, #tpu.memory_space<vmem>>, vector<1x16xf32>,
        %swap3A_1322 = vector.shape_cast %swap3A_1321 : vector<1x16xf32> to vector<16xf32>
        %swap3A_1323 = vector.shape_cast %add3A_1316 : vector<16xf32> to vector<1x16xf32>
        tpu.vector_store %arg7[%swap3A_1319, %swap3A_1320], %swap3A_1323 {strides = array<i32>} : memref<16x1664xf32, #tpu.memory_space<vmem>>, vector<1x16xf32>,
      }
      %scan3A_579 = arith.constant 16 : i32
      %eq3A_580 = arith.constant 25 : i32
      %eq3A_581 = arith.cmpi eq, %rem3A_571, %eq3A_580 : i32
      %convert_element_type3A_582 = arith.extui %eq3A_581 : i1 to i32
      %cond3A_583 = arith.constant 0 : i32
      %cond3A_584 = arith.cmpi ne, %convert_element_type3A_582, %cond3A_583 : i32
      scf.if %cond3A_584 {
        %mul3A_585 = arith.constant 128 : i32
        %mul3A_586 = arith.muli %add3A, %mul3A_585 : i32
        %mul3A_587 = arith.constant 16 : i32
        %mul3A_588 = arith.muli %select_n3A_569, %mul3A_587 : i32
        %add3A_589 = arith.addi %mul3A_586, %mul3A_588 : i32
        "tpu.region"() ({
          %run_scoped3A = tpu.sem_alloc : memref<!tpu.dma_semaphore, #tpu.memory_space<semaphore_mem>>
          %dma_start3A_590 = arith.constant 0 : i32
          %dma_start3A_591 = tpu.memref_slice %arg4[%add3A_589, %dma_start3A_590] : memref<4096x1664xf32, #tpu.memory_space<hbm>> -> memref<16x1664xf32, #tpu.memory_space<hbm>>
          %dma_start3A_592 = arith.constant 0 : i32
          %dma_start3A_593 = tpu.memref_slice %arg4[%add3A_589, %dma_start3A_592] : memref<4096x1664xf32, #tpu.memory_space<hbm>> -> memref<16x1664xf32, #tpu.memory_space<hbm>>
          tpu.enqueue_dma source(%arg7 : memref<16x1664xf32, #tpu.memory_space<vmem>>) target(%dma_start3A_593 : memref<16x1664xf32, #tpu.memory_space<hbm>>) target_semaphore(%run_scoped3A : memref<!tpu.dma_semaphore, #tpu.memory_space<semaphore_mem>>)
          %dma_wait3A_594 = arith.constant 0 : i32
          %dma_wait3A_595 = tpu.memref_slice %arg4[%add3A_589, %dma_wait3A_594] : memref<4096x1664xf32, #tpu.memory_space<hbm>> -> memref<16x1664xf32, #tpu.memory_space<hbm>>
          %dma_wait3A_596 = arith.constant 0 : i32
          %dma_wait3A_597 = tpu.memref_slice %arg4[%add3A_589, %dma_wait3A_596] : memref<4096x1664xf32, #tpu.memory_space<hbm>> -> memref<16x1664xf32, #tpu.memory_space<hbm>>
          tpu.wait_dma2 semaphore(%run_scoped3A : memref<!tpu.dma_semaphore, #tpu.memory_space<semaphore_mem>>) src(%arg7 : memref<16x1664xf32, #tpu.memory_space<vmem>>) dst(%dma_wait3A_597 : memref<16x1664xf32, #tpu.memory_space<hbm>>)
          tpu.yield
        }) : () -> ()
      } else {
      }
    }
    %scan3A_452 = arith.constant 104 : i32
    return
  }
}

module attributes {stable_mosaic.version = 14 : i64} {
  func.func @body(%arg0: i32, %arg1: memref<256x128xf32, #tpu.memory_space<vmem>>, %arg2: memref<256x1664xf32, #tpu.memory_space<vmem>>, %arg3: memref<128x512xf32, #tpu.memory_space<vmem>>, %arg4: memref<1x512xf32, #tpu.memory_space<vmem>>, %arg5: memref<512x256xf32, #tpu.memory_space<vmem>>, %arg6: memref<1x256xf32, #tpu.memory_space<vmem>>, %arg7: memref<256x64xf32, #tpu.memory_space<vmem>>, %arg8: memref<1x64xf32, #tpu.memory_space<vmem>>, %arg9: memref<64x512xf32, #tpu.memory_space<vmem>>, %arg10: memref<1664x512xf32, #tpu.memory_space<vmem>>, %arg11: memref<1x512xf32, #tpu.memory_space<vmem>>, %arg12: memref<512x256xf32, #tpu.memory_space<vmem>>, %arg13: memref<1x256xf32, #tpu.memory_space<vmem>>, %arg14: memref<256x128xf32, #tpu.memory_space<vmem>>, %arg15: memref<1x128xf32, #tpu.memory_space<vmem>>, %arg16: memref<256x128xf32, #tpu.memory_space<vmem>>) attributes {dimension_semantics = [#tpu.dimension_semantics<arbitrary>], iteration_bounds = array<i64: 16>, scalar_prefetch = 0 : i64, scratch_operands = 0 : i64, tpu.core_type = #tpu.core_type<tc>, window_params = [{transform_indices = @transform_0, window_bounds = array<i64: 256, 128>}, {transform_indices = @transform_1, window_bounds = array<i64: 256, 1664>}, {pipeline_mode = #tpu.pipeline_mode<synchronous>, transform_indices = @transform_2, window_bounds = array<i64: 128, 512>}, {pipeline_mode = #tpu.pipeline_mode<synchronous>, transform_indices = @transform_3, window_bounds = array<i64: 1, 512>}, {pipeline_mode = #tpu.pipeline_mode<synchronous>, transform_indices = @transform_4, window_bounds = array<i64: 512, 256>}, {pipeline_mode = #tpu.pipeline_mode<synchronous>, transform_indices = @transform_5, window_bounds = array<i64: 1, 256>}, {pipeline_mode = #tpu.pipeline_mode<synchronous>, transform_indices = @transform_6, window_bounds = array<i64: 256, 64>}, {pipeline_mode = #tpu.pipeline_mode<synchronous>, transform_indices = @transform_7, window_bounds = array<i64: 1, 64>}, {pipeline_mode = #tpu.pipeline_mode<synchronous>, transform_indices = @transform_8, window_bounds = array<i64: 64, 512>}, {pipeline_mode = #tpu.pipeline_mode<synchronous>, transform_indices = @transform_9, window_bounds = array<i64: 1664, 512>}, {pipeline_mode = #tpu.pipeline_mode<synchronous>, transform_indices = @transform_10, window_bounds = array<i64: 1, 512>}, {pipeline_mode = #tpu.pipeline_mode<synchronous>, transform_indices = @transform_11, window_bounds = array<i64: 512, 256>}, {pipeline_mode = #tpu.pipeline_mode<synchronous>, transform_indices = @transform_12, window_bounds = array<i64: 1, 256>}, {pipeline_mode = #tpu.pipeline_mode<synchronous>, transform_indices = @transform_13, window_bounds = array<i64: 256, 128>}, {pipeline_mode = #tpu.pipeline_mode<synchronous>, transform_indices = @transform_14, window_bounds = array<i64: 1, 128>}, {transform_indices = @transform_15, window_bounds = array<i64: 256, 128>}]} {
    %get3A = arith.constant 0 : index
    %get3A_0 = arith.constant 0 : index
    %get3A_1 = vector.load %arg1[%get3A, %get3A_0] : memref<256x128xf32, #tpu.memory_space<vmem>>, vector<256x128xf32>
    %get3A_2 = arith.constant 0 : index
    %get3A_3 = arith.constant 0 : index
    %get3A_4 = vector.load %arg3[%get3A_2, %get3A_3] : memref<128x512xf32, #tpu.memory_space<vmem>>, vector<128x512xf32>
    %dot_general3A = arith.constant dense<0.000000e+00> : vector<256x512xf32>
    %dot_general3A_5 = tpu.matmul %get3A_1, %get3A_4, %dot_general3A {dimension_numbers = #tpu.dot_dimension_numbers<[1], [0], [0], [1], [0, 0, 1, 1], [], []>, transpose_lhs_hint = false} : vector<256x128xf32>, vector<128x512xf32>, vector<256x512xf32> -> vector<256x512xf32>
    %get3A_6 = arith.constant 0 : index
    %get3A_7 = arith.constant 0 : index
    %get3A_8 = vector.load %arg4[%get3A_6, %get3A_7] : memref<1x512xf32, #tpu.memory_space<vmem>>, vector<1x512xf32>
    %add3A = vector.broadcast %get3A_8 : vector<1x512xf32> to vector<256x512xf32>
    %add3A_9 = arith.addf %dot_general3A_5, %add3A : vector<256x512xf32>
    %max3A = arith.constant 0.000000e+00 : f32
    %max3A_10 = vector.broadcast %max3A : f32 to vector<256x512xf32>
    %max3A_11 = arith.maximumf %add3A_9, %max3A_10 : vector<256x512xf32>
    %get3A_12 = arith.constant 0 : index
    %get3A_13 = arith.constant 0 : index
    %get3A_14 = vector.load %arg5[%get3A_12, %get3A_13] : memref<512x256xf32, #tpu.memory_space<vmem>>, vector<512x256xf32>
    %dot_general3A_15 = arith.constant dense<0.000000e+00> : vector<256x256xf32>
    %dot_general3A_16 = tpu.matmul %max3A_11, %get3A_14, %dot_general3A_15 {dimension_numbers = #tpu.dot_dimension_numbers<[1], [0], [0], [1], [0, 0, 1, 1], [], []>, transpose_lhs_hint = false} : vector<256x512xf32>, vector<512x256xf32>, vector<256x256xf32> -> vector<256x256xf32>
    %get3A_17 = arith.constant 0 : index
    %get3A_18 = arith.constant 0 : index
    %get3A_19 = vector.load %arg6[%get3A_17, %get3A_18] : memref<1x256xf32, #tpu.memory_space<vmem>>, vector<1x256xf32>
    %add3A_20 = vector.broadcast %get3A_19 : vector<1x256xf32> to vector<256x256xf32>
    %add3A_21 = arith.addf %dot_general3A_16, %add3A_20 : vector<256x256xf32>
    %max3A_22 = arith.constant 0.000000e+00 : f32
    %max3A_23 = vector.broadcast %max3A_22 : f32 to vector<256x256xf32>
    %max3A_24 = arith.maximumf %add3A_21, %max3A_23 : vector<256x256xf32>
    %get3A_25 = arith.constant 0 : index
    %get3A_26 = arith.constant 0 : index
    %get3A_27 = vector.load %arg7[%get3A_25, %get3A_26] : memref<256x64xf32, #tpu.memory_space<vmem>>, vector<256x64xf32>
    %dot_general3A_28 = arith.constant dense<0.000000e+00> : vector<256x64xf32>
    %dot_general3A_29 = tpu.matmul %max3A_24, %get3A_27, %dot_general3A_28 {dimension_numbers = #tpu.dot_dimension_numbers<[1], [0], [0], [1], [0, 0, 1, 1], [], []>, transpose_lhs_hint = false} : vector<256x256xf32>, vector<256x64xf32>, vector<256x64xf32> -> vector<256x64xf32>
    %get3A_30 = arith.constant 0 : index
    %get3A_31 = arith.constant 0 : index
    %get3A_32 = vector.load %arg8[%get3A_30, %get3A_31] : memref<1x64xf32, #tpu.memory_space<vmem>>, vector<1x64xf32>
    %add3A_33 = vector.broadcast %get3A_32 : vector<1x64xf32> to vector<256x64xf32>
    %add3A_34 = arith.addf %dot_general3A_29, %add3A_33 : vector<256x64xf32>
    %max3A_35 = arith.constant 0.000000e+00 : f32
    %max3A_36 = vector.broadcast %max3A_35 : f32 to vector<256x64xf32>
    %max3A_37 = arith.maximumf %add3A_34, %max3A_36 : vector<256x64xf32>
    %get3A_38 = arith.constant 0 : index
    %get3A_39 = arith.constant 0 : index
    %get3A_40 = vector.load %arg9[%get3A_38, %get3A_39] : memref<64x512xf32, #tpu.memory_space<vmem>>, vector<64x512xf32>
    %dot_general3A_41 = arith.constant dense<0.000000e+00> : vector<256x512xf32>
    %dot_general3A_42 = tpu.matmul %max3A_37, %get3A_40, %dot_general3A_41 {dimension_numbers = #tpu.dot_dimension_numbers<[1], [0], [0], [1], [0, 0, 1, 1], [], []>, transpose_lhs_hint = false} : vector<256x64xf32>, vector<64x512xf32>, vector<256x512xf32> -> vector<256x512xf32>
    %get3A_43 = arith.constant 0 : index
    %get3A_44 = arith.constant 0 : index
    %get3A_45 = vector.load %arg2[%get3A_43, %get3A_44] : memref<256x1664xf32, #tpu.memory_space<vmem>>, vector<256x1664xf32>
    %get3A_46 = arith.constant 0 : index
    %get3A_47 = arith.constant 0 : index
    %get3A_48 = vector.load %arg10[%get3A_46, %get3A_47] : memref<1664x512xf32, #tpu.memory_space<vmem>>, vector<1664x512xf32>
    %dot_general3A_49 = arith.constant dense<0.000000e+00> : vector<256x512xf32>
    %dot_general3A_50 = tpu.matmul %get3A_45, %get3A_48, %dot_general3A_49 {dimension_numbers = #tpu.dot_dimension_numbers<[1], [0], [0], [1], [0, 0, 1, 1], [], []>, transpose_lhs_hint = false} : vector<256x1664xf32>, vector<1664x512xf32>, vector<256x512xf32> -> vector<256x512xf32>
    %add3A_51 = arith.addf %dot_general3A_42, %dot_general3A_50 : vector<256x512xf32>
    %get3A_52 = arith.constant 0 : index
    %get3A_53 = arith.constant 0 : index
    %get3A_54 = vector.load %arg11[%get3A_52, %get3A_53] : memref<1x512xf32, #tpu.memory_space<vmem>>, vector<1x512xf32>
    %add3A_55 = vector.broadcast %get3A_54 : vector<1x512xf32> to vector<256x512xf32>
    %add3A_56 = arith.addf %add3A_51, %add3A_55 : vector<256x512xf32>
    %max3A_57 = arith.constant 0.000000e+00 : f32
    %max3A_58 = vector.broadcast %max3A_57 : f32 to vector<256x512xf32>
    %max3A_59 = arith.maximumf %add3A_56, %max3A_58 : vector<256x512xf32>
    %get3A_60 = arith.constant 0 : index
    %get3A_61 = arith.constant 0 : index
    %get3A_62 = vector.load %arg12[%get3A_60, %get3A_61] : memref<512x256xf32, #tpu.memory_space<vmem>>, vector<512x256xf32>
    %dot_general3A_63 = arith.constant dense<0.000000e+00> : vector<256x256xf32>
    %dot_general3A_64 = tpu.matmul %max3A_59, %get3A_62, %dot_general3A_63 {dimension_numbers = #tpu.dot_dimension_numbers<[1], [0], [0], [1], [0, 0, 1, 1], [], []>, transpose_lhs_hint = false} : vector<256x512xf32>, vector<512x256xf32>, vector<256x256xf32> -> vector<256x256xf32>
    %get3A_65 = arith.constant 0 : index
    %get3A_66 = arith.constant 0 : index
    %get3A_67 = vector.load %arg13[%get3A_65, %get3A_66] : memref<1x256xf32, #tpu.memory_space<vmem>>, vector<1x256xf32>
    %add3A_68 = vector.broadcast %get3A_67 : vector<1x256xf32> to vector<256x256xf32>
    %add3A_69 = arith.addf %dot_general3A_64, %add3A_68 : vector<256x256xf32>
    %max3A_70 = arith.constant 0.000000e+00 : f32
    %max3A_71 = vector.broadcast %max3A_70 : f32 to vector<256x256xf32>
    %max3A_72 = arith.maximumf %add3A_69, %max3A_71 : vector<256x256xf32>
    %get3A_73 = arith.constant 0 : index
    %get3A_74 = arith.constant 0 : index
    %get3A_75 = vector.load %arg14[%get3A_73, %get3A_74] : memref<256x128xf32, #tpu.memory_space<vmem>>, vector<256x128xf32>
    %dot_general3A_76 = arith.constant dense<0.000000e+00> : vector<256x128xf32>
    %dot_general3A_77 = tpu.matmul %max3A_72, %get3A_75, %dot_general3A_76 {dimension_numbers = #tpu.dot_dimension_numbers<[1], [0], [0], [1], [0, 0, 1, 1], [], []>, transpose_lhs_hint = false} : vector<256x256xf32>, vector<256x128xf32>, vector<256x128xf32> -> vector<256x128xf32>
    %get3A_78 = arith.constant 0 : index
    %get3A_79 = arith.constant 0 : index
    %get3A_80 = vector.load %arg15[%get3A_78, %get3A_79] : memref<1x128xf32, #tpu.memory_space<vmem>>, vector<1x128xf32>
    %add3A_81 = vector.broadcast %get3A_80 : vector<1x128xf32> to vector<256x128xf32>
    %add3A_82 = arith.addf %dot_general3A_77, %add3A_81 : vector<256x128xf32>
    %logistic3A = arith.negf %add3A_82 : vector<256x128xf32>
    %logistic3A_83 = math.exp %logistic3A : vector<256x128xf32>
    %logistic3A_84 = arith.constant 1.000000e+00 : f32
    %logistic3A_85 = vector.broadcast %logistic3A_84 : f32 to vector<256x128xf32>
    %logistic3A_86 = arith.addf %logistic3A_85, %logistic3A_83 : vector<256x128xf32>
    %logistic3A_87 = arith.divf %logistic3A_85, %logistic3A_86 : vector<256x128xf32>
    %swap3A = arith.constant 0 : index
    %swap3A_88 = arith.constant 0 : index
    %swap3A_89 = vector.load %arg16[%swap3A, %swap3A_88] : memref<256x128xf32, #tpu.memory_space<vmem>>, vector<256x128xf32>
    tpu.vector_store %arg16[%swap3A, %swap3A_88], %logistic3A_87 {strides = array<i32>} : memref<256x128xf32, #tpu.memory_space<vmem>>, vector<256x128xf32>,
    return
  }
  func.func @transform_0(%arg0: i32) -> (i32, i32) {
    %c0_i32 = arith.constant 0 : i32
    %c0_i32_0 = arith.constant 0 : i32
    return %arg0, %c0_i32 : i32, i32
  }
  func.func @transform_1(%arg0: i32) -> (i32, i32) {
    %c0_i32 = arith.constant 0 : i32
    %c0_i32_0 = arith.constant 0 : i32
    return %arg0, %c0_i32 : i32, i32
  }
  func.func @transform_2(%arg0: i32) -> (i32, i32) {
    %c0_i32 = arith.constant 0 : i32
    %c0_i32_0 = arith.constant 0 : i32
    %c0_i32_1 = arith.constant 0 : i32
    return %c0_i32, %c0_i32_0 : i32, i32
  }
  func.func @transform_3(%arg0: i32) -> (i32, i32) {
    %c0_i32 = arith.constant 0 : i32
    %c0_i32_0 = arith.constant 0 : i32
    %c0_i32_1 = arith.constant 0 : i32
    return %c0_i32, %c0_i32_0 : i32, i32
  }
  func.func @transform_4(%arg0: i32) -> (i32, i32) {
    %c0_i32 = arith.constant 0 : i32
    %c0_i32_0 = arith.constant 0 : i32
    %c0_i32_1 = arith.constant 0 : i32
    return %c0_i32, %c0_i32_0 : i32, i32
  }
  func.func @transform_5(%arg0: i32) -> (i32, i32) {
    %c0_i32 = arith.constant 0 : i32
    %c0_i32_0 = arith.constant 0 : i32
    %c0_i32_1 = arith.constant 0 : i32
    return %c0_i32, %c0_i32_0 : i32, i32
  }
  func.func @transform_6(%arg0: i32) -> (i32, i32) {
    %c0_i32 = arith.constant 0 : i32
    %c0_i32_0 = arith.constant 0 : i32
    %c0_i32_1 = arith.constant 0 : i32
    return %c0_i32, %c0_i32_0 : i32, i32
  }
  func.func @transform_7(%arg0: i32) -> (i32, i32) {
    %c0_i32 = arith.constant 0 : i32
    %c0_i32_0 = arith.constant 0 : i32
    %c0_i32_1 = arith.constant 0 : i32
    return %c0_i32, %c0_i32_0 : i32, i32
  }
  func.func @transform_8(%arg0: i32) -> (i32, i32) {
    %c0_i32 = arith.constant 0 : i32
    %c0_i32_0 = arith.constant 0 : i32
    %c0_i32_1 = arith.constant 0 : i32
    return %c0_i32, %c0_i32_0 : i32, i32
  }
  func.func @transform_9(%arg0: i32) -> (i32, i32) {
    %c0_i32 = arith.constant 0 : i32
    %c0_i32_0 = arith.constant 0 : i32
    %c0_i32_1 = arith.constant 0 : i32
    return %c0_i32, %c0_i32_0 : i32, i32
  }
  func.func @transform_10(%arg0: i32) -> (i32, i32) {
    %c0_i32 = arith.constant 0 : i32
    %c0_i32_0 = arith.constant 0 : i32
    %c0_i32_1 = arith.constant 0 : i32
    return %c0_i32, %c0_i32_0 : i32, i32
  }
  func.func @transform_11(%arg0: i32) -> (i32, i32) {
    %c0_i32 = arith.constant 0 : i32
    %c0_i32_0 = arith.constant 0 : i32
    %c0_i32_1 = arith.constant 0 : i32
    return %c0_i32, %c0_i32_0 : i32, i32
  }
  func.func @transform_12(%arg0: i32) -> (i32, i32) {
    %c0_i32 = arith.constant 0 : i32
    %c0_i32_0 = arith.constant 0 : i32
    %c0_i32_1 = arith.constant 0 : i32
    return %c0_i32, %c0_i32_0 : i32, i32
  }
  func.func @transform_13(%arg0: i32) -> (i32, i32) {
    %c0_i32 = arith.constant 0 : i32
    %c0_i32_0 = arith.constant 0 : i32
    %c0_i32_1 = arith.constant 0 : i32
    return %c0_i32, %c0_i32_0 : i32, i32
  }
  func.func @transform_14(%arg0: i32) -> (i32, i32) {
    %c0_i32 = arith.constant 0 : i32
    %c0_i32_0 = arith.constant 0 : i32
    %c0_i32_1 = arith.constant 0 : i32
    return %c0_i32, %c0_i32_0 : i32, i32
  }
  func.func @transform_15(%arg0: i32) -> (i32, i32) {
    %c0_i32 = arith.constant 0 : i32
    %c0_i32_0 = arith.constant 0 : i32
    return %arg0, %c0_i32 : i32, i32
  }
}

</mosaic_0001>

<sc_bundles>
// kernel: kernel.4.cloned.1.call-start
scs
__scs_entry_jumppad:
0x0: {  	(pc) =	sbr.rel $0x88, $3  }
0x1: {  	(tag) =	ssettag $0x0;
	lr =	simm.s32 $0x1  }
0x2: {  	[smem:$0x3F92] =	sst lr;
	_ =	strace $0xD0000000  }
0x3: {  	_ = 	snop  }
0x4: {  	_ = 	snop  }
0x5: {  	_ = 	snop  }
0x6: {  	_ = 	snop  }
0x7: {  	_ = 	snop  }
__scs_overlays_trampoline_lowered:
0x8: {  	[smem:$0x3FA1] =	sst s0  }
0x9: {  	[smem:$0x3FA2] =	sst s1  }
0xa: {  	[smem:$0x3FA3] =	sst s2  }
0xb: {  	[smem:$0x3FA4] =	sst s3  }
0xc: {  	[smem:$0x3FA5] =	sst s4  }
0xd: {  	[smem:$0x3FA6] =	sst s5  }
0xe: {  	[smem:$0x3FA7] =	sst s6  }
0xf: {  	[smem:$0x3FA8] =	sst s7  }
0x10: {  	[smem:$0x3FA9] =	sst s8  }
0x11: {  	[smem:$0x3FAA] =	sst s9;
	s0 =	simm.s32 @!p0 $0x0  }
0x12: {  	s1 =	sld [smem:$0x3F90];
	s0 =	simm.s32 @p0 $0x1  }
0x13: {  	[smem:$0x3FAB] =	sst s0;
	s0 =	simm.s32 @!p1 $0x0  }
0x14: {  	s2 =	sld [smem:$0x3F8F];
	s0 =	simm.s32 @p1 $0x1  }
0x15: {  	[smem:$0x3FAC] =	sst s0;
	s0 =	simm.s32 @!p2 $0x0  }
0x16: {  	s3 =	sld [smem:$0x3FDB];
	s0 =	simm.s32 @p2 $0x1  }
0x17: {  	s4 =	simm.s32 $0x1BF5;
	[smem:$0x3FAE] =	sst s0  }
0x18: {  	s0 =	sld [smem:$0x3F91];
	_ =	swait.ge [sflag:s4], $0x0  }
0x19: {  	s7 =	sld [smem:$0x3F92]  }
0x1a: {  	s8 =	sadd.s32 $0xFFFFE003, lr  }
0x1b: {  	s9 =	sadd.s32 $0xFFFFFEF7, lr;
	s5 =	simm.s32 $0xFFFFFFFF;
	p2 =	slt.u32 s8, $0xFFFFF086  }
0x1c: {  	p1 =	slt.u32 s9, $0xF7A;
	s5 =	simm.s32 @!p2 $0x0  }
0x1d: {  	s5 =	simm.s32 @p1 $0x1;
	p0 =	seq.s32 s7, s2  }
0x1e: {  	s7 =	smul.u32 @!p0 $0xF7A, s2;
	p2 =	seq.s32 @!p0 s5, $0x0  }
0x1f: {  	s9 =	smul.u32 $0xF7A, s1;
	s8 =	simm.s32 @!p0 $0x1BF5;
	p2 =	por !p2, p0  }
0x20: {  	[sflag:s8] =	ssyncset.s32 @!p0 $0xFFFFF086;
	s6 =	sadd.s32 @!p0 s3, s7;
	s7 =	simm.s32 @!p0 $0x108  }
0x21: {  	s3 =	sadd.s32 s3, s9;
	s6 =	sadd.s32 @!p0 $0x88, s6;
	s7 =	simm.s32 @p2 $0x1082  }
0x22: {  	[simem:s7], [sflag:s8] =	dma.local @!p0 [hbm:s6], $0xF7A  }
0x23: {  	s9 =	sor.u32 $0xD0000000, s2;
	s6 =	simm.s32 $0x108;
	_ =	swait.ge @!p0 [sflag:s8], $0x0  }
0x24: {  	s3 =	sadd.s32 $0x88, s3;
	s6 =	simm.s32 @!p1 $0x1082;
	[sflag:s4] =	ssyncset.s32 $0xFFFFF086  }
0x25: {  	[simem:s6], [sflag:s4] =	dma.local [hbm:s3], $0xF7A  }
0x26: {  	[smem:$0x3F92] =	sst s1;
	(tag) =	ssettag s2;
	_ =	strace s9  }
0x27: {  	s1 =	sld [smem:$0x3FA2]  }
0x28: {  	s2 =	sld [smem:$0x3FA3]  }
0x29: {  	s4 =	sld [smem:$0x3FA5]  }
0x2a: {  	p0 =	seq.s32 s5, $0x0;
	s5 =	sld [smem:$0x3FA6]  }
0x2b: {  	s6 =	sld [smem:$0x3FA7]  }
0x2c: {  	s7 =	sld [smem:$0x3FA8]  }
0x2d: {  	s3 =	simm.s32 $0x108;
	s8 =	sld [smem:$0x3FA9]  }
0x2e: {  	s3 =	simm.s32 @!p0 $0x1082;
	s9 =	sld [smem:$0x3FAA]  }
0x2f: {  	lr =	sadd.s32 s0, s3;
	s0 =	sld [smem:$0x3FA1]  }
0x30: {  	s3 =	sld [smem:$0x3FA4]  }
0x31: {  	[smem:$0x3FAD] =	sst s10  }
0x32: {  	s10 =	sld [smem:$0x3FAB];
	_ =	sdelay $0x3  }
0x33: {  	p0 =	seq.s32 s10, $0x1;
	s10 =	sld [smem:$0x3FAD];
	_ =	sdelay $0x3  }
0x34: {  	[smem:$0x3FAD] =	sst s10  }
0x35: {  	s10 =	sld [smem:$0x3FAC];
	_ =	sdelay $0x3  }
0x36: {  	p1 =	seq.s32 s10, $0x1;
	s10 =	sld [smem:$0x3FAD];
	_ =	sdelay $0x3  }
0x37: {  	[smem:$0x3FAD] =	sst s10  }
0x38: {  	s10 =	sld [smem:$0x3FAE]  }
0x39: {  	_ = 	snop;
	(pc) =	sbr.ind lr, $3  }
0x3a: {  	_ = 	snop  }
0x3b: {  	_ = 	snop  }
0x3c: {  	p2 =	seq.s32 s10, $0x1;
	s10 =	sld [smem:$0x3FAD]  }
0x3d: {  	_ =	shalt  }
0x3e: {  	_ =	shalt  }
0x3f: {  	_ =	shalt  }
0x40: {  	_ =	shalt  }
0x41: {  	_ =	shalt  }
0x42: {  	_ =	shalt  }
0x43: {  	_ =	shalt  }
0x44: {  	_ =	shalt  }
0x45: {  	_ =	shalt  }
0x46: {  	_ =	shalt  }
0x47: {  	_ =	shalt  }
0x48: {  	_ =	shalt  }
0x49: {  	_ =	shalt  }
0x4a: {  	_ =	shalt  }
0x4b: {  	_ =	shalt  }
0x4c: {  	_ =	shalt  }
0x4d: {  	_ =	shalt  }
0x4e: {  	_ =	shalt  }
0x4f: {  	_ =	shalt  }
0x50: {  	_ =	shalt  }
0x51: {  	_ =	shalt  }
0x52: {  	_ =	shalt  }
0x53: {  	_ =	shalt  }
0x54: {  	_ =	shalt  }
0x55: {  	_ =	shalt  }
0x56: {  	_ =	shalt  }
0x57: {  	_ =	shalt  }
0x58: {  	_ =	shalt  }
0x59: {  	_ =	shalt  }
0x5a: {  	_ =	shalt  }
0x5b: {  	_ =	shalt  }
0x5c: {  	_ =	shalt  }
0x5d: {  	_ =	shalt  }
0x5e: {  	_ =	shalt  }
0x5f: {  	_ =	shalt  }
0x60: {  	_ =	shalt  }
0x61: {  	_ =	shalt  }
0x62: {  	_ =	shalt  }
0x63: {  	_ =	shalt  }
0x64: {  	_ =	shalt  }
0x65: {  	_ =	shalt  }
0x66: {  	_ =	shalt  }
0x67: {  	_ =	shalt  }
0x68: {  	_ =	shalt  }
0x69: {  	_ =	shalt  }
0x6a: {  	_ =	shalt  }
0x6b: {  	_ =	shalt  }
0x6c: {  	_ =	shalt  }
0x6d: {  	_ =	shalt  }
0x6e: {  	_ =	shalt  }
0x6f: {  	_ =	shalt  }
0x70: {  	_ =	shalt  }
0x71: {  	_ =	shalt  }
0x72: {  	_ =	shalt  }
0x73: {  	_ =	shalt  }
0x74: {  	_ =	shalt  }
0x75: {  	_ =	shalt  }
0x76: {  	_ =	shalt  }
0x77: {  	_ =	shalt  }
0x78: {  	_ =	shalt  }
0x79: {  	_ =	shalt  }
0x7a: {  	_ =	shalt  }
0x7b: {  	_ =	shalt  }
0x7c: {  	_ =	shalt  }
0x7d: {  	_ =	shalt  }
0x7e: {  	_ =	shalt  }
0x7f: {  	_ =	shalt  }
0x80: {  	_ =	shalt  }
0x81: {  	_ =	shalt  }
0x82: {  	_ =	shalt  }
0x83: {  	_ =	shalt  }
0x84: {  	_ =	shalt  }
0x85: {  	_ =	shalt  }
0x86: {  	_ =	shalt  }
0x87: {  	_ =	shalt  }
.Lfunc_end0:
.L_simem_size_0:
called_computation_lowered:
.L_overlay_start_0:
0x88: {  	s2 =	sld [smem:$0x3FD9]  }
0x89: {  	s3 =	sld [smem:$0x3FFE];
	_ =	sdelay $0x1  }
0x8a: {  	s1 =	srdreg.scid  }
0x8b: {  	s0 =	sand.u32 $0x1, s1  }
0x8c: {  	s16 =	sshll.u32 s0, $0xA;
	s2 =	sadd.s32 s3, s2  }
0x8d: {  	s2 =	sadd.s32 s2, s16  }
0x8e: {  	[smem:$0x3FB9] =	sst s2  }
0x8f: {  	_ = 	snop  }
0x90: {  	(tm) =	ssettm $0x1  }
0x91: {  	s17 =	sld [smem:$0x3FFB];
	_ =	sdelay $0x3  }
0x92: {  	_ =	strace s17  }
0x93: {  	s2 =	sld [smem:$0x3FFC];
	_ =	sdelay $0x3  }
0x94: {  	_ =	strace s2  }
0x95: {  	s2 =	sld [smem:$0x3FFD];
	_ =	sdelay $0x3  }
0x96: {  	_ =	strace s2  }
0x97: {  	_ =	strace $0x8FFFFFFF  }
0x98: {  	s18 =	sld [smem:$0x3FDB];
	_ =	sdelay $0x1  }
0x99: {  	s19 =	simm.s32 $_scs_section_size  }
0x9a: {  	s4 =	simm.s32 $_size__tile_overlayer_lowered;
	s5 =	simm.s32 $_tile_overlayer_lowered  }
0x9b: {  	s22 =	simm.s32 $0x1BFF;
	s21 =	sshll.u32 s5, $0x1;
	s2 =	sadd.s32 s19, s18  }
0x9c: {  	s6 =	simm.s32 $0x0;
	s20 =	sshll.u32 s4, $0x1;
	s4 =	sadd.s32 s21, s2  }
0x9d: {  	[timem:s6], [sflag:s22] =	dma.local [hbm:s4], s20  }
0x9e: {  	_ =	swait.ge [sflag:s22], s20  }
0x9f: {  	s3 =	ssub.s32 $0x0, s20;
	[sflag:s22] =	ssyncset.done $0x0  }
0xa0: {  	[sflag:s22] =	ssyncadd.s32 s3;
	_ =	sdelay $0x1  }
0xa1: {  	s23 =	simm.s32 $0x1B8B  }
0xa2: {  	_ =	swait.ge [sflag:s23], $0x1  }
0xa3: {  	[sflag:s23] =	ssyncset.done $0x0  }
0xa4: {  	s25 =	simm.s32 $0x1B8E;
	s24 =	sld [smem:$0x3FFE];
	[sflag:s23] =	ssyncadd.s32 $0xFFFFFFFF  }
0xa5: {  	s26 =	simm.s32 $execute0_lowered;
	[smem:$0x3FD2] =	sst s25  }
0xa6: {  	s4 =	sshll.u32 s26, $0x1;
	_ =	strace $0x80000046;
	[dreg:$0x1] =	wrdreg $0xFFFFFFFF  }
0xa7: {  	s28 =	simm.s32 $_size_execute0_lowered;
	s2 =	sadd.s32 s2, s4;
	[dreg:$0x0] =	wrdreg $0x0  }
0xa8: {  	s4 =	sshll.u32 s28, $0x1;
	[dreg:$0x2] =	wrdreg s2  }
0xa9: {  	[dreg:$0x3] =	wrdreg s4  }
0xaa: {  	[dreg:$0x4] =	wrdreg $0xC0  }
0xab: {  	_ =	task [dreg:s6], $0x5FFFF  }
0xac: {  	[dreg:$0x1] =	wrdreg $0xFFFFFFFF  }
0xad: {  	[dreg:$0x0] =	wrdreg $0x60  }
0xae: {  	[dreg:$0x2] =	wrdreg s24  }
0xaf: {  	[dreg:$0x3] =	wrdreg $0x9  }
0xb0: {  	_ =	task.clear_ibuf [dreg:s6], $0x4FFFF;
	_ =	strace $0x90000046  }
0xb1: {  	s29 =	simm.s32 $0x9;
	_ =	strace $0x80000048  }
0xb2: {  	_ =	swait.ge [sflag:s29], $0x1  }
0xb3: {  	[sflag:s29] =	ssyncadd.s32 $0xFFFFFFFF  }
0xb4: {  	_ =	strace $0x90000048  }
0xb5: {  	_ =	sfence  }
0xb6: {  	s30 =	sld [smem:$0x0];
	_ =	sdelay $0x2  }
0xb7: {  	s31 =	sshll.u32 s1, $0xD;
	s1 =	sshrl.u32 s1, $0x2  }
0xb8: {  	s3 =	sand.u32 $0x4000, s31;
	s1 =	sadd.s32 s1, s30  }
0xb9: {  	s0 =	sor.u32 s3, s0;
	s1 =	sshll.u32 s1, $0x11  }
0xba: {  	s0 =	sor.u32 s1, s0  }
0xbb: {  	s0 =	sadd.s32 $0x8F2B, s0  }
0xbc: {  	[sflag:s0] =	ssyncadd.remote.s32 $0x1  }
0xbd: {  	_ =	sfence.sel $0xFFFF  }
0xbe: {  	[dreg:$0x0] =	wrdreg $0xFFFFFFFF;
	(pc) =	sbr.abs _section_cstart, $3  }
0xbf: {  	[dreg:$0x1] =	wrdreg $0xFFFFFFFF  }
0xc0: {  	_ =	task.clear_ibuf [dreg:s6], $0x2FFFF;
	_ =	strace $0x9FFFFFFF  }
0xc1: {  	(tm) =	ssettm $0x7FFFFFFF  }
tec
execute0_lowered:
.L_overlay_start_1:
0x0: {  	(tag) =	ssettag $0x1  }
0x1: {  	s0 =	rddreg [dreg:$0x0]  }
0x2: {  	s1 =	srdreg.scid;
	s2 =	simm.s32 $0x0;
	s4 =	stileid.u32  }
0x3: {  	s10 =	simm.s32 $0x140;
	s11 =	simm.s32 $0x1;
	s12 =	simm.s32 $0x40  }
0x4: {  	s21 =	simm.s32 $0x2;
	s23 =	simm.s32 $0x180;
	s24 =	simm.s32 $0x6280  }
0x5: {  	s28 =	simm.s32 $0x200;
	s29 =	simm.s32 $0x8280;
	s1 =	sand.u32 $0x1, s1  }
0x6: {  	s30 =	simm.s32 $0x240;
	s31 =	simm.s32 $0x9280;
	s3 =	sshll.u32 s1, $0x4  }
0x7: {  	[smem:$0x7FF] =	sst s2;
	s1 =	ssub.s32 $0x2, s1;
	s5 =	sor.u32 s4, s3  }
0x8: {  	_ =	strace $0x80000047;
	s7 =	sshrl.u32 s1, $0x1;
	s3 =	smul.u32 $0xA00, s5  }
0x9: {  	s4 =	sadd.s32 $0x27AE200, s0;
	s6 =	smul.u32 $0x6800, s5;
	s1 =	ssub.s32 s1, s7  }
0xa: {  	s5 =	sadd.s32 $0x1E00, s0;
	s7 =	simm.s32 $0x0;
	s26 =	smax.u32 s1, $0x1  }
0xb: {  	s1 =	simm.s32 $0x4;
	s8 =	sshrl.u32 s3, $0x3;
	s0 =	sadd.s32 s6, s0  }
0xc: {  	[dreg:$0x4] =	wrdreg s26;
	s26 =	simm.s32 $0x7280;
	s25 =	sadd.s32 s5, s8  }
0xd: {  	s8 =	sadd.s32 $0x42E00, s0;
	[dreg:$0x2] =	wrdreg s25;
	s6 =	sadd.s32 $0x2800, s25  }
0xe: {  	s0 =	simm.s32 $0x3;
	s25 =	simm.s32 $0x1C0;
	[dreg:$0x3] =	wrdreg s6  }
.LBB2_1:
0xf: {  	[dreg:$0x5] =	wrdreg s7  }
0x10: {  	s6 =	rddreg [dreg:$0x2]  }
0x11: {  	[tilespmem:s2], [sflag:$0x1] =	stream.linear.gather [hbm4b:s6+s2], $0x140, $0x38;
	[tilespmem:$0x10A80] =	vst v63  }
0x12: {  	s13 =	rddreg [dreg:$0x3]  }
0x13: {  	[tilespmem:s10], [sflag:$0x2] =	stream.linear.gather [hbm4b:s13+s2], $0x140, $0x38;
	[tilespmem:$0x10A80] =	vst v63  }
0x14: {  	_ =	swait.ge [sflag:s11], $0x140  }
0x15: {  	[sflag:s11] =	ssyncset.done $0x0  }
0x16: {  	s14 =	simm.s32 $0x280;
	[sflag:s11] =	ssyncadd.s32 $0xFFFFFEC0  }
0x17: {  	[tilespmem:s14], [sflag:$0x3] =	stream.indirect.gather [hbm4b:s4+s12], $0x40, s2, s12, $0xb8;
	[tilespmem:$0x10A80] =	vst v63  }
0x18: {  	s15 =	simm.s32 $0x1280;
	s16 =	simm.s32 $0x80  }
0x19: {  	[tilespmem:s15], [sflag:$0x3] =	stream.indirect.gather [hbm4b:s4+s12], $0x40, s12, s12, $0xb8;
	[tilespmem:$0x10A80] =	vst v63  }
0x1a: {  	s17 =	simm.s32 $0x2280;
	s18 =	simm.s32 $0xC0;
	s19 =	simm.s32 $0x3280  }
0x1b: {  	[tilespmem:s17], [sflag:$0x3] =	stream.indirect.gather [hbm4b:s4+s12], $0x40, s16, s12, $0xb8;
	[tilespmem:$0x10A80] =	vst v63  }
0x1c: {  	s20 =	simm.s32 $0x100;
	s22 =	simm.s32 $0x4280;
	s9 =	simm.s32 $0xA280  }
0x1d: {  	[tilespmem:s19], [sflag:$0x3] =	stream.indirect.gather [hbm4b:s4+s12], $0x40, s18, s12, $0xb8;
	[tilespmem:$0x10A80] =	vst v63  }
0x1e: {  	s7 =	simm.s32 $0x0;
	s6 =	simm.s32 $0xA2F0;
	s13 =	simm.s32 $0x0  }
0x1f: {  	[tilespmem:s22], [sflag:$0x3] =	stream.indirect.gather [hbm4b:s4+s12], $0x40, s20, s12, $0xb8;
	[tilespmem:$0x10A80] =	vst v63  }
.LBB2_2:
0x20: {  	s14 =	sshllo.u32 s13, $0x1  }
0x21: {  	s15 =	sand.u32 $0xFF, s14  }
0x22: {  	s15 =	smul.u32 $0x4F, s15  }
0x23: {  	_ =	swait.ge [sflag:s21], $0x140  }
0x24: {  	[sflag:s21] =	ssyncset.done $0x0;
	s15 =	sshrl.u32 s15, $0xB  }
0x25: {  	[sflag:s21] =	ssyncadd.s32 $0xFFFFFEC0;
	s15 =	smul.u32 $0x1A, s15  }
0x26: {  	v0 =	vld [tilespmem:$0x140]  }
0x27: {  	v1 =	vld [tilespmem:$0x150];
	s14 =	ssub.s32 s14, s15  }
0x28: {  	v2 =	vld [tilespmem:$0x160];
	s14 =	sand.u32 $0xFF, s14  }
0x29: {  	v3 =	vld [tilespmem:$0x170];
	s19 =	smul.u32 $0x186A0, s14  }
0x2a: {  	v4 =	vld [tilespmem:$0x180]  }
0x2b: {  	v5 =	vld [tilespmem:$0x190];
	v0 =	vadd.s32 s19, v0  }
0x2c: {  	[tilespmem:$0x140] =	vst v0;
	v0 =	vadd.s32 s19, v1;
	v1 =	vld [tilespmem:$0x1A0]  }
0x2d: {  	[tilespmem:$0x150] =	vst v0;
	v0 =	vadd.s32 s19, v2;
	v2 =	vld [tilespmem:$0x1B0]  }
0x2e: {  	[tilespmem:$0x160] =	vst v0;
	v0 =	vadd.s32 s19, v3;
	v3 =	vld [tilespmem:$0x1C0]  }
0x2f: {  	[tilespmem:$0x170] =	vst v0;
	v0 =	vadd.s32 s19, v4;
	v4 =	vld [tilespmem:$0x1D0]  }
0x30: {  	[tilespmem:$0x180] =	vst v0;
	v0 =	vadd.s32 s19, v5;
	v5 =	vld [tilespmem:$0x1E0]  }
0x31: {  	[tilespmem:$0x190] =	vst v0;
	v0 =	vadd.s32 s19, v1;
	v1 =	vld [tilespmem:$0x1F0]  }
0x32: {  	[tilespmem:$0x1A0] =	vst v0;
	v0 =	vadd.s32 s19, v2;
	v2 =	vld [tilespmem:$0x200]  }
0x33: {  	[tilespmem:$0x1B0] =	vst v0;
	v0 =	vadd.s32 s19, v3;
	v3 =	vld [tilespmem:$0x210]  }
0x34: {  	[tilespmem:$0x1C0] =	vst v0;
	v0 =	vadd.s32 s19, v4;
	v4 =	vld [tilespmem:$0x220]  }
0x35: {  	[tilespmem:$0x1D0] =	vst v0;
	v0 =	vadd.s32 s19, v5;
	v5 =	vld [tilespmem:$0x230]  }
0x36: {  	[tilespmem:$0x1E0] =	vst v0;
	v0 =	vadd.s32 s19, v1;
	v1 =	vld [tilespmem:$0x240]  }
0x37: {  	[tilespmem:$0x1F0] =	vst v0;
	v0 =	vadd.s32 s19, v2;
	v2 =	vld [tilespmem:$0x250]  }
0x38: {  	[tilespmem:$0x200] =	vst v0;
	v0 =	vadd.s32 s19, v3;
	v3 =	vld [tilespmem:$0x260]  }
0x39: {  	s15 =	sshll.u32 s13, $0x1;
	[tilespmem:$0x210] =	vst v0;
	v0 =	vadd.s32 s19, v4;
	v4 =	vld [tilespmem:$0x270]  }
0x3a: {  	p0 =	seq.s32 s13, $0x67;
	s17 =	sadd.s32 $0x2, s15;
	[tilespmem:$0x220] =	vst v0;
	v0 =	vadd.s32 s19, v5  }
0x3b: {  	s16 =	sand.u32 @!p0 $0xFF, s17;
	[tilespmem:$0x230] =	vst v0;
	v0 =	vadd.s32 s19, v1  }
0x3c: {  	s16 =	smul.u32 @!p0 $0x4F, s16;
	[tilespmem:$0x240] =	vst v0;
	v0 =	vadd.s32 s19, v2  }
0x3d: {  	[tilespmem:$0x250] =	vst v0;
	v0 =	vadd.s32 s19, v3  }
0x3e: {  	s16 =	sshrl.u32 @!p0 s16, $0xB;
	[tilespmem:$0x260] =	vst v0;
	v0 =	vadd.s32 s19, v4  }
0x3f: {  	s20 =	simm.s32 $0x5280;
	s18 =	smul.u32 @!p0 $0x1A, s16;
	[tilespmem:$0x270] =	vst v0  }
0x40: {  	[tilespmem:s20], [sflag:$0x4] =	stream.indirect.gather [hbm4b:s4+s12], $0x40, s10, s12, $0xb8;
	[tilespmem:$0x10A80] =	vst v63  }
0x41: {  	s18 =	ssub.s32 @!p0 s17, s18  }
0x42: {  	[tilespmem:s24], [sflag:$0x4] =	stream.indirect.gather [hbm4b:s4+s12], $0x40, s23, s12, $0xb8;
	[tilespmem:$0x10A80] =	vst v63  }
0x43: {  	s18 =	sand.u32 @!p0 $0xFF, s18  }
0x44: {  	[tilespmem:s26], [sflag:$0x4] =	stream.indirect.gather [hbm4b:s4+s12], $0x40, s25, s12, $0xb8;
	[tilespmem:$0x10A80] =	vst v63  }
0x45: {  	s18 =	smul.u32 @!p0 $0x14000, s18  }
0x46: {  	[tilespmem:s29], [sflag:$0x4] =	stream.indirect.gather [hbm4b:s4+s12], $0x40, s28, s12, $0xb8;
	[tilespmem:$0x10A80] =	vst v63  }
0x47: {  	s16 =	smul.u32 @!p0 $0x140, s16;
	s18 =	sadd.s32 @!p0 s3, s18  }
0x48: {  	[tilespmem:s31], [sflag:$0x4] =	stream.indirect.gather [hbm4b:s4+s12], $0x40, s30, s12, $0xb8;
	[tilespmem:$0x10A80] =	vst v63  }
0x49: {  	s16 =	sadd.s32 @!p0 s16, s18;
	_ =	swait.ge [sflag:s0], $0x5000  }
0x4a: {  	s16 =	sshrl.u32 @!p0 s16, $0x3;
	[sflag:s0] =	ssyncset.done $0x0  }
0x4b: {  	s18 =	simm.s32 @!p0 $0x0;
	s16 =	sadd.s32 @!p0 s5, s16;
	[sflag:s0] =	ssyncadd.s32 $0xFFFFB000  }
0x4c: {  	[tilespmem:s18], [sflag:$0x1] =	stream.linear.gather @!p0 [hbm4b:s16+s18], $0x140, $0x38;
	[tilespmem:$0x10A80] =	vst v63  }
0x4d: {  	s18 =	simm.s32 $0x500  }
0x4e: {  	v0 =	vld [tilespmem:s18+$0xFFFFFDC0]  }
0x4f: {  	v1 =	vld [tilespmem:s18+$0xFFFFFD80];
	_ =	sdelay $0x1  }
0x50: {  	v2 =	vld [tilespmem:s18+$0xFFFFFE00];
	_ =	sdelay $0x1  }
0x51: {  	v3 =	vld [tilespmem:s18+$0xFFFFFE40]  }
0x52: {  	v0 =	vadd.f32 v0, v1  }
0x53: {  	v1 =	vld [tilespmem:s18+$0xFFFFFE80]  }
0x54: {  	v0 =	vadd.f32 v2, v0  }
0x55: {  	v2 =	vld [tilespmem:s18+$0xFFFFFEC0]  }
0x56: {  	v0 =	vadd.f32 v3, v0  }
0x57: {  	v3 =	vld [tilespmem:s18+$0xFFFFFF00]  }
0x58: {  	v0 =	vadd.f32 v1, v0  }
0x59: {  	v1 =	vld [tilespmem:s18+$0xFFFFFF40]  }
0x5a: {  	v0 =	vadd.f32 v2, v0  }
0x5b: {  	v2 =	vld [tilespmem:s18+$0xFFFFFF80]  }
0x5c: {  	v0 =	vadd.f32 v3, v0  }
0x5d: {  	v3 =	vld [tilespmem:s18+$0xFFFFFFC0]  }
0x5e: {  	v0 =	vadd.f32 v1, v0  }
0x5f: {  	v1 =	vld [tilespmem:s18+$0x0]  }
0x60: {  	v0 =	vadd.f32 v2, v0  }
0x61: {  	v2 =	vld [tilespmem:s18+$0x40]  }
0x62: {  	v0 =	vadd.f32 v3, v0  }
0x63: {  	v3 =	vld [tilespmem:s18+$0x80]  }
0x64: {  	v0 =	vadd.f32 v1, v0  }
0x65: {  	v1 =	vld [tilespmem:s18+$0xC0]  }
0x66: {  	v0 =	vadd.f32 v2, v0  }
0x67: {  	v2 =	vld [tilespmem:s18+$0x100]  }
0x68: {  	v0 =	vadd.f32 v3, v0  }
0x69: {  	v3 =	vld [tilespmem:s18+$0x140]  }
0x6a: {  	v0 =	vadd.f32 v1, v0  }
0x6b: {  	v1 =	vld [tilespmem:s18+$0x180]  }
0x6c: {  	s22 =	smulhi.u32 $0x4EC4EC4F, s7;
	v0 =	vadd.f32 v2, v0  }
0x6d: {  	v2 =	vld [tilespmem:s18+$0x1C0]  }
0x6e: {  	s16 =	sshrl.u32 s22, $0x3;
	v0 =	vadd.f32 v3, v0  }
0x6f: {  	s16 =	smul.u32 $0xFFFFE600, s16;
	v3 =	vld [tilespmem:s18+$0x200]  }
0x70: {  	v0 =	vadd.f32 v1, v0  }
0x71: {  	s16 =	sshra.s32 s16, $0x2;
	v1 =	vld [tilespmem:s18+$0x240]  }
0x72: {  	s19 =	sadd.s32 s16, s9;
	v2 =	vadd.f32 v2, v0  }
0x73: {  	v0 =	vmov s19  }
0x74: {  	v2 =	vadd.f32 v3, v2;
	_ =	sdelay $0x1  }
0x75: {  	v1 =	vadd.f32 v1, v2  }
0x76: {  	s19 =	simm.s32 $0x0  }
0x77: {  	[tilespmem:v0+s19+$0x0 ss:$0x1] =	vst.idx.msk $0xffff, v1  }
0x78: {  	v1 =	vld [tilespmem:s18+$0xFFFFFD90]  }
0x79: {  	v2 =	vld [tilespmem:s18+$0xFFFFFDD0];
	_ =	sdelay $0x1  }
0x7a: {  	v3 =	vld [tilespmem:s18+$0xFFFFFE10];
	_ =	sdelay $0x1  }
0x7b: {  	v4 =	vld [tilespmem:s18+$0xFFFFFE50]  }
0x7c: {  	v1 =	vadd.f32 v2, v1  }
0x7d: {  	v2 =	vld [tilespmem:s18+$0xFFFFFE90]  }
0x7e: {  	v1 =	vadd.f32 v3, v1  }
0x7f: {  	v3 =	vld [tilespmem:s18+$0xFFFFFED0]  }
0x80: {  	v1 =	vadd.f32 v4, v1  }
0x81: {  	v4 =	vld [tilespmem:s18+$0xFFFFFF10]  }
0x82: {  	v1 =	vadd.f32 v2, v1  }
0x83: {  	v2 =	vld [tilespmem:s18+$0xFFFFFF50]  }
0x84: {  	v1 =	vadd.f32 v3, v1  }
0x85: {  	v3 =	vld [tilespmem:s18+$0xFFFFFF90]  }
0x86: {  	v1 =	vadd.f32 v4, v1  }
0x87: {  	v4 =	vld [tilespmem:s18+$0xFFFFFFD0]  }
0x88: {  	v1 =	vadd.f32 v2, v1  }
0x89: {  	v2 =	vld [tilespmem:s18+$0x10]  }
0x8a: {  	v1 =	vadd.f32 v3, v1  }
0x8b: {  	v3 =	vld [tilespmem:s18+$0x50]  }
0x8c: {  	v1 =	vadd.f32 v4, v1  }
0x8d: {  	v4 =	vld [tilespmem:s18+$0x90]  }
0x8e: {  	v1 =	vadd.f32 v2, v1  }
0x8f: {  	v2 =	vld [tilespmem:s18+$0xD0]  }
0x90: {  	v1 =	vadd.f32 v3, v1  }
0x91: {  	v3 =	vld [tilespmem:s18+$0x110]  }
0x92: {  	v1 =	vadd.f32 v4, v1  }
0x93: {  	v4 =	vld [tilespmem:s18+$0x150]  }
0x94: {  	v1 =	vadd.f32 v2, v1  }
0x95: {  	v2 =	vld [tilespmem:s18+$0x190]  }
0x96: {  	v1 =	vadd.f32 v3, v1  }
0x97: {  	v3 =	vld [tilespmem:s18+$0x1D0]  }
0x98: {  	v1 =	vadd.f32 v4, v1  }
0x99: {  	v4 =	vld [tilespmem:s18+$0x210]  }
0x9a: {  	v1 =	vadd.f32 v2, v1  }
0x9b: {  	v2 =	vld [tilespmem:s18+$0x250]  }
0x9c: {  	v1 =	vadd.f32 v3, v1;
	_ =	sdelay $0x1  }
0x9d: {  	v1 =	vadd.f32 v4, v1;
	_ =	sdelay $0x1  }
0x9e: {  	v1 =	vadd.f32 v2, v1;
	_ =	sdelay $0x1  }
0x9f: {  	[tilespmem:v0+s19+$0x10 ss:$0x1] =	vst.idx.msk $0xffff, v1  }
0xa0: {  	v1 =	vld [tilespmem:s18+$0xFFFFFDA0]  }
0xa1: {  	v2 =	vld [tilespmem:s18+$0xFFFFFDE0];
	_ =	sdelay $0x1  }
0xa2: {  	v3 =	vld [tilespmem:s18+$0xFFFFFE20];
	_ =	sdelay $0x1  }
0xa3: {  	v4 =	vld [tilespmem:s18+$0xFFFFFE60]  }
0xa4: {  	v1 =	vadd.f32 v2, v1  }
0xa5: {  	v2 =	vld [tilespmem:s18+$0xFFFFFEA0]  }
0xa6: {  	v1 =	vadd.f32 v3, v1  }
0xa7: {  	v3 =	vld [tilespmem:s18+$0xFFFFFEE0]  }
0xa8: {  	v1 =	vadd.f32 v4, v1  }
0xa9: {  	v4 =	vld [tilespmem:s18+$0xFFFFFF20]  }
0xaa: {  	v1 =	vadd.f32 v2, v1  }
0xab: {  	v2 =	vld [tilespmem:s18+$0xFFFFFF60]  }
0xac: {  	v1 =	vadd.f32 v3, v1  }
0xad: {  	v3 =	vld [tilespmem:s18+$0xFFFFFFA0]  }
0xae: {  	v1 =	vadd.f32 v4, v1  }
0xaf: {  	v4 =	vld [tilespmem:s18+$0xFFFFFFE0]  }
0xb0: {  	v1 =	vadd.f32 v2, v1  }
0xb1: {  	v2 =	vld [tilespmem:s18+$0x20]  }
0xb2: {  	v1 =	vadd.f32 v3, v1  }
0xb3: {  	v3 =	vld [tilespmem:s18+$0x60]  }
0xb4: {  	v1 =	vadd.f32 v4, v1  }
0xb5: {  	v4 =	vld [tilespmem:s18+$0xA0]  }
0xb6: {  	v1 =	vadd.f32 v2, v1  }
0xb7: {  	v2 =	vld [tilespmem:s18+$0xE0]  }
0xb8: {  	v1 =	vadd.f32 v3, v1  }
0xb9: {  	v3 =	vld [tilespmem:s18+$0x120]  }
0xba: {  	v1 =	vadd.f32 v4, v1  }
0xbb: {  	v4 =	vld [tilespmem:s18+$0x160]  }
0xbc: {  	v1 =	vadd.f32 v2, v1  }
0xbd: {  	v2 =	vld [tilespmem:s18+$0x1A0]  }
0xbe: {  	v1 =	vadd.f32 v3, v1  }
0xbf: {  	v3 =	vld [tilespmem:s18+$0x1E0]  }
0xc0: {  	v1 =	vadd.f32 v4, v1  }
0xc1: {  	v4 =	vld [tilespmem:s18+$0x220]  }
0xc2: {  	v1 =	vadd.f32 v2, v1  }
0xc3: {  	v2 =	vld [tilespmem:s18+$0x260]  }
0xc4: {  	v1 =	vadd.f32 v3, v1;
	_ =	sdelay $0x1  }
0xc5: {  	v1 =	vadd.f32 v4, v1;
	_ =	sdelay $0x1  }
0xc6: {  	v1 =	vadd.f32 v2, v1;
	_ =	sdelay $0x1  }
0xc7: {  	[tilespmem:v0+s19+$0x20 ss:$0x1] =	vst.idx.msk $0xffff, v1  }
0xc8: {  	v1 =	vld [tilespmem:s18+$0xFFFFFDB0]  }
0xc9: {  	v2 =	vld [tilespmem:s18+$0xFFFFFDF0];
	_ =	sdelay $0x1  }
0xca: {  	v3 =	vld [tilespmem:s18+$0xFFFFFE30];
	_ =	sdelay $0x1  }
0xcb: {  	v4 =	vld [tilespmem:s18+$0xFFFFFE70]  }
0xcc: {  	v1 =	vadd.f32 v2, v1  }
0xcd: {  	v2 =	vld [tilespmem:s18+$0xFFFFFEB0]  }
0xce: {  	v1 =	vadd.f32 v3, v1  }
0xcf: {  	v3 =	vld [tilespmem:s18+$0xFFFFFEF0]  }
0xd0: {  	v1 =	vadd.f32 v4, v1  }
0xd1: {  	v4 =	vld [tilespmem:s18+$0xFFFFFF30]  }
0xd2: {  	v1 =	vadd.f32 v2, v1  }
0xd3: {  	v2 =	vld [tilespmem:s18+$0xFFFFFF70]  }
0xd4: {  	v1 =	vadd.f32 v3, v1  }
0xd5: {  	v3 =	vld [tilespmem:s18+$0xFFFFFFB0]  }
0xd6: {  	v1 =	vadd.f32 v4, v1  }
0xd7: {  	v4 =	vld [tilespmem:s18+$0xFFFFFFF0]  }
0xd8: {  	v1 =	vadd.f32 v2, v1  }
0xd9: {  	v2 =	vld [tilespmem:s18+$0x30]  }
0xda: {  	v1 =	vadd.f32 v3, v1  }
0xdb: {  	v3 =	vld [tilespmem:s18+$0x70]  }
0xdc: {  	v1 =	vadd.f32 v4, v1  }
0xdd: {  	v4 =	vld [tilespmem:s18+$0xB0]  }
0xde: {  	v1 =	vadd.f32 v2, v1  }
0xdf: {  	v2 =	vld [tilespmem:s18+$0xF0]  }
0xe0: {  	v1 =	vadd.f32 v3, v1  }
0xe1: {  	v3 =	vld [tilespmem:s18+$0x130]  }
0xe2: {  	v1 =	vadd.f32 v4, v1  }
0xe3: {  	v4 =	vld [tilespmem:s18+$0x170]  }
0xe4: {  	v1 =	vadd.f32 v2, v1  }
0xe5: {  	v2 =	vld [tilespmem:s18+$0x1B0]  }
0xe6: {  	v1 =	vadd.f32 v3, v1;
	_ =	sdelay $0x1  }
0xe7: {  	v3 =	vld [tilespmem:s18+$0x1F0];
	v1 =	vadd.f32 v4, v1;
	_ =	sdelay $0x1  }
0xe8: {  	v4 =	vadd.f32 v2, v1;
	v2 =	vld [tilespmem:s18+$0x230];
	_ =	sdelay $0x1  }
0xe9: {  	v1 =	vld [tilespmem:s18+$0x270]  }
0xea: {  	s20 =	simm.s32 $0x1A00;
	v3 =	vadd.f32 v3, v4  }
.LBB2_3:
0xeb: {  	p0 =	sne.s32 s20, $0x18600  }
0xec: {  	s18 =	sadd.s32 $0x500, s18;
	s22 =	smov.u32 s20;
	s20 =	sadd.s32 $0x1A00, s20;
	v2 =	vadd.f32 v2, v3  }
0xed: {  	_ = 	snop  }
0xee: {  	v1 =	vadd.f32 v1, v2;
	_ =	sdelay $0x1  }
0xef: {  	[tilespmem:v0+s19+$0x30 ss:$0x1] =	vst.idx.msk $0xffff, v1  }
0xf0: {  	v1 =	vld [tilespmem:s18+$0xFFFFFDC0]  }
0xf1: {  	v2 =	vld [tilespmem:s18+$0xFFFFFD80];
	_ =	sdelay $0x1  }
0xf2: {  	v3 =	vld [tilespmem:s18+$0xFFFFFE00];
	_ =	sdelay $0x1  }
0xf3: {  	v4 =	vld [tilespmem:s18+$0xFFFFFE40]  }
0xf4: {  	v1 =	vadd.f32 v1, v2  }
0xf5: {  	v2 =	vld [tilespmem:s18+$0xFFFFFE80]  }
0xf6: {  	v1 =	vadd.f32 v3, v1  }
0xf7: {  	v3 =	vld [tilespmem:s18+$0xFFFFFEC0]  }
0xf8: {  	v1 =	vadd.f32 v4, v1  }
0xf9: {  	v4 =	vld [tilespmem:s18+$0xFFFFFF00]  }
0xfa: {  	v1 =	vadd.f32 v2, v1  }
0xfb: {  	v2 =	vld [tilespmem:s18+$0xFFFFFF40]  }
0xfc: {  	v1 =	vadd.f32 v3, v1  }
0xfd: {  	v3 =	vld [tilespmem:s18+$0xFFFFFF80]  }
0xfe: {  	v1 =	vadd.f32 v4, v1  }
0xff: {  	v4 =	vld [tilespmem:s18+$0xFFFFFFC0]  }
0x100: {  	v1 =	vadd.f32 v2, v1  }
0x101: {  	v2 =	vld [tilespmem:s18+$0x0]  }
0x102: {  	v1 =	vadd.f32 v3, v1  }
0x103: {  	v3 =	vld [tilespmem:s18+$0x40]  }
0x104: {  	v1 =	vadd.f32 v4, v1  }
0x105: {  	v4 =	vld [tilespmem:s18+$0x80]  }
0x106: {  	v1 =	vadd.f32 v2, v1  }
0x107: {  	v2 =	vld [tilespmem:s18+$0xC0]  }
0x108: {  	v1 =	vadd.f32 v3, v1  }
0x109: {  	v3 =	vld [tilespmem:s18+$0x100]  }
0x10a: {  	v1 =	vadd.f32 v4, v1  }
0x10b: {  	v4 =	vld [tilespmem:s18+$0x140]  }
0x10c: {  	v1 =	vadd.f32 v2, v1  }
0x10d: {  	v2 =	vld [tilespmem:s18+$0x180]  }
0x10e: {  	v1 =	vadd.f32 v3, v1  }
0x10f: {  	v3 =	vld [tilespmem:s18+$0x1C0]  }
0x110: {  	v1 =	vadd.f32 v4, v1  }
0x111: {  	v4 =	vld [tilespmem:s18+$0x200]  }
0x112: {  	v1 =	vadd.f32 v2, v1  }
0x113: {  	v2 =	vld [tilespmem:s18+$0x240]  }
0x114: {  	v1 =	vadd.f32 v3, v1;
	_ =	sdelay $0x1  }
0x115: {  	v1 =	vadd.f32 v4, v1;
	_ =	sdelay $0x1  }
0x116: {  	v1 =	vadd.f32 v2, v1  }
0x117: {  	s19 =	sshra.s32 s22, $0x2  }
0x118: {  	[tilespmem:v0+s19+$0x0 ss:$0x1] =	vst.idx.msk $0xffff, v1  }
0x119: {  	v1 =	vld [tilespmem:s18+$0xFFFFFD90]  }
0x11a: {  	v2 =	vld [tilespmem:s18+$0xFFFFFDD0];
	_ =	sdelay $0x1  }
0x11b: {  	v3 =	vld [tilespmem:s18+$0xFFFFFE10];
	_ =	sdelay $0x1  }
0x11c: {  	v4 =	vld [tilespmem:s18+$0xFFFFFE50]  }
0x11d: {  	v1 =	vadd.f32 v2, v1  }
0x11e: {  	v2 =	vld [tilespmem:s18+$0xFFFFFE90]  }
0x11f: {  	v1 =	vadd.f32 v3, v1  }
0x120: {  	v3 =	vld [tilespmem:s18+$0xFFFFFED0]  }
0x121: {  	v1 =	vadd.f32 v4, v1  }
0x122: {  	v4 =	vld [tilespmem:s18+$0xFFFFFF10]  }
0x123: {  	v1 =	vadd.f32 v2, v1  }
0x124: {  	v2 =	vld [tilespmem:s18+$0xFFFFFF50]  }
0x125: {  	v1 =	vadd.f32 v3, v1  }
0x126: {  	v3 =	vld [tilespmem:s18+$0xFFFFFF90]  }
0x127: {  	v1 =	vadd.f32 v4, v1  }
0x128: {  	v4 =	vld [tilespmem:s18+$0xFFFFFFD0]  }
0x129: {  	v1 =	vadd.f32 v2, v1  }
0x12a: {  	v2 =	vld [tilespmem:s18+$0x10]  }
0x12b: {  	v1 =	vadd.f32 v3, v1  }
0x12c: {  	v3 =	vld [tilespmem:s18+$0x50]  }
0x12d: {  	v1 =	vadd.f32 v4, v1  }
0x12e: {  	v4 =	vld [tilespmem:s18+$0x90]  }
0x12f: {  	v1 =	vadd.f32 v2, v1  }
0x130: {  	v2 =	vld [tilespmem:s18+$0xD0]  }
0x131: {  	v1 =	vadd.f32 v3, v1  }
0x132: {  	v3 =	vld [tilespmem:s18+$0x110]  }
0x133: {  	v1 =	vadd.f32 v4, v1  }
0x134: {  	v4 =	vld [tilespmem:s18+$0x150]  }
0x135: {  	v1 =	vadd.f32 v2, v1  }
0x136: {  	v2 =	vld [tilespmem:s18+$0x190]  }
0x137: {  	v1 =	vadd.f32 v3, v1  }
0x138: {  	v3 =	vld [tilespmem:s18+$0x1D0]  }
0x139: {  	v1 =	vadd.f32 v4, v1  }
0x13a: {  	v4 =	vld [tilespmem:s18+$0x210]  }
0x13b: {  	v1 =	vadd.f32 v2, v1  }
0x13c: {  	v2 =	vld [tilespmem:s18+$0x250]  }
0x13d: {  	v1 =	vadd.f32 v3, v1;
	_ =	sdelay $0x1  }
0x13e: {  	v1 =	vadd.f32 v4, v1;
	_ =	sdelay $0x1  }
0x13f: {  	v1 =	vadd.f32 v2, v1;
	_ =	sdelay $0x1  }
0x140: {  	[tilespmem:v0+s19+$0x10 ss:$0x1] =	vst.idx.msk $0xffff, v1  }
0x141: {  	v1 =	vld [tilespmem:s18+$0xFFFFFDA0]  }
0x142: {  	v2 =	vld [tilespmem:s18+$0xFFFFFDE0];
	_ =	sdelay $0x1  }
0x143: {  	v3 =	vld [tilespmem:s18+$0xFFFFFE20];
	_ =	sdelay $0x1  }
0x144: {  	v4 =	vld [tilespmem:s18+$0xFFFFFE60]  }
0x145: {  	v1 =	vadd.f32 v2, v1  }
0x146: {  	v2 =	vld [tilespmem:s18+$0xFFFFFEA0]  }
0x147: {  	v1 =	vadd.f32 v3, v1  }
0x148: {  	v3 =	vld [tilespmem:s18+$0xFFFFFEE0]  }
0x149: {  	v1 =	vadd.f32 v4, v1  }
0x14a: {  	v4 =	vld [tilespmem:s18+$0xFFFFFF20]  }
0x14b: {  	v1 =	vadd.f32 v2, v1  }
0x14c: {  	v2 =	vld [tilespmem:s18+$0xFFFFFF60]  }
0x14d: {  	v1 =	vadd.f32 v3, v1  }
0x14e: {  	v3 =	vld [tilespmem:s18+$0xFFFFFFA0]  }
0x14f: {  	v1 =	vadd.f32 v4, v1  }
0x150: {  	v4 =	vld [tilespmem:s18+$0xFFFFFFE0]  }
0x151: {  	v1 =	vadd.f32 v2, v1  }
0x152: {  	v2 =	vld [tilespmem:s18+$0x20]  }
0x153: {  	v1 =	vadd.f32 v3, v1  }
0x154: {  	v3 =	vld [tilespmem:s18+$0x60]  }
0x155: {  	v1 =	vadd.f32 v4, v1  }
0x156: {  	v4 =	vld [tilespmem:s18+$0xA0]  }
0x157: {  	v1 =	vadd.f32 v2, v1  }
0x158: {  	v2 =	vld [tilespmem:s18+$0xE0]  }
0x159: {  	v1 =	vadd.f32 v3, v1  }
0x15a: {  	v3 =	vld [tilespmem:s18+$0x120]  }
0x15b: {  	v1 =	vadd.f32 v4, v1  }
0x15c: {  	v4 =	vld [tilespmem:s18+$0x160]  }
0x15d: {  	v1 =	vadd.f32 v2, v1  }
0x15e: {  	v2 =	vld [tilespmem:s18+$0x1A0]  }
0x15f: {  	v1 =	vadd.f32 v3, v1  }
0x160: {  	v3 =	vld [tilespmem:s18+$0x1E0]  }
0x161: {  	v1 =	vadd.f32 v4, v1  }
0x162: {  	v4 =	vld [tilespmem:s18+$0x220]  }
0x163: {  	v1 =	vadd.f32 v2, v1  }
0x164: {  	v2 =	vld [tilespmem:s18+$0x260]  }
0x165: {  	v1 =	vadd.f32 v3, v1;
	_ =	sdelay $0x1  }
0x166: {  	v1 =	vadd.f32 v4, v1;
	_ =	sdelay $0x1  }
0x167: {  	v1 =	vadd.f32 v2, v1;
	_ =	sdelay $0x1  }
0x168: {  	[tilespmem:v0+s19+$0x20 ss:$0x1] =	vst.idx.msk $0xffff, v1  }
0x169: {  	v1 =	vld [tilespmem:s18+$0xFFFFFDB0]  }
0x16a: {  	v2 =	vld [tilespmem:s18+$0xFFFFFDF0]  }
0x16b: {  	v3 =	vld [tilespmem:s18+$0xFFFFFE30]  }
0x16c: {  	v4 =	vld [tilespmem:s18+$0xFFFFFE70]  }
0x16d: {  	v5 =	vld [tilespmem:s18+$0xFFFFFEB0]  }
0x16e: {  	v6 =	vld [tilespmem:s18+$0xFFFFFEF0]  }
0x16f: {  	v1 =	vadd.f32 v2, v1;
	v2 =	vld [tilespmem:s18+$0xFFFFFF30]  }
0x170: {  	v7 =	vld [tilespmem:s18+$0xFFFFFF70]  }
0x171: {  	v1 =	vadd.f32 v3, v1;
	v3 =	vld [tilespmem:s18+$0xFFFFFFB0]  }
0x172: {  	v8 =	vld [tilespmem:s18+$0xFFFFFFF0]  }
0x173: {  	v1 =	vadd.f32 v4, v1;
	v4 =	vld [tilespmem:s18+$0x30]  }
0x174: {  	v9 =	vld [tilespmem:s18+$0x70]  }
0x175: {  	v1 =	vadd.f32 v5, v1;
	v5 =	vld [tilespmem:s18+$0xB0]  }
0x176: {  	v10 =	vld [tilespmem:s18+$0xF0]  }
0x177: {  	v1 =	vadd.f32 v6, v1;
	v6 =	vld [tilespmem:s18+$0x130]  }
0x178: {  	v11 =	vld [tilespmem:s18+$0x170]  }
0x179: {  	v1 =	vadd.f32 v2, v1;
	v12 =	vld [tilespmem:s18+$0x1B0]  }
0x17a: {  	v13 =	vld [tilespmem:s18+$0x1F0]  }
0x17b: {  	v7 =	vadd.f32 v7, v1;
	v2 =	vld [tilespmem:s18+$0x230]  }
0x17c: {  	v1 =	vld [tilespmem:s18+$0x270]  }
0x17d: {  	v3 =	vadd.f32 v3, v7;
	_ =	sdelay $0x1  }
0x17e: {  	v3 =	vadd.f32 v8, v3;
	_ =	sdelay $0x1  }
0x17f: {  	v3 =	vadd.f32 v4, v3;
	_ =	sdelay $0x1  }
0x180: {  	v3 =	vadd.f32 v9, v3;
	_ =	sdelay $0x1  }
0x181: {  	v3 =	vadd.f32 v5, v3;
	_ =	sdelay $0x1  }
0x182: {  	v3 =	vadd.f32 v10, v3;
	_ =	sdelay $0x1  }
0x183: {  	v3 =	vadd.f32 v6, v3;
	_ =	sdelay $0x1  }
.Ltmp0:
0x184: {  	v3 =	vadd.f32 v11, v3;
	(pc) =	sbr.rel @p0 .LBB2_3-.Ltmp0, $3  }
0x185: {  	_ = 	snop  }
0x186: {  	v3 =	vadd.f32 v12, v3;
	_ =	sdelay $0x1  }
0x187: {  	v3 =	vadd.f32 v13, v3  }
0x188: {  	p0 =	sne.s32 s13, $0x67  }
.Ltmp1:
0x189: {  	v2 =	vadd.f32 v2, v3;
	(pc) =	sbr.rel @p0 .LBB2_6-.Ltmp1, $3  }
0x18a: {  	_ = 	snop  }
0x18b: {  	v1 =	vadd.f32 v1, v2;
	_ =	sdelay $0x1  }
0x18c: {  	[tilespmem:v0+s19+$0x30 ss:$0x1] =	vst.idx.msk $0xffff, v1  }
.Ltmp2:
0x18d: {  	(pc) =	sbr.rel .LBB2_7-.Ltmp2, $4  }
0x18e: {  	_ = 	snop  }
0x18f: {  	_ =	swait.ge [sflag:s1], $0x5000  }
0x190: {  	[sflag:s1] =	ssyncset.done $0x0  }
0x191: {  	[sflag:s1] =	ssyncadd.s32 $0xFFFFB000  }
.LBB2_6:
0x192: {  	_ =	swait.ge [sflag:s11], $0x140;
	s18 =	smulhi.u32 $0x4EC4EC4F, s17  }
0x193: {  	[sflag:s11] =	ssyncset.done $0x0  }
0x194: {  	[sflag:s11] =	ssyncadd.s32 $0xFFFFFEC0;
	s18 =	sshrl.u32 s18, $0x3  }
0x195: {  	s18 =	smul.u32 $0x1A, s18;
	v0 =	vld [tilespmem:$0x0]  }
0x196: {  	v1 =	vld [tilespmem:$0x10]  }
0x197: {  	v2 =	vld [tilespmem:$0x20];
	s20 =	ssub.s32 s17, s18  }
0x198: {  	v3 =	vld [tilespmem:$0x30];
	s17 =	smul.u32 $0x186A0, s20  }
0x199: {  	v4 =	vld [tilespmem:$0x40]  }
0x19a: {  	v5 =	vld [tilespmem:$0x50];
	v0 =	vadd.s32 s17, v0  }
0x19b: {  	v32 =	vld [tilespmem:$0x60];
	v31 =	vadd.s32 s17, v1;
	[tilespmem:$0x0] =	vst v0  }
0x19c: {  	v34 =	vld [tilespmem:$0x70];
	v33 =	vadd.s32 s17, v2;
	[tilespmem:$0x10] =	vst v31  }
0x19d: {  	v36 =	vld [tilespmem:$0x80];
	v35 =	vadd.s32 s17, v3;
	[tilespmem:$0x20] =	vst v33  }
0x19e: {  	v38 =	vld [tilespmem:$0x90];
	v37 =	vadd.s32 s17, v4;
	[tilespmem:$0x30] =	vst v35  }
0x19f: {  	v40 =	vld [tilespmem:$0xA0];
	v39 =	vadd.s32 s17, v5;
	[tilespmem:$0x40] =	vst v37  }
0x1a0: {  	v42 =	vld [tilespmem:$0xB0];
	v41 =	vadd.s32 s17, v32;
	[tilespmem:$0x50] =	vst v39  }
0x1a1: {  	v44 =	vld [tilespmem:$0xC0];
	v43 =	vadd.s32 s17, v34;
	[tilespmem:$0x60] =	vst v41  }
0x1a2: {  	v46 =	vld [tilespmem:$0xD0];
	v45 =	vadd.s32 s17, v36;
	[tilespmem:$0x70] =	vst v43  }
0x1a3: {  	v48 =	vld [tilespmem:$0xE0];
	v47 =	vadd.s32 s17, v38;
	[tilespmem:$0x80] =	vst v45  }
0x1a4: {  	v50 =	vld [tilespmem:$0xF0];
	v49 =	vadd.s32 s17, v40;
	[tilespmem:$0x90] =	vst v47  }
0x1a5: {  	v52 =	vld [tilespmem:$0x100];
	v51 =	vadd.s32 s17, v42;
	[tilespmem:$0xA0] =	vst v49  }
0x1a6: {  	v54 =	vld [tilespmem:$0x110];
	v53 =	vadd.s32 s17, v44;
	[tilespmem:$0xB0] =	vst v51  }
0x1a7: {  	v56 =	vld [tilespmem:$0x120];
	v55 =	vadd.s32 s17, v46;
	[tilespmem:$0xC0] =	vst v53  }
0x1a8: {  	v58 =	vld [tilespmem:$0x130];
	v57 =	vadd.s32 s17, v48;
	[tilespmem:$0xD0] =	vst v55  }
0x1a9: {  	v59 =	vadd.s32 s17, v50;
	[tilespmem:$0xE0] =	vst v57  }
0x1aa: {  	v60 =	vadd.s32 s17, v52;
	[tilespmem:$0xF0] =	vst v59  }
0x1ab: {  	v61 =	vadd.s32 s17, v54;
	[tilespmem:$0x100] =	vst v60  }
0x1ac: {  	v62 =	vadd.s32 s17, v56;
	[tilespmem:$0x110] =	vst v61  }
0x1ad: {  	v63 =	vadd.s32 s17, v58;
	[tilespmem:$0x120] =	vst v62  }
0x1ae: {  	s22 =	simm.s32 $0x280;
	s15 =	sadd.s32 $0x3, s15;
	[tilespmem:$0x130] =	vst v63  }
0x1af: {  	[tilespmem:s22], [sflag:$0x3] =	stream.indirect.gather [hbm4b:s4+s12], $0x40, s2, s12, $0xb8;
	[tilespmem:$0x10A80] =	vst v63  }
0x1b0: {  	s18 =	simm.s32 $0x1280;
	s22 =	smulhi.u32 $0x4EC4EC4F, s15  }
0x1b1: {  	[tilespmem:s18], [sflag:$0x3] =	stream.indirect.gather [hbm4b:s4+s12], $0x40, s12, s12, $0xb8;
	[tilespmem:$0x10A80] =	vst v63  }
0x1b2: {  	s17 =	sshrl.u32 s22, $0x3  }
0x1b3: {  	s18 =	smul.u32 $0x1A, s17  }
0x1b4: {  	s19 =	simm.s32 $0x80;
	s20 =	simm.s32 $0x2280;
	s17 =	smul.u32 $0x140, s17  }
0x1b5: {  	[tilespmem:s20], [sflag:$0x3] =	stream.indirect.gather [hbm4b:s4+s12], $0x40, s19, s12, $0xb8;
	[tilespmem:$0x10A80] =	vst v63  }
0x1b6: {  	s20 =	simm.s32 $0xC0;
	s19 =	simm.s32 $0x3280;
	s15 =	ssub.s32 s15, s18  }
0x1b7: {  	[tilespmem:s19], [sflag:$0x3] =	stream.indirect.gather [hbm4b:s4+s12], $0x40, s20, s12, $0xb8;
	[tilespmem:$0x10A80] =	vst v63  }
0x1b8: {  	s22 =	simm.s32 $0x100;
	s20 =	simm.s32 $0x4280;
	s15 =	smul.u32 $0x14000, s15  }
0x1b9: {  	[tilespmem:s20], [sflag:$0x3] =	stream.indirect.gather [hbm4b:s4+s12], $0x40, s22, s12, $0xb8;
	[tilespmem:$0x10A80] =	vst v63  }
0x1ba: {  	s15 =	sadd.s32 s3, s15  }
0x1bb: {  	_ =	swait.ge [sflag:s1], $0x5000;
	s15 =	sadd.s32 s17, s15  }
0x1bc: {  	[sflag:s1] =	ssyncset.done $0x0;
	s15 =	sshrl.u32 s15, $0x3  }
0x1bd: {  	[sflag:s1] =	ssyncadd.s32 $0xFFFFB000;
	s15 =	sadd.s32 s5, s15  }
0x1be: {  	[tilespmem:s10], [sflag:$0x2] =	stream.linear.gather [hbm4b:s15+s2], $0x140, $0x38;
	[tilespmem:$0x10A80] =	vst v63  }
.LBB2_7:
0x1bf: {  	s15 =	simm.s32 $0x0  }
0x1c0: {  	v0 =	vld [tilespmem:s15+$0x5280]  }
0x1c1: {  	v1 =	vld [tilespmem:s15+$0x52C0];
	_ =	sdelay $0x1  }
0x1c2: {  	v2 =	vld [tilespmem:s15+$0x5300];
	_ =	sdelay $0x1  }
0x1c3: {  	v3 =	vld [tilespmem:s15+$0x5340]  }
0x1c4: {  	v0 =	vadd.f32 v1, v0  }
0x1c5: {  	v1 =	vld [tilespmem:s15+$0x5380]  }
0x1c6: {  	v0 =	vadd.f32 v2, v0  }
0x1c7: {  	v2 =	vld [tilespmem:s15+$0x53C0]  }
0x1c8: {  	v0 =	vadd.f32 v3, v0  }
0x1c9: {  	v3 =	vld [tilespmem:s15+$0x5400]  }
0x1ca: {  	v0 =	vadd.f32 v1, v0  }
0x1cb: {  	v1 =	vld [tilespmem:s15+$0x5440]  }
0x1cc: {  	v0 =	vadd.f32 v2, v0  }
0x1cd: {  	v2 =	vld [tilespmem:s15+$0x5480]  }
0x1ce: {  	v0 =	vadd.f32 v3, v0  }
0x1cf: {  	v3 =	vld [tilespmem:s15+$0x54C0]  }
0x1d0: {  	v0 =	vadd.f32 v1, v0  }
0x1d1: {  	v1 =	vld [tilespmem:s15+$0x5500]  }
0x1d2: {  	v0 =	vadd.f32 v2, v0  }
0x1d3: {  	v2 =	vld [tilespmem:s15+$0x5540]  }
0x1d4: {  	v0 =	vadd.f32 v3, v0  }
0x1d5: {  	v3 =	vld [tilespmem:s15+$0x5580]  }
0x1d6: {  	v0 =	vadd.f32 v1, v0  }
0x1d7: {  	v1 =	vld [tilespmem:s15+$0x55C0]  }
0x1d8: {  	v0 =	vadd.f32 v2, v0  }
0x1d9: {  	v2 =	vld [tilespmem:s15+$0x5600]  }
0x1da: {  	v0 =	vadd.f32 v3, v0  }
0x1db: {  	v3 =	vld [tilespmem:s15+$0x5640]  }
0x1dc: {  	v0 =	vadd.f32 v1, v0  }
0x1dd: {  	v1 =	vld [tilespmem:s15+$0x5680]  }
0x1de: {  	v0 =	vadd.f32 v2, v0  }
0x1df: {  	v2 =	vld [tilespmem:s15+$0x56C0]  }
0x1e0: {  	v0 =	vadd.f32 v3, v0  }
0x1e1: {  	v3 =	vld [tilespmem:s15+$0x5700]  }
0x1e2: {  	v0 =	vadd.f32 v1, v0  }
0x1e3: {  	v1 =	vld [tilespmem:s15+$0x5740]  }
0x1e4: {  	v2 =	vadd.f32 v2, v0  }
0x1e5: {  	v0 =	vmov s16  }
0x1e6: {  	v2 =	vadd.f32 v3, v2;
	_ =	sdelay $0x1  }
0x1e7: {  	v1 =	vadd.f32 v1, v2;
	_ =	sdelay $0x1  }
0x1e8: {  	[tilespmem:v0+s6+$0xFFFFFFD0 ss:$0x1] =	vst.idx.msk $0xffff, v1  }
0x1e9: {  	v1 =	vld [tilespmem:s15+$0x5290]  }
0x1ea: {  	v2 =	vld [tilespmem:s15+$0x52D0];
	_ =	sdelay $0x1  }
0x1eb: {  	v3 =	vld [tilespmem:s15+$0x5310];
	_ =	sdelay $0x1  }
0x1ec: {  	v4 =	vld [tilespmem:s15+$0x5350]  }
0x1ed: {  	v1 =	vadd.f32 v2, v1  }
0x1ee: {  	v2 =	vld [tilespmem:s15+$0x5390]  }
0x1ef: {  	v1 =	vadd.f32 v3, v1  }
0x1f0: {  	v3 =	vld [tilespmem:s15+$0x53D0]  }
0x1f1: {  	v1 =	vadd.f32 v4, v1  }
0x1f2: {  	v4 =	vld [tilespmem:s15+$0x5410]  }
0x1f3: {  	v1 =	vadd.f32 v2, v1  }
0x1f4: {  	v2 =	vld [tilespmem:s15+$0x5450]  }
0x1f5: {  	v1 =	vadd.f32 v3, v1  }
0x1f6: {  	v3 =	vld [tilespmem:s15+$0x5490]  }
0x1f7: {  	v1 =	vadd.f32 v4, v1  }
0x1f8: {  	v4 =	vld [tilespmem:s15+$0x54D0]  }
0x1f9: {  	v1 =	vadd.f32 v2, v1  }
0x1fa: {  	v2 =	vld [tilespmem:s15+$0x5510]  }
0x1fb: {  	v1 =	vadd.f32 v3, v1  }
0x1fc: {  	v3 =	vld [tilespmem:s15+$0x5550]  }
0x1fd: {  	v1 =	vadd.f32 v4, v1  }
0x1fe: {  	v4 =	vld [tilespmem:s15+$0x5590]  }
0x1ff: {  	v1 =	vadd.f32 v2, v1  }
0x200: {  	v2 =	vld [tilespmem:s15+$0x55D0]  }
0x201: {  	v1 =	vadd.f32 v3, v1  }
0x202: {  	v3 =	vld [tilespmem:s15+$0x5610]  }
0x203: {  	v1 =	vadd.f32 v4, v1  }
0x204: {  	v4 =	vld [tilespmem:s15+$0x5650]  }
0x205: {  	v1 =	vadd.f32 v2, v1  }
0x206: {  	v2 =	vld [tilespmem:s15+$0x5690]  }
0x207: {  	v1 =	vadd.f32 v3, v1  }
0x208: {  	v3 =	vld [tilespmem:s15+$0x56D0]  }
0x209: {  	v1 =	vadd.f32 v4, v1  }
0x20a: {  	v4 =	vld [tilespmem:s15+$0x5710]  }
0x20b: {  	v1 =	vadd.f32 v2, v1  }
0x20c: {  	v2 =	vld [tilespmem:s15+$0x5750]  }
0x20d: {  	v1 =	vadd.f32 v3, v1;
	_ =	sdelay $0x1  }
0x20e: {  	v1 =	vadd.f32 v4, v1;
	_ =	sdelay $0x1  }
0x20f: {  	v1 =	vadd.f32 v2, v1;
	_ =	sdelay $0x1  }
0x210: {  	[tilespmem:v0+s6+$0xFFFFFFE0 ss:$0x1] =	vst.idx.msk $0xffff, v1  }
0x211: {  	v1 =	vld [tilespmem:s15+$0x52A0]  }
0x212: {  	v2 =	vld [tilespmem:s15+$0x52E0];
	_ =	sdelay $0x1  }
0x213: {  	v3 =	vld [tilespmem:s15+$0x5320];
	_ =	sdelay $0x1  }
0x214: {  	v4 =	vld [tilespmem:s15+$0x5360]  }
0x215: {  	v1 =	vadd.f32 v2, v1  }
0x216: {  	v2 =	vld [tilespmem:s15+$0x53A0]  }
0x217: {  	v1 =	vadd.f32 v3, v1  }
0x218: {  	v3 =	vld [tilespmem:s15+$0x53E0]  }
0x219: {  	v1 =	vadd.f32 v4, v1  }
0x21a: {  	v4 =	vld [tilespmem:s15+$0x5420]  }
0x21b: {  	v1 =	vadd.f32 v2, v1  }
0x21c: {  	v2 =	vld [tilespmem:s15+$0x5460]  }
0x21d: {  	v1 =	vadd.f32 v3, v1  }
0x21e: {  	v3 =	vld [tilespmem:s15+$0x54A0]  }
0x21f: {  	v1 =	vadd.f32 v4, v1  }
0x220: {  	v4 =	vld [tilespmem:s15+$0x54E0]  }
0x221: {  	v1 =	vadd.f32 v2, v1  }
0x222: {  	v2 =	vld [tilespmem:s15+$0x5520]  }
0x223: {  	v1 =	vadd.f32 v3, v1  }
0x224: {  	v3 =	vld [tilespmem:s15+$0x5560]  }
0x225: {  	v1 =	vadd.f32 v4, v1  }
0x226: {  	v4 =	vld [tilespmem:s15+$0x55A0]  }
0x227: {  	v1 =	vadd.f32 v2, v1  }
0x228: {  	v2 =	vld [tilespmem:s15+$0x55E0]  }
0x229: {  	v1 =	vadd.f32 v3, v1  }
0x22a: {  	v3 =	vld [tilespmem:s15+$0x5620]  }
0x22b: {  	v1 =	vadd.f32 v4, v1  }
0x22c: {  	v4 =	vld [tilespmem:s15+$0x5660]  }
0x22d: {  	v1 =	vadd.f32 v2, v1  }
0x22e: {  	v2 =	vld [tilespmem:s15+$0x56A0]  }
0x22f: {  	v1 =	vadd.f32 v3, v1  }
0x230: {  	v3 =	vld [tilespmem:s15+$0x56E0]  }
0x231: {  	v1 =	vadd.f32 v4, v1  }
0x232: {  	v4 =	vld [tilespmem:s15+$0x5720]  }
0x233: {  	v1 =	vadd.f32 v2, v1  }
0x234: {  	v2 =	vld [tilespmem:s15+$0x5760]  }
0x235: {  	v1 =	vadd.f32 v3, v1;
	_ =	sdelay $0x1  }
0x236: {  	v1 =	vadd.f32 v4, v1;
	_ =	sdelay $0x1  }
0x237: {  	v1 =	vadd.f32 v2, v1;
	_ =	sdelay $0x1  }
0x238: {  	[tilespmem:v0+s6+$0xFFFFFFF0 ss:$0x1] =	vst.idx.msk $0xffff, v1  }
0x239: {  	v1 =	vld [tilespmem:s15+$0x52B0]  }
0x23a: {  	v2 =	vld [tilespmem:s15+$0x52F0];
	_ =	sdelay $0x1  }
0x23b: {  	v3 =	vld [tilespmem:s15+$0x5330];
	_ =	sdelay $0x1  }
0x23c: {  	v4 =	vld [tilespmem:s15+$0x5370]  }
0x23d: {  	v1 =	vadd.f32 v2, v1  }
0x23e: {  	v2 =	vld [tilespmem:s15+$0x53B0]  }
0x23f: {  	v1 =	vadd.f32 v3, v1  }
0x240: {  	v3 =	vld [tilespmem:s15+$0x53F0]  }
0x241: {  	v1 =	vadd.f32 v4, v1  }
0x242: {  	v4 =	vld [tilespmem:s15+$0x5430]  }
0x243: {  	v1 =	vadd.f32 v2, v1  }
0x244: {  	v2 =	vld [tilespmem:s15+$0x5470]  }
0x245: {  	v1 =	vadd.f32 v3, v1  }
0x246: {  	v3 =	vld [tilespmem:s15+$0x54B0]  }
0x247: {  	v1 =	vadd.f32 v4, v1  }
0x248: {  	v4 =	vld [tilespmem:s15+$0x54F0]  }
0x249: {  	v1 =	vadd.f32 v2, v1  }
0x24a: {  	v2 =	vld [tilespmem:s15+$0x5530]  }
0x24b: {  	v1 =	vadd.f32 v3, v1  }
0x24c: {  	v3 =	vld [tilespmem:s15+$0x5570]  }
0x24d: {  	v1 =	vadd.f32 v4, v1  }
0x24e: {  	v4 =	vld [tilespmem:s15+$0x55B0]  }
0x24f: {  	v1 =	vadd.f32 v2, v1  }
0x250: {  	v2 =	vld [tilespmem:s15+$0x55F0]  }
0x251: {  	v1 =	vadd.f32 v3, v1  }
0x252: {  	v3 =	vld [tilespmem:s15+$0x5630]  }
0x253: {  	v1 =	vadd.f32 v4, v1  }
0x254: {  	v4 =	vld [tilespmem:s15+$0x5670]  }
0x255: {  	v1 =	vadd.f32 v2, v1  }
0x256: {  	v2 =	vld [tilespmem:s15+$0x56B0]  }
0x257: {  	v1 =	vadd.f32 v3, v1  }
0x258: {  	v3 =	vld [tilespmem:s15+$0x56F0]  }
0x259: {  	v1 =	vadd.f32 v4, v1;
	_ =	sdelay $0x1  }
0x25a: {  	v4 =	vadd.f32 v2, v1;
	v2 =	vld [tilespmem:s15+$0x5730];
	_ =	sdelay $0x1  }
0x25b: {  	s17 =	smov.u32 s6;
	s16 =	simm.s32 $0x1400;
	v1 =	vld [tilespmem:s15+$0x5770];
	s15 =	smov.u32 s6;
	v3 =	vadd.f32 v3, v4  }
.LBB2_8:
0x25c: {  	p0 =	sne.s32 s16, $0x12C00  }
0x25d: {  	s17 =	sadd.s32 $0x680, s17;
	s18 =	smov.u32 s16;
	s16 =	sadd.s32 $0x1400, s16  }
0x25e: {  	v2 =	vadd.f32 v2, v3;
	_ =	sdelay $0x1  }
0x25f: {  	v1 =	vadd.f32 v1, v2  }
0x260: {  	s18 =	sshra.s32 s18, $0x2  }
0x261: {  	[tilespmem:v0+s15+$0x0 ss:$0x1] =	vst.idx.msk $0xffff, v1;
	s15 =	smov.u32 s17  }
0x262: {  	v1 =	vld [tilespmem:s18+$0x5280]  }
0x263: {  	v2 =	vld [tilespmem:s18+$0x52C0];
	_ =	sdelay $0x1  }
0x264: {  	v3 =	vld [tilespmem:s18+$0x5300];
	_ =	sdelay $0x1  }
0x265: {  	v4 =	vld [tilespmem:s18+$0x5340]  }
0x266: {  	v1 =	vadd.f32 v2, v1  }
0x267: {  	v2 =	vld [tilespmem:s18+$0x5380]  }
0x268: {  	v1 =	vadd.f32 v3, v1  }
0x269: {  	v3 =	vld [tilespmem:s18+$0x53C0]  }
0x26a: {  	v1 =	vadd.f32 v4, v1  }
0x26b: {  	v4 =	vld [tilespmem:s18+$0x5400]  }
0x26c: {  	v1 =	vadd.f32 v2, v1  }
0x26d: {  	v2 =	vld [tilespmem:s18+$0x5440]  }
0x26e: {  	v1 =	vadd.f32 v3, v1  }
0x26f: {  	v3 =	vld [tilespmem:s18+$0x5480]  }
0x270: {  	v1 =	vadd.f32 v4, v1  }
0x271: {  	v4 =	vld [tilespmem:s18+$0x54C0]  }
0x272: {  	v1 =	vadd.f32 v2, v1  }
0x273: {  	v2 =	vld [tilespmem:s18+$0x5500]  }
0x274: {  	v1 =	vadd.f32 v3, v1  }
0x275: {  	v3 =	vld [tilespmem:s18+$0x5540]  }
0x276: {  	v1 =	vadd.f32 v4, v1  }
0x277: {  	v4 =	vld [tilespmem:s18+$0x5580]  }
0x278: {  	v1 =	vadd.f32 v2, v1  }
0x279: {  	v2 =	vld [tilespmem:s18+$0x55C0]  }
0x27a: {  	v1 =	vadd.f32 v3, v1  }
0x27b: {  	v3 =	vld [tilespmem:s18+$0x5600]  }
0x27c: {  	v1 =	vadd.f32 v4, v1  }
0x27d: {  	v4 =	vld [tilespmem:s18+$0x5640]  }
0x27e: {  	v1 =	vadd.f32 v2, v1  }
0x27f: {  	v2 =	vld [tilespmem:s18+$0x5680]  }
0x280: {  	v1 =	vadd.f32 v3, v1  }
0x281: {  	v3 =	vld [tilespmem:s18+$0x56C0]  }
0x282: {  	v1 =	vadd.f32 v4, v1  }
0x283: {  	v4 =	vld [tilespmem:s18+$0x5700]  }
0x284: {  	v1 =	vadd.f32 v2, v1  }
0x285: {  	v2 =	vld [tilespmem:s18+$0x5740]  }
0x286: {  	v1 =	vadd.f32 v3, v1;
	_ =	sdelay $0x1  }
0x287: {  	v1 =	vadd.f32 v4, v1;
	_ =	sdelay $0x1  }
0x288: {  	v1 =	vadd.f32 v2, v1;
	_ =	sdelay $0x1  }
0x289: {  	[tilespmem:v0+s17+$0xFFFFFFD0 ss:$0x1] =	vst.idx.msk $0xffff, v1  }
0x28a: {  	v1 =	vld [tilespmem:s18+$0x5290]  }
0x28b: {  	v2 =	vld [tilespmem:s18+$0x52D0];
	_ =	sdelay $0x1  }
0x28c: {  	v3 =	vld [tilespmem:s18+$0x5310];
	_ =	sdelay $0x1  }
0x28d: {  	v4 =	vld [tilespmem:s18+$0x5350]  }
0x28e: {  	v1 =	vadd.f32 v2, v1  }
0x28f: {  	v2 =	vld [tilespmem:s18+$0x5390]  }
0x290: {  	v1 =	vadd.f32 v3, v1  }
0x291: {  	v3 =	vld [tilespmem:s18+$0x53D0]  }
0x292: {  	v1 =	vadd.f32 v4, v1  }
0x293: {  	v4 =	vld [tilespmem:s18+$0x5410]  }
0x294: {  	v1 =	vadd.f32 v2, v1  }
0x295: {  	v2 =	vld [tilespmem:s18+$0x5450]  }
0x296: {  	v1 =	vadd.f32 v3, v1  }
0x297: {  	v3 =	vld [tilespmem:s18+$0x5490]  }
0x298: {  	v1 =	vadd.f32 v4, v1  }
0x299: {  	v4 =	vld [tilespmem:s18+$0x54D0]  }
0x29a: {  	v1 =	vadd.f32 v2, v1  }
0x29b: {  	v2 =	vld [tilespmem:s18+$0x5510]  }
0x29c: {  	v1 =	vadd.f32 v3, v1  }
0x29d: {  	v3 =	vld [tilespmem:s18+$0x5550]  }
0x29e: {  	v1 =	vadd.f32 v4, v1  }
0x29f: {  	v4 =	vld [tilespmem:s18+$0x5590]  }
0x2a0: {  	v1 =	vadd.f32 v2, v1  }
0x2a1: {  	v2 =	vld [tilespmem:s18+$0x55D0]  }
0x2a2: {  	v1 =	vadd.f32 v3, v1  }
0x2a3: {  	v3 =	vld [tilespmem:s18+$0x5610]  }
0x2a4: {  	v1 =	vadd.f32 v4, v1  }
0x2a5: {  	v4 =	vld [tilespmem:s18+$0x5650]  }
0x2a6: {  	v1 =	vadd.f32 v2, v1  }
0x2a7: {  	v2 =	vld [tilespmem:s18+$0x5690]  }
0x2a8: {  	v1 =	vadd.f32 v3, v1  }
0x2a9: {  	v3 =	vld [tilespmem:s18+$0x56D0]  }
0x2aa: {  	v1 =	vadd.f32 v4, v1  }
0x2ab: {  	v4 =	vld [tilespmem:s18+$0x5710]  }
0x2ac: {  	v1 =	vadd.f32 v2, v1  }
0x2ad: {  	v2 =	vld [tilespmem:s18+$0x5750]  }
0x2ae: {  	v1 =	vadd.f32 v3, v1;
	_ =	sdelay $0x1  }
0x2af: {  	v1 =	vadd.f32 v4, v1;
	_ =	sdelay $0x1  }
0x2b0: {  	v1 =	vadd.f32 v2, v1;
	_ =	sdelay $0x1  }
0x2b1: {  	[tilespmem:v0+s17+$0xFFFFFFE0 ss:$0x1] =	vst.idx.msk $0xffff, v1  }
0x2b2: {  	v1 =	vld [tilespmem:s18+$0x52A0]  }
0x2b3: {  	v2 =	vld [tilespmem:s18+$0x52E0];
	_ =	sdelay $0x1  }
0x2b4: {  	v3 =	vld [tilespmem:s18+$0x5320];
	_ =	sdelay $0x1  }
0x2b5: {  	v4 =	vld [tilespmem:s18+$0x5360]  }
0x2b6: {  	v1 =	vadd.f32 v2, v1  }
0x2b7: {  	v2 =	vld [tilespmem:s18+$0x53A0]  }
0x2b8: {  	v1 =	vadd.f32 v3, v1  }
0x2b9: {  	v3 =	vld [tilespmem:s18+$0x53E0]  }
0x2ba: {  	v1 =	vadd.f32 v4, v1  }
0x2bb: {  	v4 =	vld [tilespmem:s18+$0x5420]  }
0x2bc: {  	v1 =	vadd.f32 v2, v1  }
0x2bd: {  	v2 =	vld [tilespmem:s18+$0x5460]  }
0x2be: {  	v1 =	vadd.f32 v3, v1  }
0x2bf: {  	v3 =	vld [tilespmem:s18+$0x54A0]  }
0x2c0: {  	v1 =	vadd.f32 v4, v1  }
0x2c1: {  	v4 =	vld [tilespmem:s18+$0x54E0]  }
0x2c2: {  	v1 =	vadd.f32 v2, v1  }
0x2c3: {  	v2 =	vld [tilespmem:s18+$0x5520]  }
0x2c4: {  	v1 =	vadd.f32 v3, v1  }
0x2c5: {  	v3 =	vld [tilespmem:s18+$0x5560]  }
0x2c6: {  	v1 =	vadd.f32 v4, v1  }
0x2c7: {  	v4 =	vld [tilespmem:s18+$0x55A0]  }
0x2c8: {  	v1 =	vadd.f32 v2, v1  }
0x2c9: {  	v2 =	vld [tilespmem:s18+$0x55E0]  }
0x2ca: {  	v1 =	vadd.f32 v3, v1  }
0x2cb: {  	v3 =	vld [tilespmem:s18+$0x5620]  }
0x2cc: {  	v1 =	vadd.f32 v4, v1  }
0x2cd: {  	v4 =	vld [tilespmem:s18+$0x5660]  }
0x2ce: {  	v1 =	vadd.f32 v2, v1  }
0x2cf: {  	v2 =	vld [tilespmem:s18+$0x56A0]  }
0x2d0: {  	v1 =	vadd.f32 v3, v1  }
0x2d1: {  	v3 =	vld [tilespmem:s18+$0x56E0]  }
0x2d2: {  	v1 =	vadd.f32 v4, v1  }
0x2d3: {  	v4 =	vld [tilespmem:s18+$0x5720]  }
0x2d4: {  	v1 =	vadd.f32 v2, v1  }
0x2d5: {  	v2 =	vld [tilespmem:s18+$0x5760]  }
0x2d6: {  	v1 =	vadd.f32 v3, v1;
	_ =	sdelay $0x1  }
0x2d7: {  	v1 =	vadd.f32 v4, v1;
	_ =	sdelay $0x1  }
0x2d8: {  	v1 =	vadd.f32 v2, v1;
	_ =	sdelay $0x1  }
0x2d9: {  	[tilespmem:v0+s17+$0xFFFFFFF0 ss:$0x1] =	vst.idx.msk $0xffff, v1  }
0x2da: {  	v1 =	vld [tilespmem:s18+$0x52B0]  }
0x2db: {  	v2 =	vld [tilespmem:s18+$0x52F0]  }
0x2dc: {  	v3 =	vld [tilespmem:s18+$0x5330]  }
0x2dd: {  	v4 =	vld [tilespmem:s18+$0x5370]  }
0x2de: {  	v5 =	vld [tilespmem:s18+$0x53B0]  }
0x2df: {  	v6 =	vld [tilespmem:s18+$0x53F0]  }
0x2e0: {  	v1 =	vadd.f32 v2, v1;
	v2 =	vld [tilespmem:s18+$0x5430]  }
0x2e1: {  	v7 =	vld [tilespmem:s18+$0x5470]  }
0x2e2: {  	v1 =	vadd.f32 v3, v1;
	v3 =	vld [tilespmem:s18+$0x54B0]  }
0x2e3: {  	v8 =	vld [tilespmem:s18+$0x54F0]  }
0x2e4: {  	v1 =	vadd.f32 v4, v1;
	v4 =	vld [tilespmem:s18+$0x5530]  }
0x2e5: {  	v9 =	vld [tilespmem:s18+$0x5570]  }
0x2e6: {  	v1 =	vadd.f32 v5, v1;
	v5 =	vld [tilespmem:s18+$0x55B0]  }
0x2e7: {  	v10 =	vld [tilespmem:s18+$0x55F0]  }
0x2e8: {  	v1 =	vadd.f32 v6, v1;
	v6 =	vld [tilespmem:s18+$0x5630]  }
0x2e9: {  	v11 =	vld [tilespmem:s18+$0x5670]  }
0x2ea: {  	v1 =	vadd.f32 v2, v1;
	v12 =	vld [tilespmem:s18+$0x56B0]  }
0x2eb: {  	v13 =	vld [tilespmem:s18+$0x56F0]  }
0x2ec: {  	v7 =	vadd.f32 v7, v1;
	v2 =	vld [tilespmem:s18+$0x5730]  }
0x2ed: {  	v1 =	vld [tilespmem:s18+$0x5770]  }
0x2ee: {  	v3 =	vadd.f32 v3, v7;
	_ =	sdelay $0x1  }
0x2ef: {  	v3 =	vadd.f32 v8, v3;
	_ =	sdelay $0x1  }
0x2f0: {  	v3 =	vadd.f32 v4, v3;
	_ =	sdelay $0x1  }
0x2f1: {  	v3 =	vadd.f32 v9, v3;
	_ =	sdelay $0x1  }
0x2f2: {  	v3 =	vadd.f32 v5, v3;
	_ =	sdelay $0x1  }
0x2f3: {  	v3 =	vadd.f32 v10, v3;
	_ =	sdelay $0x1  }
0x2f4: {  	v3 =	vadd.f32 v6, v3;
	_ =	sdelay $0x1  }
.Ltmp3:
0x2f5: {  	v3 =	vadd.f32 v11, v3;
	(pc) =	sbr.rel @p0 .LBB2_8-.Ltmp3, $3  }
0x2f6: {  	_ = 	snop  }
0x2f7: {  	v3 =	vadd.f32 v12, v3;
	_ =	sdelay $0x1  }
0x2f8: {  	v3 =	vadd.f32 v13, v3  }
0x2f9: {  	p0 =	sne.s32 s14, $0x19  }
0x2fa: {  	s14 =	smulhi.u32 @!p0 $0x4EC4EC4F, s13  }
0x2fb: {  	v2 =	vadd.f32 v2, v3  }
0x2fc: {  	s14 =	sshrl.u32 @!p0 s14, $0x2  }
0x2fd: {  	v1 =	vadd.f32 v1, v2;
	s14 =	smul.u32 @!p0 $0xD00, s14;
	_ =	sdelay $0x1  }
0x2fe: {  	s16 =	simm.s32 @!p0 $0xA280;
	[tilespmem:v0+s15+$0x0 ss:$0x1] =	vst.idx.msk $0xffff, v1;
	s15 =	simm.s32 @!p0 $0x0;
	s14 =	sadd.s32 @!p0 s8, s14  }
0x2ff: {  	[hbm4b:s14+s15] =	stream.linear.scatter @!p0 [tilespmem:s16], [sflag:$0x5], $0x6800, $0x38;
	[tilespmem:$0x10A80] =	vst v63  }
0x300: {  	s14 =	simm.s32 @!p0 $0x5  }
0x301: {  	_ =	swait.ge @!p0 [sflag:s14], $0x6800  }
0x302: {  	s13 =	sadd.s32 $0x1, s13;
	[sflag:s14] =	ssyncset.done @!p0 $0x0  }
0x303: {  	[sflag:s14] =	ssyncadd.s32 @!p0 $0xFFFF9800;
	p0 =	sne.s32 s13, $0x68  }
.Ltmp4:
0x304: {  	_ = 	snop;
	(pc) =	sbr.rel @p0 .LBB2_2-.Ltmp4, $2  }
0x305: {  	_ =	sdelay $0x2  }
0x306: {  	s9 =	sadd.s32 $0x80, s9;
	s7 =	sadd.s32 $0x2, s7;
	s6 =	sadd.s32 $0x80, s6  }
0x307: {  	s7 =	rddreg [dreg:$0x5]  }
0x308: {  	s6 =	rddreg [dreg:$0x4];
	s7 =	sadd.s32 $0x1, s7  }
0x309: {  	p0 =	sne.s32 s7, s6  }
.Ltmp5:
0x30a: {  	_ = 	snop;
	(pc) =	sbr.rel @p0 .LBB2_1-.Ltmp5, $1  }
0x30b: {  	_ =	sdelay $0x3  }
0x30c: {  	_ =	sfence.sel $0x180000  }
0x30d: {  	[bflag:$0x0] =	sbarrier.arrive $0xFFFF  }
0x30e: {  	_ =	strace $0x90000047  }
0x30f: {  	s0 =	stileid.u32;
	[bflag:$0x2] =	sbarrier.arrive $0xFFFF  }
0x310: {  	p0 =	sne.s32 s0, $0x0;
	s0 =	rddreg [dreg:$0x1]  }
0x311: {  	s0 =	sadd.s32 @!p0 $0x100000, s0  }
0x312: {  	[sflag:s0] =	ssyncadd.tile.s32 @!p0 $0x1;
	_ =	shalt  }
.Lfunc_end2:
_tile_overlayer_lowered:
.L_overlay_start_2:
0x313: {  	(tag) =	ssettag $0x2  }
0x314: {  	s0 =	rddreg [dreg:$0x0];
	s2 =	stileid.u32  }
0x315: {  	s1 =	rddreg [dreg:$0x1];
	p0 =	sne.s32 s2, $0x0  }
0x316: {  	s3 =	rddreg [dreg:$0x2];
	[bflag:$0x3] =	sbarrier.arrive $0xFFFF;
	s2 =	simm.s32 @!p0 $0x1C05  }
0x317: {  	[timem:s3], [sflag:s2] =	dma.local @!p0 [hbm:s0], s1  }
0x318: {  	s0 =	simm.s32 @!p0 $0x5  }
0x319: {  	_ =	swait.ge @!p0 [sflag:s0], s1  }
0x31a: {  	s1 =	ssub.s32 @!p0 $0x0, s1;
	[sflag:s0] =	ssyncset.done @!p0 $0x0  }
0x31b: {  	[sflag:s0] =	ssyncadd.s32 @!p0 s1  }
0x31c: {  	[bflag:$0x3] =	sbarrier.arrive $0xFFFF  }
0x31d: {  	_ =	shalt  }

</sc_bundles>
